<compile_context>
chip_gen: v7x
topology: tpu7x:2x2x1
jax: 0.10.2.dev20260603
libtpu: 0.0.44.dev20260713+nightly
codegen_flags: <defaults>
</compile_context>

<pallas_src>
import functools

import jax
import jax.numpy as jnp
from jax import lax
from jax.experimental import pallas as pl
from jax.experimental.pallas import tpu as pltpu
from jax.experimental.pallas import tpu_sc as plsc

_C = 21
_K = 512
_FGROW = 24
_ROWS = 48
_B = 8
_S = 512 * 512
_NW = 32
_CH = 2048
_PPW = _B * _S // _NW
_NCH = _PPW // _CH
_WPB = _NW // _B


def _sc_hist(logits3, labels2):
    mesh = plsc.VectorSubcoreMesh(core_axis_name="c", subcore_axis_name="s")

    @functools.partial(
        pl.kernel,
        out_type=jax.ShapeDtypeStruct((_NW * _ROWS, _K), jnp.float32),
        mesh=mesh,
        compiler_params=pltpu.CompilerParams(
            use_tc_tiling_on_sc=False, needs_layout_passes=False),
        scratch_types=[
            pltpu.VMEM((2 * _C * _CH,), jnp.float32),
            pltpu.VMEM((2 * _CH,), jnp.int32),
            pltpu.VMEM((_ROWS * _K,), jnp.float32),
            pltpu.SemaphoreType.DMA,
            pltpu.SemaphoreType.DMA,
        ],
    )
    def k(logits_hbm, labels_hbm, out_hbm, lbuf, labbuf, hist, sem0, sem1):
        wid = lax.axis_index("s") * 2 + lax.axis_index("c")
        b = wid // _WPB
        sbase = (wid % _WPB) * _PPW

        zeros16 = jnp.zeros((16,), jnp.float32)
        ones16 = jnp.ones((16,), jnp.float32)
        kf = jnp.float32(_K)
        kclampf = jnp.float32(_K) - 0.5

        def zbody(i, carry):
            hist[pl.ds(i * 16, 16)] = zeros16
            return carry
        lax.fori_loop(0, _ROWS * _K // 16, zbody, None)

        def chunk_copies(kc, slot, sem):
            s0 = sbase + kc * _CH
            cps = [
                pltpu.make_async_copy(
                    logits_hbm.at[b, c, pl.ds(s0, _CH)],
                    lbuf.at[pl.ds(slot * _C * _CH + c * _CH, _CH)], sem)
                for c in range(_C)
            ]
            cps.append(pltpu.make_async_copy(
                labels_hbm.at[b, pl.ds(s0, _CH)],
                labbuf.at[pl.ds(slot * _CH, _CH)], sem))
            return cps

        def start_chunk(kc, slot, sem):
            for cp in chunk_copies(kc, slot, sem):
                cp.start()

        def wait_chunk(kc, slot, sem):
            for cp in chunk_copies(kc, slot, sem):
                cp.wait()

        def compute_chunk(slot):
            lb = slot * _C * _CH
            labb = slot * _CH

            def tree(op, vals):
                while len(vals) > 1:
                    nxt = [op(vals[i], vals[i + 1])
                           for i in range(0, len(vals) - 1, 2)]
                    if len(vals) % 2:
                        nxt.append(vals[-1])
                    vals = nxt
                return vals[0]

            def group_body(g, gcarry):
                base = g * 16
                es = [jnp.exp(lbuf[pl.ds(lb + c * _CH + base, 16)])
                      for c in range(_C)]
                tot = tree(jnp.add, es)
                rk = kf / tot
                lab = labbuf[pl.ds(labb + base, 16)]
                for c in range(_C):
                    b0 = jnp.minimum(es[c] * rk, kclampf).astype(jnp.int32)
                    plsc.addupdate_scatter(hist, [b0 + (c * _K)], ones16)
                    fg = lab == c
                    fgidx = jnp.full(
                        (16,), (_FGROW + c) * _K + _K - 1, jnp.int32) - b0
                    plsc.addupdate_scatter(hist, [fgidx], ones16, mask=fg)
                return gcarry
            lax.fori_loop(0, _CH // 16, group_body, None)

        start_chunk(0, 0, sem0)

        def pair_body(kp, carry):
            k0 = 2 * kp
            start_chunk(k0 + 1, 1, sem1)
            wait_chunk(k0, 0, sem0)
            compute_chunk(0)

            @pl.when(kp + 1 < _NCH // 2)
            def _():
                start_chunk(k0 + 2, 0, sem0)
            wait_chunk(k0 + 1, 1, sem1)
            compute_chunk(1)
            return carry
        lax.fori_loop(0, _NCH // 2, pair_body, None)

        ocps = [pltpu.make_async_copy(hist.at[pl.ds(r * _K, _K)],
                                      out_hbm.at[wid * _ROWS + r], sem0)
                for r in range(_ROWS)]
        for cp in ocps:
            cp.start()
        for cp in ocps:
            cp.wait()

    return k(logits3, labels2)


def _fin_kernel(h_ref, o_ref):
    acc = h_ref[pl.ds(0, _ROWS), :]
    for i in range(1, _NW):
        acc = acc + h_ref[pl.ds(i * _ROWS, _ROWS), :]
    cnt_bg_raw = acc[0:_FGROW, :]
    cnt_fg = acc[_FGROW:_ROWS, :]
    jj = lax.broadcasted_iota(jnp.int32, (_K, _K), 0)
    kk = lax.broadcasted_iota(jnp.int32, (_K, _K), 1)
    tri = (jj >= kk).astype(jnp.float32)
    rmask = ((jj + kk) <= (_K - 1)).astype(jnp.float32)
    sf = jnp.dot(cnt_fg, tri, preferred_element_type=jnp.float32)
    sn = jnp.dot(cnt_bg_raw + cnt_fg, tri,
                 preferred_element_type=jnp.float32) \
        - jnp.dot(cnt_fg, rmask, preferred_element_type=jnp.float32)
    g = sf[:, 0:1]
    jcurve = sn / jnp.maximum(g + sn - sf, 1.0)
    w = jnp.float32(1.0 / _K)
    loss_rows = w * jnp.sum(jcurve, axis=1, keepdims=True) \
        - (0.5 * w) * jcurve[:, 0:1]
    total = jnp.sum(loss_rows) / jnp.float32(_C)
    o_ref[...] = jnp.reshape(total, (1, 1))


def kernel(logits, labels):
    b, c, h, w = logits.shape
    logits3 = logits.reshape(b, c, h * w)
    labels2 = labels.reshape(b, h * w)
    hist = _sc_hist(logits3, labels2)
    out = pl.pallas_call(
        _fin_kernel,
        out_shape=jax.ShapeDtypeStruct((1, 1), jnp.float32),
    )(hist)
    return out[0, 0]

# --- scband reference (transcript-rebuilt; emitter-appended) ---
"""Pipeline reference for scband-lovasz-softmax-loss-10728828306015 (READ-ONLY COPY).

The authoritative reference and input builder live on the scoring server;
editing this copy changes nothing except your own understanding.
"""

import jax, jax.numpy as jnp
import numpy as np


def lovasz_grad(gt_sorted):
    gts = jnp.sum(gt_sorted)
    intersection = gts - jnp.cumsum(gt_sorted, axis=0)
    union = gts + jnp.cumsum(1.0 - gt_sorted, axis=0)
    jaccard = 1.0 - intersection / union
    jaccard = jnp.concatenate([jaccard[:1], jaccard[1:] - jaccard[:-1]], axis=0)
    return jaccard


def setup_inputs(seed: int = 0) -> dict:
    key = jax.random.key(seed)
    k1, k2 = jax.random.split(key)
    logits = jax.random.normal(k1, (8, 21, 512, 512), dtype=jnp.float32)
    labels = jax.random.randint(k2, (8, 512, 512), 0, 21, dtype=jnp.int32)
    return {"logits": logits, "labels": labels}


def reference(logits, labels):
    B, C, H, W = logits.shape
    # softmax over the class dim (dim=1 in torch)
    probas = jax.nn.softmax(logits, axis=1)
    # flatten_probas: (B, C, H, W) -> (P, C), labels -> (P,)
    probas_flat = jnp.transpose(probas, (0, 2, 3, 1)).reshape(-1, C)
    labels_flat = labels.reshape(-1)
    # ignore_index = -100: random labels are in [0, C), so valid_mask is all True
    # classes='all': loop over every class, no skipping
    losses = []
    for c in range(C):
        fg = (labels_flat == c).astype(jnp.float32)
        class_pred = probas_flat[:, c]
        errors = jnp.abs(fg - class_pred)
        order = jnp.argsort(-errors)  # descending sort permutation
        errors_sorted = errors[order]
        fg_sorted = fg[order]
        losses.append(jnp.dot(errors_sorted, lovasz_grad(fg_sorted)))
    return jnp.mean(jnp.stack(losses))

if __name__ == "__main__":
    import jax
    _d = setup_inputs()
    print(jax.jit(kernel)(*tuple(_d.values())))

</pallas_src>

<mosaic_0001>
#map = affine_map<(d0, d1) -> (0, 0, 0)>
#map1 = affine_map<(d0, d1) -> (0, 0)>
module attributes {stable_mosaic.version = 14 : i64} {
  func.func @k(%arg0: i32, %arg1: i32, %arg2: memref<8x21x262144xf32, #tpu.memory_space<hbm>>, %arg3: memref<8x262144xi32, #tpu.memory_space<hbm>>, %arg4: memref<1536x512xf32, #tpu.memory_space<hbm>>, %arg5: memref<86016xf32, #tpu.memory_space<vmem>>, %arg6: memref<4096xi32, #tpu.memory_space<vmem>>, %arg7: memref<24576xf32, #tpu.memory_space<vmem>>, %arg8: memref<!tpu.dma_semaphore, #tpu.memory_space<semaphore_mem>>, %arg9: memref<!tpu.dma_semaphore, #tpu.memory_space<semaphore_mem>>) attributes {dimension_semantics = [#tpu.dimension_semantics<core_parallel>, #tpu.dimension_semantics<subcore_parallel>], iteration_bounds = array<i64: 2, 16>, scalar_prefetch = 0 : i64, scratch_operands = 5 : i64, tpu.core_type = #tpu.core_type<sc_vector_subcore>, window_params = [{transform_indices = #map}, {transform_indices = #map1}, {transform_indices = #map1}]} {
    %mul3A = arith.constant 2 : i32
    %mul3A_0 = arith.muli %arg1, %mul3A : i32
    %add3A = arith.addi %mul3A_0, %arg0 : i32
    %jit3A = arith.constant 4 : i32
    %div3A = arith.divsi %add3A, %jit3A : i32
    %sign3A = arith.constant 0 : i32
    %sign3A_1 = arith.cmpi sgt, %add3A, %sign3A : i32
    %sign3A_2 = arith.extui %sign3A_1 : i1 to i32
    %sign3A_3 = arith.constant 0 : i32
    %sign3A_4 = arith.cmpi slt, %add3A, %sign3A_3 : i32
    %sign3A_5 = arith.extui %sign3A_4 : i1 to i32
    %sign3A_6 = arith.subi %sign3A_2, %sign3A_5 : i32
    %sign3A_7 = arith.constant 0 : i32
    %sign3A_8 = arith.cmpi sgt, %jit3A, %sign3A_7 : i32
    %sign3A_9 = arith.extui %sign3A_8 : i1 to i32
    %sign3A_10 = arith.constant 0 : i32
    %sign3A_11 = arith.cmpi slt, %jit3A, %sign3A_10 : i32
    %sign3A_12 = arith.extui %sign3A_11 : i1 to i32
    %sign3A_13 = arith.subi %sign3A_9, %sign3A_12 : i32
    %ne3A = arith.cmpi ne, %sign3A_6, %sign3A_13 : i32
    %rem3A = arith.remsi %add3A, %jit3A : i32
    %ne3A_14 = arith.constant 0 : i32
    %ne3A_15 = arith.cmpi ne, %rem3A, %ne3A_14 : i32
    %and3A = arith.andi %ne3A, %ne3A_15 : i1
    %sub3A = arith.constant 1 : i32
    %sub3A_16 = arith.subi %div3A, %sub3A : i32
    %select_n3A = arith.select %and3A, %sub3A_16, %div3A : i32
    %jit3A_17 = arith.constant 4 : i32
    %eq3A = arith.constant 0 : i32
    %eq3A_18 = arith.cmpi eq, %jit3A_17, %eq3A : i32
    %jit3A_19 = arith.constant 1 : i32
    %select_n3A_20 = arith.select %eq3A_18, %jit3A_19, %jit3A_17 : i32
    %rem3A_21 = arith.remsi %add3A, %select_n3A_20 : i32
    %ne3A_22 = arith.constant 0 : i32
    %ne3A_23 = arith.cmpi ne, %rem3A_21, %ne3A_22 : i32
    %lt3A = arith.constant 0 : i32
    %lt3A_24 = arith.cmpi slt, %rem3A_21, %lt3A : i32
    %lt3A_25 = arith.constant 0 : i32
    %lt3A_26 = arith.cmpi slt, %select_n3A_20, %lt3A_25 : i32
    %ne3A_27 = arith.xori %lt3A_24, %lt3A_26 : i1
    %and3A_28 = arith.andi %ne3A_27, %ne3A_23 : i1
    %add3A_29 = arith.addi %rem3A_21, %select_n3A_20 : i32
    %select_n3A_30 = arith.select %and3A_28, %add3A_29, %rem3A_21 : i32
    %mul3A_31 = arith.constant 65536 : i32
    %mul3A_32 = arith.muli %select_n3A_30, %mul3A_31 : i32
    %broadcast_in_dim3A = arith.constant 0.000000e+00 : f32
    %broadcast_in_dim3A_33 = vector.broadcast %broadcast_in_dim3A : f32 to vector<16xf32>
    %broadcast_in_dim3A_34 = arith.constant 1.000000e+00 : f32
    %broadcast_in_dim3A_35 = vector.broadcast %broadcast_in_dim3A_34 : f32 to vector<16xf32>
    %sub3A_36 = arith.constant 5.120000e+02 : f32
    %sub3A_37 = arith.constant 5.000000e-01 : f32
    %sub3A_38 = arith.subf %sub3A_36, %sub3A_37 : f32
    %scan3A = arith.constant 0 : i32
    %scan3A_39 = arith.constant 1536 : i32
    %scan3A_40 = arith.addi %scan3A, %scan3A_39 : i32
    %scan3A_41 = arith.constant 1 : i32
    scf.for %scan3A_1398 = %scan3A to %scan3A_40 step %scan3A_41  : i32 {
      %mul3A_1399 = arith.constant 16 : i32
      %mul3A_1400 = arith.muli %scan3A_1398, %mul3A_1399 : i32
      %swap3A = arith.index_cast %mul3A_1400 : i32 to index
      %swap3A_1401 = tpu.vector_load %arg7[%swap3A] {strides = array<i32>} : memref<24576xf32, #tpu.memory_space<vmem>>, vector<16xf32>,
      tpu.vector_store %arg7[%swap3A], %broadcast_in_dim3A_33 {strides = array<i32>} : memref<24576xf32, #tpu.memory_space<vmem>>, vector<16xf32>,
    }
    %scan3A_42 = arith.constant 1536 : i32
    %add3A_43 = arith.constant 0 : i32
    %add3A_44 = arith.addi %mul3A_32, %add3A_43 : i32
    %dma_start3A = arith.constant 0 : i32
    %dma_start3A_45 = arith.constant 0 : i32
    %dma_start3A_46 = tpu.memref_slice %arg5[%dma_start3A_45] : memref<86016xf32, #tpu.memory_space<vmem>> -> memref<2048xf32, #tpu.memory_space<vmem>>
    %dma_start3A_47 = tpu.memref_slice %arg2[%select_n3A, %dma_start3A, %add3A_44] : memref<8x21x262144xf32, #tpu.memory_space<hbm>> -> memref<1x1x2048xf32, #tpu.memory_space<hbm>>
    %dma_start3A_48 = tpu.memref_squeeze %dma_start3A_47 : memref<1x1x2048xf32, #tpu.memory_space<hbm>> -> memref<2048xf32, #tpu.memory_space<hbm>>
    %dma_start3A_49 = arith.constant 0 : i32
    %dma_start3A_50 = tpu.memref_slice %arg5[%dma_start3A_49] : memref<86016xf32, #tpu.memory_space<vmem>> -> memref<2048xf32, #tpu.memory_space<vmem>>
    %dma_start3A_51 = tpu.memref_slice %arg2[%select_n3A, %dma_start3A, %add3A_44] : memref<8x21x262144xf32, #tpu.memory_space<hbm>> -> memref<1x1x2048xf32, #tpu.memory_space<hbm>>
    %dma_start3A_52 = tpu.memref_squeeze %dma_start3A_51 : memref<1x1x2048xf32, #tpu.memory_space<hbm>> -> memref<2048xf32, #tpu.memory_space<hbm>>
    tpu.enqueue_dma source(%dma_start3A_52 : memref<2048xf32, #tpu.memory_space<hbm>>) target(%dma_start3A_50 : memref<2048xf32, #tpu.memory_space<vmem>>) target_semaphore(%arg8 : memref<!tpu.dma_semaphore, #tpu.memory_space<semaphore_mem>>)
    %dma_start3A_53 = arith.constant 1 : i32
    %dma_start3A_54 = arith.constant 2048 : i32
    %dma_start3A_55 = tpu.memref_slice %arg5[%dma_start3A_54] : memref<86016xf32, #tpu.memory_space<vmem>> -> memref<2048xf32, #tpu.memory_space<vmem>>
    %dma_start3A_56 = tpu.memref_slice %arg2[%select_n3A, %dma_start3A_53, %add3A_44] : memref<8x21x262144xf32, #tpu.memory_space<hbm>> -> memref<1x1x2048xf32, #tpu.memory_space<hbm>>
    %dma_start3A_57 = tpu.memref_squeeze %dma_start3A_56 : memref<1x1x2048xf32, #tpu.memory_space<hbm>> -> memref<2048xf32, #tpu.memory_space<hbm>>
    %dma_start3A_58 = arith.constant 2048 : i32
    %dma_start3A_59 = tpu.memref_slice %arg5[%dma_start3A_58] : memref<86016xf32, #tpu.memory_space<vmem>> -> memref<2048xf32, #tpu.memory_space<vmem>>
    %dma_start3A_60 = tpu.memref_slice %arg2[%select_n3A, %dma_start3A_53, %add3A_44] : memref<8x21x262144xf32, #tpu.memory_space<hbm>> -> memref<1x1x2048xf32, #tpu.memory_space<hbm>>
    %dma_start3A_61 = tpu.memref_squeeze %dma_start3A_60 : memref<1x1x2048xf32, #tpu.memory_space<hbm>> -> memref<2048xf32, #tpu.memory_space<hbm>>
    tpu.enqueue_dma source(%dma_start3A_61 : memref<2048xf32, #tpu.memory_space<hbm>>) target(%dma_start3A_59 : memref<2048xf32, #tpu.memory_space<vmem>>) target_semaphore(%arg8 : memref<!tpu.dma_semaphore, #tpu.memory_space<semaphore_mem>>)
    %dma_start3A_62 = arith.constant 2 : i32
    %dma_start3A_63 = arith.constant 4096 : i32
    %dma_start3A_64 = tpu.memref_slice %arg5[%dma_start3A_63] : memref<86016xf32, #tpu.memory_space<vmem>> -> memref<2048xf32, #tpu.memory_space<vmem>>
    %dma_start3A_65 = tpu.memref_slice %arg2[%select_n3A, %dma_start3A_62, %add3A_44] : memref<8x21x262144xf32, #tpu.memory_space<hbm>> -> memref<1x1x2048xf32, #tpu.memory_space<hbm>>
    %dma_start3A_66 = tpu.memref_squeeze %dma_start3A_65 : memref<1x1x2048xf32, #tpu.memory_space<hbm>> -> memref<2048xf32, #tpu.memory_space<hbm>>
    %dma_start3A_67 = arith.constant 4096 : i32
    %dma_start3A_68 = tpu.memref_slice %arg5[%dma_start3A_67] : memref<86016xf32, #tpu.memory_space<vmem>> -> memref<2048xf32, #tpu.memory_space<vmem>>
    %dma_start3A_69 = tpu.memref_slice %arg2[%select_n3A, %dma_start3A_62, %add3A_44] : memref<8x21x262144xf32, #tpu.memory_space<hbm>> -> memref<1x1x2048xf32, #tpu.memory_space<hbm>>
    %dma_start3A_70 = tpu.memref_squeeze %dma_start3A_69 : memref<1x1x2048xf32, #tpu.memory_space<hbm>> -> memref<2048xf32, #tpu.memory_space<hbm>>
    tpu.enqueue_dma source(%dma_start3A_70 : memref<2048xf32, #tpu.memory_space<hbm>>) target(%dma_start3A_68 : memref<2048xf32, #tpu.memory_space<vmem>>) target_semaphore(%arg8 : memref<!tpu.dma_semaphore, #tpu.memory_space<semaphore_mem>>)
    %dma_start3A_71 = arith.constant 3 : i32
    %dma_start3A_72 = arith.constant 6144 : i32
    %dma_start3A_73 = tpu.memref_slice %arg5[%dma_start3A_72] : memref<86016xf32, #tpu.memory_space<vmem>> -> memref<2048xf32, #tpu.memory_space<vmem>>
    %dma_start3A_74 = tpu.memref_slice %arg2[%select_n3A, %dma_start3A_71, %add3A_44] : memref<8x21x262144xf32, #tpu.memory_space<hbm>> -> memref<1x1x2048xf32, #tpu.memory_space<hbm>>
    %dma_start3A_75 = tpu.memref_squeeze %dma_start3A_74 : memref<1x1x2048xf32, #tpu.memory_space<hbm>> -> memref<2048xf32, #tpu.memory_space<hbm>>
    %dma_start3A_76 = arith.constant 6144 : i32
    %dma_start3A_77 = tpu.memref_slice %arg5[%dma_start3A_76] : memref<86016xf32, #tpu.memory_space<vmem>> -> memref<2048xf32, #tpu.memory_space<vmem>>
    %dma_start3A_78 = tpu.memref_slice %arg2[%select_n3A, %dma_start3A_71, %add3A_44] : memref<8x21x262144xf32, #tpu.memory_space<hbm>> -> memref<1x1x2048xf32, #tpu.memory_space<hbm>>
    %dma_start3A_79 = tpu.memref_squeeze %dma_start3A_78 : memref<1x1x2048xf32, #tpu.memory_space<hbm>> -> memref<2048xf32, #tpu.memory_space<hbm>>
    tpu.enqueue_dma source(%dma_start3A_79 : memref<2048xf32, #tpu.memory_space<hbm>>) target(%dma_start3A_77 : memref<2048xf32, #tpu.memory_space<vmem>>) target_semaphore(%arg8 : memref<!tpu.dma_semaphore, #tpu.memory_space<semaphore_mem>>)
    %dma_start3A_80 = arith.constant 4 : i32
    %dma_start3A_81 = arith.constant 8192 : i32
    %dma_start3A_82 = tpu.memref_slice %arg5[%dma_start3A_81] : memref<86016xf32, #tpu.memory_space<vmem>> -> memref<2048xf32, #tpu.memory_space<vmem>>
    %dma_start3A_83 = tpu.memref_slice %arg2[%select_n3A, %dma_start3A_80, %add3A_44] : memref<8x21x262144xf32, #tpu.memory_space<hbm>> -> memref<1x1x2048xf32, #tpu.memory_space<hbm>>
    %dma_start3A_84 = tpu.memref_squeeze %dma_start3A_83 : memref<1x1x2048xf32, #tpu.memory_space<hbm>> -> memref<2048xf32, #tpu.memory_space<hbm>>
    %dma_start3A_85 = arith.constant 8192 : i32
    %dma_start3A_86 = tpu.memref_slice %arg5[%dma_start3A_85] : memref<86016xf32, #tpu.memory_space<vmem>> -> memref<2048xf32, #tpu.memory_space<vmem>>
    %dma_start3A_87 = tpu.memref_slice %arg2[%select_n3A, %dma_start3A_80, %add3A_44] : memref<8x21x262144xf32, #tpu.memory_space<hbm>> -> memref<1x1x2048xf32, #tpu.memory_space<hbm>>
    %dma_start3A_88 = tpu.memref_squeeze %dma_start3A_87 : memref<1x1x2048xf32, #tpu.memory_space<hbm>> -> memref<2048xf32, #tpu.memory_space<hbm>>
    tpu.enqueue_dma source(%dma_start3A_88 : memref<2048xf32, #tpu.memory_space<hbm>>) target(%dma_start3A_86 : memref<2048xf32, #tpu.memory_space<vmem>>) target_semaphore(%arg8 : memref<!tpu.dma_semaphore, #tpu.memory_space<semaphore_mem>>)
    %dma_start3A_89 = arith.constant 5 : i32
    %dma_start3A_90 = arith.constant 10240 : i32
    %dma_start3A_91 = tpu.memref_slice %arg5[%dma_start3A_90] : memref<86016xf32, #tpu.memory_space<vmem>> -> memref<2048xf32, #tpu.memory_space<vmem>>
    %dma_start3A_92 = tpu.memref_slice %arg2[%select_n3A, %dma_start3A_89, %add3A_44] : memref<8x21x262144xf32, #tpu.memory_space<hbm>> -> memref<1x1x2048xf32, #tpu.memory_space<hbm>>
    %dma_start3A_93 = tpu.memref_squeeze %dma_start3A_92 : memref<1x1x2048xf32, #tpu.memory_space<hbm>> -> memref<2048xf32, #tpu.memory_space<hbm>>
    %dma_start3A_94 = arith.constant 10240 : i32
    %dma_start3A_95 = tpu.memref_slice %arg5[%dma_start3A_94] : memref<86016xf32, #tpu.memory_space<vmem>> -> memref<2048xf32, #tpu.memory_space<vmem>>
    %dma_start3A_96 = tpu.memref_slice %arg2[%select_n3A, %dma_start3A_89, %add3A_44] : memref<8x21x262144xf32, #tpu.memory_space<hbm>> -> memref<1x1x2048xf32, #tpu.memory_space<hbm>>
    %dma_start3A_97 = tpu.memref_squeeze %dma_start3A_96 : memref<1x1x2048xf32, #tpu.memory_space<hbm>> -> memref<2048xf32, #tpu.memory_space<hbm>>
    tpu.enqueue_dma source(%dma_start3A_97 : memref<2048xf32, #tpu.memory_space<hbm>>) target(%dma_start3A_95 : memref<2048xf32, #tpu.memory_space<vmem>>) target_semaphore(%arg8 : memref<!tpu.dma_semaphore, #tpu.memory_space<semaphore_mem>>)
    %dma_start3A_98 = arith.constant 6 : i32
    %dma_start3A_99 = arith.constant 12288 : i32
    %dma_start3A_100 = tpu.memref_slice %arg5[%dma_start3A_99] : memref<86016xf32, #tpu.memory_space<vmem>> -> memref<2048xf32, #tpu.memory_space<vmem>>
    %dma_start3A_101 = tpu.memref_slice %arg2[%select_n3A, %dma_start3A_98, %add3A_44] : memref<8x21x262144xf32, #tpu.memory_space<hbm>> -> memref<1x1x2048xf32, #tpu.memory_space<hbm>>
    %dma_start3A_102 = tpu.memref_squeeze %dma_start3A_101 : memref<1x1x2048xf32, #tpu.memory_space<hbm>> -> memref<2048xf32, #tpu.memory_space<hbm>>
    %dma_start3A_103 = arith.constant 12288 : i32
    %dma_start3A_104 = tpu.memref_slice %arg5[%dma_start3A_103] : memref<86016xf32, #tpu.memory_space<vmem>> -> memref<2048xf32, #tpu.memory_space<vmem>>
    %dma_start3A_105 = tpu.memref_slice %arg2[%select_n3A, %dma_start3A_98, %add3A_44] : memref<8x21x262144xf32, #tpu.memory_space<hbm>> -> memref<1x1x2048xf32, #tpu.memory_space<hbm>>
    %dma_start3A_106 = tpu.memref_squeeze %dma_start3A_105 : memref<1x1x2048xf32, #tpu.memory_space<hbm>> -> memref<2048xf32, #tpu.memory_space<hbm>>
    tpu.enqueue_dma source(%dma_start3A_106 : memref<2048xf32, #tpu.memory_space<hbm>>) target(%dma_start3A_104 : memref<2048xf32, #tpu.memory_space<vmem>>) target_semaphore(%arg8 : memref<!tpu.dma_semaphore, #tpu.memory_space<semaphore_mem>>)
    %dma_start3A_107 = arith.constant 7 : i32
    %dma_start3A_108 = arith.constant 14336 : i32
    %dma_start3A_109 = tpu.memref_slice %arg5[%dma_start3A_108] : memref<86016xf32, #tpu.memory_space<vmem>> -> memref<2048xf32, #tpu.memory_space<vmem>>
    %dma_start3A_110 = tpu.memref_slice %arg2[%select_n3A, %dma_start3A_107, %add3A_44] : memref<8x21x262144xf32, #tpu.memory_space<hbm>> -> memref<1x1x2048xf32, #tpu.memory_space<hbm>>
    %dma_start3A_111 = tpu.memref_squeeze %dma_start3A_110 : memref<1x1x2048xf32, #tpu.memory_space<hbm>> -> memref<2048xf32, #tpu.memory_space<hbm>>
    %dma_start3A_112 = arith.constant 14336 : i32
    %dma_start3A_113 = tpu.memref_slice %arg5[%dma_start3A_112] : memref<86016xf32, #tpu.memory_space<vmem>> -> memref<2048xf32, #tpu.memory_space<vmem>>
    %dma_start3A_114 = tpu.memref_slice %arg2[%select_n3A, %dma_start3A_107, %add3A_44] : memref<8x21x262144xf32, #tpu.memory_space<hbm>> -> memref<1x1x2048xf32, #tpu.memory_space<hbm>>
    %dma_start3A_115 = tpu.memref_squeeze %dma_start3A_114 : memref<1x1x2048xf32, #tpu.memory_space<hbm>> -> memref<2048xf32, #tpu.memory_space<hbm>>
    tpu.enqueue_dma source(%dma_start3A_115 : memref<2048xf32, #tpu.memory_space<hbm>>) target(%dma_start3A_113 : memref<2048xf32, #tpu.memory_space<vmem>>) target_semaphore(%arg8 : memref<!tpu.dma_semaphore, #tpu.memory_space<semaphore_mem>>)
    %dma_start3A_116 = arith.constant 8 : i32
    %dma_start3A_117 = arith.constant 16384 : i32
    %dma_start3A_118 = tpu.memref_slice %arg5[%dma_start3A_117] : memref<86016xf32, #tpu.memory_space<vmem>> -> memref<2048xf32, #tpu.memory_space<vmem>>
    %dma_start3A_119 = tpu.memref_slice %arg2[%select_n3A, %dma_start3A_116, %add3A_44] : memref<8x21x262144xf32, #tpu.memory_space<hbm>> -> memref<1x1x2048xf32, #tpu.memory_space<hbm>>
    %dma_start3A_120 = tpu.memref_squeeze %dma_start3A_119 : memref<1x1x2048xf32, #tpu.memory_space<hbm>> -> memref<2048xf32, #tpu.memory_space<hbm>>
    %dma_start3A_121 = arith.constant 16384 : i32
    %dma_start3A_122 = tpu.memref_slice %arg5[%dma_start3A_121] : memref<86016xf32, #tpu.memory_space<vmem>> -> memref<2048xf32, #tpu.memory_space<vmem>>
    %dma_start3A_123 = tpu.memref_slice %arg2[%select_n3A, %dma_start3A_116, %add3A_44] : memref<8x21x262144xf32, #tpu.memory_space<hbm>> -> memref<1x1x2048xf32, #tpu.memory_space<hbm>>
    %dma_start3A_124 = tpu.memref_squeeze %dma_start3A_123 : memref<1x1x2048xf32, #tpu.memory_space<hbm>> -> memref<2048xf32, #tpu.memory_space<hbm>>
    tpu.enqueue_dma source(%dma_start3A_124 : memref<2048xf32, #tpu.memory_space<hbm>>) target(%dma_start3A_122 : memref<2048xf32, #tpu.memory_space<vmem>>) target_semaphore(%arg8 : memref<!tpu.dma_semaphore, #tpu.memory_space<semaphore_mem>>)
    %dma_start3A_125 = arith.constant 9 : i32
    %dma_start3A_126 = arith.constant 18432 : i32
    %dma_start3A_127 = tpu.memref_slice %arg5[%dma_start3A_126] : memref<86016xf32, #tpu.memory_space<vmem>> -> memref<2048xf32, #tpu.memory_space<vmem>>
    %dma_start3A_128 = tpu.memref_slice %arg2[%select_n3A, %dma_start3A_125, %add3A_44] : memref<8x21x262144xf32, #tpu.memory_space<hbm>> -> memref<1x1x2048xf32, #tpu.memory_space<hbm>>
    %dma_start3A_129 = tpu.memref_squeeze %dma_start3A_128 : memref<1x1x2048xf32, #tpu.memory_space<hbm>> -> memref<2048xf32, #tpu.memory_space<hbm>>
    %dma_start3A_130 = arith.constant 18432 : i32
    %dma_start3A_131 = tpu.memref_slice %arg5[%dma_start3A_130] : memref<86016xf32, #tpu.memory_space<vmem>> -> memref<2048xf32, #tpu.memory_space<vmem>>
    %dma_start3A_132 = tpu.memref_slice %arg2[%select_n3A, %dma_start3A_125, %add3A_44] : memref<8x21x262144xf32, #tpu.memory_space<hbm>> -> memref<1x1x2048xf32, #tpu.memory_space<hbm>>
    %dma_start3A_133 = tpu.memref_squeeze %dma_start3A_132 : memref<1x1x2048xf32, #tpu.memory_space<hbm>> -> memref<2048xf32, #tpu.memory_space<hbm>>
    tpu.enqueue_dma source(%dma_start3A_133 : memref<2048xf32, #tpu.memory_space<hbm>>) target(%dma_start3A_131 : memref<2048xf32, #tpu.memory_space<vmem>>) target_semaphore(%arg8 : memref<!tpu.dma_semaphore, #tpu.memory_space<semaphore_mem>>)
    %dma_start3A_134 = arith.constant 10 : i32
    %dma_start3A_135 = arith.constant 20480 : i32
    %dma_start3A_136 = tpu.memref_slice %arg5[%dma_start3A_135] : memref<86016xf32, #tpu.memory_space<vmem>> -> memref<2048xf32, #tpu.memory_space<vmem>>
    %dma_start3A_137 = tpu.memref_slice %arg2[%select_n3A, %dma_start3A_134, %add3A_44] : memref<8x21x262144xf32, #tpu.memory_space<hbm>> -> memref<1x1x2048xf32, #tpu.memory_space<hbm>>
    %dma_start3A_138 = tpu.memref_squeeze %dma_start3A_137 : memref<1x1x2048xf32, #tpu.memory_space<hbm>> -> memref<2048xf32, #tpu.memory_space<hbm>>
    %dma_start3A_139 = arith.constant 20480 : i32
    %dma_start3A_140 = tpu.memref_slice %arg5[%dma_start3A_139] : memref<86016xf32, #tpu.memory_space<vmem>> -> memref<2048xf32, #tpu.memory_space<vmem>>
    %dma_start3A_141 = tpu.memref_slice %arg2[%select_n3A, %dma_start3A_134, %add3A_44] : memref<8x21x262144xf32, #tpu.memory_space<hbm>> -> memref<1x1x2048xf32, #tpu.memory_space<hbm>>
    %dma_start3A_142 = tpu.memref_squeeze %dma_start3A_141 : memref<1x1x2048xf32, #tpu.memory_space<hbm>> -> memref<2048xf32, #tpu.memory_space<hbm>>
    tpu.enqueue_dma source(%dma_start3A_142 : memref<2048xf32, #tpu.memory_space<hbm>>) target(%dma_start3A_140 : memref<2048xf32, #tpu.memory_space<vmem>>) target_semaphore(%arg8 : memref<!tpu.dma_semaphore, #tpu.memory_space<semaphore_mem>>)
    %dma_start3A_143 = arith.constant 11 : i32
    %dma_start3A_144 = arith.constant 22528 : i32
    %dma_start3A_145 = tpu.memref_slice %arg5[%dma_start3A_144] : memref<86016xf32, #tpu.memory_space<vmem>> -> memref<2048xf32, #tpu.memory_space<vmem>>
    %dma_start3A_146 = tpu.memref_slice %arg2[%select_n3A, %dma_start3A_143, %add3A_44] : memref<8x21x262144xf32, #tpu.memory_space<hbm>> -> memref<1x1x2048xf32, #tpu.memory_space<hbm>>
    %dma_start3A_147 = tpu.memref_squeeze %dma_start3A_146 : memref<1x1x2048xf32, #tpu.memory_space<hbm>> -> memref<2048xf32, #tpu.memory_space<hbm>>
    %dma_start3A_148 = arith.constant 22528 : i32
    %dma_start3A_149 = tpu.memref_slice %arg5[%dma_start3A_148] : memref<86016xf32, #tpu.memory_space<vmem>> -> memref<2048xf32, #tpu.memory_space<vmem>>
    %dma_start3A_150 = tpu.memref_slice %arg2[%select_n3A, %dma_start3A_143, %add3A_44] : memref<8x21x262144xf32, #tpu.memory_space<hbm>> -> memref<1x1x2048xf32, #tpu.memory_space<hbm>>
    %dma_start3A_151 = tpu.memref_squeeze %dma_start3A_150 : memref<1x1x2048xf32, #tpu.memory_space<hbm>> -> memref<2048xf32, #tpu.memory_space<hbm>>
    tpu.enqueue_dma source(%dma_start3A_151 : memref<2048xf32, #tpu.memory_space<hbm>>) target(%dma_start3A_149 : memref<2048xf32, #tpu.memory_space<vmem>>) target_semaphore(%arg8 : memref<!tpu.dma_semaphore, #tpu.memory_space<semaphore_mem>>)
    %dma_start3A_152 = arith.constant 12 : i32
    %dma_start3A_153 = arith.constant 24576 : i32
    %dma_start3A_154 = tpu.memref_slice %arg5[%dma_start3A_153] : memref<86016xf32, #tpu.memory_space<vmem>> -> memref<2048xf32, #tpu.memory_space<vmem>>
    %dma_start3A_155 = tpu.memref_slice %arg2[%select_n3A, %dma_start3A_152, %add3A_44] : memref<8x21x262144xf32, #tpu.memory_space<hbm>> -> memref<1x1x2048xf32, #tpu.memory_space<hbm>>
    %dma_start3A_156 = tpu.memref_squeeze %dma_start3A_155 : memref<1x1x2048xf32, #tpu.memory_space<hbm>> -> memref<2048xf32, #tpu.memory_space<hbm>>
    %dma_start3A_157 = arith.constant 24576 : i32
    %dma_start3A_158 = tpu.memref_slice %arg5[%dma_start3A_157] : memref<86016xf32, #tpu.memory_space<vmem>> -> memref<2048xf32, #tpu.memory_space<vmem>>
    %dma_start3A_159 = tpu.memref_slice %arg2[%select_n3A, %dma_start3A_152, %add3A_44] : memref<8x21x262144xf32, #tpu.memory_space<hbm>> -> memref<1x1x2048xf32, #tpu.memory_space<hbm>>
    %dma_start3A_160 = tpu.memref_squeeze %dma_start3A_159 : memref<1x1x2048xf32, #tpu.memory_space<hbm>> -> memref<2048xf32, #tpu.memory_space<hbm>>
    tpu.enqueue_dma source(%dma_start3A_160 : memref<2048xf32, #tpu.memory_space<hbm>>) target(%dma_start3A_158 : memref<2048xf32, #tpu.memory_space<vmem>>) target_semaphore(%arg8 : memref<!tpu.dma_semaphore, #tpu.memory_space<semaphore_mem>>)
    %dma_start3A_161 = arith.constant 13 : i32
    %dma_start3A_162 = arith.constant 26624 : i32
    %dma_start3A_163 = tpu.memref_slice %arg5[%dma_start3A_162] : memref<86016xf32, #tpu.memory_space<vmem>> -> memref<2048xf32, #tpu.memory_space<vmem>>
    %dma_start3A_164 = tpu.memref_slice %arg2[%select_n3A, %dma_start3A_161, %add3A_44] : memref<8x21x262144xf32, #tpu.memory_space<hbm>> -> memref<1x1x2048xf32, #tpu.memory_space<hbm>>
    %dma_start3A_165 = tpu.memref_squeeze %dma_start3A_164 : memref<1x1x2048xf32, #tpu.memory_space<hbm>> -> memref<2048xf32, #tpu.memory_space<hbm>>
    %dma_start3A_166 = arith.constant 26624 : i32
    %dma_start3A_167 = tpu.memref_slice %arg5[%dma_start3A_166] : memref<86016xf32, #tpu.memory_space<vmem>> -> memref<2048xf32, #tpu.memory_space<vmem>>
    %dma_start3A_168 = tpu.memref_slice %arg2[%select_n3A, %dma_start3A_161, %add3A_44] : memref<8x21x262144xf32, #tpu.memory_space<hbm>> -> memref<1x1x2048xf32, #tpu.memory_space<hbm>>
    %dma_start3A_169 = tpu.memref_squeeze %dma_start3A_168 : memref<1x1x2048xf32, #tpu.memory_space<hbm>> -> memref<2048xf32, #tpu.memory_space<hbm>>
    tpu.enqueue_dma source(%dma_start3A_169 : memref<2048xf32, #tpu.memory_space<hbm>>) target(%dma_start3A_167 : memref<2048xf32, #tpu.memory_space<vmem>>) target_semaphore(%arg8 : memref<!tpu.dma_semaphore, #tpu.memory_space<semaphore_mem>>)
    %dma_start3A_170 = arith.constant 14 : i32
    %dma_start3A_171 = arith.constant 28672 : i32
    %dma_start3A_172 = tpu.memref_slice %arg5[%dma_start3A_171] : memref<86016xf32, #tpu.memory_space<vmem>> -> memref<2048xf32, #tpu.memory_space<vmem>>
    %dma_start3A_173 = tpu.memref_slice %arg2[%select_n3A, %dma_start3A_170, %add3A_44] : memref<8x21x262144xf32, #tpu.memory_space<hbm>> -> memref<1x1x2048xf32, #tpu.memory_space<hbm>>
    %dma_start3A_174 = tpu.memref_squeeze %dma_start3A_173 : memref<1x1x2048xf32, #tpu.memory_space<hbm>> -> memref<2048xf32, #tpu.memory_space<hbm>>
    %dma_start3A_175 = arith.constant 28672 : i32
    %dma_start3A_176 = tpu.memref_slice %arg5[%dma_start3A_175] : memref<86016xf32, #tpu.memory_space<vmem>> -> memref<2048xf32, #tpu.memory_space<vmem>>
    %dma_start3A_177 = tpu.memref_slice %arg2[%select_n3A, %dma_start3A_170, %add3A_44] : memref<8x21x262144xf32, #tpu.memory_space<hbm>> -> memref<1x1x2048xf32, #tpu.memory_space<hbm>>
    %dma_start3A_178 = tpu.memref_squeeze %dma_start3A_177 : memref<1x1x2048xf32, #tpu.memory_space<hbm>> -> memref<2048xf32, #tpu.memory_space<hbm>>
    tpu.enqueue_dma source(%dma_start3A_178 : memref<2048xf32, #tpu.memory_space<hbm>>) target(%dma_start3A_176 : memref<2048xf32, #tpu.memory_space<vmem>>) target_semaphore(%arg8 : memref<!tpu.dma_semaphore, #tpu.memory_space<semaphore_mem>>)
    %dma_start3A_179 = arith.constant 15 : i32
    %dma_start3A_180 = arith.constant 30720 : i32
    %dma_start3A_181 = tpu.memref_slice %arg5[%dma_start3A_180] : memref<86016xf32, #tpu.memory_space<vmem>> -> memref<2048xf32, #tpu.memory_space<vmem>>
    %dma_start3A_182 = tpu.memref_slice %arg2[%select_n3A, %dma_start3A_179, %add3A_44] : memref<8x21x262144xf32, #tpu.memory_space<hbm>> -> memref<1x1x2048xf32, #tpu.memory_space<hbm>>
    %dma_start3A_183 = tpu.memref_squeeze %dma_start3A_182 : memref<1x1x2048xf32, #tpu.memory_space<hbm>> -> memref<2048xf32, #tpu.memory_space<hbm>>
    %dma_start3A_184 = arith.constant 30720 : i32
    %dma_start3A_185 = tpu.memref_slice %arg5[%dma_start3A_184] : memref<86016xf32, #tpu.memory_space<vmem>> -> memref<2048xf32, #tpu.memory_space<vmem>>
    %dma_start3A_186 = tpu.memref_slice %arg2[%select_n3A, %dma_start3A_179, %add3A_44] : memref<8x21x262144xf32, #tpu.memory_space<hbm>> -> memref<1x1x2048xf32, #tpu.memory_space<hbm>>
    %dma_start3A_187 = tpu.memref_squeeze %dma_start3A_186 : memref<1x1x2048xf32, #tpu.memory_space<hbm>> -> memref<2048xf32, #tpu.memory_space<hbm>>
    tpu.enqueue_dma source(%dma_start3A_187 : memref<2048xf32, #tpu.memory_space<hbm>>) target(%dma_start3A_185 : memref<2048xf32, #tpu.memory_space<vmem>>) target_semaphore(%arg8 : memref<!tpu.dma_semaphore, #tpu.memory_space<semaphore_mem>>)
    %dma_start3A_188 = arith.constant 16 : i32
    %dma_start3A_189 = arith.constant 32768 : i32
    %dma_start3A_190 = tpu.memref_slice %arg5[%dma_start3A_189] : memref<86016xf32, #tpu.memory_space<vmem>> -> memref<2048xf32, #tpu.memory_space<vmem>>
    %dma_start3A_191 = tpu.memref_slice %arg2[%select_n3A, %dma_start3A_188, %add3A_44] : memref<8x21x262144xf32, #tpu.memory_space<hbm>> -> memref<1x1x2048xf32, #tpu.memory_space<hbm>>
    %dma_start3A_192 = tpu.memref_squeeze %dma_start3A_191 : memref<1x1x2048xf32, #tpu.memory_space<hbm>> -> memref<2048xf32, #tpu.memory_space<hbm>>
    %dma_start3A_193 = arith.constant 32768 : i32
    %dma_start3A_194 = tpu.memref_slice %arg5[%dma_start3A_193] : memref<86016xf32, #tpu.memory_space<vmem>> -> memref<2048xf32, #tpu.memory_space<vmem>>
    %dma_start3A_195 = tpu.memref_slice %arg2[%select_n3A, %dma_start3A_188, %add3A_44] : memref<8x21x262144xf32, #tpu.memory_space<hbm>> -> memref<1x1x2048xf32, #tpu.memory_space<hbm>>
    %dma_start3A_196 = tpu.memref_squeeze %dma_start3A_195 : memref<1x1x2048xf32, #tpu.memory_space<hbm>> -> memref<2048xf32, #tpu.memory_space<hbm>>
    tpu.enqueue_dma source(%dma_start3A_196 : memref<2048xf32, #tpu.memory_space<hbm>>) target(%dma_start3A_194 : memref<2048xf32, #tpu.memory_space<vmem>>) target_semaphore(%arg8 : memref<!tpu.dma_semaphore, #tpu.memory_space<semaphore_mem>>)
    %dma_start3A_197 = arith.constant 17 : i32
    %dma_start3A_198 = arith.constant 34816 : i32
    %dma_start3A_199 = tpu.memref_slice %arg5[%dma_start3A_198] : memref<86016xf32, #tpu.memory_space<vmem>> -> memref<2048xf32, #tpu.memory_space<vmem>>
    %dma_start3A_200 = tpu.memref_slice %arg2[%select_n3A, %dma_start3A_197, %add3A_44] : memref<8x21x262144xf32, #tpu.memory_space<hbm>> -> memref<1x1x2048xf32, #tpu.memory_space<hbm>>
    %dma_start3A_201 = tpu.memref_squeeze %dma_start3A_200 : memref<1x1x2048xf32, #tpu.memory_space<hbm>> -> memref<2048xf32, #tpu.memory_space<hbm>>
    %dma_start3A_202 = arith.constant 34816 : i32
    %dma_start3A_203 = tpu.memref_slice %arg5[%dma_start3A_202] : memref<86016xf32, #tpu.memory_space<vmem>> -> memref<2048xf32, #tpu.memory_space<vmem>>
    %dma_start3A_204 = tpu.memref_slice %arg2[%select_n3A, %dma_start3A_197, %add3A_44] : memref<8x21x262144xf32, #tpu.memory_space<hbm>> -> memref<1x1x2048xf32, #tpu.memory_space<hbm>>
    %dma_start3A_205 = tpu.memref_squeeze %dma_start3A_204 : memref<1x1x2048xf32, #tpu.memory_space<hbm>> -> memref<2048xf32, #tpu.memory_space<hbm>>
    tpu.enqueue_dma source(%dma_start3A_205 : memref<2048xf32, #tpu.memory_space<hbm>>) target(%dma_start3A_203 : memref<2048xf32, #tpu.memory_space<vmem>>) target_semaphore(%arg8 : memref<!tpu.dma_semaphore, #tpu.memory_space<semaphore_mem>>)
    %dma_start3A_206 = arith.constant 18 : i32
    %dma_start3A_207 = arith.constant 36864 : i32
    %dma_start3A_208 = tpu.memref_slice %arg5[%dma_start3A_207] : memref<86016xf32, #tpu.memory_space<vmem>> -> memref<2048xf32, #tpu.memory_space<vmem>>
    %dma_start3A_209 = tpu.memref_slice %arg2[%select_n3A, %dma_start3A_206, %add3A_44] : memref<8x21x262144xf32, #tpu.memory_space<hbm>> -> memref<1x1x2048xf32, #tpu.memory_space<hbm>>
    %dma_start3A_210 = tpu.memref_squeeze %dma_start3A_209 : memref<1x1x2048xf32, #tpu.memory_space<hbm>> -> memref<2048xf32, #tpu.memory_space<hbm>>
    %dma_start3A_211 = arith.constant 36864 : i32
    %dma_start3A_212 = tpu.memref_slice %arg5[%dma_start3A_211] : memref<86016xf32, #tpu.memory_space<vmem>> -> memref<2048xf32, #tpu.memory_space<vmem>>
    %dma_start3A_213 = tpu.memref_slice %arg2[%select_n3A, %dma_start3A_206, %add3A_44] : memref<8x21x262144xf32, #tpu.memory_space<hbm>> -> memref<1x1x2048xf32, #tpu.memory_space<hbm>>
    %dma_start3A_214 = tpu.memref_squeeze %dma_start3A_213 : memref<1x1x2048xf32, #tpu.memory_space<hbm>> -> memref<2048xf32, #tpu.memory_space<hbm>>
    tpu.enqueue_dma source(%dma_start3A_214 : memref<2048xf32, #tpu.memory_space<hbm>>) target(%dma_start3A_212 : memref<2048xf32, #tpu.memory_space<vmem>>) target_semaphore(%arg8 : memref<!tpu.dma_semaphore, #tpu.memory_space<semaphore_mem>>)
    %dma_start3A_215 = arith.constant 19 : i32
    %dma_start3A_216 = arith.constant 38912 : i32
    %dma_start3A_217 = tpu.memref_slice %arg5[%dma_start3A_216] : memref<86016xf32, #tpu.memory_space<vmem>> -> memref<2048xf32, #tpu.memory_space<vmem>>
    %dma_start3A_218 = tpu.memref_slice %arg2[%select_n3A, %dma_start3A_215, %add3A_44] : memref<8x21x262144xf32, #tpu.memory_space<hbm>> -> memref<1x1x2048xf32, #tpu.memory_space<hbm>>
    %dma_start3A_219 = tpu.memref_squeeze %dma_start3A_218 : memref<1x1x2048xf32, #tpu.memory_space<hbm>> -> memref<2048xf32, #tpu.memory_space<hbm>>
    %dma_start3A_220 = arith.constant 38912 : i32
    %dma_start3A_221 = tpu.memref_slice %arg5[%dma_start3A_220] : memref<86016xf32, #tpu.memory_space<vmem>> -> memref<2048xf32, #tpu.memory_space<vmem>>
    %dma_start3A_222 = tpu.memref_slice %arg2[%select_n3A, %dma_start3A_215, %add3A_44] : memref<8x21x262144xf32, #tpu.memory_space<hbm>> -> memref<1x1x2048xf32, #tpu.memory_space<hbm>>
    %dma_start3A_223 = tpu.memref_squeeze %dma_start3A_222 : memref<1x1x2048xf32, #tpu.memory_space<hbm>> -> memref<2048xf32, #tpu.memory_space<hbm>>
    tpu.enqueue_dma source(%dma_start3A_223 : memref<2048xf32, #tpu.memory_space<hbm>>) target(%dma_start3A_221 : memref<2048xf32, #tpu.memory_space<vmem>>) target_semaphore(%arg8 : memref<!tpu.dma_semaphore, #tpu.memory_space<semaphore_mem>>)
    %dma_start3A_224 = arith.constant 20 : i32
    %dma_start3A_225 = arith.constant 40960 : i32
    %dma_start3A_226 = tpu.memref_slice %arg5[%dma_start3A_225] : memref<86016xf32, #tpu.memory_space<vmem>> -> memref<2048xf32, #tpu.memory_space<vmem>>
    %dma_start3A_227 = tpu.memref_slice %arg2[%select_n3A, %dma_start3A_224, %add3A_44] : memref<8x21x262144xf32, #tpu.memory_space<hbm>> -> memref<1x1x2048xf32, #tpu.memory_space<hbm>>
    %dma_start3A_228 = tpu.memref_squeeze %dma_start3A_227 : memref<1x1x2048xf32, #tpu.memory_space<hbm>> -> memref<2048xf32, #tpu.memory_space<hbm>>
    %dma_start3A_229 = arith.constant 40960 : i32
    %dma_start3A_230 = tpu.memref_slice %arg5[%dma_start3A_229] : memref<86016xf32, #tpu.memory_space<vmem>> -> memref<2048xf32, #tpu.memory_space<vmem>>
    %dma_start3A_231 = tpu.memref_slice %arg2[%select_n3A, %dma_start3A_224, %add3A_44] : memref<8x21x262144xf32, #tpu.memory_space<hbm>> -> memref<1x1x2048xf32, #tpu.memory_space<hbm>>
    %dma_start3A_232 = tpu.memref_squeeze %dma_start3A_231 : memref<1x1x2048xf32, #tpu.memory_space<hbm>> -> memref<2048xf32, #tpu.memory_space<hbm>>
    tpu.enqueue_dma source(%dma_start3A_232 : memref<2048xf32, #tpu.memory_space<hbm>>) target(%dma_start3A_230 : memref<2048xf32, #tpu.memory_space<vmem>>) target_semaphore(%arg8 : memref<!tpu.dma_semaphore, #tpu.memory_space<semaphore_mem>>)
    %dma_start3A_233 = arith.constant 0 : i32
    %dma_start3A_234 = tpu.memref_slice %arg6[%dma_start3A_233] : memref<4096xi32, #tpu.memory_space<vmem>> -> memref<2048xi32, #tpu.memory_space<vmem>>
    %dma_start3A_235 = tpu.memref_slice %arg3[%select_n3A, %add3A_44] : memref<8x262144xi32, #tpu.memory_space<hbm>> -> memref<1x2048xi32, #tpu.memory_space<hbm>>
    %dma_start3A_236 = tpu.memref_squeeze %dma_start3A_235 : memref<1x2048xi32, #tpu.memory_space<hbm>> -> memref<2048xi32, #tpu.memory_space<hbm>>
    %dma_start3A_237 = arith.constant 0 : i32
    %dma_start3A_238 = tpu.memref_slice %arg6[%dma_start3A_237] : memref<4096xi32, #tpu.memory_space<vmem>> -> memref<2048xi32, #tpu.memory_space<vmem>>
    %dma_start3A_239 = tpu.memref_slice %arg3[%select_n3A, %add3A_44] : memref<8x262144xi32, #tpu.memory_space<hbm>> -> memref<1x2048xi32, #tpu.memory_space<hbm>>
    %dma_start3A_240 = tpu.memref_squeeze %dma_start3A_239 : memref<1x2048xi32, #tpu.memory_space<hbm>> -> memref<2048xi32, #tpu.memory_space<hbm>>
    tpu.enqueue_dma source(%dma_start3A_240 : memref<2048xi32, #tpu.memory_space<hbm>>) target(%dma_start3A_238 : memref<2048xi32, #tpu.memory_space<vmem>>) target_semaphore(%arg8 : memref<!tpu.dma_semaphore, #tpu.memory_space<semaphore_mem>>)
    %scan3A_241 = arith.constant 5.120000e+02 : f32
    %scan3A_242 = arith.constant 0 : i32
    %scan3A_243 = arith.constant 16 : i32
    %scan3A_244 = arith.addi %scan3A_242, %scan3A_243 : i32
    %scan3A_245 = arith.constant 1 : i32
    scf.for %scan3A_1398 = %scan3A_242 to %scan3A_244 step %scan3A_245  : i32 {
      %mul3A_1399 = arith.constant 2 : i32
      %mul3A_1400 = arith.muli %mul3A_1399, %scan3A_1398 : i32
      %add3A_1401 = arith.constant 1 : i32
      %add3A_1402 = arith.addi %mul3A_1400, %add3A_1401 : i32
      %mul3A_1403 = arith.constant 2048 : i32
      %mul3A_1404 = arith.muli %add3A_1402, %mul3A_1403 : i32
      %add3A_1405 = arith.addi %mul3A_32, %mul3A_1404 : i32
      %dma_start3A_1406 = arith.constant 0 : i32
      %dma_start3A_1407 = arith.constant 43008 : i32
      %dma_start3A_1408 = tpu.memref_slice %arg5[%dma_start3A_1407] : memref<86016xf32, #tpu.memory_space<vmem>> -> memref<2048xf32, #tpu.memory_space<vmem>>
      %dma_start3A_1409 = tpu.memref_slice %arg2[%select_n3A, %dma_start3A_1406, %add3A_1405] : memref<8x21x262144xf32, #tpu.memory_space<hbm>> -> memref<1x1x2048xf32, #tpu.memory_space<hbm>>
      %dma_start3A_1410 = tpu.memref_squeeze %dma_start3A_1409 : memref<1x1x2048xf32, #tpu.memory_space<hbm>> -> memref<2048xf32, #tpu.memory_space<hbm>>
      %dma_start3A_1411 = arith.constant 43008 : i32
      %dma_start3A_1412 = tpu.memref_slice %arg5[%dma_start3A_1411] : memref<86016xf32, #tpu.memory_space<vmem>> -> memref<2048xf32, #tpu.memory_space<vmem>>
      %dma_start3A_1413 = tpu.memref_slice %arg2[%select_n3A, %dma_start3A_1406, %add3A_1405] : memref<8x21x262144xf32, #tpu.memory_space<hbm>> -> memref<1x1x2048xf32, #tpu.memory_space<hbm>>
      %dma_start3A_1414 = tpu.memref_squeeze %dma_start3A_1413 : memref<1x1x2048xf32, #tpu.memory_space<hbm>> -> memref<2048xf32, #tpu.memory_space<hbm>>
      tpu.enqueue_dma source(%dma_start3A_1414 : memref<2048xf32, #tpu.memory_space<hbm>>) target(%dma_start3A_1412 : memref<2048xf32, #tpu.memory_space<vmem>>) target_semaphore(%arg9 : memref<!tpu.dma_semaphore, #tpu.memory_space<semaphore_mem>>)
      %dma_start3A_1415 = arith.constant 1 : i32
      %dma_start3A_1416 = arith.constant 45056 : i32
      %dma_start3A_1417 = tpu.memref_slice %arg5[%dma_start3A_1416] : memref<86016xf32, #tpu.memory_space<vmem>> -> memref<2048xf32, #tpu.memory_space<vmem>>
      %dma_start3A_1418 = tpu.memref_slice %arg2[%select_n3A, %dma_start3A_1415, %add3A_1405] : memref<8x21x262144xf32, #tpu.memory_space<hbm>> -> memref<1x1x2048xf32, #tpu.memory_space<hbm>>
      %dma_start3A_1419 = tpu.memref_squeeze %dma_start3A_1418 : memref<1x1x2048xf32, #tpu.memory_space<hbm>> -> memref<2048xf32, #tpu.memory_space<hbm>>
      %dma_start3A_1420 = arith.constant 45056 : i32
      %dma_start3A_1421 = tpu.memref_slice %arg5[%dma_start3A_1420] : memref<86016xf32, #tpu.memory_space<vmem>> -> memref<2048xf32, #tpu.memory_space<vmem>>
      %dma_start3A_1422 = tpu.memref_slice %arg2[%select_n3A, %dma_start3A_1415, %add3A_1405] : memref<8x21x262144xf32, #tpu.memory_space<hbm>> -> memref<1x1x2048xf32, #tpu.memory_space<hbm>>
      %dma_start3A_1423 = tpu.memref_squeeze %dma_start3A_1422 : memref<1x1x2048xf32, #tpu.memory_space<hbm>> -> memref<2048xf32, #tpu.memory_space<hbm>>
      tpu.enqueue_dma source(%dma_start3A_1423 : memref<2048xf32, #tpu.memory_space<hbm>>) target(%dma_start3A_1421 : memref<2048xf32, #tpu.memory_space<vmem>>) target_semaphore(%arg9 : memref<!tpu.dma_semaphore, #tpu.memory_space<semaphore_mem>>)
      %dma_start3A_1424 = arith.constant 2 : i32
      %dma_start3A_1425 = arith.constant 47104 : i32
      %dma_start3A_1426 = tpu.memref_slice %arg5[%dma_start3A_1425] : memref<86016xf32, #tpu.memory_space<vmem>> -> memref<2048xf32, #tpu.memory_space<vmem>>
      %dma_start3A_1427 = tpu.memref_slice %arg2[%select_n3A, %dma_start3A_1424, %add3A_1405] : memref<8x21x262144xf32, #tpu.memory_space<hbm>> -> memref<1x1x2048xf32, #tpu.memory_space<hbm>>
      %dma_start3A_1428 = tpu.memref_squeeze %dma_start3A_1427 : memref<1x1x2048xf32, #tpu.memory_space<hbm>> -> memref<2048xf32, #tpu.memory_space<hbm>>
      %dma_start3A_1429 = arith.constant 47104 : i32
      %dma_start3A_1430 = tpu.memref_slice %arg5[%dma_start3A_1429] : memref<86016xf32, #tpu.memory_space<vmem>> -> memref<2048xf32, #tpu.memory_space<vmem>>
      %dma_start3A_1431 = tpu.memref_slice %arg2[%select_n3A, %dma_start3A_1424, %add3A_1405] : memref<8x21x262144xf32, #tpu.memory_space<hbm>> -> memref<1x1x2048xf32, #tpu.memory_space<hbm>>
      %dma_start3A_1432 = tpu.memref_squeeze %dma_start3A_1431 : memref<1x1x2048xf32, #tpu.memory_space<hbm>> -> memref<2048xf32, #tpu.memory_space<hbm>>
      tpu.enqueue_dma source(%dma_start3A_1432 : memref<2048xf32, #tpu.memory_space<hbm>>) target(%dma_start3A_1430 : memref<2048xf32, #tpu.memory_space<vmem>>) target_semaphore(%arg9 : memref<!tpu.dma_semaphore, #tpu.memory_space<semaphore_mem>>)
      %dma_start3A_1433 = arith.constant 3 : i32
      %dma_start3A_1434 = arith.constant 49152 : i32
      %dma_start3A_1435 = tpu.memref_slice %arg5[%dma_start3A_1434] : memref<86016xf32, #tpu.memory_space<vmem>> -> memref<2048xf32, #tpu.memory_space<vmem>>
      %dma_start3A_1436 = tpu.memref_slice %arg2[%select_n3A, %dma_start3A_1433, %add3A_1405] : memref<8x21x262144xf32, #tpu.memory_space<hbm>> -> memref<1x1x2048xf32, #tpu.memory_space<hbm>>
      %dma_start3A_1437 = tpu.memref_squeeze %dma_start3A_1436 : memref<1x1x2048xf32, #tpu.memory_space<hbm>> -> memref<2048xf32, #tpu.memory_space<hbm>>
      %dma_start3A_1438 = arith.constant 49152 : i32
      %dma_start3A_1439 = tpu.memref_slice %arg5[%dma_start3A_1438] : memref<86016xf32, #tpu.memory_space<vmem>> -> memref<2048xf32, #tpu.memory_space<vmem>>
      %dma_start3A_1440 = tpu.memref_slice %arg2[%select_n3A, %dma_start3A_1433, %add3A_1405] : memref<8x21x262144xf32, #tpu.memory_space<hbm>> -> memref<1x1x2048xf32, #tpu.memory_space<hbm>>
      %dma_start3A_1441 = tpu.memref_squeeze %dma_start3A_1440 : memref<1x1x2048xf32, #tpu.memory_space<hbm>> -> memref<2048xf32, #tpu.memory_space<hbm>>
      tpu.enqueue_dma source(%dma_start3A_1441 : memref<2048xf32, #tpu.memory_space<hbm>>) target(%dma_start3A_1439 : memref<2048xf32, #tpu.memory_space<vmem>>) target_semaphore(%arg9 : memref<!tpu.dma_semaphore, #tpu.memory_space<semaphore_mem>>)
      %dma_start3A_1442 = arith.constant 4 : i32
      %dma_start3A_1443 = arith.constant 51200 : i32
      %dma_start3A_1444 = tpu.memref_slice %arg5[%dma_start3A_1443] : memref<86016xf32, #tpu.memory_space<vmem>> -> memref<2048xf32, #tpu.memory_space<vmem>>
      %dma_start3A_1445 = tpu.memref_slice %arg2[%select_n3A, %dma_start3A_1442, %add3A_1405] : memref<8x21x262144xf32, #tpu.memory_space<hbm>> -> memref<1x1x2048xf32, #tpu.memory_space<hbm>>
      %dma_start3A_1446 = tpu.memref_squeeze %dma_start3A_1445 : memref<1x1x2048xf32, #tpu.memory_space<hbm>> -> memref<2048xf32, #tpu.memory_space<hbm>>
      %dma_start3A_1447 = arith.constant 51200 : i32
      %dma_start3A_1448 = tpu.memref_slice %arg5[%dma_start3A_1447] : memref<86016xf32, #tpu.memory_space<vmem>> -> memref<2048xf32, #tpu.memory_space<vmem>>
      %dma_start3A_1449 = tpu.memref_slice %arg2[%select_n3A, %dma_start3A_1442, %add3A_1405] : memref<8x21x262144xf32, #tpu.memory_space<hbm>> -> memref<1x1x2048xf32, #tpu.memory_space<hbm>>
      %dma_start3A_1450 = tpu.memref_squeeze %dma_start3A_1449 : memref<1x1x2048xf32, #tpu.memory_space<hbm>> -> memref<2048xf32, #tpu.memory_space<hbm>>
      tpu.enqueue_dma source(%dma_start3A_1450 : memref<2048xf32, #tpu.memory_space<hbm>>) target(%dma_start3A_1448 : memref<2048xf32, #tpu.memory_space<vmem>>) target_semaphore(%arg9 : memref<!tpu.dma_semaphore, #tpu.memory_space<semaphore_mem>>)
      %dma_start3A_1451 = arith.constant 5 : i32
      %dma_start3A_1452 = arith.constant 53248 : i32
      %dma_start3A_1453 = tpu.memref_slice %arg5[%dma_start3A_1452] : memref<86016xf32, #tpu.memory_space<vmem>> -> memref<2048xf32, #tpu.memory_space<vmem>>
      %dma_start3A_1454 = tpu.memref_slice %arg2[%select_n3A, %dma_start3A_1451, %add3A_1405] : memref<8x21x262144xf32, #tpu.memory_space<hbm>> -> memref<1x1x2048xf32, #tpu.memory_space<hbm>>
      %dma_start3A_1455 = tpu.memref_squeeze %dma_start3A_1454 : memref<1x1x2048xf32, #tpu.memory_space<hbm>> -> memref<2048xf32, #tpu.memory_space<hbm>>
      %dma_start3A_1456 = arith.constant 53248 : i32
      %dma_start3A_1457 = tpu.memref_slice %arg5[%dma_start3A_1456] : memref<86016xf32, #tpu.memory_space<vmem>> -> memref<2048xf32, #tpu.memory_space<vmem>>
      %dma_start3A_1458 = tpu.memref_slice %arg2[%select_n3A, %dma_start3A_1451, %add3A_1405] : memref<8x21x262144xf32, #tpu.memory_space<hbm>> -> memref<1x1x2048xf32, #tpu.memory_space<hbm>>
      %dma_start3A_1459 = tpu.memref_squeeze %dma_start3A_1458 : memref<1x1x2048xf32, #tpu.memory_space<hbm>> -> memref<2048xf32, #tpu.memory_space<hbm>>
      tpu.enqueue_dma source(%dma_start3A_1459 : memref<2048xf32, #tpu.memory_space<hbm>>) target(%dma_start3A_1457 : memref<2048xf32, #tpu.memory_space<vmem>>) target_semaphore(%arg9 : memref<!tpu.dma_semaphore, #tpu.memory_space<semaphore_mem>>)
      %dma_start3A_1460 = arith.constant 6 : i32
      %dma_start3A_1461 = arith.constant 55296 : i32
      %dma_start3A_1462 = tpu.memref_slice %arg5[%dma_start3A_1461] : memref<86016xf32, #tpu.memory_space<vmem>> -> memref<2048xf32, #tpu.memory_space<vmem>>
      %dma_start3A_1463 = tpu.memref_slice %arg2[%select_n3A, %dma_start3A_1460, %add3A_1405] : memref<8x21x262144xf32, #tpu.memory_space<hbm>> -> memref<1x1x2048xf32, #tpu.memory_space<hbm>>
      %dma_start3A_1464 = tpu.memref_squeeze %dma_start3A_1463 : memref<1x1x2048xf32, #tpu.memory_space<hbm>> -> memref<2048xf32, #tpu.memory_space<hbm>>
      %dma_start3A_1465 = arith.constant 55296 : i32
      %dma_start3A_1466 = tpu.memref_slice %arg5[%dma_start3A_1465] : memref<86016xf32, #tpu.memory_space<vmem>> -> memref<2048xf32, #tpu.memory_space<vmem>>
      %dma_start3A_1467 = tpu.memref_slice %arg2[%select_n3A, %dma_start3A_1460, %add3A_1405] : memref<8x21x262144xf32, #tpu.memory_space<hbm>> -> memref<1x1x2048xf32, #tpu.memory_space<hbm>>
      %dma_start3A_1468 = tpu.memref_squeeze %dma_start3A_1467 : memref<1x1x2048xf32, #tpu.memory_space<hbm>> -> memref<2048xf32, #tpu.memory_space<hbm>>
      tpu.enqueue_dma source(%dma_start3A_1468 : memref<2048xf32, #tpu.memory_space<hbm>>) target(%dma_start3A_1466 : memref<2048xf32, #tpu.memory_space<vmem>>) target_semaphore(%arg9 : memref<!tpu.dma_semaphore, #tpu.memory_space<semaphore_mem>>)
      %dma_start3A_1469 = arith.constant 7 : i32
      %dma_start3A_1470 = arith.constant 57344 : i32
      %dma_start3A_1471 = tpu.memref_slice %arg5[%dma_start3A_1470] : memref<86016xf32, #tpu.memory_space<vmem>> -> memref<2048xf32, #tpu.memory_space<vmem>>
      %dma_start3A_1472 = tpu.memref_slice %arg2[%select_n3A, %dma_start3A_1469, %add3A_1405] : memref<8x21x262144xf32, #tpu.memory_space<hbm>> -> memref<1x1x2048xf32, #tpu.memory_space<hbm>>
      %dma_start3A_1473 = tpu.memref_squeeze %dma_start3A_1472 : memref<1x1x2048xf32, #tpu.memory_space<hbm>> -> memref<2048xf32, #tpu.memory_space<hbm>>
      %dma_start3A_1474 = arith.constant 57344 : i32
      %dma_start3A_1475 = tpu.memref_slice %arg5[%dma_start3A_1474] : memref<86016xf32, #tpu.memory_space<vmem>> -> memref<2048xf32, #tpu.memory_space<vmem>>
      %dma_start3A_1476 = tpu.memref_slice %arg2[%select_n3A, %dma_start3A_1469, %add3A_1405] : memref<8x21x262144xf32, #tpu.memory_space<hbm>> -> memref<1x1x2048xf32, #tpu.memory_space<hbm>>
      %dma_start3A_1477 = tpu.memref_squeeze %dma_start3A_1476 : memref<1x1x2048xf32, #tpu.memory_space<hbm>> -> memref<2048xf32, #tpu.memory_space<hbm>>
      tpu.enqueue_dma source(%dma_start3A_1477 : memref<2048xf32, #tpu.memory_space<hbm>>) target(%dma_start3A_1475 : memref<2048xf32, #tpu.memory_space<vmem>>) target_semaphore(%arg9 : memref<!tpu.dma_semaphore, #tpu.memory_space<semaphore_mem>>)
      %dma_start3A_1478 = arith.constant 8 : i32
      %dma_start3A_1479 = arith.constant 59392 : i32
      %dma_start3A_1480 = tpu.memref_slice %arg5[%dma_start3A_1479] : memref<86016xf32, #tpu.memory_space<vmem>> -> memref<2048xf32, #tpu.memory_space<vmem>>
      %dma_start3A_1481 = tpu.memref_slice %arg2[%select_n3A, %dma_start3A_1478, %add3A_1405] : memref<8x21x262144xf32, #tpu.memory_space<hbm>> -> memref<1x1x2048xf32, #tpu.memory_space<hbm>>
      %dma_start3A_1482 = tpu.memref_squeeze %dma_start3A_1481 : memref<1x1x2048xf32, #tpu.memory_space<hbm>> -> memref<2048xf32, #tpu.memory_space<hbm>>
      %dma_start3A_1483 = arith.constant 59392 : i32
      %dma_start3A_1484 = tpu.memref_slice %arg5[%dma_start3A_1483] : memref<86016xf32, #tpu.memory_space<vmem>> -> memref<2048xf32, #tpu.memory_space<vmem>>
      %dma_start3A_1485 = tpu.memref_slice %arg2[%select_n3A, %dma_start3A_1478, %add3A_1405] : memref<8x21x262144xf32, #tpu.memory_space<hbm>> -> memref<1x1x2048xf32, #tpu.memory_space<hbm>>
      %dma_start3A_1486 = tpu.memref_squeeze %dma_start3A_1485 : memref<1x1x2048xf32, #tpu.memory_space<hbm>> -> memref<2048xf32, #tpu.memory_space<hbm>>
      tpu.enqueue_dma source(%dma_start3A_1486 : memref<2048xf32, #tpu.memory_space<hbm>>) target(%dma_start3A_1484 : memref<2048xf32, #tpu.memory_space<vmem>>) target_semaphore(%arg9 : memref<!tpu.dma_semaphore, #tpu.memory_space<semaphore_mem>>)
      %dma_start3A_1487 = arith.constant 9 : i32
      %dma_start3A_1488 = arith.constant 61440 : i32
      %dma_start3A_1489 = tpu.memref_slice %arg5[%dma_start3A_1488] : memref<86016xf32, #tpu.memory_space<vmem>> -> memref<2048xf32, #tpu.memory_space<vmem>>
      %dma_start3A_1490 = tpu.memref_slice %arg2[%select_n3A, %dma_start3A_1487, %add3A_1405] : memref<8x21x262144xf32, #tpu.memory_space<hbm>> -> memref<1x1x2048xf32, #tpu.memory_space<hbm>>
      %dma_start3A_1491 = tpu.memref_squeeze %dma_start3A_1490 : memref<1x1x2048xf32, #tpu.memory_space<hbm>> -> memref<2048xf32, #tpu.memory_space<hbm>>
      %dma_start3A_1492 = arith.constant 61440 : i32
      %dma_start3A_1493 = tpu.memref_slice %arg5[%dma_start3A_1492] : memref<86016xf32, #tpu.memory_space<vmem>> -> memref<2048xf32, #tpu.memory_space<vmem>>
      %dma_start3A_1494 = tpu.memref_slice %arg2[%select_n3A, %dma_start3A_1487, %add3A_1405] : memref<8x21x262144xf32, #tpu.memory_space<hbm>> -> memref<1x1x2048xf32, #tpu.memory_space<hbm>>
      %dma_start3A_1495 = tpu.memref_squeeze %dma_start3A_1494 : memref<1x1x2048xf32, #tpu.memory_space<hbm>> -> memref<2048xf32, #tpu.memory_space<hbm>>
      tpu.enqueue_dma source(%dma_start3A_1495 : memref<2048xf32, #tpu.memory_space<hbm>>) target(%dma_start3A_1493 : memref<2048xf32, #tpu.memory_space<vmem>>) target_semaphore(%arg9 : memref<!tpu.dma_semaphore, #tpu.memory_space<semaphore_mem>>)
      %dma_start3A_1496 = arith.constant 10 : i32
      %dma_start3A_1497 = arith.constant 63488 : i32
      %dma_start3A_1498 = tpu.memref_slice %arg5[%dma_start3A_1497] : memref<86016xf32, #tpu.memory_space<vmem>> -> memref<2048xf32, #tpu.memory_space<vmem>>
      %dma_start3A_1499 = tpu.memref_slice %arg2[%select_n3A, %dma_start3A_1496, %add3A_1405] : memref<8x21x262144xf32, #tpu.memory_space<hbm>> -> memref<1x1x2048xf32, #tpu.memory_space<hbm>>
      %dma_start3A_1500 = tpu.memref_squeeze %dma_start3A_1499 : memref<1x1x2048xf32, #tpu.memory_space<hbm>> -> memref<2048xf32, #tpu.memory_space<hbm>>
      %dma_start3A_1501 = arith.constant 63488 : i32
      %dma_start3A_1502 = tpu.memref_slice %arg5[%dma_start3A_1501] : memref<86016xf32, #tpu.memory_space<vmem>> -> memref<2048xf32, #tpu.memory_space<vmem>>
      %dma_start3A_1503 = tpu.memref_slice %arg2[%select_n3A, %dma_start3A_1496, %add3A_1405] : memref<8x21x262144xf32, #tpu.memory_space<hbm>> -> memref<1x1x2048xf32, #tpu.memory_space<hbm>>
      %dma_start3A_1504 = tpu.memref_squeeze %dma_start3A_1503 : memref<1x1x2048xf32, #tpu.memory_space<hbm>> -> memref<2048xf32, #tpu.memory_space<hbm>>
      tpu.enqueue_dma source(%dma_start3A_1504 : memref<2048xf32, #tpu.memory_space<hbm>>) target(%dma_start3A_1502 : memref<2048xf32, #tpu.memory_space<vmem>>) target_semaphore(%arg9 : memref<!tpu.dma_semaphore, #tpu.memory_space<semaphore_mem>>)
      %dma_start3A_1505 = arith.constant 11 : i32
      %dma_start3A_1506 = arith.constant 65536 : i32
      %dma_start3A_1507 = tpu.memref_slice %arg5[%dma_start3A_1506] : memref<86016xf32, #tpu.memory_space<vmem>> -> memref<2048xf32, #tpu.memory_space<vmem>>
      %dma_start3A_1508 = tpu.memref_slice %arg2[%select_n3A, %dma_start3A_1505, %add3A_1405] : memref<8x21x262144xf32, #tpu.memory_space<hbm>> -> memref<1x1x2048xf32, #tpu.memory_space<hbm>>
      %dma_start3A_1509 = tpu.memref_squeeze %dma_start3A_1508 : memref<1x1x2048xf32, #tpu.memory_space<hbm>> -> memref<2048xf32, #tpu.memory_space<hbm>>
      %dma_start3A_1510 = arith.constant 65536 : i32
      %dma_start3A_1511 = tpu.memref_slice %arg5[%dma_start3A_1510] : memref<86016xf32, #tpu.memory_space<vmem>> -> memref<2048xf32, #tpu.memory_space<vmem>>
      %dma_start3A_1512 = tpu.memref_slice %arg2[%select_n3A, %dma_start3A_1505, %add3A_1405] : memref<8x21x262144xf32, #tpu.memory_space<hbm>> -> memref<1x1x2048xf32, #tpu.memory_space<hbm>>
      %dma_start3A_1513 = tpu.memref_squeeze %dma_start3A_1512 : memref<1x1x2048xf32, #tpu.memory_space<hbm>> -> memref<2048xf32, #tpu.memory_space<hbm>>
      tpu.enqueue_dma source(%dma_start3A_1513 : memref<2048xf32, #tpu.memory_space<hbm>>) target(%dma_start3A_1511 : memref<2048xf32, #tpu.memory_space<vmem>>) target_semaphore(%arg9 : memref<!tpu.dma_semaphore, #tpu.memory_space<semaphore_mem>>)
      %dma_start3A_1514 = arith.constant 12 : i32
      %dma_start3A_1515 = arith.constant 67584 : i32
      %dma_start3A_1516 = tpu.memref_slice %arg5[%dma_start3A_1515] : memref<86016xf32, #tpu.memory_space<vmem>> -> memref<2048xf32, #tpu.memory_space<vmem>>
      %dma_start3A_1517 = tpu.memref_slice %arg2[%select_n3A, %dma_start3A_1514, %add3A_1405] : memref<8x21x262144xf32, #tpu.memory_space<hbm>> -> memref<1x1x2048xf32, #tpu.memory_space<hbm>>
      %dma_start3A_1518 = tpu.memref_squeeze %dma_start3A_1517 : memref<1x1x2048xf32, #tpu.memory_space<hbm>> -> memref<2048xf32, #tpu.memory_space<hbm>>
      %dma_start3A_1519 = arith.constant 67584 : i32
      %dma_start3A_1520 = tpu.memref_slice %arg5[%dma_start3A_1519] : memref<86016xf32, #tpu.memory_space<vmem>> -> memref<2048xf32, #tpu.memory_space<vmem>>
      %dma_start3A_1521 = tpu.memref_slice %arg2[%select_n3A, %dma_start3A_1514, %add3A_1405] : memref<8x21x262144xf32, #tpu.memory_space<hbm>> -> memref<1x1x2048xf32, #tpu.memory_space<hbm>>
      %dma_start3A_1522 = tpu.memref_squeeze %dma_start3A_1521 : memref<1x1x2048xf32, #tpu.memory_space<hbm>> -> memref<2048xf32, #tpu.memory_space<hbm>>
      tpu.enqueue_dma source(%dma_start3A_1522 : memref<2048xf32, #tpu.memory_space<hbm>>) target(%dma_start3A_1520 : memref<2048xf32, #tpu.memory_space<vmem>>) target_semaphore(%arg9 : memref<!tpu.dma_semaphore, #tpu.memory_space<semaphore_mem>>)
      %dma_start3A_1523 = arith.constant 13 : i32
      %dma_start3A_1524 = arith.constant 69632 : i32
      %dma_start3A_1525 = tpu.memref_slice %arg5[%dma_start3A_1524] : memref<86016xf32, #tpu.memory_space<vmem>> -> memref<2048xf32, #tpu.memory_space<vmem>>
      %dma_start3A_1526 = tpu.memref_slice %arg2[%select_n3A, %dma_start3A_1523, %add3A_1405] : memref<8x21x262144xf32, #tpu.memory_space<hbm>> -> memref<1x1x2048xf32, #tpu.memory_space<hbm>>
      %dma_start3A_1527 = tpu.memref_squeeze %dma_start3A_1526 : memref<1x1x2048xf32, #tpu.memory_space<hbm>> -> memref<2048xf32, #tpu.memory_space<hbm>>
      %dma_start3A_1528 = arith.constant 69632 : i32
      %dma_start3A_1529 = tpu.memref_slice %arg5[%dma_start3A_1528] : memref<86016xf32, #tpu.memory_space<vmem>> -> memref<2048xf32, #tpu.memory_space<vmem>>
      %dma_start3A_1530 = tpu.memref_slice %arg2[%select_n3A, %dma_start3A_1523, %add3A_1405] : memref<8x21x262144xf32, #tpu.memory_space<hbm>> -> memref<1x1x2048xf32, #tpu.memory_space<hbm>>
      %dma_start3A_1531 = tpu.memref_squeeze %dma_start3A_1530 : memref<1x1x2048xf32, #tpu.memory_space<hbm>> -> memref<2048xf32, #tpu.memory_space<hbm>>
      tpu.enqueue_dma source(%dma_start3A_1531 : memref<2048xf32, #tpu.memory_space<hbm>>) target(%dma_start3A_1529 : memref<2048xf32, #tpu.memory_space<vmem>>) target_semaphore(%arg9 : memref<!tpu.dma_semaphore, #tpu.memory_space<semaphore_mem>>)
      %dma_start3A_1532 = arith.constant 14 : i32
      %dma_start3A_1533 = arith.constant 71680 : i32
      %dma_start3A_1534 = tpu.memref_slice %arg5[%dma_start3A_1533] : memref<86016xf32, #tpu.memory_space<vmem>> -> memref<2048xf32, #tpu.memory_space<vmem>>
      %dma_start3A_1535 = tpu.memref_slice %arg2[%select_n3A, %dma_start3A_1532, %add3A_1405] : memref<8x21x262144xf32, #tpu.memory_space<hbm>> -> memref<1x1x2048xf32, #tpu.memory_space<hbm>>
      %dma_start3A_1536 = tpu.memref_squeeze %dma_start3A_1535 : memref<1x1x2048xf32, #tpu.memory_space<hbm>> -> memref<2048xf32, #tpu.memory_space<hbm>>
      %dma_start3A_1537 = arith.constant 71680 : i32
      %dma_start3A_1538 = tpu.memref_slice %arg5[%dma_start3A_1537] : memref<86016xf32, #tpu.memory_space<vmem>> -> memref<2048xf32, #tpu.memory_space<vmem>>
      %dma_start3A_1539 = tpu.memref_slice %arg2[%select_n3A, %dma_start3A_1532, %add3A_1405] : memref<8x21x262144xf32, #tpu.memory_space<hbm>> -> memref<1x1x2048xf32, #tpu.memory_space<hbm>>
      %dma_start3A_1540 = tpu.memref_squeeze %dma_start3A_1539 : memref<1x1x2048xf32, #tpu.memory_space<hbm>> -> memref<2048xf32, #tpu.memory_space<hbm>>
      tpu.enqueue_dma source(%dma_start3A_1540 : memref<2048xf32, #tpu.memory_space<hbm>>) target(%dma_start3A_1538 : memref<2048xf32, #tpu.memory_space<vmem>>) target_semaphore(%arg9 : memref<!tpu.dma_semaphore, #tpu.memory_space<semaphore_mem>>)
      %dma_start3A_1541 = arith.constant 15 : i32
      %dma_start3A_1542 = arith.constant 73728 : i32
      %dma_start3A_1543 = tpu.memref_slice %arg5[%dma_start3A_1542] : memref<86016xf32, #tpu.memory_space<vmem>> -> memref<2048xf32, #tpu.memory_space<vmem>>
      %dma_start3A_1544 = tpu.memref_slice %arg2[%select_n3A, %dma_start3A_1541, %add3A_1405] : memref<8x21x262144xf32, #tpu.memory_space<hbm>> -> memref<1x1x2048xf32, #tpu.memory_space<hbm>>
      %dma_start3A_1545 = tpu.memref_squeeze %dma_start3A_1544 : memref<1x1x2048xf32, #tpu.memory_space<hbm>> -> memref<2048xf32, #tpu.memory_space<hbm>>
      %dma_start3A_1546 = arith.constant 73728 : i32
      %dma_start3A_1547 = tpu.memref_slice %arg5[%dma_start3A_1546] : memref<86016xf32, #tpu.memory_space<vmem>> -> memref<2048xf32, #tpu.memory_space<vmem>>
      %dma_start3A_1548 = tpu.memref_slice %arg2[%select_n3A, %dma_start3A_1541, %add3A_1405] : memref<8x21x262144xf32, #tpu.memory_space<hbm>> -> memref<1x1x2048xf32, #tpu.memory_space<hbm>>
      %dma_start3A_1549 = tpu.memref_squeeze %dma_start3A_1548 : memref<1x1x2048xf32, #tpu.memory_space<hbm>> -> memref<2048xf32, #tpu.memory_space<hbm>>
      tpu.enqueue_dma source(%dma_start3A_1549 : memref<2048xf32, #tpu.memory_space<hbm>>) target(%dma_start3A_1547 : memref<2048xf32, #tpu.memory_space<vmem>>) target_semaphore(%arg9 : memref<!tpu.dma_semaphore, #tpu.memory_space<semaphore_mem>>)
      %dma_start3A_1550 = arith.constant 16 : i32
      %dma_start3A_1551 = arith.constant 75776 : i32
      %dma_start3A_1552 = tpu.memref_slice %arg5[%dma_start3A_1551] : memref<86016xf32, #tpu.memory_space<vmem>> -> memref<2048xf32, #tpu.memory_space<vmem>>
      %dma_start3A_1553 = tpu.memref_slice %arg2[%select_n3A, %dma_start3A_1550, %add3A_1405] : memref<8x21x262144xf32, #tpu.memory_space<hbm>> -> memref<1x1x2048xf32, #tpu.memory_space<hbm>>
      %dma_start3A_1554 = tpu.memref_squeeze %dma_start3A_1553 : memref<1x1x2048xf32, #tpu.memory_space<hbm>> -> memref<2048xf32, #tpu.memory_space<hbm>>
      %dma_start3A_1555 = arith.constant 75776 : i32
      %dma_start3A_1556 = tpu.memref_slice %arg5[%dma_start3A_1555] : memref<86016xf32, #tpu.memory_space<vmem>> -> memref<2048xf32, #tpu.memory_space<vmem>>
      %dma_start3A_1557 = tpu.memref_slice %arg2[%select_n3A, %dma_start3A_1550, %add3A_1405] : memref<8x21x262144xf32, #tpu.memory_space<hbm>> -> memref<1x1x2048xf32, #tpu.memory_space<hbm>>
      %dma_start3A_1558 = tpu.memref_squeeze %dma_start3A_1557 : memref<1x1x2048xf32, #tpu.memory_space<hbm>> -> memref<2048xf32, #tpu.memory_space<hbm>>
      tpu.enqueue_dma source(%dma_start3A_1558 : memref<2048xf32, #tpu.memory_space<hbm>>) target(%dma_start3A_1556 : memref<2048xf32, #tpu.memory_space<vmem>>) target_semaphore(%arg9 : memref<!tpu.dma_semaphore, #tpu.memory_space<semaphore_mem>>)
      %dma_start3A_1559 = arith.constant 17 : i32
      %dma_start3A_1560 = arith.constant 77824 : i32
      %dma_start3A_1561 = tpu.memref_slice %arg5[%dma_start3A_1560] : memref<86016xf32, #tpu.memory_space<vmem>> -> memref<2048xf32, #tpu.memory_space<vmem>>
      %dma_start3A_1562 = tpu.memref_slice %arg2[%select_n3A, %dma_start3A_1559, %add3A_1405] : memref<8x21x262144xf32, #tpu.memory_space<hbm>> -> memref<1x1x2048xf32, #tpu.memory_space<hbm>>
      %dma_start3A_1563 = tpu.memref_squeeze %dma_start3A_1562 : memref<1x1x2048xf32, #tpu.memory_space<hbm>> -> memref<2048xf32, #tpu.memory_space<hbm>>
      %dma_start3A_1564 = arith.constant 77824 : i32
      %dma_start3A_1565 = tpu.memref_slice %arg5[%dma_start3A_1564] : memref<86016xf32, #tpu.memory_space<vmem>> -> memref<2048xf32, #tpu.memory_space<vmem>>
      %dma_start3A_1566 = tpu.memref_slice %arg2[%select_n3A, %dma_start3A_1559, %add3A_1405] : memref<8x21x262144xf32, #tpu.memory_space<hbm>> -> memref<1x1x2048xf32, #tpu.memory_space<hbm>>
      %dma_start3A_1567 = tpu.memref_squeeze %dma_start3A_1566 : memref<1x1x2048xf32, #tpu.memory_space<hbm>> -> memref<2048xf32, #tpu.memory_space<hbm>>
      tpu.enqueue_dma source(%dma_start3A_1567 : memref<2048xf32, #tpu.memory_space<hbm>>) target(%dma_start3A_1565 : memref<2048xf32, #tpu.memory_space<vmem>>) target_semaphore(%arg9 : memref<!tpu.dma_semaphore, #tpu.memory_space<semaphore_mem>>)
      %dma_start3A_1568 = arith.constant 18 : i32
      %dma_start3A_1569 = arith.constant 79872 : i32
      %dma_start3A_1570 = tpu.memref_slice %arg5[%dma_start3A_1569] : memref<86016xf32, #tpu.memory_space<vmem>> -> memref<2048xf32, #tpu.memory_space<vmem>>
      %dma_start3A_1571 = tpu.memref_slice %arg2[%select_n3A, %dma_start3A_1568, %add3A_1405] : memref<8x21x262144xf32, #tpu.memory_space<hbm>> -> memref<1x1x2048xf32, #tpu.memory_space<hbm>>
      %dma_start3A_1572 = tpu.memref_squeeze %dma_start3A_1571 : memref<1x1x2048xf32, #tpu.memory_space<hbm>> -> memref<2048xf32, #tpu.memory_space<hbm>>
      %dma_start3A_1573 = arith.constant 79872 : i32
      %dma_start3A_1574 = tpu.memref_slice %arg5[%dma_start3A_1573] : memref<86016xf32, #tpu.memory_space<vmem>> -> memref<2048xf32, #tpu.memory_space<vmem>>
      %dma_start3A_1575 = tpu.memref_slice %arg2[%select_n3A, %dma_start3A_1568, %add3A_1405] : memref<8x21x262144xf32, #tpu.memory_space<hbm>> -> memref<1x1x2048xf32, #tpu.memory_space<hbm>>
      %dma_start3A_1576 = tpu.memref_squeeze %dma_start3A_1575 : memref<1x1x2048xf32, #tpu.memory_space<hbm>> -> memref<2048xf32, #tpu.memory_space<hbm>>
      tpu.enqueue_dma source(%dma_start3A_1576 : memref<2048xf32, #tpu.memory_space<hbm>>) target(%dma_start3A_1574 : memref<2048xf32, #tpu.memory_space<vmem>>) target_semaphore(%arg9 : memref<!tpu.dma_semaphore, #tpu.memory_space<semaphore_mem>>)
      %dma_start3A_1577 = arith.constant 19 : i32
      %dma_start3A_1578 = arith.constant 81920 : i32
      %dma_start3A_1579 = tpu.memref_slice %arg5[%dma_start3A_1578] : memref<86016xf32, #tpu.memory_space<vmem>> -> memref<2048xf32, #tpu.memory_space<vmem>>
      %dma_start3A_1580 = tpu.memref_slice %arg2[%select_n3A, %dma_start3A_1577, %add3A_1405] : memref<8x21x262144xf32, #tpu.memory_space<hbm>> -> memref<1x1x2048xf32, #tpu.memory_space<hbm>>
      %dma_start3A_1581 = tpu.memref_squeeze %dma_start3A_1580 : memref<1x1x2048xf32, #tpu.memory_space<hbm>> -> memref<2048xf32, #tpu.memory_space<hbm>>
      %dma_start3A_1582 = arith.constant 81920 : i32
      %dma_start3A_1583 = tpu.memref_slice %arg5[%dma_start3A_1582] : memref<86016xf32, #tpu.memory_space<vmem>> -> memref<2048xf32, #tpu.memory_space<vmem>>
      %dma_start3A_1584 = tpu.memref_slice %arg2[%select_n3A, %dma_start3A_1577, %add3A_1405] : memref<8x21x262144xf32, #tpu.memory_space<hbm>> -> memref<1x1x2048xf32, #tpu.memory_space<hbm>>
      %dma_start3A_1585 = tpu.memref_squeeze %dma_start3A_1584 : memref<1x1x2048xf32, #tpu.memory_space<hbm>> -> memref<2048xf32, #tpu.memory_space<hbm>>
      tpu.enqueue_dma source(%dma_start3A_1585 : memref<2048xf32, #tpu.memory_space<hbm>>) target(%dma_start3A_1583 : memref<2048xf32, #tpu.memory_space<vmem>>) target_semaphore(%arg9 : memref<!tpu.dma_semaphore, #tpu.memory_space<semaphore_mem>>)
      %dma_start3A_1586 = arith.constant 20 : i32
      %dma_start3A_1587 = arith.constant 83968 : i32
      %dma_start3A_1588 = tpu.memref_slice %arg5[%dma_start3A_1587] : memref<86016xf32, #tpu.memory_space<vmem>> -> memref<2048xf32, #tpu.memory_space<vmem>>
      %dma_start3A_1589 = tpu.memref_slice %arg2[%select_n3A, %dma_start3A_1586, %add3A_1405] : memref<8x21x262144xf32, #tpu.memory_space<hbm>> -> memref<1x1x2048xf32, #tpu.memory_space<hbm>>
      %dma_start3A_1590 = tpu.memref_squeeze %dma_start3A_1589 : memref<1x1x2048xf32, #tpu.memory_space<hbm>> -> memref<2048xf32, #tpu.memory_space<hbm>>
      %dma_start3A_1591 = arith.constant 83968 : i32
      %dma_start3A_1592 = tpu.memref_slice %arg5[%dma_start3A_1591] : memref<86016xf32, #tpu.memory_space<vmem>> -> memref<2048xf32, #tpu.memory_space<vmem>>
      %dma_start3A_1593 = tpu.memref_slice %arg2[%select_n3A, %dma_start3A_1586, %add3A_1405] : memref<8x21x262144xf32, #tpu.memory_space<hbm>> -> memref<1x1x2048xf32, #tpu.memory_space<hbm>>
      %dma_start3A_1594 = tpu.memref_squeeze %dma_start3A_1593 : memref<1x1x2048xf32, #tpu.memory_space<hbm>> -> memref<2048xf32, #tpu.memory_space<hbm>>
      tpu.enqueue_dma source(%dma_start3A_1594 : memref<2048xf32, #tpu.memory_space<hbm>>) target(%dma_start3A_1592 : memref<2048xf32, #tpu.memory_space<vmem>>) target_semaphore(%arg9 : memref<!tpu.dma_semaphore, #tpu.memory_space<semaphore_mem>>)
      %dma_start3A_1595 = arith.constant 2048 : i32
      %dma_start3A_1596 = tpu.memref_slice %arg6[%dma_start3A_1595] : memref<4096xi32, #tpu.memory_space<vmem>> -> memref<2048xi32, #tpu.memory_space<vmem>>
      %dma_start3A_1597 = tpu.memref_slice %arg3[%select_n3A, %add3A_1405] : memref<8x262144xi32, #tpu.memory_space<hbm>> -> memref<1x2048xi32, #tpu.memory_space<hbm>>
      %dma_start3A_1598 = tpu.memref_squeeze %dma_start3A_1597 : memref<1x2048xi32, #tpu.memory_space<hbm>> -> memref<2048xi32, #tpu.memory_space<hbm>>
      %dma_start3A_1599 = arith.constant 2048 : i32
      %dma_start3A_1600 = tpu.memref_slice %arg6[%dma_start3A_1599] : memref<4096xi32, #tpu.memory_space<vmem>> -> memref<2048xi32, #tpu.memory_space<vmem>>
      %dma_start3A_1601 = tpu.memref_slice %arg3[%select_n3A, %add3A_1405] : memref<8x262144xi32, #tpu.memory_space<hbm>> -> memref<1x2048xi32, #tpu.memory_space<hbm>>
      %dma_start3A_1602 = tpu.memref_squeeze %dma_start3A_1601 : memref<1x2048xi32, #tpu.memory_space<hbm>> -> memref<2048xi32, #tpu.memory_space<hbm>>
      tpu.enqueue_dma source(%dma_start3A_1602 : memref<2048xi32, #tpu.memory_space<hbm>>) target(%dma_start3A_1600 : memref<2048xi32, #tpu.memory_space<vmem>>) target_semaphore(%arg9 : memref<!tpu.dma_semaphore, #tpu.memory_space<semaphore_mem>>)
      %mul3A_1603 = arith.constant 2048 : i32
      %mul3A_1604 = arith.muli %mul3A_1400, %mul3A_1603 : i32
      %add3A_1605 = arith.addi %mul3A_32, %mul3A_1604 : i32
      %dma_wait3A_1606 = arith.constant 0 : i32
      %dma_wait3A_1607 = arith.constant 0 : i32
      %dma_wait3A_1608 = tpu.memref_slice %arg5[%dma_wait3A_1607] : memref<86016xf32, #tpu.memory_space<vmem>> -> memref<2048xf32, #tpu.memory_space<vmem>>
      %dma_wait3A_1609 = tpu.memref_slice %arg2[%select_n3A, %dma_wait3A_1606, %add3A_1605] : memref<8x21x262144xf32, #tpu.memory_space<hbm>> -> memref<1x1x2048xf32, #tpu.memory_space<hbm>>
      %dma_wait3A_1610 = tpu.memref_squeeze %dma_wait3A_1609 : memref<1x1x2048xf32, #tpu.memory_space<hbm>> -> memref<2048xf32, #tpu.memory_space<hbm>>
      %dma_wait3A_1611 = arith.constant 0 : i32
      %dma_wait3A_1612 = tpu.memref_slice %arg5[%dma_wait3A_1611] : memref<86016xf32, #tpu.memory_space<vmem>> -> memref<2048xf32, #tpu.memory_space<vmem>>
      %dma_wait3A_1613 = tpu.memref_slice %arg2[%select_n3A, %dma_wait3A_1606, %add3A_1605] : memref<8x21x262144xf32, #tpu.memory_space<hbm>> -> memref<1x1x2048xf32, #tpu.memory_space<hbm>>
      %dma_wait3A_1614 = tpu.memref_squeeze %dma_wait3A_1613 : memref<1x1x2048xf32, #tpu.memory_space<hbm>> -> memref<2048xf32, #tpu.memory_space<hbm>>
      tpu.wait_dma2 semaphore(%arg8 : memref<!tpu.dma_semaphore, #tpu.memory_space<semaphore_mem>>) src(%dma_wait3A_1614 : memref<2048xf32, #tpu.memory_space<hbm>>) dst(%dma_wait3A_1612 : memref<2048xf32, #tpu.memory_space<vmem>>)
      %dma_wait3A_1615 = arith.constant 1 : i32
      %dma_wait3A_1616 = arith.constant 2048 : i32
      %dma_wait3A_1617 = tpu.memref_slice %arg5[%dma_wait3A_1616] : memref<86016xf32, #tpu.memory_space<vmem>> -> memref<2048xf32, #tpu.memory_space<vmem>>
      %dma_wait3A_1618 = tpu.memref_slice %arg2[%select_n3A, %dma_wait3A_1615, %add3A_1605] : memref<8x21x262144xf32, #tpu.memory_space<hbm>> -> memref<1x1x2048xf32, #tpu.memory_space<hbm>>
      %dma_wait3A_1619 = tpu.memref_squeeze %dma_wait3A_1618 : memref<1x1x2048xf32, #tpu.memory_space<hbm>> -> memref<2048xf32, #tpu.memory_space<hbm>>
      %dma_wait3A_1620 = arith.constant 2048 : i32
      %dma_wait3A_1621 = tpu.memref_slice %arg5[%dma_wait3A_1620] : memref<86016xf32, #tpu.memory_space<vmem>> -> memref<2048xf32, #tpu.memory_space<vmem>>
      %dma_wait3A_1622 = tpu.memref_slice %arg2[%select_n3A, %dma_wait3A_1615, %add3A_1605] : memref<8x21x262144xf32, #tpu.memory_space<hbm>> -> memref<1x1x2048xf32, #tpu.memory_space<hbm>>
      %dma_wait3A_1623 = tpu.memref_squeeze %dma_wait3A_1622 : memref<1x1x2048xf32, #tpu.memory_space<hbm>> -> memref<2048xf32, #tpu.memory_space<hbm>>
      tpu.wait_dma2 semaphore(%arg8 : memref<!tpu.dma_semaphore, #tpu.memory_space<semaphore_mem>>) src(%dma_wait3A_1623 : memref<2048xf32, #tpu.memory_space<hbm>>) dst(%dma_wait3A_1621 : memref<2048xf32, #tpu.memory_space<vmem>>)
      %dma_wait3A_1624 = arith.constant 2 : i32
      %dma_wait3A_1625 = arith.constant 4096 : i32
      %dma_wait3A_1626 = tpu.memref_slice %arg5[%dma_wait3A_1625] : memref<86016xf32, #tpu.memory_space<vmem>> -> memref<2048xf32, #tpu.memory_space<vmem>>
      %dma_wait3A_1627 = tpu.memref_slice %arg2[%select_n3A, %dma_wait3A_1624, %add3A_1605] : memref<8x21x262144xf32, #tpu.memory_space<hbm>> -> memref<1x1x2048xf32, #tpu.memory_space<hbm>>
      %dma_wait3A_1628 = tpu.memref_squeeze %dma_wait3A_1627 : memref<1x1x2048xf32, #tpu.memory_space<hbm>> -> memref<2048xf32, #tpu.memory_space<hbm>>
      %dma_wait3A_1629 = arith.constant 4096 : i32
      %dma_wait3A_1630 = tpu.memref_slice %arg5[%dma_wait3A_1629] : memref<86016xf32, #tpu.memory_space<vmem>> -> memref<2048xf32, #tpu.memory_space<vmem>>
      %dma_wait3A_1631 = tpu.memref_slice %arg2[%select_n3A, %dma_wait3A_1624, %add3A_1605] : memref<8x21x262144xf32, #tpu.memory_space<hbm>> -> memref<1x1x2048xf32, #tpu.memory_space<hbm>>
      %dma_wait3A_1632 = tpu.memref_squeeze %dma_wait3A_1631 : memref<1x1x2048xf32, #tpu.memory_space<hbm>> -> memref<2048xf32, #tpu.memory_space<hbm>>
      tpu.wait_dma2 semaphore(%arg8 : memref<!tpu.dma_semaphore, #tpu.memory_space<semaphore_mem>>) src(%dma_wait3A_1632 : memref<2048xf32, #tpu.memory_space<hbm>>) dst(%dma_wait3A_1630 : memref<2048xf32, #tpu.memory_space<vmem>>)
      %dma_wait3A_1633 = arith.constant 3 : i32
      %dma_wait3A_1634 = arith.constant 6144 : i32
      %dma_wait3A_1635 = tpu.memref_slice %arg5[%dma_wait3A_1634] : memref<86016xf32, #tpu.memory_space<vmem>> -> memref<2048xf32, #tpu.memory_space<vmem>>
      %dma_wait3A_1636 = tpu.memref_slice %arg2[%select_n3A, %dma_wait3A_1633, %add3A_1605] : memref<8x21x262144xf32, #tpu.memory_space<hbm>> -> memref<1x1x2048xf32, #tpu.memory_space<hbm>>
      %dma_wait3A_1637 = tpu.memref_squeeze %dma_wait3A_1636 : memref<1x1x2048xf32, #tpu.memory_space<hbm>> -> memref<2048xf32, #tpu.memory_space<hbm>>
      %dma_wait3A_1638 = arith.constant 6144 : i32
      %dma_wait3A_1639 = tpu.memref_slice %arg5[%dma_wait3A_1638] : memref<86016xf32, #tpu.memory_space<vmem>> -> memref<2048xf32, #tpu.memory_space<vmem>>
      %dma_wait3A_1640 = tpu.memref_slice %arg2[%select_n3A, %dma_wait3A_1633, %add3A_1605] : memref<8x21x262144xf32, #tpu.memory_space<hbm>> -> memref<1x1x2048xf32, #tpu.memory_space<hbm>>
      %dma_wait3A_1641 = tpu.memref_squeeze %dma_wait3A_1640 : memref<1x1x2048xf32, #tpu.memory_space<hbm>> -> memref<2048xf32, #tpu.memory_space<hbm>>
      tpu.wait_dma2 semaphore(%arg8 : memref<!tpu.dma_semaphore, #tpu.memory_space<semaphore_mem>>) src(%dma_wait3A_1641 : memref<2048xf32, #tpu.memory_space<hbm>>) dst(%dma_wait3A_1639 : memref<2048xf32, #tpu.memory_space<vmem>>)
      %dma_wait3A_1642 = arith.constant 4 : i32
      %dma_wait3A_1643 = arith.constant 8192 : i32
      %dma_wait3A_1644 = tpu.memref_slice %arg5[%dma_wait3A_1643] : memref<86016xf32, #tpu.memory_space<vmem>> -> memref<2048xf32, #tpu.memory_space<vmem>>
      %dma_wait3A_1645 = tpu.memref_slice %arg2[%select_n3A, %dma_wait3A_1642, %add3A_1605] : memref<8x21x262144xf32, #tpu.memory_space<hbm>> -> memref<1x1x2048xf32, #tpu.memory_space<hbm>>
      %dma_wait3A_1646 = tpu.memref_squeeze %dma_wait3A_1645 : memref<1x1x2048xf32, #tpu.memory_space<hbm>> -> memref<2048xf32, #tpu.memory_space<hbm>>
      %dma_wait3A_1647 = arith.constant 8192 : i32
      %dma_wait3A_1648 = tpu.memref_slice %arg5[%dma_wait3A_1647] : memref<86016xf32, #tpu.memory_space<vmem>> -> memref<2048xf32, #tpu.memory_space<vmem>>
      %dma_wait3A_1649 = tpu.memref_slice %arg2[%select_n3A, %dma_wait3A_1642, %add3A_1605] : memref<8x21x262144xf32, #tpu.memory_space<hbm>> -> memref<1x1x2048xf32, #tpu.memory_space<hbm>>
      %dma_wait3A_1650 = tpu.memref_squeeze %dma_wait3A_1649 : memref<1x1x2048xf32, #tpu.memory_space<hbm>> -> memref<2048xf32, #tpu.memory_space<hbm>>
      tpu.wait_dma2 semaphore(%arg8 : memref<!tpu.dma_semaphore, #tpu.memory_space<semaphore_mem>>) src(%dma_wait3A_1650 : memref<2048xf32, #tpu.memory_space<hbm>>) dst(%dma_wait3A_1648 : memref<2048xf32, #tpu.memory_space<vmem>>)
      %dma_wait3A_1651 = arith.constant 5 : i32
      %dma_wait3A_1652 = arith.constant 10240 : i32
      %dma_wait3A_1653 = tpu.memref_slice %arg5[%dma_wait3A_1652] : memref<86016xf32, #tpu.memory_space<vmem>> -> memref<2048xf32, #tpu.memory_space<vmem>>
      %dma_wait3A_1654 = tpu.memref_slice %arg2[%select_n3A, %dma_wait3A_1651, %add3A_1605] : memref<8x21x262144xf32, #tpu.memory_space<hbm>> -> memref<1x1x2048xf32, #tpu.memory_space<hbm>>
      %dma_wait3A_1655 = tpu.memref_squeeze %dma_wait3A_1654 : memref<1x1x2048xf32, #tpu.memory_space<hbm>> -> memref<2048xf32, #tpu.memory_space<hbm>>
      %dma_wait3A_1656 = arith.constant 10240 : i32
      %dma_wait3A_1657 = tpu.memref_slice %arg5[%dma_wait3A_1656] : memref<86016xf32, #tpu.memory_space<vmem>> -> memref<2048xf32, #tpu.memory_space<vmem>>
      %dma_wait3A_1658 = tpu.memref_slice %arg2[%select_n3A, %dma_wait3A_1651, %add3A_1605] : memref<8x21x262144xf32, #tpu.memory_space<hbm>> -> memref<1x1x2048xf32, #tpu.memory_space<hbm>>
      %dma_wait3A_1659 = tpu.memref_squeeze %dma_wait3A_1658 : memref<1x1x2048xf32, #tpu.memory_space<hbm>> -> memref<2048xf32, #tpu.memory_space<hbm>>
      tpu.wait_dma2 semaphore(%arg8 : memref<!tpu.dma_semaphore, #tpu.memory_space<semaphore_mem>>) src(%dma_wait3A_1659 : memref<2048xf32, #tpu.memory_space<hbm>>) dst(%dma_wait3A_1657 : memref<2048xf32, #tpu.memory_space<vmem>>)
      %dma_wait3A_1660 = arith.constant 6 : i32
      %dma_wait3A_1661 = arith.constant 12288 : i32
      %dma_wait3A_1662 = tpu.memref_slice %arg5[%dma_wait3A_1661] : memref<86016xf32, #tpu.memory_space<vmem>> -> memref<2048xf32, #tpu.memory_space<vmem>>
      %dma_wait3A_1663 = tpu.memref_slice %arg2[%select_n3A, %dma_wait3A_1660, %add3A_1605] : memref<8x21x262144xf32, #tpu.memory_space<hbm>> -> memref<1x1x2048xf32, #tpu.memory_space<hbm>>
      %dma_wait3A_1664 = tpu.memref_squeeze %dma_wait3A_1663 : memref<1x1x2048xf32, #tpu.memory_space<hbm>> -> memref<2048xf32, #tpu.memory_space<hbm>>
      %dma_wait3A_1665 = arith.constant 12288 : i32
      %dma_wait3A_1666 = tpu.memref_slice %arg5[%dma_wait3A_1665] : memref<86016xf32, #tpu.memory_space<vmem>> -> memref<2048xf32, #tpu.memory_space<vmem>>
      %dma_wait3A_1667 = tpu.memref_slice %arg2[%select_n3A, %dma_wait3A_1660, %add3A_1605] : memref<8x21x262144xf32, #tpu.memory_space<hbm>> -> memref<1x1x2048xf32, #tpu.memory_space<hbm>>
      %dma_wait3A_1668 = tpu.memref_squeeze %dma_wait3A_1667 : memref<1x1x2048xf32, #tpu.memory_space<hbm>> -> memref<2048xf32, #tpu.memory_space<hbm>>
      tpu.wait_dma2 semaphore(%arg8 : memref<!tpu.dma_semaphore, #tpu.memory_space<semaphore_mem>>) src(%dma_wait3A_1668 : memref<2048xf32, #tpu.memory_space<hbm>>) dst(%dma_wait3A_1666 : memref<2048xf32, #tpu.memory_space<vmem>>)
      %dma_wait3A_1669 = arith.constant 7 : i32
      %dma_wait3A_1670 = arith.constant 14336 : i32
      %dma_wait3A_1671 = tpu.memref_slice %arg5[%dma_wait3A_1670] : memref<86016xf32, #tpu.memory_space<vmem>> -> memref<2048xf32, #tpu.memory_space<vmem>>
      %dma_wait3A_1672 = tpu.memref_slice %arg2[%select_n3A, %dma_wait3A_1669, %add3A_1605] : memref<8x21x262144xf32, #tpu.memory_space<hbm>> -> memref<1x1x2048xf32, #tpu.memory_space<hbm>>
      %dma_wait3A_1673 = tpu.memref_squeeze %dma_wait3A_1672 : memref<1x1x2048xf32, #tpu.memory_space<hbm>> -> memref<2048xf32, #tpu.memory_space<hbm>>
      %dma_wait3A_1674 = arith.constant 14336 : i32
      %dma_wait3A_1675 = tpu.memref_slice %arg5[%dma_wait3A_1674] : memref<86016xf32, #tpu.memory_space<vmem>> -> memref<2048xf32, #tpu.memory_space<vmem>>
      %dma_wait3A_1676 = tpu.memref_slice %arg2[%select_n3A, %dma_wait3A_1669, %add3A_1605] : memref<8x21x262144xf32, #tpu.memory_space<hbm>> -> memref<1x1x2048xf32, #tpu.memory_space<hbm>>
      %dma_wait3A_1677 = tpu.memref_squeeze %dma_wait3A_1676 : memref<1x1x2048xf32, #tpu.memory_space<hbm>> -> memref<2048xf32, #tpu.memory_space<hbm>>
      tpu.wait_dma2 semaphore(%arg8 : memref<!tpu.dma_semaphore, #tpu.memory_space<semaphore_mem>>) src(%dma_wait3A_1677 : memref<2048xf32, #tpu.memory_space<hbm>>) dst(%dma_wait3A_1675 : memref<2048xf32, #tpu.memory_space<vmem>>)
      %dma_wait3A_1678 = arith.constant 8 : i32
      %dma_wait3A_1679 = arith.constant 16384 : i32
      %dma_wait3A_1680 = tpu.memref_slice %arg5[%dma_wait3A_1679] : memref<86016xf32, #tpu.memory_space<vmem>> -> memref<2048xf32, #tpu.memory_space<vmem>>
      %dma_wait3A_1681 = tpu.memref_slice %arg2[%select_n3A, %dma_wait3A_1678, %add3A_1605] : memref<8x21x262144xf32, #tpu.memory_space<hbm>> -> memref<1x1x2048xf32, #tpu.memory_space<hbm>>
      %dma_wait3A_1682 = tpu.memref_squeeze %dma_wait3A_1681 : memref<1x1x2048xf32, #tpu.memory_space<hbm>> -> memref<2048xf32, #tpu.memory_space<hbm>>
      %dma_wait3A_1683 = arith.constant 16384 : i32
      %dma_wait3A_1684 = tpu.memref_slice %arg5[%dma_wait3A_1683] : memref<86016xf32, #tpu.memory_space<vmem>> -> memref<2048xf32, #tpu.memory_space<vmem>>
      %dma_wait3A_1685 = tpu.memref_slice %arg2[%select_n3A, %dma_wait3A_1678, %add3A_1605] : memref<8x21x262144xf32, #tpu.memory_space<hbm>> -> memref<1x1x2048xf32, #tpu.memory_space<hbm>>
      %dma_wait3A_1686 = tpu.memref_squeeze %dma_wait3A_1685 : memref<1x1x2048xf32, #tpu.memory_space<hbm>> -> memref<2048xf32, #tpu.memory_space<hbm>>
      tpu.wait_dma2 semaphore(%arg8 : memref<!tpu.dma_semaphore, #tpu.memory_space<semaphore_mem>>) src(%dma_wait3A_1686 : memref<2048xf32, #tpu.memory_space<hbm>>) dst(%dma_wait3A_1684 : memref<2048xf32, #tpu.memory_space<vmem>>)
      %dma_wait3A_1687 = arith.constant 9 : i32
      %dma_wait3A_1688 = arith.constant 18432 : i32
      %dma_wait3A_1689 = tpu.memref_slice %arg5[%dma_wait3A_1688] : memref<86016xf32, #tpu.memory_space<vmem>> -> memref<2048xf32, #tpu.memory_space<vmem>>
      %dma_wait3A_1690 = tpu.memref_slice %arg2[%select_n3A, %dma_wait3A_1687, %add3A_1605] : memref<8x21x262144xf32, #tpu.memory_space<hbm>> -> memref<1x1x2048xf32, #tpu.memory_space<hbm>>
      %dma_wait3A_1691 = tpu.memref_squeeze %dma_wait3A_1690 : memref<1x1x2048xf32, #tpu.memory_space<hbm>> -> memref<2048xf32, #tpu.memory_space<hbm>>
      %dma_wait3A_1692 = arith.constant 18432 : i32
      %dma_wait3A_1693 = tpu.memref_slice %arg5[%dma_wait3A_1692] : memref<86016xf32, #tpu.memory_space<vmem>> -> memref<2048xf32, #tpu.memory_space<vmem>>
      %dma_wait3A_1694 = tpu.memref_slice %arg2[%select_n3A, %dma_wait3A_1687, %add3A_1605] : memref<8x21x262144xf32, #tpu.memory_space<hbm>> -> memref<1x1x2048xf32, #tpu.memory_space<hbm>>
      %dma_wait3A_1695 = tpu.memref_squeeze %dma_wait3A_1694 : memref<1x1x2048xf32, #tpu.memory_space<hbm>> -> memref<2048xf32, #tpu.memory_space<hbm>>
      tpu.wait_dma2 semaphore(%arg8 : memref<!tpu.dma_semaphore, #tpu.memory_space<semaphore_mem>>) src(%dma_wait3A_1695 : memref<2048xf32, #tpu.memory_space<hbm>>) dst(%dma_wait3A_1693 : memref<2048xf32, #tpu.memory_space<vmem>>)
      %dma_wait3A_1696 = arith.constant 10 : i32
      %dma_wait3A_1697 = arith.constant 20480 : i32
      %dma_wait3A_1698 = tpu.memref_slice %arg5[%dma_wait3A_1697] : memref<86016xf32, #tpu.memory_space<vmem>> -> memref<2048xf32, #tpu.memory_space<vmem>>
      %dma_wait3A_1699 = tpu.memref_slice %arg2[%select_n3A, %dma_wait3A_1696, %add3A_1605] : memref<8x21x262144xf32, #tpu.memory_space<hbm>> -> memref<1x1x2048xf32, #tpu.memory_space<hbm>>
      %dma_wait3A_1700 = tpu.memref_squeeze %dma_wait3A_1699 : memref<1x1x2048xf32, #tpu.memory_space<hbm>> -> memref<2048xf32, #tpu.memory_space<hbm>>
      %dma_wait3A_1701 = arith.constant 20480 : i32
      %dma_wait3A_1702 = tpu.memref_slice %arg5[%dma_wait3A_1701] : memref<86016xf32, #tpu.memory_space<vmem>> -> memref<2048xf32, #tpu.memory_space<vmem>>
      %dma_wait3A_1703 = tpu.memref_slice %arg2[%select_n3A, %dma_wait3A_1696, %add3A_1605] : memref<8x21x262144xf32, #tpu.memory_space<hbm>> -> memref<1x1x2048xf32, #tpu.memory_space<hbm>>
      %dma_wait3A_1704 = tpu.memref_squeeze %dma_wait3A_1703 : memref<1x1x2048xf32, #tpu.memory_space<hbm>> -> memref<2048xf32, #tpu.memory_space<hbm>>
      tpu.wait_dma2 semaphore(%arg8 : memref<!tpu.dma_semaphore, #tpu.memory_space<semaphore_mem>>) src(%dma_wait3A_1704 : memref<2048xf32, #tpu.memory_space<hbm>>) dst(%dma_wait3A_1702 : memref<2048xf32, #tpu.memory_space<vmem>>)
      %dma_wait3A_1705 = arith.constant 11 : i32
      %dma_wait3A_1706 = arith.constant 22528 : i32
      %dma_wait3A_1707 = tpu.memref_slice %arg5[%dma_wait3A_1706] : memref<86016xf32, #tpu.memory_space<vmem>> -> memref<2048xf32, #tpu.memory_space<vmem>>
      %dma_wait3A_1708 = tpu.memref_slice %arg2[%select_n3A, %dma_wait3A_1705, %add3A_1605] : memref<8x21x262144xf32, #tpu.memory_space<hbm>> -> memref<1x1x2048xf32, #tpu.memory_space<hbm>>
      %dma_wait3A_1709 = tpu.memref_squeeze %dma_wait3A_1708 : memref<1x1x2048xf32, #tpu.memory_space<hbm>> -> memref<2048xf32, #tpu.memory_space<hbm>>
      %dma_wait3A_1710 = arith.constant 22528 : i32
      %dma_wait3A_1711 = tpu.memref_slice %arg5[%dma_wait3A_1710] : memref<86016xf32, #tpu.memory_space<vmem>> -> memref<2048xf32, #tpu.memory_space<vmem>>
      %dma_wait3A_1712 = tpu.memref_slice %arg2[%select_n3A, %dma_wait3A_1705, %add3A_1605] : memref<8x21x262144xf32, #tpu.memory_space<hbm>> -> memref<1x1x2048xf32, #tpu.memory_space<hbm>>
      %dma_wait3A_1713 = tpu.memref_squeeze %dma_wait3A_1712 : memref<1x1x2048xf32, #tpu.memory_space<hbm>> -> memref<2048xf32, #tpu.memory_space<hbm>>
      tpu.wait_dma2 semaphore(%arg8 : memref<!tpu.dma_semaphore, #tpu.memory_space<semaphore_mem>>) src(%dma_wait3A_1713 : memref<2048xf32, #tpu.memory_space<hbm>>) dst(%dma_wait3A_1711 : memref<2048xf32, #tpu.memory_space<vmem>>)
      %dma_wait3A_1714 = arith.constant 12 : i32
      %dma_wait3A_1715 = arith.constant 24576 : i32
      %dma_wait3A_1716 = tpu.memref_slice %arg5[%dma_wait3A_1715] : memref<86016xf32, #tpu.memory_space<vmem>> -> memref<2048xf32, #tpu.memory_space<vmem>>
      %dma_wait3A_1717 = tpu.memref_slice %arg2[%select_n3A, %dma_wait3A_1714, %add3A_1605] : memref<8x21x262144xf32, #tpu.memory_space<hbm>> -> memref<1x1x2048xf32, #tpu.memory_space<hbm>>
      %dma_wait3A_1718 = tpu.memref_squeeze %dma_wait3A_1717 : memref<1x1x2048xf32, #tpu.memory_space<hbm>> -> memref<2048xf32, #tpu.memory_space<hbm>>
      %dma_wait3A_1719 = arith.constant 24576 : i32
      %dma_wait3A_1720 = tpu.memref_slice %arg5[%dma_wait3A_1719] : memref<86016xf32, #tpu.memory_space<vmem>> -> memref<2048xf32, #tpu.memory_space<vmem>>
      %dma_wait3A_1721 = tpu.memref_slice %arg2[%select_n3A, %dma_wait3A_1714, %add3A_1605] : memref<8x21x262144xf32, #tpu.memory_space<hbm>> -> memref<1x1x2048xf32, #tpu.memory_space<hbm>>
      %dma_wait3A_1722 = tpu.memref_squeeze %dma_wait3A_1721 : memref<1x1x2048xf32, #tpu.memory_space<hbm>> -> memref<2048xf32, #tpu.memory_space<hbm>>
      tpu.wait_dma2 semaphore(%arg8 : memref<!tpu.dma_semaphore, #tpu.memory_space<semaphore_mem>>) src(%dma_wait3A_1722 : memref<2048xf32, #tpu.memory_space<hbm>>) dst(%dma_wait3A_1720 : memref<2048xf32, #tpu.memory_space<vmem>>)
      %dma_wait3A_1723 = arith.constant 13 : i32
      %dma_wait3A_1724 = arith.constant 26624 : i32
      %dma_wait3A_1725 = tpu.memref_slice %arg5[%dma_wait3A_1724] : memref<86016xf32, #tpu.memory_space<vmem>> -> memref<2048xf32, #tpu.memory_space<vmem>>
      %dma_wait3A_1726 = tpu.memref_slice %arg2[%select_n3A, %dma_wait3A_1723, %add3A_1605] : memref<8x21x262144xf32, #tpu.memory_space<hbm>> -> memref<1x1x2048xf32, #tpu.memory_space<hbm>>
      %dma_wait3A_1727 = tpu.memref_squeeze %dma_wait3A_1726 : memref<1x1x2048xf32, #tpu.memory_space<hbm>> -> memref<2048xf32, #tpu.memory_space<hbm>>
      %dma_wait3A_1728 = arith.constant 26624 : i32
      %dma_wait3A_1729 = tpu.memref_slice %arg5[%dma_wait3A_1728] : memref<86016xf32, #tpu.memory_space<vmem>> -> memref<2048xf32, #tpu.memory_space<vmem>>
      %dma_wait3A_1730 = tpu.memref_slice %arg2[%select_n3A, %dma_wait3A_1723, %add3A_1605] : memref<8x21x262144xf32, #tpu.memory_space<hbm>> -> memref<1x1x2048xf32, #tpu.memory_space<hbm>>
      %dma_wait3A_1731 = tpu.memref_squeeze %dma_wait3A_1730 : memref<1x1x2048xf32, #tpu.memory_space<hbm>> -> memref<2048xf32, #tpu.memory_space<hbm>>
      tpu.wait_dma2 semaphore(%arg8 : memref<!tpu.dma_semaphore, #tpu.memory_space<semaphore_mem>>) src(%dma_wait3A_1731 : memref<2048xf32, #tpu.memory_space<hbm>>) dst(%dma_wait3A_1729 : memref<2048xf32, #tpu.memory_space<vmem>>)
      %dma_wait3A_1732 = arith.constant 14 : i32
      %dma_wait3A_1733 = arith.constant 28672 : i32
      %dma_wait3A_1734 = tpu.memref_slice %arg5[%dma_wait3A_1733] : memref<86016xf32, #tpu.memory_space<vmem>> -> memref<2048xf32, #tpu.memory_space<vmem>>
      %dma_wait3A_1735 = tpu.memref_slice %arg2[%select_n3A, %dma_wait3A_1732, %add3A_1605] : memref<8x21x262144xf32, #tpu.memory_space<hbm>> -> memref<1x1x2048xf32, #tpu.memory_space<hbm>>
      %dma_wait3A_1736 = tpu.memref_squeeze %dma_wait3A_1735 : memref<1x1x2048xf32, #tpu.memory_space<hbm>> -> memref<2048xf32, #tpu.memory_space<hbm>>
      %dma_wait3A_1737 = arith.constant 28672 : i32
      %dma_wait3A_1738 = tpu.memref_slice %arg5[%dma_wait3A_1737] : memref<86016xf32, #tpu.memory_space<vmem>> -> memref<2048xf32, #tpu.memory_space<vmem>>
      %dma_wait3A_1739 = tpu.memref_slice %arg2[%select_n3A, %dma_wait3A_1732, %add3A_1605] : memref<8x21x262144xf32, #tpu.memory_space<hbm>> -> memref<1x1x2048xf32, #tpu.memory_space<hbm>>
      %dma_wait3A_1740 = tpu.memref_squeeze %dma_wait3A_1739 : memref<1x1x2048xf32, #tpu.memory_space<hbm>> -> memref<2048xf32, #tpu.memory_space<hbm>>
      tpu.wait_dma2 semaphore(%arg8 : memref<!tpu.dma_semaphore, #tpu.memory_space<semaphore_mem>>) src(%dma_wait3A_1740 : memref<2048xf32, #tpu.memory_space<hbm>>) dst(%dma_wait3A_1738 : memref<2048xf32, #tpu.memory_space<vmem>>)
      %dma_wait3A_1741 = arith.constant 15 : i32
      %dma_wait3A_1742 = arith.constant 30720 : i32
      %dma_wait3A_1743 = tpu.memref_slice %arg5[%dma_wait3A_1742] : memref<86016xf32, #tpu.memory_space<vmem>> -> memref<2048xf32, #tpu.memory_space<vmem>>
      %dma_wait3A_1744 = tpu.memref_slice %arg2[%select_n3A, %dma_wait3A_1741, %add3A_1605] : memref<8x21x262144xf32, #tpu.memory_space<hbm>> -> memref<1x1x2048xf32, #tpu.memory_space<hbm>>
      %dma_wait3A_1745 = tpu.memref_squeeze %dma_wait3A_1744 : memref<1x1x2048xf32, #tpu.memory_space<hbm>> -> memref<2048xf32, #tpu.memory_space<hbm>>
      %dma_wait3A_1746 = arith.constant 30720 : i32
      %dma_wait3A_1747 = tpu.memref_slice %arg5[%dma_wait3A_1746] : memref<86016xf32, #tpu.memory_space<vmem>> -> memref<2048xf32, #tpu.memory_space<vmem>>
      %dma_wait3A_1748 = tpu.memref_slice %arg2[%select_n3A, %dma_wait3A_1741, %add3A_1605] : memref<8x21x262144xf32, #tpu.memory_space<hbm>> -> memref<1x1x2048xf32, #tpu.memory_space<hbm>>
      %dma_wait3A_1749 = tpu.memref_squeeze %dma_wait3A_1748 : memref<1x1x2048xf32, #tpu.memory_space<hbm>> -> memref<2048xf32, #tpu.memory_space<hbm>>
      tpu.wait_dma2 semaphore(%arg8 : memref<!tpu.dma_semaphore, #tpu.memory_space<semaphore_mem>>) src(%dma_wait3A_1749 : memref<2048xf32, #tpu.memory_space<hbm>>) dst(%dma_wait3A_1747 : memref<2048xf32, #tpu.memory_space<vmem>>)
      %dma_wait3A_1750 = arith.constant 16 : i32
      %dma_wait3A_1751 = arith.constant 32768 : i32
      %dma_wait3A_1752 = tpu.memref_slice %arg5[%dma_wait3A_1751] : memref<86016xf32, #tpu.memory_space<vmem>> -> memref<2048xf32, #tpu.memory_space<vmem>>
      %dma_wait3A_1753 = tpu.memref_slice %arg2[%select_n3A, %dma_wait3A_1750, %add3A_1605] : memref<8x21x262144xf32, #tpu.memory_space<hbm>> -> memref<1x1x2048xf32, #tpu.memory_space<hbm>>
      %dma_wait3A_1754 = tpu.memref_squeeze %dma_wait3A_1753 : memref<1x1x2048xf32, #tpu.memory_space<hbm>> -> memref<2048xf32, #tpu.memory_space<hbm>>
      %dma_wait3A_1755 = arith.constant 32768 : i32
      %dma_wait3A_1756 = tpu.memref_slice %arg5[%dma_wait3A_1755] : memref<86016xf32, #tpu.memory_space<vmem>> -> memref<2048xf32, #tpu.memory_space<vmem>>
      %dma_wait3A_1757 = tpu.memref_slice %arg2[%select_n3A, %dma_wait3A_1750, %add3A_1605] : memref<8x21x262144xf32, #tpu.memory_space<hbm>> -> memref<1x1x2048xf32, #tpu.memory_space<hbm>>
      %dma_wait3A_1758 = tpu.memref_squeeze %dma_wait3A_1757 : memref<1x1x2048xf32, #tpu.memory_space<hbm>> -> memref<2048xf32, #tpu.memory_space<hbm>>
      tpu.wait_dma2 semaphore(%arg8 : memref<!tpu.dma_semaphore, #tpu.memory_space<semaphore_mem>>) src(%dma_wait3A_1758 : memref<2048xf32, #tpu.memory_space<hbm>>) dst(%dma_wait3A_1756 : memref<2048xf32, #tpu.memory_space<vmem>>)
      %dma_wait3A_1759 = arith.constant 17 : i32
      %dma_wait3A_1760 = arith.constant 34816 : i32
      %dma_wait3A_1761 = tpu.memref_slice %arg5[%dma_wait3A_1760] : memref<86016xf32, #tpu.memory_space<vmem>> -> memref<2048xf32, #tpu.memory_space<vmem>>
      %dma_wait3A_1762 = tpu.memref_slice %arg2[%select_n3A, %dma_wait3A_1759, %add3A_1605] : memref<8x21x262144xf32, #tpu.memory_space<hbm>> -> memref<1x1x2048xf32, #tpu.memory_space<hbm>>
      %dma_wait3A_1763 = tpu.memref_squeeze %dma_wait3A_1762 : memref<1x1x2048xf32, #tpu.memory_space<hbm>> -> memref<2048xf32, #tpu.memory_space<hbm>>
      %dma_wait3A_1764 = arith.constant 34816 : i32
      %dma_wait3A_1765 = tpu.memref_slice %arg5[%dma_wait3A_1764] : memref<86016xf32, #tpu.memory_space<vmem>> -> memref<2048xf32, #tpu.memory_space<vmem>>
      %dma_wait3A_1766 = tpu.memref_slice %arg2[%select_n3A, %dma_wait3A_1759, %add3A_1605] : memref<8x21x262144xf32, #tpu.memory_space<hbm>> -> memref<1x1x2048xf32, #tpu.memory_space<hbm>>
      %dma_wait3A_1767 = tpu.memref_squeeze %dma_wait3A_1766 : memref<1x1x2048xf32, #tpu.memory_space<hbm>> -> memref<2048xf32, #tpu.memory_space<hbm>>
      tpu.wait_dma2 semaphore(%arg8 : memref<!tpu.dma_semaphore, #tpu.memory_space<semaphore_mem>>) src(%dma_wait3A_1767 : memref<2048xf32, #tpu.memory_space<hbm>>) dst(%dma_wait3A_1765 : memref<2048xf32, #tpu.memory_space<vmem>>)
      %dma_wait3A_1768 = arith.constant 18 : i32
      %dma_wait3A_1769 = arith.constant 36864 : i32
      %dma_wait3A_1770 = tpu.memref_slice %arg5[%dma_wait3A_1769] : memref<86016xf32, #tpu.memory_space<vmem>> -> memref<2048xf32, #tpu.memory_space<vmem>>
      %dma_wait3A_1771 = tpu.memref_slice %arg2[%select_n3A, %dma_wait3A_1768, %add3A_1605] : memref<8x21x262144xf32, #tpu.memory_space<hbm>> -> memref<1x1x2048xf32, #tpu.memory_space<hbm>>
      %dma_wait3A_1772 = tpu.memref_squeeze %dma_wait3A_1771 : memref<1x1x2048xf32, #tpu.memory_space<hbm>> -> memref<2048xf32, #tpu.memory_space<hbm>>
      %dma_wait3A_1773 = arith.constant 36864 : i32
      %dma_wait3A_1774 = tpu.memref_slice %arg5[%dma_wait3A_1773] : memref<86016xf32, #tpu.memory_space<vmem>> -> memref<2048xf32, #tpu.memory_space<vmem>>
      %dma_wait3A_1775 = tpu.memref_slice %arg2[%select_n3A, %dma_wait3A_1768, %add3A_1605] : memref<8x21x262144xf32, #tpu.memory_space<hbm>> -> memref<1x1x2048xf32, #tpu.memory_space<hbm>>
      %dma_wait3A_1776 = tpu.memref_squeeze %dma_wait3A_1775 : memref<1x1x2048xf32, #tpu.memory_space<hbm>> -> memref<2048xf32, #tpu.memory_space<hbm>>
      tpu.wait_dma2 semaphore(%arg8 : memref<!tpu.dma_semaphore, #tpu.memory_space<semaphore_mem>>) src(%dma_wait3A_1776 : memref<2048xf32, #tpu.memory_space<hbm>>) dst(%dma_wait3A_1774 : memref<2048xf32, #tpu.memory_space<vmem>>)
      %dma_wait3A_1777 = arith.constant 19 : i32
      %dma_wait3A_1778 = arith.constant 38912 : i32
      %dma_wait3A_1779 = tpu.memref_slice %arg5[%dma_wait3A_1778] : memref<86016xf32, #tpu.memory_space<vmem>> -> memref<2048xf32, #tpu.memory_space<vmem>>
      %dma_wait3A_1780 = tpu.memref_slice %arg2[%select_n3A, %dma_wait3A_1777, %add3A_1605] : memref<8x21x262144xf32, #tpu.memory_space<hbm>> -> memref<1x1x2048xf32, #tpu.memory_space<hbm>>
      %dma_wait3A_1781 = tpu.memref_squeeze %dma_wait3A_1780 : memref<1x1x2048xf32, #tpu.memory_space<hbm>> -> memref<2048xf32, #tpu.memory_space<hbm>>
      %dma_wait3A_1782 = arith.constant 38912 : i32
      %dma_wait3A_1783 = tpu.memref_slice %arg5[%dma_wait3A_1782] : memref<86016xf32, #tpu.memory_space<vmem>> -> memref<2048xf32, #tpu.memory_space<vmem>>
      %dma_wait3A_1784 = tpu.memref_slice %arg2[%select_n3A, %dma_wait3A_1777, %add3A_1605] : memref<8x21x262144xf32, #tpu.memory_space<hbm>> -> memref<1x1x2048xf32, #tpu.memory_space<hbm>>
      %dma_wait3A_1785 = tpu.memref_squeeze %dma_wait3A_1784 : memref<1x1x2048xf32, #tpu.memory_space<hbm>> -> memref<2048xf32, #tpu.memory_space<hbm>>
      tpu.wait_dma2 semaphore(%arg8 : memref<!tpu.dma_semaphore, #tpu.memory_space<semaphore_mem>>) src(%dma_wait3A_1785 : memref<2048xf32, #tpu.memory_space<hbm>>) dst(%dma_wait3A_1783 : memref<2048xf32, #tpu.memory_space<vmem>>)
      %dma_wait3A_1786 = arith.constant 20 : i32
      %dma_wait3A_1787 = arith.constant 40960 : i32
      %dma_wait3A_1788 = tpu.memref_slice %arg5[%dma_wait3A_1787] : memref<86016xf32, #tpu.memory_space<vmem>> -> memref<2048xf32, #tpu.memory_space<vmem>>
      %dma_wait3A_1789 = tpu.memref_slice %arg2[%select_n3A, %dma_wait3A_1786, %add3A_1605] : memref<8x21x262144xf32, #tpu.memory_space<hbm>> -> memref<1x1x2048xf32, #tpu.memory_space<hbm>>
      %dma_wait3A_1790 = tpu.memref_squeeze %dma_wait3A_1789 : memref<1x1x2048xf32, #tpu.memory_space<hbm>> -> memref<2048xf32, #tpu.memory_space<hbm>>
      %dma_wait3A_1791 = arith.constant 40960 : i32
      %dma_wait3A_1792 = tpu.memref_slice %arg5[%dma_wait3A_1791] : memref<86016xf32, #tpu.memory_space<vmem>> -> memref<2048xf32, #tpu.memory_space<vmem>>
      %dma_wait3A_1793 = tpu.memref_slice %arg2[%select_n3A, %dma_wait3A_1786, %add3A_1605] : memref<8x21x262144xf32, #tpu.memory_space<hbm>> -> memref<1x1x2048xf32, #tpu.memory_space<hbm>>
      %dma_wait3A_1794 = tpu.memref_squeeze %dma_wait3A_1793 : memref<1x1x2048xf32, #tpu.memory_space<hbm>> -> memref<2048xf32, #tpu.memory_space<hbm>>
      tpu.wait_dma2 semaphore(%arg8 : memref<!tpu.dma_semaphore, #tpu.memory_space<semaphore_mem>>) src(%dma_wait3A_1794 : memref<2048xf32, #tpu.memory_space<hbm>>) dst(%dma_wait3A_1792 : memref<2048xf32, #tpu.memory_space<vmem>>)
      %dma_wait3A_1795 = arith.constant 0 : i32
      %dma_wait3A_1796 = tpu.memref_slice %arg6[%dma_wait3A_1795] : memref<4096xi32, #tpu.memory_space<vmem>> -> memref<2048xi32, #tpu.memory_space<vmem>>
      %dma_wait3A_1797 = tpu.memref_slice %arg3[%select_n3A, %add3A_1605] : memref<8x262144xi32, #tpu.memory_space<hbm>> -> memref<1x2048xi32, #tpu.memory_space<hbm>>
      %dma_wait3A_1798 = tpu.memref_squeeze %dma_wait3A_1797 : memref<1x2048xi32, #tpu.memory_space<hbm>> -> memref<2048xi32, #tpu.memory_space<hbm>>
      %dma_wait3A_1799 = arith.constant 0 : i32
      %dma_wait3A_1800 = tpu.memref_slice %arg6[%dma_wait3A_1799] : memref<4096xi32, #tpu.memory_space<vmem>> -> memref<2048xi32, #tpu.memory_space<vmem>>
      %dma_wait3A_1801 = tpu.memref_slice %arg3[%select_n3A, %add3A_1605] : memref<8x262144xi32, #tpu.memory_space<hbm>> -> memref<1x2048xi32, #tpu.memory_space<hbm>>
      %dma_wait3A_1802 = tpu.memref_squeeze %dma_wait3A_1801 : memref<1x2048xi32, #tpu.memory_space<hbm>> -> memref<2048xi32, #tpu.memory_space<hbm>>
      tpu.wait_dma2 semaphore(%arg8 : memref<!tpu.dma_semaphore, #tpu.memory_space<semaphore_mem>>) src(%dma_wait3A_1802 : memref<2048xi32, #tpu.memory_space<hbm>>) dst(%dma_wait3A_1800 : memref<2048xi32, #tpu.memory_space<vmem>>)
      %scan3A_1803 = arith.constant 0 : i32
      %scan3A_1804 = arith.constant 128 : i32
      %scan3A_1805 = arith.addi %scan3A_1803, %scan3A_1804 : i32
      %scan3A_1806 = arith.constant 1 : i32
      scf.for %scan3A_2020 = %scan3A_1803 to %scan3A_1805 step %scan3A_1806  : i32 {
        %mul3A_2021 = arith.constant 16 : i32
        %mul3A_2022 = arith.muli %scan3A_2020, %mul3A_2021 : i32
        %add3A_2023 = arith.constant 0 : i32
        %add3A_2024 = arith.addi %add3A_2023, %mul3A_2022 : i32
        %get3A = arith.index_cast %add3A_2024 : i32 to index
        %get3A_2025 = tpu.vector_load %arg5[%get3A] {strides = array<i32>} : memref<86016xf32, #tpu.memory_space<vmem>>, vector<16xf32>,
        %exp3A = math.exp %get3A_2025 : vector<16xf32>
        %add3A_2026 = arith.constant 2048 : i32
        %add3A_2027 = arith.addi %add3A_2026, %mul3A_2022 : i32
        %get3A_2028 = arith.index_cast %add3A_2027 : i32 to index
        %get3A_2029 = tpu.vector_load %arg5[%get3A_2028] {strides = array<i32>} : memref<86016xf32, #tpu.memory_space<vmem>>, vector<16xf32>,
        %exp3A_2030 = math.exp %get3A_2029 : vector<16xf32>
        %add3A_2031 = arith.constant 4096 : i32
        %add3A_2032 = arith.addi %add3A_2031, %mul3A_2022 : i32
        %get3A_2033 = arith.index_cast %add3A_2032 : i32 to index
        %get3A_2034 = tpu.vector_load %arg5[%get3A_2033] {strides = array<i32>} : memref<86016xf32, #tpu.memory_space<vmem>>, vector<16xf32>,
        %exp3A_2035 = math.exp %get3A_2034 : vector<16xf32>
        %add3A_2036 = arith.constant 6144 : i32
        %add3A_2037 = arith.addi %add3A_2036, %mul3A_2022 : i32
        %get3A_2038 = arith.index_cast %add3A_2037 : i32 to index
        %get3A_2039 = tpu.vector_load %arg5[%get3A_2038] {strides = array<i32>} : memref<86016xf32, #tpu.memory_space<vmem>>, vector<16xf32>,
        %exp3A_2040 = math.exp %get3A_2039 : vector<16xf32>
        %add3A_2041 = arith.constant 8192 : i32
        %add3A_2042 = arith.addi %add3A_2041, %mul3A_2022 : i32
        %get3A_2043 = arith.index_cast %add3A_2042 : i32 to index
        %get3A_2044 = tpu.vector_load %arg5[%get3A_2043] {strides = array<i32>} : memref<86016xf32, #tpu.memory_space<vmem>>, vector<16xf32>,
        %exp3A_2045 = math.exp %get3A_2044 : vector<16xf32>
        %add3A_2046 = arith.constant 10240 : i32
        %add3A_2047 = arith.addi %add3A_2046, %mul3A_2022 : i32
        %get3A_2048 = arith.index_cast %add3A_2047 : i32 to index
        %get3A_2049 = tpu.vector_load %arg5[%get3A_2048] {strides = array<i32>} : memref<86016xf32, #tpu.memory_space<vmem>>, vector<16xf32>,
        %exp3A_2050 = math.exp %get3A_2049 : vector<16xf32>
        %add3A_2051 = arith.constant 12288 : i32
        %add3A_2052 = arith.addi %add3A_2051, %mul3A_2022 : i32
        %get3A_2053 = arith.index_cast %add3A_2052 : i32 to index
        %get3A_2054 = tpu.vector_load %arg5[%get3A_2053] {strides = array<i32>} : memref<86016xf32, #tpu.memory_space<vmem>>, vector<16xf32>,
        %exp3A_2055 = math.exp %get3A_2054 : vector<16xf32>
        %add3A_2056 = arith.constant 14336 : i32
        %add3A_2057 = arith.addi %add3A_2056, %mul3A_2022 : i32
        %get3A_2058 = arith.index_cast %add3A_2057 : i32 to index
        %get3A_2059 = tpu.vector_load %arg5[%get3A_2058] {strides = array<i32>} : memref<86016xf32, #tpu.memory_space<vmem>>, vector<16xf32>,
        %exp3A_2060 = math.exp %get3A_2059 : vector<16xf32>
        %add3A_2061 = arith.constant 16384 : i32
        %add3A_2062 = arith.addi %add3A_2061, %mul3A_2022 : i32
        %get3A_2063 = arith.index_cast %add3A_2062 : i32 to index
        %get3A_2064 = tpu.vector_load %arg5[%get3A_2063] {strides = array<i32>} : memref<86016xf32, #tpu.memory_space<vmem>>, vector<16xf32>,
        %exp3A_2065 = math.exp %get3A_2064 : vector<16xf32>
        %add3A_2066 = arith.constant 18432 : i32
        %add3A_2067 = arith.addi %add3A_2066, %mul3A_2022 : i32
        %get3A_2068 = arith.index_cast %add3A_2067 : i32 to index
        %get3A_2069 = tpu.vector_load %arg5[%get3A_2068] {strides = array<i32>} : memref<86016xf32, #tpu.memory_space<vmem>>, vector<16xf32>,
        %exp3A_2070 = math.exp %get3A_2069 : vector<16xf32>
        %add3A_2071 = arith.constant 20480 : i32
        %add3A_2072 = arith.addi %add3A_2071, %mul3A_2022 : i32
        %get3A_2073 = arith.index_cast %add3A_2072 : i32 to index
        %get3A_2074 = tpu.vector_load %arg5[%get3A_2073] {strides = array<i32>} : memref<86016xf32, #tpu.memory_space<vmem>>, vector<16xf32>,
        %exp3A_2075 = math.exp %get3A_2074 : vector<16xf32>
        %add3A_2076 = arith.constant 22528 : i32
        %add3A_2077 = arith.addi %add3A_2076, %mul3A_2022 : i32
        %get3A_2078 = arith.index_cast %add3A_2077 : i32 to index
        %get3A_2079 = tpu.vector_load %arg5[%get3A_2078] {strides = array<i32>} : memref<86016xf32, #tpu.memory_space<vmem>>, vector<16xf32>,
        %exp3A_2080 = math.exp %get3A_2079 : vector<16xf32>
        %add3A_2081 = arith.constant 24576 : i32
        %add3A_2082 = arith.addi %add3A_2081, %mul3A_2022 : i32
        %get3A_2083 = arith.index_cast %add3A_2082 : i32 to index
        %get3A_2084 = tpu.vector_load %arg5[%get3A_2083] {strides = array<i32>} : memref<86016xf32, #tpu.memory_space<vmem>>, vector<16xf32>,
        %exp3A_2085 = math.exp %get3A_2084 : vector<16xf32>
        %add3A_2086 = arith.constant 26624 : i32
        %add3A_2087 = arith.addi %add3A_2086, %mul3A_2022 : i32
        %get3A_2088 = arith.index_cast %add3A_2087 : i32 to index
        %get3A_2089 = tpu.vector_load %arg5[%get3A_2088] {strides = array<i32>} : memref<86016xf32, #tpu.memory_space<vmem>>, vector<16xf32>,
        %exp3A_2090 = math.exp %get3A_2089 : vector<16xf32>
        %add3A_2091 = arith.constant 28672 : i32
        %add3A_2092 = arith.addi %add3A_2091, %mul3A_2022 : i32
        %get3A_2093 = arith.index_cast %add3A_2092 : i32 to index
        %get3A_2094 = tpu.vector_load %arg5[%get3A_2093] {strides = array<i32>} : memref<86016xf32, #tpu.memory_space<vmem>>, vector<16xf32>,
        %exp3A_2095 = math.exp %get3A_2094 : vector<16xf32>
        %add3A_2096 = arith.constant 30720 : i32
        %add3A_2097 = arith.addi %add3A_2096, %mul3A_2022 : i32
        %get3A_2098 = arith.index_cast %add3A_2097 : i32 to index
        %get3A_2099 = tpu.vector_load %arg5[%get3A_2098] {strides = array<i32>} : memref<86016xf32, #tpu.memory_space<vmem>>, vector<16xf32>,
        %exp3A_2100 = math.exp %get3A_2099 : vector<16xf32>
        %add3A_2101 = arith.constant 32768 : i32
        %add3A_2102 = arith.addi %add3A_2101, %mul3A_2022 : i32
        %get3A_2103 = arith.index_cast %add3A_2102 : i32 to index
        %get3A_2104 = tpu.vector_load %arg5[%get3A_2103] {strides = array<i32>} : memref<86016xf32, #tpu.memory_space<vmem>>, vector<16xf32>,
        %exp3A_2105 = math.exp %get3A_2104 : vector<16xf32>
        %add3A_2106 = arith.constant 34816 : i32
        %add3A_2107 = arith.addi %add3A_2106, %mul3A_2022 : i32
        %get3A_2108 = arith.index_cast %add3A_2107 : i32 to index
        %get3A_2109 = tpu.vector_load %arg5[%get3A_2108] {strides = array<i32>} : memref<86016xf32, #tpu.memory_space<vmem>>, vector<16xf32>,
        %exp3A_2110 = math.exp %get3A_2109 : vector<16xf32>
        %add3A_2111 = arith.constant 36864 : i32
        %add3A_2112 = arith.addi %add3A_2111, %mul3A_2022 : i32
        %get3A_2113 = arith.index_cast %add3A_2112 : i32 to index
        %get3A_2114 = tpu.vector_load %arg5[%get3A_2113] {strides = array<i32>} : memref<86016xf32, #tpu.memory_space<vmem>>, vector<16xf32>,
        %exp3A_2115 = math.exp %get3A_2114 : vector<16xf32>
        %add3A_2116 = arith.constant 38912 : i32
        %add3A_2117 = arith.addi %add3A_2116, %mul3A_2022 : i32
        %get3A_2118 = arith.index_cast %add3A_2117 : i32 to index
        %get3A_2119 = tpu.vector_load %arg5[%get3A_2118] {strides = array<i32>} : memref<86016xf32, #tpu.memory_space<vmem>>, vector<16xf32>,
        %exp3A_2120 = math.exp %get3A_2119 : vector<16xf32>
        %add3A_2121 = arith.constant 40960 : i32
        %add3A_2122 = arith.addi %add3A_2121, %mul3A_2022 : i32
        %get3A_2123 = arith.index_cast %add3A_2122 : i32 to index
        %get3A_2124 = tpu.vector_load %arg5[%get3A_2123] {strides = array<i32>} : memref<86016xf32, #tpu.memory_space<vmem>>, vector<16xf32>,
        %exp3A_2125 = math.exp %get3A_2124 : vector<16xf32>
        %add3A_2126 = arith.addf %exp3A, %exp3A_2030 : vector<16xf32>
        %add3A_2127 = arith.addf %exp3A_2035, %exp3A_2040 : vector<16xf32>
        %add3A_2128 = arith.addf %exp3A_2045, %exp3A_2050 : vector<16xf32>
        %add3A_2129 = arith.addf %exp3A_2055, %exp3A_2060 : vector<16xf32>
        %add3A_2130 = arith.addf %exp3A_2065, %exp3A_2070 : vector<16xf32>
        %add3A_2131 = arith.addf %exp3A_2075, %exp3A_2080 : vector<16xf32>
        %add3A_2132 = arith.addf %exp3A_2085, %exp3A_2090 : vector<16xf32>
        %add3A_2133 = arith.addf %exp3A_2095, %exp3A_2100 : vector<16xf32>
        %add3A_2134 = arith.addf %exp3A_2105, %exp3A_2110 : vector<16xf32>
        %add3A_2135 = arith.addf %exp3A_2115, %exp3A_2120 : vector<16xf32>
        %add3A_2136 = arith.addf %add3A_2126, %add3A_2127 : vector<16xf32>
        %add3A_2137 = arith.addf %add3A_2128, %add3A_2129 : vector<16xf32>
        %add3A_2138 = arith.addf %add3A_2130, %add3A_2131 : vector<16xf32>
        %add3A_2139 = arith.addf %add3A_2132, %add3A_2133 : vector<16xf32>
        %add3A_2140 = arith.addf %add3A_2134, %add3A_2135 : vector<16xf32>
        %add3A_2141 = arith.addf %add3A_2136, %add3A_2137 : vector<16xf32>
        %add3A_2142 = arith.addf %add3A_2138, %add3A_2139 : vector<16xf32>
        %add3A_2143 = arith.addf %add3A_2140, %exp3A_2125 : vector<16xf32>
        %add3A_2144 = arith.addf %add3A_2141, %add3A_2142 : vector<16xf32>
        %add3A_2145 = arith.addf %add3A_2144, %add3A_2143 : vector<16xf32>
        %div3A_2146 = vector.broadcast %scan3A_241 : f32 to vector<16xf32>
        %div3A_2147 = arith.divf %div3A_2146, %add3A_2145 : vector<16xf32>
        %add3A_2148 = arith.constant 0 : i32
        %add3A_2149 = arith.addi %add3A_2148, %mul3A_2022 : i32
        %get3A_2150 = arith.index_cast %add3A_2149 : i32 to index
        %get3A_2151 = tpu.vector_load %arg6[%get3A_2150] {strides = array<i32>} : memref<4096xi32, #tpu.memory_space<vmem>>, vector<16xi32>,
        %mul3A_2152 = arith.mulf %exp3A, %div3A_2147 : vector<16xf32>
        %min3A = vector.broadcast %sub3A_38 : f32 to vector<16xf32>
        %min3A_2153 = arith.minimumf %mul3A_2152, %min3A : vector<16xf32>
        %convert_element_type3A_2154 = arith.fptosi %min3A_2153 : vector<16xf32> to vector<16xi32>
        %add3A_2155 = arith.constant 0 : i32
        %add3A_2156 = vector.broadcast %add3A_2155 : i32 to vector<16xi32>
        %add3A_2157 = arith.addi %convert_element_type3A_2154, %add3A_2156 : vector<16xi32>
        tpu.vector_store_idx %arg7[%add3A_2157], %broadcast_in_dim3A_35 {add = true} : memref<24576xf32, #tpu.memory_space<vmem>>[vector<16xi32>], vector<16xf32>,
        %eq3A_2158 = arith.constant 0 : i32
        %eq3A_2159 = vector.broadcast %eq3A_2158 : i32 to vector<16xi32>
        %eq3A_2160 = arith.cmpi eq, %get3A_2151, %eq3A_2159 : vector<16xi32>
        %broadcast_in_dim3A_2161 = arith.constant 12799 : i32
        %broadcast_in_dim3A_2162 = vector.broadcast %broadcast_in_dim3A_2161 : i32 to vector<16xi32>
        %sub3A_2163 = arith.subi %broadcast_in_dim3A_2162, %convert_element_type3A_2154 : vector<16xi32>
        tpu.vector_store_idx %arg7[%sub3A_2163], %broadcast_in_dim3A_35 masked %eq3A_2160 {add = true} : memref<24576xf32, #tpu.memory_space<vmem>>[vector<16xi32>], vector<16xf32>, vector<16xi1>
        %mul3A_2164 = arith.mulf %exp3A_2030, %div3A_2147 : vector<16xf32>
        %min3A_2165 = vector.broadcast %sub3A_38 : f32 to vector<16xf32>
        %min3A_2166 = arith.minimumf %mul3A_2164, %min3A_2165 : vector<16xf32>
        %convert_element_type3A_2167 = arith.fptosi %min3A_2166 : vector<16xf32> to vector<16xi32>
        %add3A_2168 = arith.constant 512 : i32
        %add3A_2169 = vector.broadcast %add3A_2168 : i32 to vector<16xi32>
        %add3A_2170 = arith.addi %convert_element_type3A_2167, %add3A_2169 : vector<16xi32>
        tpu.vector_store_idx %arg7[%add3A_2170], %broadcast_in_dim3A_35 {add = true} : memref<24576xf32, #tpu.memory_space<vmem>>[vector<16xi32>], vector<16xf32>,
        %eq3A_2171 = arith.constant 1 : i32
        %eq3A_2172 = vector.broadcast %eq3A_2171 : i32 to vector<16xi32>
        %eq3A_2173 = arith.cmpi eq, %get3A_2151, %eq3A_2172 : vector<16xi32>
        %broadcast_in_dim3A_2174 = arith.constant 13311 : i32
        %broadcast_in_dim3A_2175 = vector.broadcast %broadcast_in_dim3A_2174 : i32 to vector<16xi32>
        %sub3A_2176 = arith.subi %broadcast_in_dim3A_2175, %convert_element_type3A_2167 : vector<16xi32>
        tpu.vector_store_idx %arg7[%sub3A_2176], %broadcast_in_dim3A_35 masked %eq3A_2173 {add = true} : memref<24576xf32, #tpu.memory_space<vmem>>[vector<16xi32>], vector<16xf32>, vector<16xi1>
        %mul3A_2177 = arith.mulf %exp3A_2035, %div3A_2147 : vector<16xf32>
        %min3A_2178 = vector.broadcast %sub3A_38 : f32 to vector<16xf32>
        %min3A_2179 = arith.minimumf %mul3A_2177, %min3A_2178 : vector<16xf32>
        %convert_element_type3A_2180 = arith.fptosi %min3A_2179 : vector<16xf32> to vector<16xi32>
        %add3A_2181 = arith.constant 1024 : i32
        %add3A_2182 = vector.broadcast %add3A_2181 : i32 to vector<16xi32>
        %add3A_2183 = arith.addi %convert_element_type3A_2180, %add3A_2182 : vector<16xi32>
        tpu.vector_store_idx %arg7[%add3A_2183], %broadcast_in_dim3A_35 {add = true} : memref<24576xf32, #tpu.memory_space<vmem>>[vector<16xi32>], vector<16xf32>,
        %eq3A_2184 = arith.constant 2 : i32
        %eq3A_2185 = vector.broadcast %eq3A_2184 : i32 to vector<16xi32>
        %eq3A_2186 = arith.cmpi eq, %get3A_2151, %eq3A_2185 : vector<16xi32>
        %broadcast_in_dim3A_2187 = arith.constant 13823 : i32
        %broadcast_in_dim3A_2188 = vector.broadcast %broadcast_in_dim3A_2187 : i32 to vector<16xi32>
        %sub3A_2189 = arith.subi %broadcast_in_dim3A_2188, %convert_element_type3A_2180 : vector<16xi32>
        tpu.vector_store_idx %arg7[%sub3A_2189], %broadcast_in_dim3A_35 masked %eq3A_2186 {add = true} : memref<24576xf32, #tpu.memory_space<vmem>>[vector<16xi32>], vector<16xf32>, vector<16xi1>
        %mul3A_2190 = arith.mulf %exp3A_2040, %div3A_2147 : vector<16xf32>
        %min3A_2191 = vector.broadcast %sub3A_38 : f32 to vector<16xf32>
        %min3A_2192 = arith.minimumf %mul3A_2190, %min3A_2191 : vector<16xf32>
        %convert_element_type3A_2193 = arith.fptosi %min3A_2192 : vector<16xf32> to vector<16xi32>
        %add3A_2194 = arith.constant 1536 : i32
        %add3A_2195 = vector.broadcast %add3A_2194 : i32 to vector<16xi32>
        %add3A_2196 = arith.addi %convert_element_type3A_2193, %add3A_2195 : vector<16xi32>
        tpu.vector_store_idx %arg7[%add3A_2196], %broadcast_in_dim3A_35 {add = true} : memref<24576xf32, #tpu.memory_space<vmem>>[vector<16xi32>], vector<16xf32>,
        %eq3A_2197 = arith.constant 3 : i32
        %eq3A_2198 = vector.broadcast %eq3A_2197 : i32 to vector<16xi32>
        %eq3A_2199 = arith.cmpi eq, %get3A_2151, %eq3A_2198 : vector<16xi32>
        %broadcast_in_dim3A_2200 = arith.constant 14335 : i32
        %broadcast_in_dim3A_2201 = vector.broadcast %broadcast_in_dim3A_2200 : i32 to vector<16xi32>
        %sub3A_2202 = arith.subi %broadcast_in_dim3A_2201, %convert_element_type3A_2193 : vector<16xi32>
        tpu.vector_store_idx %arg7[%sub3A_2202], %broadcast_in_dim3A_35 masked %eq3A_2199 {add = true} : memref<24576xf32, #tpu.memory_space<vmem>>[vector<16xi32>], vector<16xf32>, vector<16xi1>
        %mul3A_2203 = arith.mulf %exp3A_2045, %div3A_2147 : vector<16xf32>
        %min3A_2204 = vector.broadcast %sub3A_38 : f32 to vector<16xf32>
        %min3A_2205 = arith.minimumf %mul3A_2203, %min3A_2204 : vector<16xf32>
        %convert_element_type3A_2206 = arith.fptosi %min3A_2205 : vector<16xf32> to vector<16xi32>
        %add3A_2207 = arith.constant 2048 : i32
        %add3A_2208 = vector.broadcast %add3A_2207 : i32 to vector<16xi32>
        %add3A_2209 = arith.addi %convert_element_type3A_2206, %add3A_2208 : vector<16xi32>
        tpu.vector_store_idx %arg7[%add3A_2209], %broadcast_in_dim3A_35 {add = true} : memref<24576xf32, #tpu.memory_space<vmem>>[vector<16xi32>], vector<16xf32>,
        %eq3A_2210 = arith.constant 4 : i32
        %eq3A_2211 = vector.broadcast %eq3A_2210 : i32 to vector<16xi32>
        %eq3A_2212 = arith.cmpi eq, %get3A_2151, %eq3A_2211 : vector<16xi32>
        %broadcast_in_dim3A_2213 = arith.constant 14847 : i32
        %broadcast_in_dim3A_2214 = vector.broadcast %broadcast_in_dim3A_2213 : i32 to vector<16xi32>
        %sub3A_2215 = arith.subi %broadcast_in_dim3A_2214, %convert_element_type3A_2206 : vector<16xi32>
        tpu.vector_store_idx %arg7[%sub3A_2215], %broadcast_in_dim3A_35 masked %eq3A_2212 {add = true} : memref<24576xf32, #tpu.memory_space<vmem>>[vector<16xi32>], vector<16xf32>, vector<16xi1>
        %mul3A_2216 = arith.mulf %exp3A_2050, %div3A_2147 : vector<16xf32>
        %min3A_2217 = vector.broadcast %sub3A_38 : f32 to vector<16xf32>
        %min3A_2218 = arith.minimumf %mul3A_2216, %min3A_2217 : vector<16xf32>
        %convert_element_type3A_2219 = arith.fptosi %min3A_2218 : vector<16xf32> to vector<16xi32>
        %add3A_2220 = arith.constant 2560 : i32
        %add3A_2221 = vector.broadcast %add3A_2220 : i32 to vector<16xi32>
        %add3A_2222 = arith.addi %convert_element_type3A_2219, %add3A_2221 : vector<16xi32>
        tpu.vector_store_idx %arg7[%add3A_2222], %broadcast_in_dim3A_35 {add = true} : memref<24576xf32, #tpu.memory_space<vmem>>[vector<16xi32>], vector<16xf32>,
        %eq3A_2223 = arith.constant 5 : i32
        %eq3A_2224 = vector.broadcast %eq3A_2223 : i32 to vector<16xi32>
        %eq3A_2225 = arith.cmpi eq, %get3A_2151, %eq3A_2224 : vector<16xi32>
        %broadcast_in_dim3A_2226 = arith.constant 15359 : i32
        %broadcast_in_dim3A_2227 = vector.broadcast %broadcast_in_dim3A_2226 : i32 to vector<16xi32>
        %sub3A_2228 = arith.subi %broadcast_in_dim3A_2227, %convert_element_type3A_2219 : vector<16xi32>
        tpu.vector_store_idx %arg7[%sub3A_2228], %broadcast_in_dim3A_35 masked %eq3A_2225 {add = true} : memref<24576xf32, #tpu.memory_space<vmem>>[vector<16xi32>], vector<16xf32>, vector<16xi1>
        %mul3A_2229 = arith.mulf %exp3A_2055, %div3A_2147 : vector<16xf32>
        %min3A_2230 = vector.broadcast %sub3A_38 : f32 to vector<16xf32>
        %min3A_2231 = arith.minimumf %mul3A_2229, %min3A_2230 : vector<16xf32>
        %convert_element_type3A_2232 = arith.fptosi %min3A_2231 : vector<16xf32> to vector<16xi32>
        %add3A_2233 = arith.constant 3072 : i32
        %add3A_2234 = vector.broadcast %add3A_2233 : i32 to vector<16xi32>
        %add3A_2235 = arith.addi %convert_element_type3A_2232, %add3A_2234 : vector<16xi32>
        tpu.vector_store_idx %arg7[%add3A_2235], %broadcast_in_dim3A_35 {add = true} : memref<24576xf32, #tpu.memory_space<vmem>>[vector<16xi32>], vector<16xf32>,
        %eq3A_2236 = arith.constant 6 : i32
        %eq3A_2237 = vector.broadcast %eq3A_2236 : i32 to vector<16xi32>
        %eq3A_2238 = arith.cmpi eq, %get3A_2151, %eq3A_2237 : vector<16xi32>
        %broadcast_in_dim3A_2239 = arith.constant 15871 : i32
        %broadcast_in_dim3A_2240 = vector.broadcast %broadcast_in_dim3A_2239 : i32 to vector<16xi32>
        %sub3A_2241 = arith.subi %broadcast_in_dim3A_2240, %convert_element_type3A_2232 : vector<16xi32>
        tpu.vector_store_idx %arg7[%sub3A_2241], %broadcast_in_dim3A_35 masked %eq3A_2238 {add = true} : memref<24576xf32, #tpu.memory_space<vmem>>[vector<16xi32>], vector<16xf32>, vector<16xi1>
        %mul3A_2242 = arith.mulf %exp3A_2060, %div3A_2147 : vector<16xf32>
        %min3A_2243 = vector.broadcast %sub3A_38 : f32 to vector<16xf32>
        %min3A_2244 = arith.minimumf %mul3A_2242, %min3A_2243 : vector<16xf32>
        %convert_element_type3A_2245 = arith.fptosi %min3A_2244 : vector<16xf32> to vector<16xi32>
        %add3A_2246 = arith.constant 3584 : i32
        %add3A_2247 = vector.broadcast %add3A_2246 : i32 to vector<16xi32>
        %add3A_2248 = arith.addi %convert_element_type3A_2245, %add3A_2247 : vector<16xi32>
        tpu.vector_store_idx %arg7[%add3A_2248], %broadcast_in_dim3A_35 {add = true} : memref<24576xf32, #tpu.memory_space<vmem>>[vector<16xi32>], vector<16xf32>,
        %eq3A_2249 = arith.constant 7 : i32
        %eq3A_2250 = vector.broadcast %eq3A_2249 : i32 to vector<16xi32>
        %eq3A_2251 = arith.cmpi eq, %get3A_2151, %eq3A_2250 : vector<16xi32>
        %broadcast_in_dim3A_2252 = arith.constant 16383 : i32
        %broadcast_in_dim3A_2253 = vector.broadcast %broadcast_in_dim3A_2252 : i32 to vector<16xi32>
        %sub3A_2254 = arith.subi %broadcast_in_dim3A_2253, %convert_element_type3A_2245 : vector<16xi32>
        tpu.vector_store_idx %arg7[%sub3A_2254], %broadcast_in_dim3A_35 masked %eq3A_2251 {add = true} : memref<24576xf32, #tpu.memory_space<vmem>>[vector<16xi32>], vector<16xf32>, vector<16xi1>
        %mul3A_2255 = arith.mulf %exp3A_2065, %div3A_2147 : vector<16xf32>
        %min3A_2256 = vector.broadcast %sub3A_38 : f32 to vector<16xf32>
        %min3A_2257 = arith.minimumf %mul3A_2255, %min3A_2256 : vector<16xf32>
        %convert_element_type3A_2258 = arith.fptosi %min3A_2257 : vector<16xf32> to vector<16xi32>
        %add3A_2259 = arith.constant 4096 : i32
        %add3A_2260 = vector.broadcast %add3A_2259 : i32 to vector<16xi32>
        %add3A_2261 = arith.addi %convert_element_type3A_2258, %add3A_2260 : vector<16xi32>
        tpu.vector_store_idx %arg7[%add3A_2261], %broadcast_in_dim3A_35 {add = true} : memref<24576xf32, #tpu.memory_space<vmem>>[vector<16xi32>], vector<16xf32>,
        %eq3A_2262 = arith.constant 8 : i32
        %eq3A_2263 = vector.broadcast %eq3A_2262 : i32 to vector<16xi32>
        %eq3A_2264 = arith.cmpi eq, %get3A_2151, %eq3A_2263 : vector<16xi32>
        %broadcast_in_dim3A_2265 = arith.constant 16895 : i32
        %broadcast_in_dim3A_2266 = vector.broadcast %broadcast_in_dim3A_2265 : i32 to vector<16xi32>
        %sub3A_2267 = arith.subi %broadcast_in_dim3A_2266, %convert_element_type3A_2258 : vector<16xi32>
        tpu.vector_store_idx %arg7[%sub3A_2267], %broadcast_in_dim3A_35 masked %eq3A_2264 {add = true} : memref<24576xf32, #tpu.memory_space<vmem>>[vector<16xi32>], vector<16xf32>, vector<16xi1>
        %mul3A_2268 = arith.mulf %exp3A_2070, %div3A_2147 : vector<16xf32>
        %min3A_2269 = vector.broadcast %sub3A_38 : f32 to vector<16xf32>
        %min3A_2270 = arith.minimumf %mul3A_2268, %min3A_2269 : vector<16xf32>
        %convert_element_type3A_2271 = arith.fptosi %min3A_2270 : vector<16xf32> to vector<16xi32>
        %add3A_2272 = arith.constant 4608 : i32
        %add3A_2273 = vector.broadcast %add3A_2272 : i32 to vector<16xi32>
        %add3A_2274 = arith.addi %convert_element_type3A_2271, %add3A_2273 : vector<16xi32>
        tpu.vector_store_idx %arg7[%add3A_2274], %broadcast_in_dim3A_35 {add = true} : memref<24576xf32, #tpu.memory_space<vmem>>[vector<16xi32>], vector<16xf32>,
        %eq3A_2275 = arith.constant 9 : i32
        %eq3A_2276 = vector.broadcast %eq3A_2275 : i32 to vector<16xi32>
        %eq3A_2277 = arith.cmpi eq, %get3A_2151, %eq3A_2276 : vector<16xi32>
        %broadcast_in_dim3A_2278 = arith.constant 17407 : i32
        %broadcast_in_dim3A_2279 = vector.broadcast %broadcast_in_dim3A_2278 : i32 to vector<16xi32>
        %sub3A_2280 = arith.subi %broadcast_in_dim3A_2279, %convert_element_type3A_2271 : vector<16xi32>
        tpu.vector_store_idx %arg7[%sub3A_2280], %broadcast_in_dim3A_35 masked %eq3A_2277 {add = true} : memref<24576xf32, #tpu.memory_space<vmem>>[vector<16xi32>], vector<16xf32>, vector<16xi1>
        %mul3A_2281 = arith.mulf %exp3A_2075, %div3A_2147 : vector<16xf32>
        %min3A_2282 = vector.broadcast %sub3A_38 : f32 to vector<16xf32>
        %min3A_2283 = arith.minimumf %mul3A_2281, %min3A_2282 : vector<16xf32>
        %convert_element_type3A_2284 = arith.fptosi %min3A_2283 : vector<16xf32> to vector<16xi32>
        %add3A_2285 = arith.constant 5120 : i32
        %add3A_2286 = vector.broadcast %add3A_2285 : i32 to vector<16xi32>
        %add3A_2287 = arith.addi %convert_element_type3A_2284, %add3A_2286 : vector<16xi32>
        tpu.vector_store_idx %arg7[%add3A_2287], %broadcast_in_dim3A_35 {add = true} : memref<24576xf32, #tpu.memory_space<vmem>>[vector<16xi32>], vector<16xf32>,
        %eq3A_2288 = arith.constant 10 : i32
        %eq3A_2289 = vector.broadcast %eq3A_2288 : i32 to vector<16xi32>
        %eq3A_2290 = arith.cmpi eq, %get3A_2151, %eq3A_2289 : vector<16xi32>
        %broadcast_in_dim3A_2291 = arith.constant 17919 : i32
        %broadcast_in_dim3A_2292 = vector.broadcast %broadcast_in_dim3A_2291 : i32 to vector<16xi32>
        %sub3A_2293 = arith.subi %broadcast_in_dim3A_2292, %convert_element_type3A_2284 : vector<16xi32>
        tpu.vector_store_idx %arg7[%sub3A_2293], %broadcast_in_dim3A_35 masked %eq3A_2290 {add = true} : memref<24576xf32, #tpu.memory_space<vmem>>[vector<16xi32>], vector<16xf32>, vector<16xi1>
        %mul3A_2294 = arith.mulf %exp3A_2080, %div3A_2147 : vector<16xf32>
        %min3A_2295 = vector.broadcast %sub3A_38 : f32 to vector<16xf32>
        %min3A_2296 = arith.minimumf %mul3A_2294, %min3A_2295 : vector<16xf32>
        %convert_element_type3A_2297 = arith.fptosi %min3A_2296 : vector<16xf32> to vector<16xi32>
        %add3A_2298 = arith.constant 5632 : i32
        %add3A_2299 = vector.broadcast %add3A_2298 : i32 to vector<16xi32>
        %add3A_2300 = arith.addi %convert_element_type3A_2297, %add3A_2299 : vector<16xi32>
        tpu.vector_store_idx %arg7[%add3A_2300], %broadcast_in_dim3A_35 {add = true} : memref<24576xf32, #tpu.memory_space<vmem>>[vector<16xi32>], vector<16xf32>,
        %eq3A_2301 = arith.constant 11 : i32
        %eq3A_2302 = vector.broadcast %eq3A_2301 : i32 to vector<16xi32>
        %eq3A_2303 = arith.cmpi eq, %get3A_2151, %eq3A_2302 : vector<16xi32>
        %broadcast_in_dim3A_2304 = arith.constant 18431 : i32
        %broadcast_in_dim3A_2305 = vector.broadcast %broadcast_in_dim3A_2304 : i32 to vector<16xi32>
        %sub3A_2306 = arith.subi %broadcast_in_dim3A_2305, %convert_element_type3A_2297 : vector<16xi32>
        tpu.vector_store_idx %arg7[%sub3A_2306], %broadcast_in_dim3A_35 masked %eq3A_2303 {add = true} : memref<24576xf32, #tpu.memory_space<vmem>>[vector<16xi32>], vector<16xf32>, vector<16xi1>
        %mul3A_2307 = arith.mulf %exp3A_2085, %div3A_2147 : vector<16xf32>
        %min3A_2308 = vector.broadcast %sub3A_38 : f32 to vector<16xf32>
        %min3A_2309 = arith.minimumf %mul3A_2307, %min3A_2308 : vector<16xf32>
        %convert_element_type3A_2310 = arith.fptosi %min3A_2309 : vector<16xf32> to vector<16xi32>
        %add3A_2311 = arith.constant 6144 : i32
        %add3A_2312 = vector.broadcast %add3A_2311 : i32 to vector<16xi32>
        %add3A_2313 = arith.addi %convert_element_type3A_2310, %add3A_2312 : vector<16xi32>
        tpu.vector_store_idx %arg7[%add3A_2313], %broadcast_in_dim3A_35 {add = true} : memref<24576xf32, #tpu.memory_space<vmem>>[vector<16xi32>], vector<16xf32>,
        %eq3A_2314 = arith.constant 12 : i32
        %eq3A_2315 = vector.broadcast %eq3A_2314 : i32 to vector<16xi32>
        %eq3A_2316 = arith.cmpi eq, %get3A_2151, %eq3A_2315 : vector<16xi32>
        %broadcast_in_dim3A_2317 = arith.constant 18943 : i32
        %broadcast_in_dim3A_2318 = vector.broadcast %broadcast_in_dim3A_2317 : i32 to vector<16xi32>
        %sub3A_2319 = arith.subi %broadcast_in_dim3A_2318, %convert_element_type3A_2310 : vector<16xi32>
        tpu.vector_store_idx %arg7[%sub3A_2319], %broadcast_in_dim3A_35 masked %eq3A_2316 {add = true} : memref<24576xf32, #tpu.memory_space<vmem>>[vector<16xi32>], vector<16xf32>, vector<16xi1>
        %mul3A_2320 = arith.mulf %exp3A_2090, %div3A_2147 : vector<16xf32>
        %min3A_2321 = vector.broadcast %sub3A_38 : f32 to vector<16xf32>
        %min3A_2322 = arith.minimumf %mul3A_2320, %min3A_2321 : vector<16xf32>
        %convert_element_type3A_2323 = arith.fptosi %min3A_2322 : vector<16xf32> to vector<16xi32>
        %add3A_2324 = arith.constant 6656 : i32
        %add3A_2325 = vector.broadcast %add3A_2324 : i32 to vector<16xi32>
        %add3A_2326 = arith.addi %convert_element_type3A_2323, %add3A_2325 : vector<16xi32>
        tpu.vector_store_idx %arg7[%add3A_2326], %broadcast_in_dim3A_35 {add = true} : memref<24576xf32, #tpu.memory_space<vmem>>[vector<16xi32>], vector<16xf32>,
        %eq3A_2327 = arith.constant 13 : i32
        %eq3A_2328 = vector.broadcast %eq3A_2327 : i32 to vector<16xi32>
        %eq3A_2329 = arith.cmpi eq, %get3A_2151, %eq3A_2328 : vector<16xi32>
        %broadcast_in_dim3A_2330 = arith.constant 19455 : i32
        %broadcast_in_dim3A_2331 = vector.broadcast %broadcast_in_dim3A_2330 : i32 to vector<16xi32>
        %sub3A_2332 = arith.subi %broadcast_in_dim3A_2331, %convert_element_type3A_2323 : vector<16xi32>
        tpu.vector_store_idx %arg7[%sub3A_2332], %broadcast_in_dim3A_35 masked %eq3A_2329 {add = true} : memref<24576xf32, #tpu.memory_space<vmem>>[vector<16xi32>], vector<16xf32>, vector<16xi1>
        %mul3A_2333 = arith.mulf %exp3A_2095, %div3A_2147 : vector<16xf32>
        %min3A_2334 = vector.broadcast %sub3A_38 : f32 to vector<16xf32>
        %min3A_2335 = arith.minimumf %mul3A_2333, %min3A_2334 : vector<16xf32>
        %convert_element_type3A_2336 = arith.fptosi %min3A_2335 : vector<16xf32> to vector<16xi32>
        %add3A_2337 = arith.constant 7168 : i32
        %add3A_2338 = vector.broadcast %add3A_2337 : i32 to vector<16xi32>
        %add3A_2339 = arith.addi %convert_element_type3A_2336, %add3A_2338 : vector<16xi32>
        tpu.vector_store_idx %arg7[%add3A_2339], %broadcast_in_dim3A_35 {add = true} : memref<24576xf32, #tpu.memory_space<vmem>>[vector<16xi32>], vector<16xf32>,
        %eq3A_2340 = arith.constant 14 : i32
        %eq3A_2341 = vector.broadcast %eq3A_2340 : i32 to vector<16xi32>
        %eq3A_2342 = arith.cmpi eq, %get3A_2151, %eq3A_2341 : vector<16xi32>
        %broadcast_in_dim3A_2343 = arith.constant 19967 : i32
        %broadcast_in_dim3A_2344 = vector.broadcast %broadcast_in_dim3A_2343 : i32 to vector<16xi32>
        %sub3A_2345 = arith.subi %broadcast_in_dim3A_2344, %convert_element_type3A_2336 : vector<16xi32>
        tpu.vector_store_idx %arg7[%sub3A_2345], %broadcast_in_dim3A_35 masked %eq3A_2342 {add = true} : memref<24576xf32, #tpu.memory_space<vmem>>[vector<16xi32>], vector<16xf32>, vector<16xi1>
        %mul3A_2346 = arith.mulf %exp3A_2100, %div3A_2147 : vector<16xf32>
        %min3A_2347 = vector.broadcast %sub3A_38 : f32 to vector<16xf32>
        %min3A_2348 = arith.minimumf %mul3A_2346, %min3A_2347 : vector<16xf32>
        %convert_element_type3A_2349 = arith.fptosi %min3A_2348 : vector<16xf32> to vector<16xi32>
        %add3A_2350 = arith.constant 7680 : i32
        %add3A_2351 = vector.broadcast %add3A_2350 : i32 to vector<16xi32>
        %add3A_2352 = arith.addi %convert_element_type3A_2349, %add3A_2351 : vector<16xi32>
        tpu.vector_store_idx %arg7[%add3A_2352], %broadcast_in_dim3A_35 {add = true} : memref<24576xf32, #tpu.memory_space<vmem>>[vector<16xi32>], vector<16xf32>,
        %eq3A_2353 = arith.constant 15 : i32
        %eq3A_2354 = vector.broadcast %eq3A_2353 : i32 to vector<16xi32>
        %eq3A_2355 = arith.cmpi eq, %get3A_2151, %eq3A_2354 : vector<16xi32>
        %broadcast_in_dim3A_2356 = arith.constant 20479 : i32
        %broadcast_in_dim3A_2357 = vector.broadcast %broadcast_in_dim3A_2356 : i32 to vector<16xi32>
        %sub3A_2358 = arith.subi %broadcast_in_dim3A_2357, %convert_element_type3A_2349 : vector<16xi32>
        tpu.vector_store_idx %arg7[%sub3A_2358], %broadcast_in_dim3A_35 masked %eq3A_2355 {add = true} : memref<24576xf32, #tpu.memory_space<vmem>>[vector<16xi32>], vector<16xf32>, vector<16xi1>
        %mul3A_2359 = arith.mulf %exp3A_2105, %div3A_2147 : vector<16xf32>
        %min3A_2360 = vector.broadcast %sub3A_38 : f32 to vector<16xf32>
        %min3A_2361 = arith.minimumf %mul3A_2359, %min3A_2360 : vector<16xf32>
        %convert_element_type3A_2362 = arith.fptosi %min3A_2361 : vector<16xf32> to vector<16xi32>
        %add3A_2363 = arith.constant 8192 : i32
        %add3A_2364 = vector.broadcast %add3A_2363 : i32 to vector<16xi32>
        %add3A_2365 = arith.addi %convert_element_type3A_2362, %add3A_2364 : vector<16xi32>
        tpu.vector_store_idx %arg7[%add3A_2365], %broadcast_in_dim3A_35 {add = true} : memref<24576xf32, #tpu.memory_space<vmem>>[vector<16xi32>], vector<16xf32>,
        %eq3A_2366 = arith.constant 16 : i32
        %eq3A_2367 = vector.broadcast %eq3A_2366 : i32 to vector<16xi32>
        %eq3A_2368 = arith.cmpi eq, %get3A_2151, %eq3A_2367 : vector<16xi32>
        %broadcast_in_dim3A_2369 = arith.constant 20991 : i32
        %broadcast_in_dim3A_2370 = vector.broadcast %broadcast_in_dim3A_2369 : i32 to vector<16xi32>
        %sub3A_2371 = arith.subi %broadcast_in_dim3A_2370, %convert_element_type3A_2362 : vector<16xi32>
        tpu.vector_store_idx %arg7[%sub3A_2371], %broadcast_in_dim3A_35 masked %eq3A_2368 {add = true} : memref<24576xf32, #tpu.memory_space<vmem>>[vector<16xi32>], vector<16xf32>, vector<16xi1>
        %mul3A_2372 = arith.mulf %exp3A_2110, %div3A_2147 : vector<16xf32>
        %min3A_2373 = vector.broadcast %sub3A_38 : f32 to vector<16xf32>
        %min3A_2374 = arith.minimumf %mul3A_2372, %min3A_2373 : vector<16xf32>
        %convert_element_type3A_2375 = arith.fptosi %min3A_2374 : vector<16xf32> to vector<16xi32>
        %add3A_2376 = arith.constant 8704 : i32
        %add3A_2377 = vector.broadcast %add3A_2376 : i32 to vector<16xi32>
        %add3A_2378 = arith.addi %convert_element_type3A_2375, %add3A_2377 : vector<16xi32>
        tpu.vector_store_idx %arg7[%add3A_2378], %broadcast_in_dim3A_35 {add = true} : memref<24576xf32, #tpu.memory_space<vmem>>[vector<16xi32>], vector<16xf32>,
        %eq3A_2379 = arith.constant 17 : i32
        %eq3A_2380 = vector.broadcast %eq3A_2379 : i32 to vector<16xi32>
        %eq3A_2381 = arith.cmpi eq, %get3A_2151, %eq3A_2380 : vector<16xi32>
        %broadcast_in_dim3A_2382 = arith.constant 21503 : i32
        %broadcast_in_dim3A_2383 = vector.broadcast %broadcast_in_dim3A_2382 : i32 to vector<16xi32>
        %sub3A_2384 = arith.subi %broadcast_in_dim3A_2383, %convert_element_type3A_2375 : vector<16xi32>
        tpu.vector_store_idx %arg7[%sub3A_2384], %broadcast_in_dim3A_35 masked %eq3A_2381 {add = true} : memref<24576xf32, #tpu.memory_space<vmem>>[vector<16xi32>], vector<16xf32>, vector<16xi1>
        %mul3A_2385 = arith.mulf %exp3A_2115, %div3A_2147 : vector<16xf32>
        %min3A_2386 = vector.broadcast %sub3A_38 : f32 to vector<16xf32>
        %min3A_2387 = arith.minimumf %mul3A_2385, %min3A_2386 : vector<16xf32>
        %convert_element_type3A_2388 = arith.fptosi %min3A_2387 : vector<16xf32> to vector<16xi32>
        %add3A_2389 = arith.constant 9216 : i32
        %add3A_2390 = vector.broadcast %add3A_2389 : i32 to vector<16xi32>
        %add3A_2391 = arith.addi %convert_element_type3A_2388, %add3A_2390 : vector<16xi32>
        tpu.vector_store_idx %arg7[%add3A_2391], %broadcast_in_dim3A_35 {add = true} : memref<24576xf32, #tpu.memory_space<vmem>>[vector<16xi32>], vector<16xf32>,
        %eq3A_2392 = arith.constant 18 : i32
        %eq3A_2393 = vector.broadcast %eq3A_2392 : i32 to vector<16xi32>
        %eq3A_2394 = arith.cmpi eq, %get3A_2151, %eq3A_2393 : vector<16xi32>
        %broadcast_in_dim3A_2395 = arith.constant 22015 : i32
        %broadcast_in_dim3A_2396 = vector.broadcast %broadcast_in_dim3A_2395 : i32 to vector<16xi32>
        %sub3A_2397 = arith.subi %broadcast_in_dim3A_2396, %convert_element_type3A_2388 : vector<16xi32>
        tpu.vector_store_idx %arg7[%sub3A_2397], %broadcast_in_dim3A_35 masked %eq3A_2394 {add = true} : memref<24576xf32, #tpu.memory_space<vmem>>[vector<16xi32>], vector<16xf32>, vector<16xi1>
        %mul3A_2398 = arith.mulf %exp3A_2120, %div3A_2147 : vector<16xf32>
        %min3A_2399 = vector.broadcast %sub3A_38 : f32 to vector<16xf32>
        %min3A_2400 = arith.minimumf %mul3A_2398, %min3A_2399 : vector<16xf32>
        %convert_element_type3A_2401 = arith.fptosi %min3A_2400 : vector<16xf32> to vector<16xi32>
        %add3A_2402 = arith.constant 9728 : i32
        %add3A_2403 = vector.broadcast %add3A_2402 : i32 to vector<16xi32>
        %add3A_2404 = arith.addi %convert_element_type3A_2401, %add3A_2403 : vector<16xi32>
        tpu.vector_store_idx %arg7[%add3A_2404], %broadcast_in_dim3A_35 {add = true} : memref<24576xf32, #tpu.memory_space<vmem>>[vector<16xi32>], vector<16xf32>,
        %eq3A_2405 = arith.constant 19 : i32
        %eq3A_2406 = vector.broadcast %eq3A_2405 : i32 to vector<16xi32>
        %eq3A_2407 = arith.cmpi eq, %get3A_2151, %eq3A_2406 : vector<16xi32>
        %broadcast_in_dim3A_2408 = arith.constant 22527 : i32
        %broadcast_in_dim3A_2409 = vector.broadcast %broadcast_in_dim3A_2408 : i32 to vector<16xi32>
        %sub3A_2410 = arith.subi %broadcast_in_dim3A_2409, %convert_element_type3A_2401 : vector<16xi32>
        tpu.vector_store_idx %arg7[%sub3A_2410], %broadcast_in_dim3A_35 masked %eq3A_2407 {add = true} : memref<24576xf32, #tpu.memory_space<vmem>>[vector<16xi32>], vector<16xf32>, vector<16xi1>
        %mul3A_2411 = arith.mulf %exp3A_2125, %div3A_2147 : vector<16xf32>
        %min3A_2412 = vector.broadcast %sub3A_38 : f32 to vector<16xf32>
        %min3A_2413 = arith.minimumf %mul3A_2411, %min3A_2412 : vector<16xf32>
        %convert_element_type3A_2414 = arith.fptosi %min3A_2413 : vector<16xf32> to vector<16xi32>
        %add3A_2415 = arith.constant 10240 : i32
        %add3A_2416 = vector.broadcast %add3A_2415 : i32 to vector<16xi32>
        %add3A_2417 = arith.addi %convert_element_type3A_2414, %add3A_2416 : vector<16xi32>
        tpu.vector_store_idx %arg7[%add3A_2417], %broadcast_in_dim3A_35 {add = true} : memref<24576xf32, #tpu.memory_space<vmem>>[vector<16xi32>], vector<16xf32>,
        %eq3A_2418 = arith.constant 20 : i32
        %eq3A_2419 = vector.broadcast %eq3A_2418 : i32 to vector<16xi32>
        %eq3A_2420 = arith.cmpi eq, %get3A_2151, %eq3A_2419 : vector<16xi32>
        %broadcast_in_dim3A_2421 = arith.constant 23039 : i32
        %broadcast_in_dim3A_2422 = vector.broadcast %broadcast_in_dim3A_2421 : i32 to vector<16xi32>
        %sub3A_2423 = arith.subi %broadcast_in_dim3A_2422, %convert_element_type3A_2414 : vector<16xi32>
        tpu.vector_store_idx %arg7[%sub3A_2423], %broadcast_in_dim3A_35 masked %eq3A_2420 {add = true} : memref<24576xf32, #tpu.memory_space<vmem>>[vector<16xi32>], vector<16xf32>, vector<16xi1>
      }
      %scan3A_1807 = arith.constant 128 : i32
      %add3A_1808 = arith.constant 1 : i32
      %add3A_1809 = arith.addi %scan3A_1398, %add3A_1808 : i32
      %lt3A_1810 = arith.constant 16 : i32
      %lt3A_1811 = arith.cmpi slt, %add3A_1809, %lt3A_1810 : i32
      %convert_element_type3A = arith.extui %lt3A_1811 : i1 to i32
      %cond3A = arith.constant 0 : i32
      %cond3A_1812 = arith.cmpi ne, %convert_element_type3A, %cond3A : i32
      scf.if %cond3A_1812 {
        %add3A_2020 = arith.constant 2 : i32
        %add3A_2021 = arith.addi %mul3A_1400, %add3A_2020 : i32
        %mul3A_2022 = arith.constant 2048 : i32
        %mul3A_2023 = arith.muli %add3A_2021, %mul3A_2022 : i32
        %add3A_2024 = arith.addi %mul3A_32, %mul3A_2023 : i32
        %dma_start3A_2025 = arith.constant 0 : i32
        %dma_start3A_2026 = arith.constant 0 : i32
        %dma_start3A_2027 = tpu.memref_slice %arg5[%dma_start3A_2026] : memref<86016xf32, #tpu.memory_space<vmem>> -> memref<2048xf32, #tpu.memory_space<vmem>>
        %dma_start3A_2028 = tpu.memref_slice %arg2[%select_n3A, %dma_start3A_2025, %add3A_2024] : memref<8x21x262144xf32, #tpu.memory_space<hbm>> -> memref<1x1x2048xf32, #tpu.memory_space<hbm>>
        %dma_start3A_2029 = tpu.memref_squeeze %dma_start3A_2028 : memref<1x1x2048xf32, #tpu.memory_space<hbm>> -> memref<2048xf32, #tpu.memory_space<hbm>>
        %dma_start3A_2030 = arith.constant 0 : i32
        %dma_start3A_2031 = tpu.memref_slice %arg5[%dma_start3A_2030] : memref<86016xf32, #tpu.memory_space<vmem>> -> memref<2048xf32, #tpu.memory_space<vmem>>
        %dma_start3A_2032 = tpu.memref_slice %arg2[%select_n3A, %dma_start3A_2025, %add3A_2024] : memref<8x21x262144xf32, #tpu.memory_space<hbm>> -> memref<1x1x2048xf32, #tpu.memory_space<hbm>>
        %dma_start3A_2033 = tpu.memref_squeeze %dma_start3A_2032 : memref<1x1x2048xf32, #tpu.memory_space<hbm>> -> memref<2048xf32, #tpu.memory_space<hbm>>
        tpu.enqueue_dma source(%dma_start3A_2033 : memref<2048xf32, #tpu.memory_space<hbm>>) target(%dma_start3A_2031 : memref<2048xf32, #tpu.memory_space<vmem>>) target_semaphore(%arg8 : memref<!tpu.dma_semaphore, #tpu.memory_space<semaphore_mem>>)
        %dma_start3A_2034 = arith.constant 1 : i32
        %dma_start3A_2035 = arith.constant 2048 : i32
        %dma_start3A_2036 = tpu.memref_slice %arg5[%dma_start3A_2035] : memref<86016xf32, #tpu.memory_space<vmem>> -> memref<2048xf32, #tpu.memory_space<vmem>>
        %dma_start3A_2037 = tpu.memref_slice %arg2[%select_n3A, %dma_start3A_2034, %add3A_2024] : memref<8x21x262144xf32, #tpu.memory_space<hbm>> -> memref<1x1x2048xf32, #tpu.memory_space<hbm>>
        %dma_start3A_2038 = tpu.memref_squeeze %dma_start3A_2037 : memref<1x1x2048xf32, #tpu.memory_space<hbm>> -> memref<2048xf32, #tpu.memory_space<hbm>>
        %dma_start3A_2039 = arith.constant 2048 : i32
        %dma_start3A_2040 = tpu.memref_slice %arg5[%dma_start3A_2039] : memref<86016xf32, #tpu.memory_space<vmem>> -> memref<2048xf32, #tpu.memory_space<vmem>>
        %dma_start3A_2041 = tpu.memref_slice %arg2[%select_n3A, %dma_start3A_2034, %add3A_2024] : memref<8x21x262144xf32, #tpu.memory_space<hbm>> -> memref<1x1x2048xf32, #tpu.memory_space<hbm>>
        %dma_start3A_2042 = tpu.memref_squeeze %dma_start3A_2041 : memref<1x1x2048xf32, #tpu.memory_space<hbm>> -> memref<2048xf32, #tpu.memory_space<hbm>>
        tpu.enqueue_dma source(%dma_start3A_2042 : memref<2048xf32, #tpu.memory_space<hbm>>) target(%dma_start3A_2040 : memref<2048xf32, #tpu.memory_space<vmem>>) target_semaphore(%arg8 : memref<!tpu.dma_semaphore, #tpu.memory_space<semaphore_mem>>)
        %dma_start3A_2043 = arith.constant 2 : i32
        %dma_start3A_2044 = arith.constant 4096 : i32
        %dma_start3A_2045 = tpu.memref_slice %arg5[%dma_start3A_2044] : memref<86016xf32, #tpu.memory_space<vmem>> -> memref<2048xf32, #tpu.memory_space<vmem>>
        %dma_start3A_2046 = tpu.memref_slice %arg2[%select_n3A, %dma_start3A_2043, %add3A_2024] : memref<8x21x262144xf32, #tpu.memory_space<hbm>> -> memref<1x1x2048xf32, #tpu.memory_space<hbm>>
        %dma_start3A_2047 = tpu.memref_squeeze %dma_start3A_2046 : memref<1x1x2048xf32, #tpu.memory_space<hbm>> -> memref<2048xf32, #tpu.memory_space<hbm>>
        %dma_start3A_2048 = arith.constant 4096 : i32
        %dma_start3A_2049 = tpu.memref_slice %arg5[%dma_start3A_2048] : memref<86016xf32, #tpu.memory_space<vmem>> -> memref<2048xf32, #tpu.memory_space<vmem>>
        %dma_start3A_2050 = tpu.memref_slice %arg2[%select_n3A, %dma_start3A_2043, %add3A_2024] : memref<8x21x262144xf32, #tpu.memory_space<hbm>> -> memref<1x1x2048xf32, #tpu.memory_space<hbm>>
        %dma_start3A_2051 = tpu.memref_squeeze %dma_start3A_2050 : memref<1x1x2048xf32, #tpu.memory_space<hbm>> -> memref<2048xf32, #tpu.memory_space<hbm>>
        tpu.enqueue_dma source(%dma_start3A_2051 : memref<2048xf32, #tpu.memory_space<hbm>>) target(%dma_start3A_2049 : memref<2048xf32, #tpu.memory_space<vmem>>) target_semaphore(%arg8 : memref<!tpu.dma_semaphore, #tpu.memory_space<semaphore_mem>>)
        %dma_start3A_2052 = arith.constant 3 : i32
        %dma_start3A_2053 = arith.constant 6144 : i32
        %dma_start3A_2054 = tpu.memref_slice %arg5[%dma_start3A_2053] : memref<86016xf32, #tpu.memory_space<vmem>> -> memref<2048xf32, #tpu.memory_space<vmem>>
        %dma_start3A_2055 = tpu.memref_slice %arg2[%select_n3A, %dma_start3A_2052, %add3A_2024] : memref<8x21x262144xf32, #tpu.memory_space<hbm>> -> memref<1x1x2048xf32, #tpu.memory_space<hbm>>
        %dma_start3A_2056 = tpu.memref_squeeze %dma_start3A_2055 : memref<1x1x2048xf32, #tpu.memory_space<hbm>> -> memref<2048xf32, #tpu.memory_space<hbm>>
        %dma_start3A_2057 = arith.constant 6144 : i32
        %dma_start3A_2058 = tpu.memref_slice %arg5[%dma_start3A_2057] : memref<86016xf32, #tpu.memory_space<vmem>> -> memref<2048xf32, #tpu.memory_space<vmem>>
        %dma_start3A_2059 = tpu.memref_slice %arg2[%select_n3A, %dma_start3A_2052, %add3A_2024] : memref<8x21x262144xf32, #tpu.memory_space<hbm>> -> memref<1x1x2048xf32, #tpu.memory_space<hbm>>
        %dma_start3A_2060 = tpu.memref_squeeze %dma_start3A_2059 : memref<1x1x2048xf32, #tpu.memory_space<hbm>> -> memref<2048xf32, #tpu.memory_space<hbm>>
        tpu.enqueue_dma source(%dma_start3A_2060 : memref<2048xf32, #tpu.memory_space<hbm>>) target(%dma_start3A_2058 : memref<2048xf32, #tpu.memory_space<vmem>>) target_semaphore(%arg8 : memref<!tpu.dma_semaphore, #tpu.memory_space<semaphore_mem>>)
        %dma_start3A_2061 = arith.constant 4 : i32
        %dma_start3A_2062 = arith.constant 8192 : i32
        %dma_start3A_2063 = tpu.memref_slice %arg5[%dma_start3A_2062] : memref<86016xf32, #tpu.memory_space<vmem>> -> memref<2048xf32, #tpu.memory_space<vmem>>
        %dma_start3A_2064 = tpu.memref_slice %arg2[%select_n3A, %dma_start3A_2061, %add3A_2024] : memref<8x21x262144xf32, #tpu.memory_space<hbm>> -> memref<1x1x2048xf32, #tpu.memory_space<hbm>>
        %dma_start3A_2065 = tpu.memref_squeeze %dma_start3A_2064 : memref<1x1x2048xf32, #tpu.memory_space<hbm>> -> memref<2048xf32, #tpu.memory_space<hbm>>
        %dma_start3A_2066 = arith.constant 8192 : i32
        %dma_start3A_2067 = tpu.memref_slice %arg5[%dma_start3A_2066] : memref<86016xf32, #tpu.memory_space<vmem>> -> memref<2048xf32, #tpu.memory_space<vmem>>
        %dma_start3A_2068 = tpu.memref_slice %arg2[%select_n3A, %dma_start3A_2061, %add3A_2024] : memref<8x21x262144xf32, #tpu.memory_space<hbm>> -> memref<1x1x2048xf32, #tpu.memory_space<hbm>>
        %dma_start3A_2069 = tpu.memref_squeeze %dma_start3A_2068 : memref<1x1x2048xf32, #tpu.memory_space<hbm>> -> memref<2048xf32, #tpu.memory_space<hbm>>
        tpu.enqueue_dma source(%dma_start3A_2069 : memref<2048xf32, #tpu.memory_space<hbm>>) target(%dma_start3A_2067 : memref<2048xf32, #tpu.memory_space<vmem>>) target_semaphore(%arg8 : memref<!tpu.dma_semaphore, #tpu.memory_space<semaphore_mem>>)
        %dma_start3A_2070 = arith.constant 5 : i32
        %dma_start3A_2071 = arith.constant 10240 : i32
        %dma_start3A_2072 = tpu.memref_slice %arg5[%dma_start3A_2071] : memref<86016xf32, #tpu.memory_space<vmem>> -> memref<2048xf32, #tpu.memory_space<vmem>>
        %dma_start3A_2073 = tpu.memref_slice %arg2[%select_n3A, %dma_start3A_2070, %add3A_2024] : memref<8x21x262144xf32, #tpu.memory_space<hbm>> -> memref<1x1x2048xf32, #tpu.memory_space<hbm>>
        %dma_start3A_2074 = tpu.memref_squeeze %dma_start3A_2073 : memref<1x1x2048xf32, #tpu.memory_space<hbm>> -> memref<2048xf32, #tpu.memory_space<hbm>>
        %dma_start3A_2075 = arith.constant 10240 : i32
        %dma_start3A_2076 = tpu.memref_slice %arg5[%dma_start3A_2075] : memref<86016xf32, #tpu.memory_space<vmem>> -> memref<2048xf32, #tpu.memory_space<vmem>>
        %dma_start3A_2077 = tpu.memref_slice %arg2[%select_n3A, %dma_start3A_2070, %add3A_2024] : memref<8x21x262144xf32, #tpu.memory_space<hbm>> -> memref<1x1x2048xf32, #tpu.memory_space<hbm>>
        %dma_start3A_2078 = tpu.memref_squeeze %dma_start3A_2077 : memref<1x1x2048xf32, #tpu.memory_space<hbm>> -> memref<2048xf32, #tpu.memory_space<hbm>>
        tpu.enqueue_dma source(%dma_start3A_2078 : memref<2048xf32, #tpu.memory_space<hbm>>) target(%dma_start3A_2076 : memref<2048xf32, #tpu.memory_space<vmem>>) target_semaphore(%arg8 : memref<!tpu.dma_semaphore, #tpu.memory_space<semaphore_mem>>)
        %dma_start3A_2079 = arith.constant 6 : i32
        %dma_start3A_2080 = arith.constant 12288 : i32
        %dma_start3A_2081 = tpu.memref_slice %arg5[%dma_start3A_2080] : memref<86016xf32, #tpu.memory_space<vmem>> -> memref<2048xf32, #tpu.memory_space<vmem>>
        %dma_start3A_2082 = tpu.memref_slice %arg2[%select_n3A, %dma_start3A_2079, %add3A_2024] : memref<8x21x262144xf32, #tpu.memory_space<hbm>> -> memref<1x1x2048xf32, #tpu.memory_space<hbm>>
        %dma_start3A_2083 = tpu.memref_squeeze %dma_start3A_2082 : memref<1x1x2048xf32, #tpu.memory_space<hbm>> -> memref<2048xf32, #tpu.memory_space<hbm>>
        %dma_start3A_2084 = arith.constant 12288 : i32
        %dma_start3A_2085 = tpu.memref_slice %arg5[%dma_start3A_2084] : memref<86016xf32, #tpu.memory_space<vmem>> -> memref<2048xf32, #tpu.memory_space<vmem>>
        %dma_start3A_2086 = tpu.memref_slice %arg2[%select_n3A, %dma_start3A_2079, %add3A_2024] : memref<8x21x262144xf32, #tpu.memory_space<hbm>> -> memref<1x1x2048xf32, #tpu.memory_space<hbm>>
        %dma_start3A_2087 = tpu.memref_squeeze %dma_start3A_2086 : memref<1x1x2048xf32, #tpu.memory_space<hbm>> -> memref<2048xf32, #tpu.memory_space<hbm>>
        tpu.enqueue_dma source(%dma_start3A_2087 : memref<2048xf32, #tpu.memory_space<hbm>>) target(%dma_start3A_2085 : memref<2048xf32, #tpu.memory_space<vmem>>) target_semaphore(%arg8 : memref<!tpu.dma_semaphore, #tpu.memory_space<semaphore_mem>>)
        %dma_start3A_2088 = arith.constant 7 : i32
        %dma_start3A_2089 = arith.constant 14336 : i32
        %dma_start3A_2090 = tpu.memref_slice %arg5[%dma_start3A_2089] : memref<86016xf32, #tpu.memory_space<vmem>> -> memref<2048xf32, #tpu.memory_space<vmem>>
        %dma_start3A_2091 = tpu.memref_slice %arg2[%select_n3A, %dma_start3A_2088, %add3A_2024] : memref<8x21x262144xf32, #tpu.memory_space<hbm>> -> memref<1x1x2048xf32, #tpu.memory_space<hbm>>
        %dma_start3A_2092 = tpu.memref_squeeze %dma_start3A_2091 : memref<1x1x2048xf32, #tpu.memory_space<hbm>> -> memref<2048xf32, #tpu.memory_space<hbm>>
        %dma_start3A_2093 = arith.constant 14336 : i32
        %dma_start3A_2094 = tpu.memref_slice %arg5[%dma_start3A_2093] : memref<86016xf32, #tpu.memory_space<vmem>> -> memref<2048xf32, #tpu.memory_space<vmem>>
        %dma_start3A_2095 = tpu.memref_slice %arg2[%select_n3A, %dma_start3A_2088, %add3A_2024] : memref<8x21x262144xf32, #tpu.memory_space<hbm>> -> memref<1x1x2048xf32, #tpu.memory_space<hbm>>
        %dma_start3A_2096 = tpu.memref_squeeze %dma_start3A_2095 : memref<1x1x2048xf32, #tpu.memory_space<hbm>> -> memref<2048xf32, #tpu.memory_space<hbm>>
        tpu.enqueue_dma source(%dma_start3A_2096 : memref<2048xf32, #tpu.memory_space<hbm>>) target(%dma_start3A_2094 : memref<2048xf32, #tpu.memory_space<vmem>>) target_semaphore(%arg8 : memref<!tpu.dma_semaphore, #tpu.memory_space<semaphore_mem>>)
        %dma_start3A_2097 = arith.constant 8 : i32
        %dma_start3A_2098 = arith.constant 16384 : i32
        %dma_start3A_2099 = tpu.memref_slice %arg5[%dma_start3A_2098] : memref<86016xf32, #tpu.memory_space<vmem>> -> memref<2048xf32, #tpu.memory_space<vmem>>
        %dma_start3A_2100 = tpu.memref_slice %arg2[%select_n3A, %dma_start3A_2097, %add3A_2024] : memref<8x21x262144xf32, #tpu.memory_space<hbm>> -> memref<1x1x2048xf32, #tpu.memory_space<hbm>>
        %dma_start3A_2101 = tpu.memref_squeeze %dma_start3A_2100 : memref<1x1x2048xf32, #tpu.memory_space<hbm>> -> memref<2048xf32, #tpu.memory_space<hbm>>
        %dma_start3A_2102 = arith.constant 16384 : i32
        %dma_start3A_2103 = tpu.memref_slice %arg5[%dma_start3A_2102] : memref<86016xf32, #tpu.memory_space<vmem>> -> memref<2048xf32, #tpu.memory_space<vmem>>
        %dma_start3A_2104 = tpu.memref_slice %arg2[%select_n3A, %dma_start3A_2097, %add3A_2024] : memref<8x21x262144xf32, #tpu.memory_space<hbm>> -> memref<1x1x2048xf32, #tpu.memory_space<hbm>>
        %dma_start3A_2105 = tpu.memref_squeeze %dma_start3A_2104 : memref<1x1x2048xf32, #tpu.memory_space<hbm>> -> memref<2048xf32, #tpu.memory_space<hbm>>
        tpu.enqueue_dma source(%dma_start3A_2105 : memref<2048xf32, #tpu.memory_space<hbm>>) target(%dma_start3A_2103 : memref<2048xf32, #tpu.memory_space<vmem>>) target_semaphore(%arg8 : memref<!tpu.dma_semaphore, #tpu.memory_space<semaphore_mem>>)
        %dma_start3A_2106 = arith.constant 9 : i32
        %dma_start3A_2107 = arith.constant 18432 : i32
        %dma_start3A_2108 = tpu.memref_slice %arg5[%dma_start3A_2107] : memref<86016xf32, #tpu.memory_space<vmem>> -> memref<2048xf32, #tpu.memory_space<vmem>>
        %dma_start3A_2109 = tpu.memref_slice %arg2[%select_n3A, %dma_start3A_2106, %add3A_2024] : memref<8x21x262144xf32, #tpu.memory_space<hbm>> -> memref<1x1x2048xf32, #tpu.memory_space<hbm>>
        %dma_start3A_2110 = tpu.memref_squeeze %dma_start3A_2109 : memref<1x1x2048xf32, #tpu.memory_space<hbm>> -> memref<2048xf32, #tpu.memory_space<hbm>>
        %dma_start3A_2111 = arith.constant 18432 : i32
        %dma_start3A_2112 = tpu.memref_slice %arg5[%dma_start3A_2111] : memref<86016xf32, #tpu.memory_space<vmem>> -> memref<2048xf32, #tpu.memory_space<vmem>>
        %dma_start3A_2113 = tpu.memref_slice %arg2[%select_n3A, %dma_start3A_2106, %add3A_2024] : memref<8x21x262144xf32, #tpu.memory_space<hbm>> -> memref<1x1x2048xf32, #tpu.memory_space<hbm>>
        %dma_start3A_2114 = tpu.memref_squeeze %dma_start3A_2113 : memref<1x1x2048xf32, #tpu.memory_space<hbm>> -> memref<2048xf32, #tpu.memory_space<hbm>>
        tpu.enqueue_dma source(%dma_start3A_2114 : memref<2048xf32, #tpu.memory_space<hbm>>) target(%dma_start3A_2112 : memref<2048xf32, #tpu.memory_space<vmem>>) target_semaphore(%arg8 : memref<!tpu.dma_semaphore, #tpu.memory_space<semaphore_mem>>)
        %dma_start3A_2115 = arith.constant 10 : i32
        %dma_start3A_2116 = arith.constant 20480 : i32
        %dma_start3A_2117 = tpu.memref_slice %arg5[%dma_start3A_2116] : memref<86016xf32, #tpu.memory_space<vmem>> -> memref<2048xf32, #tpu.memory_space<vmem>>
        %dma_start3A_2118 = tpu.memref_slice %arg2[%select_n3A, %dma_start3A_2115, %add3A_2024] : memref<8x21x262144xf32, #tpu.memory_space<hbm>> -> memref<1x1x2048xf32, #tpu.memory_space<hbm>>
        %dma_start3A_2119 = tpu.memref_squeeze %dma_start3A_2118 : memref<1x1x2048xf32, #tpu.memory_space<hbm>> -> memref<2048xf32, #tpu.memory_space<hbm>>
        %dma_start3A_2120 = arith.constant 20480 : i32
        %dma_start3A_2121 = tpu.memref_slice %arg5[%dma_start3A_2120] : memref<86016xf32, #tpu.memory_space<vmem>> -> memref<2048xf32, #tpu.memory_space<vmem>>
        %dma_start3A_2122 = tpu.memref_slice %arg2[%select_n3A, %dma_start3A_2115, %add3A_2024] : memref<8x21x262144xf32, #tpu.memory_space<hbm>> -> memref<1x1x2048xf32, #tpu.memory_space<hbm>>
        %dma_start3A_2123 = tpu.memref_squeeze %dma_start3A_2122 : memref<1x1x2048xf32, #tpu.memory_space<hbm>> -> memref<2048xf32, #tpu.memory_space<hbm>>
        tpu.enqueue_dma source(%dma_start3A_2123 : memref<2048xf32, #tpu.memory_space<hbm>>) target(%dma_start3A_2121 : memref<2048xf32, #tpu.memory_space<vmem>>) target_semaphore(%arg8 : memref<!tpu.dma_semaphore, #tpu.memory_space<semaphore_mem>>)
        %dma_start3A_2124 = arith.constant 11 : i32
        %dma_start3A_2125 = arith.constant 22528 : i32
        %dma_start3A_2126 = tpu.memref_slice %arg5[%dma_start3A_2125] : memref<86016xf32, #tpu.memory_space<vmem>> -> memref<2048xf32, #tpu.memory_space<vmem>>
        %dma_start3A_2127 = tpu.memref_slice %arg2[%select_n3A, %dma_start3A_2124, %add3A_2024] : memref<8x21x262144xf32, #tpu.memory_space<hbm>> -> memref<1x1x2048xf32, #tpu.memory_space<hbm>>
        %dma_start3A_2128 = tpu.memref_squeeze %dma_start3A_2127 : memref<1x1x2048xf32, #tpu.memory_space<hbm>> -> memref<2048xf32, #tpu.memory_space<hbm>>
        %dma_start3A_2129 = arith.constant 22528 : i32
        %dma_start3A_2130 = tpu.memref_slice %arg5[%dma_start3A_2129] : memref<86016xf32, #tpu.memory_space<vmem>> -> memref<2048xf32, #tpu.memory_space<vmem>>
        %dma_start3A_2131 = tpu.memref_slice %arg2[%select_n3A, %dma_start3A_2124, %add3A_2024] : memref<8x21x262144xf32, #tpu.memory_space<hbm>> -> memref<1x1x2048xf32, #tpu.memory_space<hbm>>
        %dma_start3A_2132 = tpu.memref_squeeze %dma_start3A_2131 : memref<1x1x2048xf32, #tpu.memory_space<hbm>> -> memref<2048xf32, #tpu.memory_space<hbm>>
        tpu.enqueue_dma source(%dma_start3A_2132 : memref<2048xf32, #tpu.memory_space<hbm>>) target(%dma_start3A_2130 : memref<2048xf32, #tpu.memory_space<vmem>>) target_semaphore(%arg8 : memref<!tpu.dma_semaphore, #tpu.memory_space<semaphore_mem>>)
        %dma_start3A_2133 = arith.constant 12 : i32
        %dma_start3A_2134 = arith.constant 24576 : i32
        %dma_start3A_2135 = tpu.memref_slice %arg5[%dma_start3A_2134] : memref<86016xf32, #tpu.memory_space<vmem>> -> memref<2048xf32, #tpu.memory_space<vmem>>
        %dma_start3A_2136 = tpu.memref_slice %arg2[%select_n3A, %dma_start3A_2133, %add3A_2024] : memref<8x21x262144xf32, #tpu.memory_space<hbm>> -> memref<1x1x2048xf32, #tpu.memory_space<hbm>>
        %dma_start3A_2137 = tpu.memref_squeeze %dma_start3A_2136 : memref<1x1x2048xf32, #tpu.memory_space<hbm>> -> memref<2048xf32, #tpu.memory_space<hbm>>
        %dma_start3A_2138 = arith.constant 24576 : i32
        %dma_start3A_2139 = tpu.memref_slice %arg5[%dma_start3A_2138] : memref<86016xf32, #tpu.memory_space<vmem>> -> memref<2048xf32, #tpu.memory_space<vmem>>
        %dma_start3A_2140 = tpu.memref_slice %arg2[%select_n3A, %dma_start3A_2133, %add3A_2024] : memref<8x21x262144xf32, #tpu.memory_space<hbm>> -> memref<1x1x2048xf32, #tpu.memory_space<hbm>>
        %dma_start3A_2141 = tpu.memref_squeeze %dma_start3A_2140 : memref<1x1x2048xf32, #tpu.memory_space<hbm>> -> memref<2048xf32, #tpu.memory_space<hbm>>
        tpu.enqueue_dma source(%dma_start3A_2141 : memref<2048xf32, #tpu.memory_space<hbm>>) target(%dma_start3A_2139 : memref<2048xf32, #tpu.memory_space<vmem>>) target_semaphore(%arg8 : memref<!tpu.dma_semaphore, #tpu.memory_space<semaphore_mem>>)
        %dma_start3A_2142 = arith.constant 13 : i32
        %dma_start3A_2143 = arith.constant 26624 : i32
        %dma_start3A_2144 = tpu.memref_slice %arg5[%dma_start3A_2143] : memref<86016xf32, #tpu.memory_space<vmem>> -> memref<2048xf32, #tpu.memory_space<vmem>>
        %dma_start3A_2145 = tpu.memref_slice %arg2[%select_n3A, %dma_start3A_2142, %add3A_2024] : memref<8x21x262144xf32, #tpu.memory_space<hbm>> -> memref<1x1x2048xf32, #tpu.memory_space<hbm>>
        %dma_start3A_2146 = tpu.memref_squeeze %dma_start3A_2145 : memref<1x1x2048xf32, #tpu.memory_space<hbm>> -> memref<2048xf32, #tpu.memory_space<hbm>>
        %dma_start3A_2147 = arith.constant 26624 : i32
        %dma_start3A_2148 = tpu.memref_slice %arg5[%dma_start3A_2147] : memref<86016xf32, #tpu.memory_space<vmem>> -> memref<2048xf32, #tpu.memory_space<vmem>>
        %dma_start3A_2149 = tpu.memref_slice %arg2[%select_n3A, %dma_start3A_2142, %add3A_2024] : memref<8x21x262144xf32, #tpu.memory_space<hbm>> -> memref<1x1x2048xf32, #tpu.memory_space<hbm>>
        %dma_start3A_2150 = tpu.memref_squeeze %dma_start3A_2149 : memref<1x1x2048xf32, #tpu.memory_space<hbm>> -> memref<2048xf32, #tpu.memory_space<hbm>>
        tpu.enqueue_dma source(%dma_start3A_2150 : memref<2048xf32, #tpu.memory_space<hbm>>) target(%dma_start3A_2148 : memref<2048xf32, #tpu.memory_space<vmem>>) target_semaphore(%arg8 : memref<!tpu.dma_semaphore, #tpu.memory_space<semaphore_mem>>)
        %dma_start3A_2151 = arith.constant 14 : i32
        %dma_start3A_2152 = arith.constant 28672 : i32
        %dma_start3A_2153 = tpu.memref_slice %arg5[%dma_start3A_2152] : memref<86016xf32, #tpu.memory_space<vmem>> -> memref<2048xf32, #tpu.memory_space<vmem>>
        %dma_start3A_2154 = tpu.memref_slice %arg2[%select_n3A, %dma_start3A_2151, %add3A_2024] : memref<8x21x262144xf32, #tpu.memory_space<hbm>> -> memref<1x1x2048xf32, #tpu.memory_space<hbm>>
        %dma_start3A_2155 = tpu.memref_squeeze %dma_start3A_2154 : memref<1x1x2048xf32, #tpu.memory_space<hbm>> -> memref<2048xf32, #tpu.memory_space<hbm>>
        %dma_start3A_2156 = arith.constant 28672 : i32
        %dma_start3A_2157 = tpu.memref_slice %arg5[%dma_start3A_2156] : memref<86016xf32, #tpu.memory_space<vmem>> -> memref<2048xf32, #tpu.memory_space<vmem>>
        %dma_start3A_2158 = tpu.memref_slice %arg2[%select_n3A, %dma_start3A_2151, %add3A_2024] : memref<8x21x262144xf32, #tpu.memory_space<hbm>> -> memref<1x1x2048xf32, #tpu.memory_space<hbm>>
        %dma_start3A_2159 = tpu.memref_squeeze %dma_start3A_2158 : memref<1x1x2048xf32, #tpu.memory_space<hbm>> -> memref<2048xf32, #tpu.memory_space<hbm>>
        tpu.enqueue_dma source(%dma_start3A_2159 : memref<2048xf32, #tpu.memory_space<hbm>>) target(%dma_start3A_2157 : memref<2048xf32, #tpu.memory_space<vmem>>) target_semaphore(%arg8 : memref<!tpu.dma_semaphore, #tpu.memory_space<semaphore_mem>>)
        %dma_start3A_2160 = arith.constant 15 : i32
        %dma_start3A_2161 = arith.constant 30720 : i32
        %dma_start3A_2162 = tpu.memref_slice %arg5[%dma_start3A_2161] : memref<86016xf32, #tpu.memory_space<vmem>> -> memref<2048xf32, #tpu.memory_space<vmem>>
        %dma_start3A_2163 = tpu.memref_slice %arg2[%select_n3A, %dma_start3A_2160, %add3A_2024] : memref<8x21x262144xf32, #tpu.memory_space<hbm>> -> memref<1x1x2048xf32, #tpu.memory_space<hbm>>
        %dma_start3A_2164 = tpu.memref_squeeze %dma_start3A_2163 : memref<1x1x2048xf32, #tpu.memory_space<hbm>> -> memref<2048xf32, #tpu.memory_space<hbm>>
        %dma_start3A_2165 = arith.constant 30720 : i32
        %dma_start3A_2166 = tpu.memref_slice %arg5[%dma_start3A_2165] : memref<86016xf32, #tpu.memory_space<vmem>> -> memref<2048xf32, #tpu.memory_space<vmem>>
        %dma_start3A_2167 = tpu.memref_slice %arg2[%select_n3A, %dma_start3A_2160, %add3A_2024] : memref<8x21x262144xf32, #tpu.memory_space<hbm>> -> memref<1x1x2048xf32, #tpu.memory_space<hbm>>
        %dma_start3A_2168 = tpu.memref_squeeze %dma_start3A_2167 : memref<1x1x2048xf32, #tpu.memory_space<hbm>> -> memref<2048xf32, #tpu.memory_space<hbm>>
        tpu.enqueue_dma source(%dma_start3A_2168 : memref<2048xf32, #tpu.memory_space<hbm>>) target(%dma_start3A_2166 : memref<2048xf32, #tpu.memory_space<vmem>>) target_semaphore(%arg8 : memref<!tpu.dma_semaphore, #tpu.memory_space<semaphore_mem>>)
        %dma_start3A_2169 = arith.constant 16 : i32
        %dma_start3A_2170 = arith.constant 32768 : i32
        %dma_start3A_2171 = tpu.memref_slice %arg5[%dma_start3A_2170] : memref<86016xf32, #tpu.memory_space<vmem>> -> memref<2048xf32, #tpu.memory_space<vmem>>
        %dma_start3A_2172 = tpu.memref_slice %arg2[%select_n3A, %dma_start3A_2169, %add3A_2024] : memref<8x21x262144xf32, #tpu.memory_space<hbm>> -> memref<1x1x2048xf32, #tpu.memory_space<hbm>>
        %dma_start3A_2173 = tpu.memref_squeeze %dma_start3A_2172 : memref<1x1x2048xf32, #tpu.memory_space<hbm>> -> memref<2048xf32, #tpu.memory_space<hbm>>
        %dma_start3A_2174 = arith.constant 32768 : i32
        %dma_start3A_2175 = tpu.memref_slice %arg5[%dma_start3A_2174] : memref<86016xf32, #tpu.memory_space<vmem>> -> memref<2048xf32, #tpu.memory_space<vmem>>
        %dma_start3A_2176 = tpu.memref_slice %arg2[%select_n3A, %dma_start3A_2169, %add3A_2024] : memref<8x21x262144xf32, #tpu.memory_space<hbm>> -> memref<1x1x2048xf32, #tpu.memory_space<hbm>>
        %dma_start3A_2177 = tpu.memref_squeeze %dma_start3A_2176 : memref<1x1x2048xf32, #tpu.memory_space<hbm>> -> memref<2048xf32, #tpu.memory_space<hbm>>
        tpu.enqueue_dma source(%dma_start3A_2177 : memref<2048xf32, #tpu.memory_space<hbm>>) target(%dma_start3A_2175 : memref<2048xf32, #tpu.memory_space<vmem>>) target_semaphore(%arg8 : memref<!tpu.dma_semaphore, #tpu.memory_space<semaphore_mem>>)
        %dma_start3A_2178 = arith.constant 17 : i32
        %dma_start3A_2179 = arith.constant 34816 : i32
        %dma_start3A_2180 = tpu.memref_slice %arg5[%dma_start3A_2179] : memref<86016xf32, #tpu.memory_space<vmem>> -> memref<2048xf32, #tpu.memory_space<vmem>>
        %dma_start3A_2181 = tpu.memref_slice %arg2[%select_n3A, %dma_start3A_2178, %add3A_2024] : memref<8x21x262144xf32, #tpu.memory_space<hbm>> -> memref<1x1x2048xf32, #tpu.memory_space<hbm>>
        %dma_start3A_2182 = tpu.memref_squeeze %dma_start3A_2181 : memref<1x1x2048xf32, #tpu.memory_space<hbm>> -> memref<2048xf32, #tpu.memory_space<hbm>>
        %dma_start3A_2183 = arith.constant 34816 : i32
        %dma_start3A_2184 = tpu.memref_slice %arg5[%dma_start3A_2183] : memref<86016xf32, #tpu.memory_space<vmem>> -> memref<2048xf32, #tpu.memory_space<vmem>>
        %dma_start3A_2185 = tpu.memref_slice %arg2[%select_n3A, %dma_start3A_2178, %add3A_2024] : memref<8x21x262144xf32, #tpu.memory_space<hbm>> -> memref<1x1x2048xf32, #tpu.memory_space<hbm>>
        %dma_start3A_2186 = tpu.memref_squeeze %dma_start3A_2185 : memref<1x1x2048xf32, #tpu.memory_space<hbm>> -> memref<2048xf32, #tpu.memory_space<hbm>>
        tpu.enqueue_dma source(%dma_start3A_2186 : memref<2048xf32, #tpu.memory_space<hbm>>) target(%dma_start3A_2184 : memref<2048xf32, #tpu.memory_space<vmem>>) target_semaphore(%arg8 : memref<!tpu.dma_semaphore, #tpu.memory_space<semaphore_mem>>)
        %dma_start3A_2187 = arith.constant 18 : i32
        %dma_start3A_2188 = arith.constant 36864 : i32
        %dma_start3A_2189 = tpu.memref_slice %arg5[%dma_start3A_2188] : memref<86016xf32, #tpu.memory_space<vmem>> -> memref<2048xf32, #tpu.memory_space<vmem>>
        %dma_start3A_2190 = tpu.memref_slice %arg2[%select_n3A, %dma_start3A_2187, %add3A_2024] : memref<8x21x262144xf32, #tpu.memory_space<hbm>> -> memref<1x1x2048xf32, #tpu.memory_space<hbm>>
        %dma_start3A_2191 = tpu.memref_squeeze %dma_start3A_2190 : memref<1x1x2048xf32, #tpu.memory_space<hbm>> -> memref<2048xf32, #tpu.memory_space<hbm>>
        %dma_start3A_2192 = arith.constant 36864 : i32
        %dma_start3A_2193 = tpu.memref_slice %arg5[%dma_start3A_2192] : memref<86016xf32, #tpu.memory_space<vmem>> -> memref<2048xf32, #tpu.memory_space<vmem>>
        %dma_start3A_2194 = tpu.memref_slice %arg2[%select_n3A, %dma_start3A_2187, %add3A_2024] : memref<8x21x262144xf32, #tpu.memory_space<hbm>> -> memref<1x1x2048xf32, #tpu.memory_space<hbm>>
        %dma_start3A_2195 = tpu.memref_squeeze %dma_start3A_2194 : memref<1x1x2048xf32, #tpu.memory_space<hbm>> -> memref<2048xf32, #tpu.memory_space<hbm>>
        tpu.enqueue_dma source(%dma_start3A_2195 : memref<2048xf32, #tpu.memory_space<hbm>>) target(%dma_start3A_2193 : memref<2048xf32, #tpu.memory_space<vmem>>) target_semaphore(%arg8 : memref<!tpu.dma_semaphore, #tpu.memory_space<semaphore_mem>>)
        %dma_start3A_2196 = arith.constant 19 : i32
        %dma_start3A_2197 = arith.constant 38912 : i32
        %dma_start3A_2198 = tpu.memref_slice %arg5[%dma_start3A_2197] : memref<86016xf32, #tpu.memory_space<vmem>> -> memref<2048xf32, #tpu.memory_space<vmem>>
        %dma_start3A_2199 = tpu.memref_slice %arg2[%select_n3A, %dma_start3A_2196, %add3A_2024] : memref<8x21x262144xf32, #tpu.memory_space<hbm>> -> memref<1x1x2048xf32, #tpu.memory_space<hbm>>
        %dma_start3A_2200 = tpu.memref_squeeze %dma_start3A_2199 : memref<1x1x2048xf32, #tpu.memory_space<hbm>> -> memref<2048xf32, #tpu.memory_space<hbm>>
        %dma_start3A_2201 = arith.constant 38912 : i32
        %dma_start3A_2202 = tpu.memref_slice %arg5[%dma_start3A_2201] : memref<86016xf32, #tpu.memory_space<vmem>> -> memref<2048xf32, #tpu.memory_space<vmem>>
        %dma_start3A_2203 = tpu.memref_slice %arg2[%select_n3A, %dma_start3A_2196, %add3A_2024] : memref<8x21x262144xf32, #tpu.memory_space<hbm>> -> memref<1x1x2048xf32, #tpu.memory_space<hbm>>
        %dma_start3A_2204 = tpu.memref_squeeze %dma_start3A_2203 : memref<1x1x2048xf32, #tpu.memory_space<hbm>> -> memref<2048xf32, #tpu.memory_space<hbm>>
        tpu.enqueue_dma source(%dma_start3A_2204 : memref<2048xf32, #tpu.memory_space<hbm>>) target(%dma_start3A_2202 : memref<2048xf32, #tpu.memory_space<vmem>>) target_semaphore(%arg8 : memref<!tpu.dma_semaphore, #tpu.memory_space<semaphore_mem>>)
        %dma_start3A_2205 = arith.constant 20 : i32
        %dma_start3A_2206 = arith.constant 40960 : i32
        %dma_start3A_2207 = tpu.memref_slice %arg5[%dma_start3A_2206] : memref<86016xf32, #tpu.memory_space<vmem>> -> memref<2048xf32, #tpu.memory_space<vmem>>
        %dma_start3A_2208 = tpu.memref_slice %arg2[%select_n3A, %dma_start3A_2205, %add3A_2024] : memref<8x21x262144xf32, #tpu.memory_space<hbm>> -> memref<1x1x2048xf32, #tpu.memory_space<hbm>>
        %dma_start3A_2209 = tpu.memref_squeeze %dma_start3A_2208 : memref<1x1x2048xf32, #tpu.memory_space<hbm>> -> memref<2048xf32, #tpu.memory_space<hbm>>
        %dma_start3A_2210 = arith.constant 40960 : i32
        %dma_start3A_2211 = tpu.memref_slice %arg5[%dma_start3A_2210] : memref<86016xf32, #tpu.memory_space<vmem>> -> memref<2048xf32, #tpu.memory_space<vmem>>
        %dma_start3A_2212 = tpu.memref_slice %arg2[%select_n3A, %dma_start3A_2205, %add3A_2024] : memref<8x21x262144xf32, #tpu.memory_space<hbm>> -> memref<1x1x2048xf32, #tpu.memory_space<hbm>>
        %dma_start3A_2213 = tpu.memref_squeeze %dma_start3A_2212 : memref<1x1x2048xf32, #tpu.memory_space<hbm>> -> memref<2048xf32, #tpu.memory_space<hbm>>
        tpu.enqueue_dma source(%dma_start3A_2213 : memref<2048xf32, #tpu.memory_space<hbm>>) target(%dma_start3A_2211 : memref<2048xf32, #tpu.memory_space<vmem>>) target_semaphore(%arg8 : memref<!tpu.dma_semaphore, #tpu.memory_space<semaphore_mem>>)
        %dma_start3A_2214 = arith.constant 0 : i32
        %dma_start3A_2215 = tpu.memref_slice %arg6[%dma_start3A_2214] : memref<4096xi32, #tpu.memory_space<vmem>> -> memref<2048xi32, #tpu.memory_space<vmem>>
        %dma_start3A_2216 = tpu.memref_slice %arg3[%select_n3A, %add3A_2024] : memref<8x262144xi32, #tpu.memory_space<hbm>> -> memref<1x2048xi32, #tpu.memory_space<hbm>>
        %dma_start3A_2217 = tpu.memref_squeeze %dma_start3A_2216 : memref<1x2048xi32, #tpu.memory_space<hbm>> -> memref<2048xi32, #tpu.memory_space<hbm>>
        %dma_start3A_2218 = arith.constant 0 : i32
        %dma_start3A_2219 = tpu.memref_slice %arg6[%dma_start3A_2218] : memref<4096xi32, #tpu.memory_space<vmem>> -> memref<2048xi32, #tpu.memory_space<vmem>>
        %dma_start3A_2220 = tpu.memref_slice %arg3[%select_n3A, %add3A_2024] : memref<8x262144xi32, #tpu.memory_space<hbm>> -> memref<1x2048xi32, #tpu.memory_space<hbm>>
        %dma_start3A_2221 = tpu.memref_squeeze %dma_start3A_2220 : memref<1x2048xi32, #tpu.memory_space<hbm>> -> memref<2048xi32, #tpu.memory_space<hbm>>
        tpu.enqueue_dma source(%dma_start3A_2221 : memref<2048xi32, #tpu.memory_space<hbm>>) target(%dma_start3A_2219 : memref<2048xi32, #tpu.memory_space<vmem>>) target_semaphore(%arg8 : memref<!tpu.dma_semaphore, #tpu.memory_space<semaphore_mem>>)
      } else {
      }
      %add3A_1813 = arith.constant 1 : i32
      %add3A_1814 = arith.addi %mul3A_1400, %add3A_1813 : i32
      %mul3A_1815 = arith.constant 2048 : i32
      %mul3A_1816 = arith.muli %add3A_1814, %mul3A_1815 : i32
      %add3A_1817 = arith.addi %mul3A_32, %mul3A_1816 : i32
      %dma_wait3A_1818 = arith.constant 0 : i32
      %dma_wait3A_1819 = arith.constant 43008 : i32
      %dma_wait3A_1820 = tpu.memref_slice %arg5[%dma_wait3A_1819] : memref<86016xf32, #tpu.memory_space<vmem>> -> memref<2048xf32, #tpu.memory_space<vmem>>
      %dma_wait3A_1821 = tpu.memref_slice %arg2[%select_n3A, %dma_wait3A_1818, %add3A_1817] : memref<8x21x262144xf32, #tpu.memory_space<hbm>> -> memref<1x1x2048xf32, #tpu.memory_space<hbm>>
      %dma_wait3A_1822 = tpu.memref_squeeze %dma_wait3A_1821 : memref<1x1x2048xf32, #tpu.memory_space<hbm>> -> memref<2048xf32, #tpu.memory_space<hbm>>
      %dma_wait3A_1823 = arith.constant 43008 : i32
      %dma_wait3A_1824 = tpu.memref_slice %arg5[%dma_wait3A_1823] : memref<86016xf32, #tpu.memory_space<vmem>> -> memref<2048xf32, #tpu.memory_space<vmem>>
      %dma_wait3A_1825 = tpu.memref_slice %arg2[%select_n3A, %dma_wait3A_1818, %add3A_1817] : memref<8x21x262144xf32, #tpu.memory_space<hbm>> -> memref<1x1x2048xf32, #tpu.memory_space<hbm>>
      %dma_wait3A_1826 = tpu.memref_squeeze %dma_wait3A_1825 : memref<1x1x2048xf32, #tpu.memory_space<hbm>> -> memref<2048xf32, #tpu.memory_space<hbm>>
      tpu.wait_dma2 semaphore(%arg9 : memref<!tpu.dma_semaphore, #tpu.memory_space<semaphore_mem>>) src(%dma_wait3A_1826 : memref<2048xf32, #tpu.memory_space<hbm>>) dst(%dma_wait3A_1824 : memref<2048xf32, #tpu.memory_space<vmem>>)
      %dma_wait3A_1827 = arith.constant 1 : i32
      %dma_wait3A_1828 = arith.constant 45056 : i32
      %dma_wait3A_1829 = tpu.memref_slice %arg5[%dma_wait3A_1828] : memref<86016xf32, #tpu.memory_space<vmem>> -> memref<2048xf32, #tpu.memory_space<vmem>>
      %dma_wait3A_1830 = tpu.memref_slice %arg2[%select_n3A, %dma_wait3A_1827, %add3A_1817] : memref<8x21x262144xf32, #tpu.memory_space<hbm>> -> memref<1x1x2048xf32, #tpu.memory_space<hbm>>
      %dma_wait3A_1831 = tpu.memref_squeeze %dma_wait3A_1830 : memref<1x1x2048xf32, #tpu.memory_space<hbm>> -> memref<2048xf32, #tpu.memory_space<hbm>>
      %dma_wait3A_1832 = arith.constant 45056 : i32
      %dma_wait3A_1833 = tpu.memref_slice %arg5[%dma_wait3A_1832] : memref<86016xf32, #tpu.memory_space<vmem>> -> memref<2048xf32, #tpu.memory_space<vmem>>
      %dma_wait3A_1834 = tpu.memref_slice %arg2[%select_n3A, %dma_wait3A_1827, %add3A_1817] : memref<8x21x262144xf32, #tpu.memory_space<hbm>> -> memref<1x1x2048xf32, #tpu.memory_space<hbm>>
      %dma_wait3A_1835 = tpu.memref_squeeze %dma_wait3A_1834 : memref<1x1x2048xf32, #tpu.memory_space<hbm>> -> memref<2048xf32, #tpu.memory_space<hbm>>
      tpu.wait_dma2 semaphore(%arg9 : memref<!tpu.dma_semaphore, #tpu.memory_space<semaphore_mem>>) src(%dma_wait3A_1835 : memref<2048xf32, #tpu.memory_space<hbm>>) dst(%dma_wait3A_1833 : memref<2048xf32, #tpu.memory_space<vmem>>)
      %dma_wait3A_1836 = arith.constant 2 : i32
      %dma_wait3A_1837 = arith.constant 47104 : i32
      %dma_wait3A_1838 = tpu.memref_slice %arg5[%dma_wait3A_1837] : memref<86016xf32, #tpu.memory_space<vmem>> -> memref<2048xf32, #tpu.memory_space<vmem>>
      %dma_wait3A_1839 = tpu.memref_slice %arg2[%select_n3A, %dma_wait3A_1836, %add3A_1817] : memref<8x21x262144xf32, #tpu.memory_space<hbm>> -> memref<1x1x2048xf32, #tpu.memory_space<hbm>>
      %dma_wait3A_1840 = tpu.memref_squeeze %dma_wait3A_1839 : memref<1x1x2048xf32, #tpu.memory_space<hbm>> -> memref<2048xf32, #tpu.memory_space<hbm>>
      %dma_wait3A_1841 = arith.constant 47104 : i32
      %dma_wait3A_1842 = tpu.memref_slice %arg5[%dma_wait3A_1841] : memref<86016xf32, #tpu.memory_space<vmem>> -> memref<2048xf32, #tpu.memory_space<vmem>>
      %dma_wait3A_1843 = tpu.memref_slice %arg2[%select_n3A, %dma_wait3A_1836, %add3A_1817] : memref<8x21x262144xf32, #tpu.memory_space<hbm>> -> memref<1x1x2048xf32, #tpu.memory_space<hbm>>
      %dma_wait3A_1844 = tpu.memref_squeeze %dma_wait3A_1843 : memref<1x1x2048xf32, #tpu.memory_space<hbm>> -> memref<2048xf32, #tpu.memory_space<hbm>>
      tpu.wait_dma2 semaphore(%arg9 : memref<!tpu.dma_semaphore, #tpu.memory_space<semaphore_mem>>) src(%dma_wait3A_1844 : memref<2048xf32, #tpu.memory_space<hbm>>) dst(%dma_wait3A_1842 : memref<2048xf32, #tpu.memory_space<vmem>>)
      %dma_wait3A_1845 = arith.constant 3 : i32
      %dma_wait3A_1846 = arith.constant 49152 : i32
      %dma_wait3A_1847 = tpu.memref_slice %arg5[%dma_wait3A_1846] : memref<86016xf32, #tpu.memory_space<vmem>> -> memref<2048xf32, #tpu.memory_space<vmem>>
      %dma_wait3A_1848 = tpu.memref_slice %arg2[%select_n3A, %dma_wait3A_1845, %add3A_1817] : memref<8x21x262144xf32, #tpu.memory_space<hbm>> -> memref<1x1x2048xf32, #tpu.memory_space<hbm>>
      %dma_wait3A_1849 = tpu.memref_squeeze %dma_wait3A_1848 : memref<1x1x2048xf32, #tpu.memory_space<hbm>> -> memref<2048xf32, #tpu.memory_space<hbm>>
      %dma_wait3A_1850 = arith.constant 49152 : i32
      %dma_wait3A_1851 = tpu.memref_slice %arg5[%dma_wait3A_1850] : memref<86016xf32, #tpu.memory_space<vmem>> -> memref<2048xf32, #tpu.memory_space<vmem>>
      %dma_wait3A_1852 = tpu.memref_slice %arg2[%select_n3A, %dma_wait3A_1845, %add3A_1817] : memref<8x21x262144xf32, #tpu.memory_space<hbm>> -> memref<1x1x2048xf32, #tpu.memory_space<hbm>>
      %dma_wait3A_1853 = tpu.memref_squeeze %dma_wait3A_1852 : memref<1x1x2048xf32, #tpu.memory_space<hbm>> -> memref<2048xf32, #tpu.memory_space<hbm>>
      tpu.wait_dma2 semaphore(%arg9 : memref<!tpu.dma_semaphore, #tpu.memory_space<semaphore_mem>>) src(%dma_wait3A_1853 : memref<2048xf32, #tpu.memory_space<hbm>>) dst(%dma_wait3A_1851 : memref<2048xf32, #tpu.memory_space<vmem>>)
      %dma_wait3A_1854 = arith.constant 4 : i32
      %dma_wait3A_1855 = arith.constant 51200 : i32
      %dma_wait3A_1856 = tpu.memref_slice %arg5[%dma_wait3A_1855] : memref<86016xf32, #tpu.memory_space<vmem>> -> memref<2048xf32, #tpu.memory_space<vmem>>
      %dma_wait3A_1857 = tpu.memref_slice %arg2[%select_n3A, %dma_wait3A_1854, %add3A_1817] : memref<8x21x262144xf32, #tpu.memory_space<hbm>> -> memref<1x1x2048xf32, #tpu.memory_space<hbm>>
      %dma_wait3A_1858 = tpu.memref_squeeze %dma_wait3A_1857 : memref<1x1x2048xf32, #tpu.memory_space<hbm>> -> memref<2048xf32, #tpu.memory_space<hbm>>
      %dma_wait3A_1859 = arith.constant 51200 : i32
      %dma_wait3A_1860 = tpu.memref_slice %arg5[%dma_wait3A_1859] : memref<86016xf32, #tpu.memory_space<vmem>> -> memref<2048xf32, #tpu.memory_space<vmem>>
      %dma_wait3A_1861 = tpu.memref_slice %arg2[%select_n3A, %dma_wait3A_1854, %add3A_1817] : memref<8x21x262144xf32, #tpu.memory_space<hbm>> -> memref<1x1x2048xf32, #tpu.memory_space<hbm>>
      %dma_wait3A_1862 = tpu.memref_squeeze %dma_wait3A_1861 : memref<1x1x2048xf32, #tpu.memory_space<hbm>> -> memref<2048xf32, #tpu.memory_space<hbm>>
      tpu.wait_dma2 semaphore(%arg9 : memref<!tpu.dma_semaphore, #tpu.memory_space<semaphore_mem>>) src(%dma_wait3A_1862 : memref<2048xf32, #tpu.memory_space<hbm>>) dst(%dma_wait3A_1860 : memref<2048xf32, #tpu.memory_space<vmem>>)
      %dma_wait3A_1863 = arith.constant 5 : i32
      %dma_wait3A_1864 = arith.constant 53248 : i32
      %dma_wait3A_1865 = tpu.memref_slice %arg5[%dma_wait3A_1864] : memref<86016xf32, #tpu.memory_space<vmem>> -> memref<2048xf32, #tpu.memory_space<vmem>>
      %dma_wait3A_1866 = tpu.memref_slice %arg2[%select_n3A, %dma_wait3A_1863, %add3A_1817] : memref<8x21x262144xf32, #tpu.memory_space<hbm>> -> memref<1x1x2048xf32, #tpu.memory_space<hbm>>
      %dma_wait3A_1867 = tpu.memref_squeeze %dma_wait3A_1866 : memref<1x1x2048xf32, #tpu.memory_space<hbm>> -> memref<2048xf32, #tpu.memory_space<hbm>>
      %dma_wait3A_1868 = arith.constant 53248 : i32
      %dma_wait3A_1869 = tpu.memref_slice %arg5[%dma_wait3A_1868] : memref<86016xf32, #tpu.memory_space<vmem>> -> memref<2048xf32, #tpu.memory_space<vmem>>
      %dma_wait3A_1870 = tpu.memref_slice %arg2[%select_n3A, %dma_wait3A_1863, %add3A_1817] : memref<8x21x262144xf32, #tpu.memory_space<hbm>> -> memref<1x1x2048xf32, #tpu.memory_space<hbm>>
      %dma_wait3A_1871 = tpu.memref_squeeze %dma_wait3A_1870 : memref<1x1x2048xf32, #tpu.memory_space<hbm>> -> memref<2048xf32, #tpu.memory_space<hbm>>
      tpu.wait_dma2 semaphore(%arg9 : memref<!tpu.dma_semaphore, #tpu.memory_space<semaphore_mem>>) src(%dma_wait3A_1871 : memref<2048xf32, #tpu.memory_space<hbm>>) dst(%dma_wait3A_1869 : memref<2048xf32, #tpu.memory_space<vmem>>)
      %dma_wait3A_1872 = arith.constant 6 : i32
      %dma_wait3A_1873 = arith.constant 55296 : i32
      %dma_wait3A_1874 = tpu.memref_slice %arg5[%dma_wait3A_1873] : memref<86016xf32, #tpu.memory_space<vmem>> -> memref<2048xf32, #tpu.memory_space<vmem>>
      %dma_wait3A_1875 = tpu.memref_slice %arg2[%select_n3A, %dma_wait3A_1872, %add3A_1817] : memref<8x21x262144xf32, #tpu.memory_space<hbm>> -> memref<1x1x2048xf32, #tpu.memory_space<hbm>>
      %dma_wait3A_1876 = tpu.memref_squeeze %dma_wait3A_1875 : memref<1x1x2048xf32, #tpu.memory_space<hbm>> -> memref<2048xf32, #tpu.memory_space<hbm>>
      %dma_wait3A_1877 = arith.constant 55296 : i32
      %dma_wait3A_1878 = tpu.memref_slice %arg5[%dma_wait3A_1877] : memref<86016xf32, #tpu.memory_space<vmem>> -> memref<2048xf32, #tpu.memory_space<vmem>>
      %dma_wait3A_1879 = tpu.memref_slice %arg2[%select_n3A, %dma_wait3A_1872, %add3A_1817] : memref<8x21x262144xf32, #tpu.memory_space<hbm>> -> memref<1x1x2048xf32, #tpu.memory_space<hbm>>
      %dma_wait3A_1880 = tpu.memref_squeeze %dma_wait3A_1879 : memref<1x1x2048xf32, #tpu.memory_space<hbm>> -> memref<2048xf32, #tpu.memory_space<hbm>>
      tpu.wait_dma2 semaphore(%arg9 : memref<!tpu.dma_semaphore, #tpu.memory_space<semaphore_mem>>) src(%dma_wait3A_1880 : memref<2048xf32, #tpu.memory_space<hbm>>) dst(%dma_wait3A_1878 : memref<2048xf32, #tpu.memory_space<vmem>>)
      %dma_wait3A_1881 = arith.constant 7 : i32
      %dma_wait3A_1882 = arith.constant 57344 : i32
      %dma_wait3A_1883 = tpu.memref_slice %arg5[%dma_wait3A_1882] : memref<86016xf32, #tpu.memory_space<vmem>> -> memref<2048xf32, #tpu.memory_space<vmem>>
      %dma_wait3A_1884 = tpu.memref_slice %arg2[%select_n3A, %dma_wait3A_1881, %add3A_1817] : memref<8x21x262144xf32, #tpu.memory_space<hbm>> -> memref<1x1x2048xf32, #tpu.memory_space<hbm>>
      %dma_wait3A_1885 = tpu.memref_squeeze %dma_wait3A_1884 : memref<1x1x2048xf32, #tpu.memory_space<hbm>> -> memref<2048xf32, #tpu.memory_space<hbm>>
      %dma_wait3A_1886 = arith.constant 57344 : i32
      %dma_wait3A_1887 = tpu.memref_slice %arg5[%dma_wait3A_1886] : memref<86016xf32, #tpu.memory_space<vmem>> -> memref<2048xf32, #tpu.memory_space<vmem>>
      %dma_wait3A_1888 = tpu.memref_slice %arg2[%select_n3A, %dma_wait3A_1881, %add3A_1817] : memref<8x21x262144xf32, #tpu.memory_space<hbm>> -> memref<1x1x2048xf32, #tpu.memory_space<hbm>>
      %dma_wait3A_1889 = tpu.memref_squeeze %dma_wait3A_1888 : memref<1x1x2048xf32, #tpu.memory_space<hbm>> -> memref<2048xf32, #tpu.memory_space<hbm>>
      tpu.wait_dma2 semaphore(%arg9 : memref<!tpu.dma_semaphore, #tpu.memory_space<semaphore_mem>>) src(%dma_wait3A_1889 : memref<2048xf32, #tpu.memory_space<hbm>>) dst(%dma_wait3A_1887 : memref<2048xf32, #tpu.memory_space<vmem>>)
      %dma_wait3A_1890 = arith.constant 8 : i32
      %dma_wait3A_1891 = arith.constant 59392 : i32
      %dma_wait3A_1892 = tpu.memref_slice %arg5[%dma_wait3A_1891] : memref<86016xf32, #tpu.memory_space<vmem>> -> memref<2048xf32, #tpu.memory_space<vmem>>
      %dma_wait3A_1893 = tpu.memref_slice %arg2[%select_n3A, %dma_wait3A_1890, %add3A_1817] : memref<8x21x262144xf32, #tpu.memory_space<hbm>> -> memref<1x1x2048xf32, #tpu.memory_space<hbm>>
      %dma_wait3A_1894 = tpu.memref_squeeze %dma_wait3A_1893 : memref<1x1x2048xf32, #tpu.memory_space<hbm>> -> memref<2048xf32, #tpu.memory_space<hbm>>
      %dma_wait3A_1895 = arith.constant 59392 : i32
      %dma_wait3A_1896 = tpu.memref_slice %arg5[%dma_wait3A_1895] : memref<86016xf32, #tpu.memory_space<vmem>> -> memref<2048xf32, #tpu.memory_space<vmem>>
      %dma_wait3A_1897 = tpu.memref_slice %arg2[%select_n3A, %dma_wait3A_1890, %add3A_1817] : memref<8x21x262144xf32, #tpu.memory_space<hbm>> -> memref<1x1x2048xf32, #tpu.memory_space<hbm>>
      %dma_wait3A_1898 = tpu.memref_squeeze %dma_wait3A_1897 : memref<1x1x2048xf32, #tpu.memory_space<hbm>> -> memref<2048xf32, #tpu.memory_space<hbm>>
      tpu.wait_dma2 semaphore(%arg9 : memref<!tpu.dma_semaphore, #tpu.memory_space<semaphore_mem>>) src(%dma_wait3A_1898 : memref<2048xf32, #tpu.memory_space<hbm>>) dst(%dma_wait3A_1896 : memref<2048xf32, #tpu.memory_space<vmem>>)
      %dma_wait3A_1899 = arith.constant 9 : i32
      %dma_wait3A_1900 = arith.constant 61440 : i32
      %dma_wait3A_1901 = tpu.memref_slice %arg5[%dma_wait3A_1900] : memref<86016xf32, #tpu.memory_space<vmem>> -> memref<2048xf32, #tpu.memory_space<vmem>>
      %dma_wait3A_1902 = tpu.memref_slice %arg2[%select_n3A, %dma_wait3A_1899, %add3A_1817] : memref<8x21x262144xf32, #tpu.memory_space<hbm>> -> memref<1x1x2048xf32, #tpu.memory_space<hbm>>
      %dma_wait3A_1903 = tpu.memref_squeeze %dma_wait3A_1902 : memref<1x1x2048xf32, #tpu.memory_space<hbm>> -> memref<2048xf32, #tpu.memory_space<hbm>>
      %dma_wait3A_1904 = arith.constant 61440 : i32
      %dma_wait3A_1905 = tpu.memref_slice %arg5[%dma_wait3A_1904] : memref<86016xf32, #tpu.memory_space<vmem>> -> memref<2048xf32, #tpu.memory_space<vmem>>
      %dma_wait3A_1906 = tpu.memref_slice %arg2[%select_n3A, %dma_wait3A_1899, %add3A_1817] : memref<8x21x262144xf32, #tpu.memory_space<hbm>> -> memref<1x1x2048xf32, #tpu.memory_space<hbm>>
      %dma_wait3A_1907 = tpu.memref_squeeze %dma_wait3A_1906 : memref<1x1x2048xf32, #tpu.memory_space<hbm>> -> memref<2048xf32, #tpu.memory_space<hbm>>
      tpu.wait_dma2 semaphore(%arg9 : memref<!tpu.dma_semaphore, #tpu.memory_space<semaphore_mem>>) src(%dma_wait3A_1907 : memref<2048xf32, #tpu.memory_space<hbm>>) dst(%dma_wait3A_1905 : memref<2048xf32, #tpu.memory_space<vmem>>)
      %dma_wait3A_1908 = arith.constant 10 : i32
      %dma_wait3A_1909 = arith.constant 63488 : i32
      %dma_wait3A_1910 = tpu.memref_slice %arg5[%dma_wait3A_1909] : memref<86016xf32, #tpu.memory_space<vmem>> -> memref<2048xf32, #tpu.memory_space<vmem>>
      %dma_wait3A_1911 = tpu.memref_slice %arg2[%select_n3A, %dma_wait3A_1908, %add3A_1817] : memref<8x21x262144xf32, #tpu.memory_space<hbm>> -> memref<1x1x2048xf32, #tpu.memory_space<hbm>>
      %dma_wait3A_1912 = tpu.memref_squeeze %dma_wait3A_1911 : memref<1x1x2048xf32, #tpu.memory_space<hbm>> -> memref<2048xf32, #tpu.memory_space<hbm>>
      %dma_wait3A_1913 = arith.constant 63488 : i32
      %dma_wait3A_1914 = tpu.memref_slice %arg5[%dma_wait3A_1913] : memref<86016xf32, #tpu.memory_space<vmem>> -> memref<2048xf32, #tpu.memory_space<vmem>>
      %dma_wait3A_1915 = tpu.memref_slice %arg2[%select_n3A, %dma_wait3A_1908, %add3A_1817] : memref<8x21x262144xf32, #tpu.memory_space<hbm>> -> memref<1x1x2048xf32, #tpu.memory_space<hbm>>
      %dma_wait3A_1916 = tpu.memref_squeeze %dma_wait3A_1915 : memref<1x1x2048xf32, #tpu.memory_space<hbm>> -> memref<2048xf32, #tpu.memory_space<hbm>>
      tpu.wait_dma2 semaphore(%arg9 : memref<!tpu.dma_semaphore, #tpu.memory_space<semaphore_mem>>) src(%dma_wait3A_1916 : memref<2048xf32, #tpu.memory_space<hbm>>) dst(%dma_wait3A_1914 : memref<2048xf32, #tpu.memory_space<vmem>>)
      %dma_wait3A_1917 = arith.constant 11 : i32
      %dma_wait3A_1918 = arith.constant 65536 : i32
      %dma_wait3A_1919 = tpu.memref_slice %arg5[%dma_wait3A_1918] : memref<86016xf32, #tpu.memory_space<vmem>> -> memref<2048xf32, #tpu.memory_space<vmem>>
      %dma_wait3A_1920 = tpu.memref_slice %arg2[%select_n3A, %dma_wait3A_1917, %add3A_1817] : memref<8x21x262144xf32, #tpu.memory_space<hbm>> -> memref<1x1x2048xf32, #tpu.memory_space<hbm>>
      %dma_wait3A_1921 = tpu.memref_squeeze %dma_wait3A_1920 : memref<1x1x2048xf32, #tpu.memory_space<hbm>> -> memref<2048xf32, #tpu.memory_space<hbm>>
      %dma_wait3A_1922 = arith.constant 65536 : i32
      %dma_wait3A_1923 = tpu.memref_slice %arg5[%dma_wait3A_1922] : memref<86016xf32, #tpu.memory_space<vmem>> -> memref<2048xf32, #tpu.memory_space<vmem>>
      %dma_wait3A_1924 = tpu.memref_slice %arg2[%select_n3A, %dma_wait3A_1917, %add3A_1817] : memref<8x21x262144xf32, #tpu.memory_space<hbm>> -> memref<1x1x2048xf32, #tpu.memory_space<hbm>>
      %dma_wait3A_1925 = tpu.memref_squeeze %dma_wait3A_1924 : memref<1x1x2048xf32, #tpu.memory_space<hbm>> -> memref<2048xf32, #tpu.memory_space<hbm>>
      tpu.wait_dma2 semaphore(%arg9 : memref<!tpu.dma_semaphore, #tpu.memory_space<semaphore_mem>>) src(%dma_wait3A_1925 : memref<2048xf32, #tpu.memory_space<hbm>>) dst(%dma_wait3A_1923 : memref<2048xf32, #tpu.memory_space<vmem>>)
      %dma_wait3A_1926 = arith.constant 12 : i32
      %dma_wait3A_1927 = arith.constant 67584 : i32
      %dma_wait3A_1928 = tpu.memref_slice %arg5[%dma_wait3A_1927] : memref<86016xf32, #tpu.memory_space<vmem>> -> memref<2048xf32, #tpu.memory_space<vmem>>
      %dma_wait3A_1929 = tpu.memref_slice %arg2[%select_n3A, %dma_wait3A_1926, %add3A_1817] : memref<8x21x262144xf32, #tpu.memory_space<hbm>> -> memref<1x1x2048xf32, #tpu.memory_space<hbm>>
      %dma_wait3A_1930 = tpu.memref_squeeze %dma_wait3A_1929 : memref<1x1x2048xf32, #tpu.memory_space<hbm>> -> memref<2048xf32, #tpu.memory_space<hbm>>
      %dma_wait3A_1931 = arith.constant 67584 : i32
      %dma_wait3A_1932 = tpu.memref_slice %arg5[%dma_wait3A_1931] : memref<86016xf32, #tpu.memory_space<vmem>> -> memref<2048xf32, #tpu.memory_space<vmem>>
      %dma_wait3A_1933 = tpu.memref_slice %arg2[%select_n3A, %dma_wait3A_1926, %add3A_1817] : memref<8x21x262144xf32, #tpu.memory_space<hbm>> -> memref<1x1x2048xf32, #tpu.memory_space<hbm>>
      %dma_wait3A_1934 = tpu.memref_squeeze %dma_wait3A_1933 : memref<1x1x2048xf32, #tpu.memory_space<hbm>> -> memref<2048xf32, #tpu.memory_space<hbm>>
      tpu.wait_dma2 semaphore(%arg9 : memref<!tpu.dma_semaphore, #tpu.memory_space<semaphore_mem>>) src(%dma_wait3A_1934 : memref<2048xf32, #tpu.memory_space<hbm>>) dst(%dma_wait3A_1932 : memref<2048xf32, #tpu.memory_space<vmem>>)
      %dma_wait3A_1935 = arith.constant 13 : i32
      %dma_wait3A_1936 = arith.constant 69632 : i32
      %dma_wait3A_1937 = tpu.memref_slice %arg5[%dma_wait3A_1936] : memref<86016xf32, #tpu.memory_space<vmem>> -> memref<2048xf32, #tpu.memory_space<vmem>>
      %dma_wait3A_1938 = tpu.memref_slice %arg2[%select_n3A, %dma_wait3A_1935, %add3A_1817] : memref<8x21x262144xf32, #tpu.memory_space<hbm>> -> memref<1x1x2048xf32, #tpu.memory_space<hbm>>
      %dma_wait3A_1939 = tpu.memref_squeeze %dma_wait3A_1938 : memref<1x1x2048xf32, #tpu.memory_space<hbm>> -> memref<2048xf32, #tpu.memory_space<hbm>>
      %dma_wait3A_1940 = arith.constant 69632 : i32
      %dma_wait3A_1941 = tpu.memref_slice %arg5[%dma_wait3A_1940] : memref<86016xf32, #tpu.memory_space<vmem>> -> memref<2048xf32, #tpu.memory_space<vmem>>
      %dma_wait3A_1942 = tpu.memref_slice %arg2[%select_n3A, %dma_wait3A_1935, %add3A_1817] : memref<8x21x262144xf32, #tpu.memory_space<hbm>> -> memref<1x1x2048xf32, #tpu.memory_space<hbm>>
      %dma_wait3A_1943 = tpu.memref_squeeze %dma_wait3A_1942 : memref<1x1x2048xf32, #tpu.memory_space<hbm>> -> memref<2048xf32, #tpu.memory_space<hbm>>
      tpu.wait_dma2 semaphore(%arg9 : memref<!tpu.dma_semaphore, #tpu.memory_space<semaphore_mem>>) src(%dma_wait3A_1943 : memref<2048xf32, #tpu.memory_space<hbm>>) dst(%dma_wait3A_1941 : memref<2048xf32, #tpu.memory_space<vmem>>)
      %dma_wait3A_1944 = arith.constant 14 : i32
      %dma_wait3A_1945 = arith.constant 71680 : i32
      %dma_wait3A_1946 = tpu.memref_slice %arg5[%dma_wait3A_1945] : memref<86016xf32, #tpu.memory_space<vmem>> -> memref<2048xf32, #tpu.memory_space<vmem>>
      %dma_wait3A_1947 = tpu.memref_slice %arg2[%select_n3A, %dma_wait3A_1944, %add3A_1817] : memref<8x21x262144xf32, #tpu.memory_space<hbm>> -> memref<1x1x2048xf32, #tpu.memory_space<hbm>>
      %dma_wait3A_1948 = tpu.memref_squeeze %dma_wait3A_1947 : memref<1x1x2048xf32, #tpu.memory_space<hbm>> -> memref<2048xf32, #tpu.memory_space<hbm>>
      %dma_wait3A_1949 = arith.constant 71680 : i32
      %dma_wait3A_1950 = tpu.memref_slice %arg5[%dma_wait3A_1949] : memref<86016xf32, #tpu.memory_space<vmem>> -> memref<2048xf32, #tpu.memory_space<vmem>>
      %dma_wait3A_1951 = tpu.memref_slice %arg2[%select_n3A, %dma_wait3A_1944, %add3A_1817] : memref<8x21x262144xf32, #tpu.memory_space<hbm>> -> memref<1x1x2048xf32, #tpu.memory_space<hbm>>
      %dma_wait3A_1952 = tpu.memref_squeeze %dma_wait3A_1951 : memref<1x1x2048xf32, #tpu.memory_space<hbm>> -> memref<2048xf32, #tpu.memory_space<hbm>>
      tpu.wait_dma2 semaphore(%arg9 : memref<!tpu.dma_semaphore, #tpu.memory_space<semaphore_mem>>) src(%dma_wait3A_1952 : memref<2048xf32, #tpu.memory_space<hbm>>) dst(%dma_wait3A_1950 : memref<2048xf32, #tpu.memory_space<vmem>>)
      %dma_wait3A_1953 = arith.constant 15 : i32
      %dma_wait3A_1954 = arith.constant 73728 : i32
      %dma_wait3A_1955 = tpu.memref_slice %arg5[%dma_wait3A_1954] : memref<86016xf32, #tpu.memory_space<vmem>> -> memref<2048xf32, #tpu.memory_space<vmem>>
      %dma_wait3A_1956 = tpu.memref_slice %arg2[%select_n3A, %dma_wait3A_1953, %add3A_1817] : memref<8x21x262144xf32, #tpu.memory_space<hbm>> -> memref<1x1x2048xf32, #tpu.memory_space<hbm>>
      %dma_wait3A_1957 = tpu.memref_squeeze %dma_wait3A_1956 : memref<1x1x2048xf32, #tpu.memory_space<hbm>> -> memref<2048xf32, #tpu.memory_space<hbm>>
      %dma_wait3A_1958 = arith.constant 73728 : i32
      %dma_wait3A_1959 = tpu.memref_slice %arg5[%dma_wait3A_1958] : memref<86016xf32, #tpu.memory_space<vmem>> -> memref<2048xf32, #tpu.memory_space<vmem>>
      %dma_wait3A_1960 = tpu.memref_slice %arg2[%select_n3A, %dma_wait3A_1953, %add3A_1817] : memref<8x21x262144xf32, #tpu.memory_space<hbm>> -> memref<1x1x2048xf32, #tpu.memory_space<hbm>>
      %dma_wait3A_1961 = tpu.memref_squeeze %dma_wait3A_1960 : memref<1x1x2048xf32, #tpu.memory_space<hbm>> -> memref<2048xf32, #tpu.memory_space<hbm>>
      tpu.wait_dma2 semaphore(%arg9 : memref<!tpu.dma_semaphore, #tpu.memory_space<semaphore_mem>>) src(%dma_wait3A_1961 : memref<2048xf32, #tpu.memory_space<hbm>>) dst(%dma_wait3A_1959 : memref<2048xf32, #tpu.memory_space<vmem>>)
      %dma_wait3A_1962 = arith.constant 16 : i32
      %dma_wait3A_1963 = arith.constant 75776 : i32
      %dma_wait3A_1964 = tpu.memref_slice %arg5[%dma_wait3A_1963] : memref<86016xf32, #tpu.memory_space<vmem>> -> memref<2048xf32, #tpu.memory_space<vmem>>
      %dma_wait3A_1965 = tpu.memref_slice %arg2[%select_n3A, %dma_wait3A_1962, %add3A_1817] : memref<8x21x262144xf32, #tpu.memory_space<hbm>> -> memref<1x1x2048xf32, #tpu.memory_space<hbm>>
      %dma_wait3A_1966 = tpu.memref_squeeze %dma_wait3A_1965 : memref<1x1x2048xf32, #tpu.memory_space<hbm>> -> memref<2048xf32, #tpu.memory_space<hbm>>
      %dma_wait3A_1967 = arith.constant 75776 : i32
      %dma_wait3A_1968 = tpu.memref_slice %arg5[%dma_wait3A_1967] : memref<86016xf32, #tpu.memory_space<vmem>> -> memref<2048xf32, #tpu.memory_space<vmem>>
      %dma_wait3A_1969 = tpu.memref_slice %arg2[%select_n3A, %dma_wait3A_1962, %add3A_1817] : memref<8x21x262144xf32, #tpu.memory_space<hbm>> -> memref<1x1x2048xf32, #tpu.memory_space<hbm>>
      %dma_wait3A_1970 = tpu.memref_squeeze %dma_wait3A_1969 : memref<1x1x2048xf32, #tpu.memory_space<hbm>> -> memref<2048xf32, #tpu.memory_space<hbm>>
      tpu.wait_dma2 semaphore(%arg9 : memref<!tpu.dma_semaphore, #tpu.memory_space<semaphore_mem>>) src(%dma_wait3A_1970 : memref<2048xf32, #tpu.memory_space<hbm>>) dst(%dma_wait3A_1968 : memref<2048xf32, #tpu.memory_space<vmem>>)
      %dma_wait3A_1971 = arith.constant 17 : i32
      %dma_wait3A_1972 = arith.constant 77824 : i32
      %dma_wait3A_1973 = tpu.memref_slice %arg5[%dma_wait3A_1972] : memref<86016xf32, #tpu.memory_space<vmem>> -> memref<2048xf32, #tpu.memory_space<vmem>>
      %dma_wait3A_1974 = tpu.memref_slice %arg2[%select_n3A, %dma_wait3A_1971, %add3A_1817] : memref<8x21x262144xf32, #tpu.memory_space<hbm>> -> memref<1x1x2048xf32, #tpu.memory_space<hbm>>
      %dma_wait3A_1975 = tpu.memref_squeeze %dma_wait3A_1974 : memref<1x1x2048xf32, #tpu.memory_space<hbm>> -> memref<2048xf32, #tpu.memory_space<hbm>>
      %dma_wait3A_1976 = arith.constant 77824 : i32
      %dma_wait3A_1977 = tpu.memref_slice %arg5[%dma_wait3A_1976] : memref<86016xf32, #tpu.memory_space<vmem>> -> memref<2048xf32, #tpu.memory_space<vmem>>
      %dma_wait3A_1978 = tpu.memref_slice %arg2[%select_n3A, %dma_wait3A_1971, %add3A_1817] : memref<8x21x262144xf32, #tpu.memory_space<hbm>> -> memref<1x1x2048xf32, #tpu.memory_space<hbm>>
      %dma_wait3A_1979 = tpu.memref_squeeze %dma_wait3A_1978 : memref<1x1x2048xf32, #tpu.memory_space<hbm>> -> memref<2048xf32, #tpu.memory_space<hbm>>
      tpu.wait_dma2 semaphore(%arg9 : memref<!tpu.dma_semaphore, #tpu.memory_space<semaphore_mem>>) src(%dma_wait3A_1979 : memref<2048xf32, #tpu.memory_space<hbm>>) dst(%dma_wait3A_1977 : memref<2048xf32, #tpu.memory_space<vmem>>)
      %dma_wait3A_1980 = arith.constant 18 : i32
      %dma_wait3A_1981 = arith.constant 79872 : i32
      %dma_wait3A_1982 = tpu.memref_slice %arg5[%dma_wait3A_1981] : memref<86016xf32, #tpu.memory_space<vmem>> -> memref<2048xf32, #tpu.memory_space<vmem>>
      %dma_wait3A_1983 = tpu.memref_slice %arg2[%select_n3A, %dma_wait3A_1980, %add3A_1817] : memref<8x21x262144xf32, #tpu.memory_space<hbm>> -> memref<1x1x2048xf32, #tpu.memory_space<hbm>>
      %dma_wait3A_1984 = tpu.memref_squeeze %dma_wait3A_1983 : memref<1x1x2048xf32, #tpu.memory_space<hbm>> -> memref<2048xf32, #tpu.memory_space<hbm>>
      %dma_wait3A_1985 = arith.constant 79872 : i32
      %dma_wait3A_1986 = tpu.memref_slice %arg5[%dma_wait3A_1985] : memref<86016xf32, #tpu.memory_space<vmem>> -> memref<2048xf32, #tpu.memory_space<vmem>>
      %dma_wait3A_1987 = tpu.memref_slice %arg2[%select_n3A, %dma_wait3A_1980, %add3A_1817] : memref<8x21x262144xf32, #tpu.memory_space<hbm>> -> memref<1x1x2048xf32, #tpu.memory_space<hbm>>
      %dma_wait3A_1988 = tpu.memref_squeeze %dma_wait3A_1987 : memref<1x1x2048xf32, #tpu.memory_space<hbm>> -> memref<2048xf32, #tpu.memory_space<hbm>>
      tpu.wait_dma2 semaphore(%arg9 : memref<!tpu.dma_semaphore, #tpu.memory_space<semaphore_mem>>) src(%dma_wait3A_1988 : memref<2048xf32, #tpu.memory_space<hbm>>) dst(%dma_wait3A_1986 : memref<2048xf32, #tpu.memory_space<vmem>>)
      %dma_wait3A_1989 = arith.constant 19 : i32
      %dma_wait3A_1990 = arith.constant 81920 : i32
      %dma_wait3A_1991 = tpu.memref_slice %arg5[%dma_wait3A_1990] : memref<86016xf32, #tpu.memory_space<vmem>> -> memref<2048xf32, #tpu.memory_space<vmem>>
      %dma_wait3A_1992 = tpu.memref_slice %arg2[%select_n3A, %dma_wait3A_1989, %add3A_1817] : memref<8x21x262144xf32, #tpu.memory_space<hbm>> -> memref<1x1x2048xf32, #tpu.memory_space<hbm>>
      %dma_wait3A_1993 = tpu.memref_squeeze %dma_wait3A_1992 : memref<1x1x2048xf32, #tpu.memory_space<hbm>> -> memref<2048xf32, #tpu.memory_space<hbm>>
      %dma_wait3A_1994 = arith.constant 81920 : i32
      %dma_wait3A_1995 = tpu.memref_slice %arg5[%dma_wait3A_1994] : memref<86016xf32, #tpu.memory_space<vmem>> -> memref<2048xf32, #tpu.memory_space<vmem>>
      %dma_wait3A_1996 = tpu.memref_slice %arg2[%select_n3A, %dma_wait3A_1989, %add3A_1817] : memref<8x21x262144xf32, #tpu.memory_space<hbm>> -> memref<1x1x2048xf32, #tpu.memory_space<hbm>>
      %dma_wait3A_1997 = tpu.memref_squeeze %dma_wait3A_1996 : memref<1x1x2048xf32, #tpu.memory_space<hbm>> -> memref<2048xf32, #tpu.memory_space<hbm>>
      tpu.wait_dma2 semaphore(%arg9 : memref<!tpu.dma_semaphore, #tpu.memory_space<semaphore_mem>>) src(%dma_wait3A_1997 : memref<2048xf32, #tpu.memory_space<hbm>>) dst(%dma_wait3A_1995 : memref<2048xf32, #tpu.memory_space<vmem>>)
      %dma_wait3A_1998 = arith.constant 20 : i32
      %dma_wait3A_1999 = arith.constant 83968 : i32
      %dma_wait3A_2000 = tpu.memref_slice %arg5[%dma_wait3A_1999] : memref<86016xf32, #tpu.memory_space<vmem>> -> memref<2048xf32, #tpu.memory_space<vmem>>
      %dma_wait3A_2001 = tpu.memref_slice %arg2[%select_n3A, %dma_wait3A_1998, %add3A_1817] : memref<8x21x262144xf32, #tpu.memory_space<hbm>> -> memref<1x1x2048xf32, #tpu.memory_space<hbm>>
      %dma_wait3A_2002 = tpu.memref_squeeze %dma_wait3A_2001 : memref<1x1x2048xf32, #tpu.memory_space<hbm>> -> memref<2048xf32, #tpu.memory_space<hbm>>
      %dma_wait3A_2003 = arith.constant 83968 : i32
      %dma_wait3A_2004 = tpu.memref_slice %arg5[%dma_wait3A_2003] : memref<86016xf32, #tpu.memory_space<vmem>> -> memref<2048xf32, #tpu.memory_space<vmem>>
      %dma_wait3A_2005 = tpu.memref_slice %arg2[%select_n3A, %dma_wait3A_1998, %add3A_1817] : memref<8x21x262144xf32, #tpu.memory_space<hbm>> -> memref<1x1x2048xf32, #tpu.memory_space<hbm>>
      %dma_wait3A_2006 = tpu.memref_squeeze %dma_wait3A_2005 : memref<1x1x2048xf32, #tpu.memory_space<hbm>> -> memref<2048xf32, #tpu.memory_space<hbm>>
      tpu.wait_dma2 semaphore(%arg9 : memref<!tpu.dma_semaphore, #tpu.memory_space<semaphore_mem>>) src(%dma_wait3A_2006 : memref<2048xf32, #tpu.memory_space<hbm>>) dst(%dma_wait3A_2004 : memref<2048xf32, #tpu.memory_space<vmem>>)
      %dma_wait3A_2007 = arith.constant 2048 : i32
      %dma_wait3A_2008 = tpu.memref_slice %arg6[%dma_wait3A_2007] : memref<4096xi32, #tpu.memory_space<vmem>> -> memref<2048xi32, #tpu.memory_space<vmem>>
      %dma_wait3A_2009 = tpu.memref_slice %arg3[%select_n3A, %add3A_1817] : memref<8x262144xi32, #tpu.memory_space<hbm>> -> memref<1x2048xi32, #tpu.memory_space<hbm>>
      %dma_wait3A_2010 = tpu.memref_squeeze %dma_wait3A_2009 : memref<1x2048xi32, #tpu.memory_space<hbm>> -> memref<2048xi32, #tpu.memory_space<hbm>>
      %dma_wait3A_2011 = arith.constant 2048 : i32
      %dma_wait3A_2012 = tpu.memref_slice %arg6[%dma_wait3A_2011] : memref<4096xi32, #tpu.memory_space<vmem>> -> memref<2048xi32, #tpu.memory_space<vmem>>
      %dma_wait3A_2013 = tpu.memref_slice %arg3[%select_n3A, %add3A_1817] : memref<8x262144xi32, #tpu.memory_space<hbm>> -> memref<1x2048xi32, #tpu.memory_space<hbm>>
      %dma_wait3A_2014 = tpu.memref_squeeze %dma_wait3A_2013 : memref<1x2048xi32, #tpu.memory_space<hbm>> -> memref<2048xi32, #tpu.memory_space<hbm>>
      tpu.wait_dma2 semaphore(%arg9 : memref<!tpu.dma_semaphore, #tpu.memory_space<semaphore_mem>>) src(%dma_wait3A_2014 : memref<2048xi32, #tpu.memory_space<hbm>>) dst(%dma_wait3A_2012 : memref<2048xi32, #tpu.memory_space<vmem>>)
      %scan3A_2015 = arith.constant 0 : i32
      %scan3A_2016 = arith.constant 128 : i32
      %scan3A_2017 = arith.addi %scan3A_2015, %scan3A_2016 : i32
      %scan3A_2018 = arith.constant 1 : i32
      scf.for %scan3A_2020 = %scan3A_2015 to %scan3A_2017 step %scan3A_2018  : i32 {
        %mul3A_2021 = arith.constant 16 : i32
        %mul3A_2022 = arith.muli %scan3A_2020, %mul3A_2021 : i32
        %add3A_2023 = arith.constant 43008 : i32
        %add3A_2024 = arith.addi %add3A_2023, %mul3A_2022 : i32
        %get3A = arith.index_cast %add3A_2024 : i32 to index
        %get3A_2025 = tpu.vector_load %arg5[%get3A] {strides = array<i32>} : memref<86016xf32, #tpu.memory_space<vmem>>, vector<16xf32>,
        %exp3A = math.exp %get3A_2025 : vector<16xf32>
        %add3A_2026 = arith.constant 45056 : i32
        %add3A_2027 = arith.addi %add3A_2026, %mul3A_2022 : i32
        %get3A_2028 = arith.index_cast %add3A_2027 : i32 to index
        %get3A_2029 = tpu.vector_load %arg5[%get3A_2028] {strides = array<i32>} : memref<86016xf32, #tpu.memory_space<vmem>>, vector<16xf32>,
        %exp3A_2030 = math.exp %get3A_2029 : vector<16xf32>
        %add3A_2031 = arith.constant 47104 : i32
        %add3A_2032 = arith.addi %add3A_2031, %mul3A_2022 : i32
        %get3A_2033 = arith.index_cast %add3A_2032 : i32 to index
        %get3A_2034 = tpu.vector_load %arg5[%get3A_2033] {strides = array<i32>} : memref<86016xf32, #tpu.memory_space<vmem>>, vector<16xf32>,
        %exp3A_2035 = math.exp %get3A_2034 : vector<16xf32>
        %add3A_2036 = arith.constant 49152 : i32
        %add3A_2037 = arith.addi %add3A_2036, %mul3A_2022 : i32
        %get3A_2038 = arith.index_cast %add3A_2037 : i32 to index
        %get3A_2039 = tpu.vector_load %arg5[%get3A_2038] {strides = array<i32>} : memref<86016xf32, #tpu.memory_space<vmem>>, vector<16xf32>,
        %exp3A_2040 = math.exp %get3A_2039 : vector<16xf32>
        %add3A_2041 = arith.constant 51200 : i32
        %add3A_2042 = arith.addi %add3A_2041, %mul3A_2022 : i32
        %get3A_2043 = arith.index_cast %add3A_2042 : i32 to index
        %get3A_2044 = tpu.vector_load %arg5[%get3A_2043] {strides = array<i32>} : memref<86016xf32, #tpu.memory_space<vmem>>, vector<16xf32>,
        %exp3A_2045 = math.exp %get3A_2044 : vector<16xf32>
        %add3A_2046 = arith.constant 53248 : i32
        %add3A_2047 = arith.addi %add3A_2046, %mul3A_2022 : i32
        %get3A_2048 = arith.index_cast %add3A_2047 : i32 to index
        %get3A_2049 = tpu.vector_load %arg5[%get3A_2048] {strides = array<i32>} : memref<86016xf32, #tpu.memory_space<vmem>>, vector<16xf32>,
        %exp3A_2050 = math.exp %get3A_2049 : vector<16xf32>
        %add3A_2051 = arith.constant 55296 : i32
        %add3A_2052 = arith.addi %add3A_2051, %mul3A_2022 : i32
        %get3A_2053 = arith.index_cast %add3A_2052 : i32 to index
        %get3A_2054 = tpu.vector_load %arg5[%get3A_2053] {strides = array<i32>} : memref<86016xf32, #tpu.memory_space<vmem>>, vector<16xf32>,
        %exp3A_2055 = math.exp %get3A_2054 : vector<16xf32>
        %add3A_2056 = arith.constant 57344 : i32
        %add3A_2057 = arith.addi %add3A_2056, %mul3A_2022 : i32
        %get3A_2058 = arith.index_cast %add3A_2057 : i32 to index
        %get3A_2059 = tpu.vector_load %arg5[%get3A_2058] {strides = array<i32>} : memref<86016xf32, #tpu.memory_space<vmem>>, vector<16xf32>,
        %exp3A_2060 = math.exp %get3A_2059 : vector<16xf32>
        %add3A_2061 = arith.constant 59392 : i32
        %add3A_2062 = arith.addi %add3A_2061, %mul3A_2022 : i32
        %get3A_2063 = arith.index_cast %add3A_2062 : i32 to index
        %get3A_2064 = tpu.vector_load %arg5[%get3A_2063] {strides = array<i32>} : memref<86016xf32, #tpu.memory_space<vmem>>, vector<16xf32>,
        %exp3A_2065 = math.exp %get3A_2064 : vector<16xf32>
        %add3A_2066 = arith.constant 61440 : i32
        %add3A_2067 = arith.addi %add3A_2066, %mul3A_2022 : i32
        %get3A_2068 = arith.index_cast %add3A_2067 : i32 to index
        %get3A_2069 = tpu.vector_load %arg5[%get3A_2068] {strides = array<i32>} : memref<86016xf32, #tpu.memory_space<vmem>>, vector<16xf32>,
        %exp3A_2070 = math.exp %get3A_2069 : vector<16xf32>
        %add3A_2071 = arith.constant 63488 : i32
        %add3A_2072 = arith.addi %add3A_2071, %mul3A_2022 : i32
        %get3A_2073 = arith.index_cast %add3A_2072 : i32 to index
        %get3A_2074 = tpu.vector_load %arg5[%get3A_2073] {strides = array<i32>} : memref<86016xf32, #tpu.memory_space<vmem>>, vector<16xf32>,
        %exp3A_2075 = math.exp %get3A_2074 : vector<16xf32>
        %add3A_2076 = arith.constant 65536 : i32
        %add3A_2077 = arith.addi %add3A_2076, %mul3A_2022 : i32
        %get3A_2078 = arith.index_cast %add3A_2077 : i32 to index
        %get3A_2079 = tpu.vector_load %arg5[%get3A_2078] {strides = array<i32>} : memref<86016xf32, #tpu.memory_space<vmem>>, vector<16xf32>,
        %exp3A_2080 = math.exp %get3A_2079 : vector<16xf32>
        %add3A_2081 = arith.constant 67584 : i32
        %add3A_2082 = arith.addi %add3A_2081, %mul3A_2022 : i32
        %get3A_2083 = arith.index_cast %add3A_2082 : i32 to index
        %get3A_2084 = tpu.vector_load %arg5[%get3A_2083] {strides = array<i32>} : memref<86016xf32, #tpu.memory_space<vmem>>, vector<16xf32>,
        %exp3A_2085 = math.exp %get3A_2084 : vector<16xf32>
        %add3A_2086 = arith.constant 69632 : i32
        %add3A_2087 = arith.addi %add3A_2086, %mul3A_2022 : i32
        %get3A_2088 = arith.index_cast %add3A_2087 : i32 to index
        %get3A_2089 = tpu.vector_load %arg5[%get3A_2088] {strides = array<i32>} : memref<86016xf32, #tpu.memory_space<vmem>>, vector<16xf32>,
        %exp3A_2090 = math.exp %get3A_2089 : vector<16xf32>
        %add3A_2091 = arith.constant 71680 : i32
        %add3A_2092 = arith.addi %add3A_2091, %mul3A_2022 : i32
        %get3A_2093 = arith.index_cast %add3A_2092 : i32 to index
        %get3A_2094 = tpu.vector_load %arg5[%get3A_2093] {strides = array<i32>} : memref<86016xf32, #tpu.memory_space<vmem>>, vector<16xf32>,
        %exp3A_2095 = math.exp %get3A_2094 : vector<16xf32>
        %add3A_2096 = arith.constant 73728 : i32
        %add3A_2097 = arith.addi %add3A_2096, %mul3A_2022 : i32
        %get3A_2098 = arith.index_cast %add3A_2097 : i32 to index
        %get3A_2099 = tpu.vector_load %arg5[%get3A_2098] {strides = array<i32>} : memref<86016xf32, #tpu.memory_space<vmem>>, vector<16xf32>,
        %exp3A_2100 = math.exp %get3A_2099 : vector<16xf32>
        %add3A_2101 = arith.constant 75776 : i32
        %add3A_2102 = arith.addi %add3A_2101, %mul3A_2022 : i32
        %get3A_2103 = arith.index_cast %add3A_2102 : i32 to index
        %get3A_2104 = tpu.vector_load %arg5[%get3A_2103] {strides = array<i32>} : memref<86016xf32, #tpu.memory_space<vmem>>, vector<16xf32>,
        %exp3A_2105 = math.exp %get3A_2104 : vector<16xf32>
        %add3A_2106 = arith.constant 77824 : i32
        %add3A_2107 = arith.addi %add3A_2106, %mul3A_2022 : i32
        %get3A_2108 = arith.index_cast %add3A_2107 : i32 to index
        %get3A_2109 = tpu.vector_load %arg5[%get3A_2108] {strides = array<i32>} : memref<86016xf32, #tpu.memory_space<vmem>>, vector<16xf32>,
        %exp3A_2110 = math.exp %get3A_2109 : vector<16xf32>
        %add3A_2111 = arith.constant 79872 : i32
        %add3A_2112 = arith.addi %add3A_2111, %mul3A_2022 : i32
        %get3A_2113 = arith.index_cast %add3A_2112 : i32 to index
        %get3A_2114 = tpu.vector_load %arg5[%get3A_2113] {strides = array<i32>} : memref<86016xf32, #tpu.memory_space<vmem>>, vector<16xf32>,
        %exp3A_2115 = math.exp %get3A_2114 : vector<16xf32>
        %add3A_2116 = arith.constant 81920 : i32
        %add3A_2117 = arith.addi %add3A_2116, %mul3A_2022 : i32
        %get3A_2118 = arith.index_cast %add3A_2117 : i32 to index
        %get3A_2119 = tpu.vector_load %arg5[%get3A_2118] {strides = array<i32>} : memref<86016xf32, #tpu.memory_space<vmem>>, vector<16xf32>,
        %exp3A_2120 = math.exp %get3A_2119 : vector<16xf32>
        %add3A_2121 = arith.constant 83968 : i32
        %add3A_2122 = arith.addi %add3A_2121, %mul3A_2022 : i32
        %get3A_2123 = arith.index_cast %add3A_2122 : i32 to index
        %get3A_2124 = tpu.vector_load %arg5[%get3A_2123] {strides = array<i32>} : memref<86016xf32, #tpu.memory_space<vmem>>, vector<16xf32>,
        %exp3A_2125 = math.exp %get3A_2124 : vector<16xf32>
        %add3A_2126 = arith.addf %exp3A, %exp3A_2030 : vector<16xf32>
        %add3A_2127 = arith.addf %exp3A_2035, %exp3A_2040 : vector<16xf32>
        %add3A_2128 = arith.addf %exp3A_2045, %exp3A_2050 : vector<16xf32>
        %add3A_2129 = arith.addf %exp3A_2055, %exp3A_2060 : vector<16xf32>
        %add3A_2130 = arith.addf %exp3A_2065, %exp3A_2070 : vector<16xf32>
        %add3A_2131 = arith.addf %exp3A_2075, %exp3A_2080 : vector<16xf32>
        %add3A_2132 = arith.addf %exp3A_2085, %exp3A_2090 : vector<16xf32>
        %add3A_2133 = arith.addf %exp3A_2095, %exp3A_2100 : vector<16xf32>
        %add3A_2134 = arith.addf %exp3A_2105, %exp3A_2110 : vector<16xf32>
        %add3A_2135 = arith.addf %exp3A_2115, %exp3A_2120 : vector<16xf32>
        %add3A_2136 = arith.addf %add3A_2126, %add3A_2127 : vector<16xf32>
        %add3A_2137 = arith.addf %add3A_2128, %add3A_2129 : vector<16xf32>
        %add3A_2138 = arith.addf %add3A_2130, %add3A_2131 : vector<16xf32>
        %add3A_2139 = arith.addf %add3A_2132, %add3A_2133 : vector<16xf32>
        %add3A_2140 = arith.addf %add3A_2134, %add3A_2135 : vector<16xf32>
        %add3A_2141 = arith.addf %add3A_2136, %add3A_2137 : vector<16xf32>
        %add3A_2142 = arith.addf %add3A_2138, %add3A_2139 : vector<16xf32>
        %add3A_2143 = arith.addf %add3A_2140, %exp3A_2125 : vector<16xf32>
        %add3A_2144 = arith.addf %add3A_2141, %add3A_2142 : vector<16xf32>
        %add3A_2145 = arith.addf %add3A_2144, %add3A_2143 : vector<16xf32>
        %div3A_2146 = vector.broadcast %scan3A_241 : f32 to vector<16xf32>
        %div3A_2147 = arith.divf %div3A_2146, %add3A_2145 : vector<16xf32>
        %add3A_2148 = arith.constant 2048 : i32
        %add3A_2149 = arith.addi %add3A_2148, %mul3A_2022 : i32
        %get3A_2150 = arith.index_cast %add3A_2149 : i32 to index
        %get3A_2151 = tpu.vector_load %arg6[%get3A_2150] {strides = array<i32>} : memref<4096xi32, #tpu.memory_space<vmem>>, vector<16xi32>,
        %mul3A_2152 = arith.mulf %exp3A, %div3A_2147 : vector<16xf32>
        %min3A = vector.broadcast %sub3A_38 : f32 to vector<16xf32>
        %min3A_2153 = arith.minimumf %mul3A_2152, %min3A : vector<16xf32>
        %convert_element_type3A_2154 = arith.fptosi %min3A_2153 : vector<16xf32> to vector<16xi32>
        %add3A_2155 = arith.constant 0 : i32
        %add3A_2156 = vector.broadcast %add3A_2155 : i32 to vector<16xi32>
        %add3A_2157 = arith.addi %convert_element_type3A_2154, %add3A_2156 : vector<16xi32>
        tpu.vector_store_idx %arg7[%add3A_2157], %broadcast_in_dim3A_35 {add = true} : memref<24576xf32, #tpu.memory_space<vmem>>[vector<16xi32>], vector<16xf32>,
        %eq3A_2158 = arith.constant 0 : i32
        %eq3A_2159 = vector.broadcast %eq3A_2158 : i32 to vector<16xi32>
        %eq3A_2160 = arith.cmpi eq, %get3A_2151, %eq3A_2159 : vector<16xi32>
        %broadcast_in_dim3A_2161 = arith.constant 12799 : i32
        %broadcast_in_dim3A_2162 = vector.broadcast %broadcast_in_dim3A_2161 : i32 to vector<16xi32>
        %sub3A_2163 = arith.subi %broadcast_in_dim3A_2162, %convert_element_type3A_2154 : vector<16xi32>
        tpu.vector_store_idx %arg7[%sub3A_2163], %broadcast_in_dim3A_35 masked %eq3A_2160 {add = true} : memref<24576xf32, #tpu.memory_space<vmem>>[vector<16xi32>], vector<16xf32>, vector<16xi1>
        %mul3A_2164 = arith.mulf %exp3A_2030, %div3A_2147 : vector<16xf32>
        %min3A_2165 = vector.broadcast %sub3A_38 : f32 to vector<16xf32>
        %min3A_2166 = arith.minimumf %mul3A_2164, %min3A_2165 : vector<16xf32>
        %convert_element_type3A_2167 = arith.fptosi %min3A_2166 : vector<16xf32> to vector<16xi32>
        %add3A_2168 = arith.constant 512 : i32
        %add3A_2169 = vector.broadcast %add3A_2168 : i32 to vector<16xi32>
        %add3A_2170 = arith.addi %convert_element_type3A_2167, %add3A_2169 : vector<16xi32>
        tpu.vector_store_idx %arg7[%add3A_2170], %broadcast_in_dim3A_35 {add = true} : memref<24576xf32, #tpu.memory_space<vmem>>[vector<16xi32>], vector<16xf32>,
        %eq3A_2171 = arith.constant 1 : i32
        %eq3A_2172 = vector.broadcast %eq3A_2171 : i32 to vector<16xi32>
        %eq3A_2173 = arith.cmpi eq, %get3A_2151, %eq3A_2172 : vector<16xi32>
        %broadcast_in_dim3A_2174 = arith.constant 13311 : i32
        %broadcast_in_dim3A_2175 = vector.broadcast %broadcast_in_dim3A_2174 : i32 to vector<16xi32>
        %sub3A_2176 = arith.subi %broadcast_in_dim3A_2175, %convert_element_type3A_2167 : vector<16xi32>
        tpu.vector_store_idx %arg7[%sub3A_2176], %broadcast_in_dim3A_35 masked %eq3A_2173 {add = true} : memref<24576xf32, #tpu.memory_space<vmem>>[vector<16xi32>], vector<16xf32>, vector<16xi1>
        %mul3A_2177 = arith.mulf %exp3A_2035, %div3A_2147 : vector<16xf32>
        %min3A_2178 = vector.broadcast %sub3A_38 : f32 to vector<16xf32>
        %min3A_2179 = arith.minimumf %mul3A_2177, %min3A_2178 : vector<16xf32>
        %convert_element_type3A_2180 = arith.fptosi %min3A_2179 : vector<16xf32> to vector<16xi32>
        %add3A_2181 = arith.constant 1024 : i32
        %add3A_2182 = vector.broadcast %add3A_2181 : i32 to vector<16xi32>
        %add3A_2183 = arith.addi %convert_element_type3A_2180, %add3A_2182 : vector<16xi32>
        tpu.vector_store_idx %arg7[%add3A_2183], %broadcast_in_dim3A_35 {add = true} : memref<24576xf32, #tpu.memory_space<vmem>>[vector<16xi32>], vector<16xf32>,
        %eq3A_2184 = arith.constant 2 : i32
        %eq3A_2185 = vector.broadcast %eq3A_2184 : i32 to vector<16xi32>
        %eq3A_2186 = arith.cmpi eq, %get3A_2151, %eq3A_2185 : vector<16xi32>
        %broadcast_in_dim3A_2187 = arith.constant 13823 : i32
        %broadcast_in_dim3A_2188 = vector.broadcast %broadcast_in_dim3A_2187 : i32 to vector<16xi32>
        %sub3A_2189 = arith.subi %broadcast_in_dim3A_2188, %convert_element_type3A_2180 : vector<16xi32>
        tpu.vector_store_idx %arg7[%sub3A_2189], %broadcast_in_dim3A_35 masked %eq3A_2186 {add = true} : memref<24576xf32, #tpu.memory_space<vmem>>[vector<16xi32>], vector<16xf32>, vector<16xi1>
        %mul3A_2190 = arith.mulf %exp3A_2040, %div3A_2147 : vector<16xf32>
        %min3A_2191 = vector.broadcast %sub3A_38 : f32 to vector<16xf32>
        %min3A_2192 = arith.minimumf %mul3A_2190, %min3A_2191 : vector<16xf32>
        %convert_element_type3A_2193 = arith.fptosi %min3A_2192 : vector<16xf32> to vector<16xi32>
        %add3A_2194 = arith.constant 1536 : i32
        %add3A_2195 = vector.broadcast %add3A_2194 : i32 to vector<16xi32>
        %add3A_2196 = arith.addi %convert_element_type3A_2193, %add3A_2195 : vector<16xi32>
        tpu.vector_store_idx %arg7[%add3A_2196], %broadcast_in_dim3A_35 {add = true} : memref<24576xf32, #tpu.memory_space<vmem>>[vector<16xi32>], vector<16xf32>,
        %eq3A_2197 = arith.constant 3 : i32
        %eq3A_2198 = vector.broadcast %eq3A_2197 : i32 to vector<16xi32>
        %eq3A_2199 = arith.cmpi eq, %get3A_2151, %eq3A_2198 : vector<16xi32>
        %broadcast_in_dim3A_2200 = arith.constant 14335 : i32
        %broadcast_in_dim3A_2201 = vector.broadcast %broadcast_in_dim3A_2200 : i32 to vector<16xi32>
        %sub3A_2202 = arith.subi %broadcast_in_dim3A_2201, %convert_element_type3A_2193 : vector<16xi32>
        tpu.vector_store_idx %arg7[%sub3A_2202], %broadcast_in_dim3A_35 masked %eq3A_2199 {add = true} : memref<24576xf32, #tpu.memory_space<vmem>>[vector<16xi32>], vector<16xf32>, vector<16xi1>
        %mul3A_2203 = arith.mulf %exp3A_2045, %div3A_2147 : vector<16xf32>
        %min3A_2204 = vector.broadcast %sub3A_38 : f32 to vector<16xf32>
        %min3A_2205 = arith.minimumf %mul3A_2203, %min3A_2204 : vector<16xf32>
        %convert_element_type3A_2206 = arith.fptosi %min3A_2205 : vector<16xf32> to vector<16xi32>
        %add3A_2207 = arith.constant 2048 : i32
        %add3A_2208 = vector.broadcast %add3A_2207 : i32 to vector<16xi32>
        %add3A_2209 = arith.addi %convert_element_type3A_2206, %add3A_2208 : vector<16xi32>
        tpu.vector_store_idx %arg7[%add3A_2209], %broadcast_in_dim3A_35 {add = true} : memref<24576xf32, #tpu.memory_space<vmem>>[vector<16xi32>], vector<16xf32>,
        %eq3A_2210 = arith.constant 4 : i32
        %eq3A_2211 = vector.broadcast %eq3A_2210 : i32 to vector<16xi32>
        %eq3A_2212 = arith.cmpi eq, %get3A_2151, %eq3A_2211 : vector<16xi32>
        %broadcast_in_dim3A_2213 = arith.constant 14847 : i32
        %broadcast_in_dim3A_2214 = vector.broadcast %broadcast_in_dim3A_2213 : i32 to vector<16xi32>
        %sub3A_2215 = arith.subi %broadcast_in_dim3A_2214, %convert_element_type3A_2206 : vector<16xi32>
        tpu.vector_store_idx %arg7[%sub3A_2215], %broadcast_in_dim3A_35 masked %eq3A_2212 {add = true} : memref<24576xf32, #tpu.memory_space<vmem>>[vector<16xi32>], vector<16xf32>, vector<16xi1>
        %mul3A_2216 = arith.mulf %exp3A_2050, %div3A_2147 : vector<16xf32>
        %min3A_2217 = vector.broadcast %sub3A_38 : f32 to vector<16xf32>
        %min3A_2218 = arith.minimumf %mul3A_2216, %min3A_2217 : vector<16xf32>
        %convert_element_type3A_2219 = arith.fptosi %min3A_2218 : vector<16xf32> to vector<16xi32>
        %add3A_2220 = arith.constant 2560 : i32
        %add3A_2221 = vector.broadcast %add3A_2220 : i32 to vector<16xi32>
        %add3A_2222 = arith.addi %convert_element_type3A_2219, %add3A_2221 : vector<16xi32>
        tpu.vector_store_idx %arg7[%add3A_2222], %broadcast_in_dim3A_35 {add = true} : memref<24576xf32, #tpu.memory_space<vmem>>[vector<16xi32>], vector<16xf32>,
        %eq3A_2223 = arith.constant 5 : i32
        %eq3A_2224 = vector.broadcast %eq3A_2223 : i32 to vector<16xi32>
        %eq3A_2225 = arith.cmpi eq, %get3A_2151, %eq3A_2224 : vector<16xi32>
        %broadcast_in_dim3A_2226 = arith.constant 15359 : i32
        %broadcast_in_dim3A_2227 = vector.broadcast %broadcast_in_dim3A_2226 : i32 to vector<16xi32>
        %sub3A_2228 = arith.subi %broadcast_in_dim3A_2227, %convert_element_type3A_2219 : vector<16xi32>
        tpu.vector_store_idx %arg7[%sub3A_2228], %broadcast_in_dim3A_35 masked %eq3A_2225 {add = true} : memref<24576xf32, #tpu.memory_space<vmem>>[vector<16xi32>], vector<16xf32>, vector<16xi1>
        %mul3A_2229 = arith.mulf %exp3A_2055, %div3A_2147 : vector<16xf32>
        %min3A_2230 = vector.broadcast %sub3A_38 : f32 to vector<16xf32>
        %min3A_2231 = arith.minimumf %mul3A_2229, %min3A_2230 : vector<16xf32>
        %convert_element_type3A_2232 = arith.fptosi %min3A_2231 : vector<16xf32> to vector<16xi32>
        %add3A_2233 = arith.constant 3072 : i32
        %add3A_2234 = vector.broadcast %add3A_2233 : i32 to vector<16xi32>
        %add3A_2235 = arith.addi %convert_element_type3A_2232, %add3A_2234 : vector<16xi32>
        tpu.vector_store_idx %arg7[%add3A_2235], %broadcast_in_dim3A_35 {add = true} : memref<24576xf32, #tpu.memory_space<vmem>>[vector<16xi32>], vector<16xf32>,
        %eq3A_2236 = arith.constant 6 : i32
        %eq3A_2237 = vector.broadcast %eq3A_2236 : i32 to vector<16xi32>
        %eq3A_2238 = arith.cmpi eq, %get3A_2151, %eq3A_2237 : vector<16xi32>
        %broadcast_in_dim3A_2239 = arith.constant 15871 : i32
        %broadcast_in_dim3A_2240 = vector.broadcast %broadcast_in_dim3A_2239 : i32 to vector<16xi32>
        %sub3A_2241 = arith.subi %broadcast_in_dim3A_2240, %convert_element_type3A_2232 : vector<16xi32>
        tpu.vector_store_idx %arg7[%sub3A_2241], %broadcast_in_dim3A_35 masked %eq3A_2238 {add = true} : memref<24576xf32, #tpu.memory_space<vmem>>[vector<16xi32>], vector<16xf32>, vector<16xi1>
        %mul3A_2242 = arith.mulf %exp3A_2060, %div3A_2147 : vector<16xf32>
        %min3A_2243 = vector.broadcast %sub3A_38 : f32 to vector<16xf32>
        %min3A_2244 = arith.minimumf %mul3A_2242, %min3A_2243 : vector<16xf32>
        %convert_element_type3A_2245 = arith.fptosi %min3A_2244 : vector<16xf32> to vector<16xi32>
        %add3A_2246 = arith.constant 3584 : i32
        %add3A_2247 = vector.broadcast %add3A_2246 : i32 to vector<16xi32>
        %add3A_2248 = arith.addi %convert_element_type3A_2245, %add3A_2247 : vector<16xi32>
        tpu.vector_store_idx %arg7[%add3A_2248], %broadcast_in_dim3A_35 {add = true} : memref<24576xf32, #tpu.memory_space<vmem>>[vector<16xi32>], vector<16xf32>,
        %eq3A_2249 = arith.constant 7 : i32
        %eq3A_2250 = vector.broadcast %eq3A_2249 : i32 to vector<16xi32>
        %eq3A_2251 = arith.cmpi eq, %get3A_2151, %eq3A_2250 : vector<16xi32>
        %broadcast_in_dim3A_2252 = arith.constant 16383 : i32
        %broadcast_in_dim3A_2253 = vector.broadcast %broadcast_in_dim3A_2252 : i32 to vector<16xi32>
        %sub3A_2254 = arith.subi %broadcast_in_dim3A_2253, %convert_element_type3A_2245 : vector<16xi32>
        tpu.vector_store_idx %arg7[%sub3A_2254], %broadcast_in_dim3A_35 masked %eq3A_2251 {add = true} : memref<24576xf32, #tpu.memory_space<vmem>>[vector<16xi32>], vector<16xf32>, vector<16xi1>
        %mul3A_2255 = arith.mulf %exp3A_2065, %div3A_2147 : vector<16xf32>
        %min3A_2256 = vector.broadcast %sub3A_38 : f32 to vector<16xf32>
        %min3A_2257 = arith.minimumf %mul3A_2255, %min3A_2256 : vector<16xf32>
        %convert_element_type3A_2258 = arith.fptosi %min3A_2257 : vector<16xf32> to vector<16xi32>
        %add3A_2259 = arith.constant 4096 : i32
        %add3A_2260 = vector.broadcast %add3A_2259 : i32 to vector<16xi32>
        %add3A_2261 = arith.addi %convert_element_type3A_2258, %add3A_2260 : vector<16xi32>
        tpu.vector_store_idx %arg7[%add3A_2261], %broadcast_in_dim3A_35 {add = true} : memref<24576xf32, #tpu.memory_space<vmem>>[vector<16xi32>], vector<16xf32>,
        %eq3A_2262 = arith.constant 8 : i32
        %eq3A_2263 = vector.broadcast %eq3A_2262 : i32 to vector<16xi32>
        %eq3A_2264 = arith.cmpi eq, %get3A_2151, %eq3A_2263 : vector<16xi32>
        %broadcast_in_dim3A_2265 = arith.constant 16895 : i32
        %broadcast_in_dim3A_2266 = vector.broadcast %broadcast_in_dim3A_2265 : i32 to vector<16xi32>
        %sub3A_2267 = arith.subi %broadcast_in_dim3A_2266, %convert_element_type3A_2258 : vector<16xi32>
        tpu.vector_store_idx %arg7[%sub3A_2267], %broadcast_in_dim3A_35 masked %eq3A_2264 {add = true} : memref<24576xf32, #tpu.memory_space<vmem>>[vector<16xi32>], vector<16xf32>, vector<16xi1>
        %mul3A_2268 = arith.mulf %exp3A_2070, %div3A_2147 : vector<16xf32>
        %min3A_2269 = vector.broadcast %sub3A_38 : f32 to vector<16xf32>
        %min3A_2270 = arith.minimumf %mul3A_2268, %min3A_2269 : vector<16xf32>
        %convert_element_type3A_2271 = arith.fptosi %min3A_2270 : vector<16xf32> to vector<16xi32>
        %add3A_2272 = arith.constant 4608 : i32
        %add3A_2273 = vector.broadcast %add3A_2272 : i32 to vector<16xi32>
        %add3A_2274 = arith.addi %convert_element_type3A_2271, %add3A_2273 : vector<16xi32>
        tpu.vector_store_idx %arg7[%add3A_2274], %broadcast_in_dim3A_35 {add = true} : memref<24576xf32, #tpu.memory_space<vmem>>[vector<16xi32>], vector<16xf32>,
        %eq3A_2275 = arith.constant 9 : i32
        %eq3A_2276 = vector.broadcast %eq3A_2275 : i32 to vector<16xi32>
        %eq3A_2277 = arith.cmpi eq, %get3A_2151, %eq3A_2276 : vector<16xi32>
        %broadcast_in_dim3A_2278 = arith.constant 17407 : i32
        %broadcast_in_dim3A_2279 = vector.broadcast %broadcast_in_dim3A_2278 : i32 to vector<16xi32>
        %sub3A_2280 = arith.subi %broadcast_in_dim3A_2279, %convert_element_type3A_2271 : vector<16xi32>
        tpu.vector_store_idx %arg7[%sub3A_2280], %broadcast_in_dim3A_35 masked %eq3A_2277 {add = true} : memref<24576xf32, #tpu.memory_space<vmem>>[vector<16xi32>], vector<16xf32>, vector<16xi1>
        %mul3A_2281 = arith.mulf %exp3A_2075, %div3A_2147 : vector<16xf32>
        %min3A_2282 = vector.broadcast %sub3A_38 : f32 to vector<16xf32>
        %min3A_2283 = arith.minimumf %mul3A_2281, %min3A_2282 : vector<16xf32>
        %convert_element_type3A_2284 = arith.fptosi %min3A_2283 : vector<16xf32> to vector<16xi32>
        %add3A_2285 = arith.constant 5120 : i32
        %add3A_2286 = vector.broadcast %add3A_2285 : i32 to vector<16xi32>
        %add3A_2287 = arith.addi %convert_element_type3A_2284, %add3A_2286 : vector<16xi32>
        tpu.vector_store_idx %arg7[%add3A_2287], %broadcast_in_dim3A_35 {add = true} : memref<24576xf32, #tpu.memory_space<vmem>>[vector<16xi32>], vector<16xf32>,
        %eq3A_2288 = arith.constant 10 : i32
        %eq3A_2289 = vector.broadcast %eq3A_2288 : i32 to vector<16xi32>
        %eq3A_2290 = arith.cmpi eq, %get3A_2151, %eq3A_2289 : vector<16xi32>
        %broadcast_in_dim3A_2291 = arith.constant 17919 : i32
        %broadcast_in_dim3A_2292 = vector.broadcast %broadcast_in_dim3A_2291 : i32 to vector<16xi32>
        %sub3A_2293 = arith.subi %broadcast_in_dim3A_2292, %convert_element_type3A_2284 : vector<16xi32>
        tpu.vector_store_idx %arg7[%sub3A_2293], %broadcast_in_dim3A_35 masked %eq3A_2290 {add = true} : memref<24576xf32, #tpu.memory_space<vmem>>[vector<16xi32>], vector<16xf32>, vector<16xi1>
        %mul3A_2294 = arith.mulf %exp3A_2080, %div3A_2147 : vector<16xf32>
        %min3A_2295 = vector.broadcast %sub3A_38 : f32 to vector<16xf32>
        %min3A_2296 = arith.minimumf %mul3A_2294, %min3A_2295 : vector<16xf32>
        %convert_element_type3A_2297 = arith.fptosi %min3A_2296 : vector<16xf32> to vector<16xi32>
        %add3A_2298 = arith.constant 5632 : i32
        %add3A_2299 = vector.broadcast %add3A_2298 : i32 to vector<16xi32>
        %add3A_2300 = arith.addi %convert_element_type3A_2297, %add3A_2299 : vector<16xi32>
        tpu.vector_store_idx %arg7[%add3A_2300], %broadcast_in_dim3A_35 {add = true} : memref<24576xf32, #tpu.memory_space<vmem>>[vector<16xi32>], vector<16xf32>,
        %eq3A_2301 = arith.constant 11 : i32
        %eq3A_2302 = vector.broadcast %eq3A_2301 : i32 to vector<16xi32>
        %eq3A_2303 = arith.cmpi eq, %get3A_2151, %eq3A_2302 : vector<16xi32>
        %broadcast_in_dim3A_2304 = arith.constant 18431 : i32
        %broadcast_in_dim3A_2305 = vector.broadcast %broadcast_in_dim3A_2304 : i32 to vector<16xi32>
        %sub3A_2306 = arith.subi %broadcast_in_dim3A_2305, %convert_element_type3A_2297 : vector<16xi32>
        tpu.vector_store_idx %arg7[%sub3A_2306], %broadcast_in_dim3A_35 masked %eq3A_2303 {add = true} : memref<24576xf32, #tpu.memory_space<vmem>>[vector<16xi32>], vector<16xf32>, vector<16xi1>
        %mul3A_2307 = arith.mulf %exp3A_2085, %div3A_2147 : vector<16xf32>
        %min3A_2308 = vector.broadcast %sub3A_38 : f32 to vector<16xf32>
        %min3A_2309 = arith.minimumf %mul3A_2307, %min3A_2308 : vector<16xf32>
        %convert_element_type3A_2310 = arith.fptosi %min3A_2309 : vector<16xf32> to vector<16xi32>
        %add3A_2311 = arith.constant 6144 : i32
        %add3A_2312 = vector.broadcast %add3A_2311 : i32 to vector<16xi32>
        %add3A_2313 = arith.addi %convert_element_type3A_2310, %add3A_2312 : vector<16xi32>
        tpu.vector_store_idx %arg7[%add3A_2313], %broadcast_in_dim3A_35 {add = true} : memref<24576xf32, #tpu.memory_space<vmem>>[vector<16xi32>], vector<16xf32>,
        %eq3A_2314 = arith.constant 12 : i32
        %eq3A_2315 = vector.broadcast %eq3A_2314 : i32 to vector<16xi32>
        %eq3A_2316 = arith.cmpi eq, %get3A_2151, %eq3A_2315 : vector<16xi32>
        %broadcast_in_dim3A_2317 = arith.constant 18943 : i32
        %broadcast_in_dim3A_2318 = vector.broadcast %broadcast_in_dim3A_2317 : i32 to vector<16xi32>
        %sub3A_2319 = arith.subi %broadcast_in_dim3A_2318, %convert_element_type3A_2310 : vector<16xi32>
        tpu.vector_store_idx %arg7[%sub3A_2319], %broadcast_in_dim3A_35 masked %eq3A_2316 {add = true} : memref<24576xf32, #tpu.memory_space<vmem>>[vector<16xi32>], vector<16xf32>, vector<16xi1>
        %mul3A_2320 = arith.mulf %exp3A_2090, %div3A_2147 : vector<16xf32>
        %min3A_2321 = vector.broadcast %sub3A_38 : f32 to vector<16xf32>
        %min3A_2322 = arith.minimumf %mul3A_2320, %min3A_2321 : vector<16xf32>
        %convert_element_type3A_2323 = arith.fptosi %min3A_2322 : vector<16xf32> to vector<16xi32>
        %add3A_2324 = arith.constant 6656 : i32
        %add3A_2325 = vector.broadcast %add3A_2324 : i32 to vector<16xi32>
        %add3A_2326 = arith.addi %convert_element_type3A_2323, %add3A_2325 : vector<16xi32>
        tpu.vector_store_idx %arg7[%add3A_2326], %broadcast_in_dim3A_35 {add = true} : memref<24576xf32, #tpu.memory_space<vmem>>[vector<16xi32>], vector<16xf32>,
        %eq3A_2327 = arith.constant 13 : i32
        %eq3A_2328 = vector.broadcast %eq3A_2327 : i32 to vector<16xi32>
        %eq3A_2329 = arith.cmpi eq, %get3A_2151, %eq3A_2328 : vector<16xi32>
        %broadcast_in_dim3A_2330 = arith.constant 19455 : i32
        %broadcast_in_dim3A_2331 = vector.broadcast %broadcast_in_dim3A_2330 : i32 to vector<16xi32>
        %sub3A_2332 = arith.subi %broadcast_in_dim3A_2331, %convert_element_type3A_2323 : vector<16xi32>
        tpu.vector_store_idx %arg7[%sub3A_2332], %broadcast_in_dim3A_35 masked %eq3A_2329 {add = true} : memref<24576xf32, #tpu.memory_space<vmem>>[vector<16xi32>], vector<16xf32>, vector<16xi1>
        %mul3A_2333 = arith.mulf %exp3A_2095, %div3A_2147 : vector<16xf32>
        %min3A_2334 = vector.broadcast %sub3A_38 : f32 to vector<16xf32>
        %min3A_2335 = arith.minimumf %mul3A_2333, %min3A_2334 : vector<16xf32>
        %convert_element_type3A_2336 = arith.fptosi %min3A_2335 : vector<16xf32> to vector<16xi32>
        %add3A_2337 = arith.constant 7168 : i32
        %add3A_2338 = vector.broadcast %add3A_2337 : i32 to vector<16xi32>
        %add3A_2339 = arith.addi %convert_element_type3A_2336, %add3A_2338 : vector<16xi32>
        tpu.vector_store_idx %arg7[%add3A_2339], %broadcast_in_dim3A_35 {add = true} : memref<24576xf32, #tpu.memory_space<vmem>>[vector<16xi32>], vector<16xf32>,
        %eq3A_2340 = arith.constant 14 : i32
        %eq3A_2341 = vector.broadcast %eq3A_2340 : i32 to vector<16xi32>
        %eq3A_2342 = arith.cmpi eq, %get3A_2151, %eq3A_2341 : vector<16xi32>
        %broadcast_in_dim3A_2343 = arith.constant 19967 : i32
        %broadcast_in_dim3A_2344 = vector.broadcast %broadcast_in_dim3A_2343 : i32 to vector<16xi32>
        %sub3A_2345 = arith.subi %broadcast_in_dim3A_2344, %convert_element_type3A_2336 : vector<16xi32>
        tpu.vector_store_idx %arg7[%sub3A_2345], %broadcast_in_dim3A_35 masked %eq3A_2342 {add = true} : memref<24576xf32, #tpu.memory_space<vmem>>[vector<16xi32>], vector<16xf32>, vector<16xi1>
        %mul3A_2346 = arith.mulf %exp3A_2100, %div3A_2147 : vector<16xf32>
        %min3A_2347 = vector.broadcast %sub3A_38 : f32 to vector<16xf32>
        %min3A_2348 = arith.minimumf %mul3A_2346, %min3A_2347 : vector<16xf32>
        %convert_element_type3A_2349 = arith.fptosi %min3A_2348 : vector<16xf32> to vector<16xi32>
        %add3A_2350 = arith.constant 7680 : i32
        %add3A_2351 = vector.broadcast %add3A_2350 : i32 to vector<16xi32>
        %add3A_2352 = arith.addi %convert_element_type3A_2349, %add3A_2351 : vector<16xi32>
        tpu.vector_store_idx %arg7[%add3A_2352], %broadcast_in_dim3A_35 {add = true} : memref<24576xf32, #tpu.memory_space<vmem>>[vector<16xi32>], vector<16xf32>,
        %eq3A_2353 = arith.constant 15 : i32
        %eq3A_2354 = vector.broadcast %eq3A_2353 : i32 to vector<16xi32>
        %eq3A_2355 = arith.cmpi eq, %get3A_2151, %eq3A_2354 : vector<16xi32>
        %broadcast_in_dim3A_2356 = arith.constant 20479 : i32
        %broadcast_in_dim3A_2357 = vector.broadcast %broadcast_in_dim3A_2356 : i32 to vector<16xi32>
        %sub3A_2358 = arith.subi %broadcast_in_dim3A_2357, %convert_element_type3A_2349 : vector<16xi32>
        tpu.vector_store_idx %arg7[%sub3A_2358], %broadcast_in_dim3A_35 masked %eq3A_2355 {add = true} : memref<24576xf32, #tpu.memory_space<vmem>>[vector<16xi32>], vector<16xf32>, vector<16xi1>
        %mul3A_2359 = arith.mulf %exp3A_2105, %div3A_2147 : vector<16xf32>
        %min3A_2360 = vector.broadcast %sub3A_38 : f32 to vector<16xf32>
        %min3A_2361 = arith.minimumf %mul3A_2359, %min3A_2360 : vector<16xf32>
        %convert_element_type3A_2362 = arith.fptosi %min3A_2361 : vector<16xf32> to vector<16xi32>
        %add3A_2363 = arith.constant 8192 : i32
        %add3A_2364 = vector.broadcast %add3A_2363 : i32 to vector<16xi32>
        %add3A_2365 = arith.addi %convert_element_type3A_2362, %add3A_2364 : vector<16xi32>
        tpu.vector_store_idx %arg7[%add3A_2365], %broadcast_in_dim3A_35 {add = true} : memref<24576xf32, #tpu.memory_space<vmem>>[vector<16xi32>], vector<16xf32>,
        %eq3A_2366 = arith.constant 16 : i32
        %eq3A_2367 = vector.broadcast %eq3A_2366 : i32 to vector<16xi32>
        %eq3A_2368 = arith.cmpi eq, %get3A_2151, %eq3A_2367 : vector<16xi32>
        %broadcast_in_dim3A_2369 = arith.constant 20991 : i32
        %broadcast_in_dim3A_2370 = vector.broadcast %broadcast_in_dim3A_2369 : i32 to vector<16xi32>
        %sub3A_2371 = arith.subi %broadcast_in_dim3A_2370, %convert_element_type3A_2362 : vector<16xi32>
        tpu.vector_store_idx %arg7[%sub3A_2371], %broadcast_in_dim3A_35 masked %eq3A_2368 {add = true} : memref<24576xf32, #tpu.memory_space<vmem>>[vector<16xi32>], vector<16xf32>, vector<16xi1>
        %mul3A_2372 = arith.mulf %exp3A_2110, %div3A_2147 : vector<16xf32>
        %min3A_2373 = vector.broadcast %sub3A_38 : f32 to vector<16xf32>
        %min3A_2374 = arith.minimumf %mul3A_2372, %min3A_2373 : vector<16xf32>
        %convert_element_type3A_2375 = arith.fptosi %min3A_2374 : vector<16xf32> to vector<16xi32>
        %add3A_2376 = arith.constant 8704 : i32
        %add3A_2377 = vector.broadcast %add3A_2376 : i32 to vector<16xi32>
        %add3A_2378 = arith.addi %convert_element_type3A_2375, %add3A_2377 : vector<16xi32>
        tpu.vector_store_idx %arg7[%add3A_2378], %broadcast_in_dim3A_35 {add = true} : memref<24576xf32, #tpu.memory_space<vmem>>[vector<16xi32>], vector<16xf32>,
        %eq3A_2379 = arith.constant 17 : i32
        %eq3A_2380 = vector.broadcast %eq3A_2379 : i32 to vector<16xi32>
        %eq3A_2381 = arith.cmpi eq, %get3A_2151, %eq3A_2380 : vector<16xi32>
        %broadcast_in_dim3A_2382 = arith.constant 21503 : i32
        %broadcast_in_dim3A_2383 = vector.broadcast %broadcast_in_dim3A_2382 : i32 to vector<16xi32>
        %sub3A_2384 = arith.subi %broadcast_in_dim3A_2383, %convert_element_type3A_2375 : vector<16xi32>
        tpu.vector_store_idx %arg7[%sub3A_2384], %broadcast_in_dim3A_35 masked %eq3A_2381 {add = true} : memref<24576xf32, #tpu.memory_space<vmem>>[vector<16xi32>], vector<16xf32>, vector<16xi1>
        %mul3A_2385 = arith.mulf %exp3A_2115, %div3A_2147 : vector<16xf32>
        %min3A_2386 = vector.broadcast %sub3A_38 : f32 to vector<16xf32>
        %min3A_2387 = arith.minimumf %mul3A_2385, %min3A_2386 : vector<16xf32>
        %convert_element_type3A_2388 = arith.fptosi %min3A_2387 : vector<16xf32> to vector<16xi32>
        %add3A_2389 = arith.constant 9216 : i32
        %add3A_2390 = vector.broadcast %add3A_2389 : i32 to vector<16xi32>
        %add3A_2391 = arith.addi %convert_element_type3A_2388, %add3A_2390 : vector<16xi32>
        tpu.vector_store_idx %arg7[%add3A_2391], %broadcast_in_dim3A_35 {add = true} : memref<24576xf32, #tpu.memory_space<vmem>>[vector<16xi32>], vector<16xf32>,
        %eq3A_2392 = arith.constant 18 : i32
        %eq3A_2393 = vector.broadcast %eq3A_2392 : i32 to vector<16xi32>
        %eq3A_2394 = arith.cmpi eq, %get3A_2151, %eq3A_2393 : vector<16xi32>
        %broadcast_in_dim3A_2395 = arith.constant 22015 : i32
        %broadcast_in_dim3A_2396 = vector.broadcast %broadcast_in_dim3A_2395 : i32 to vector<16xi32>
        %sub3A_2397 = arith.subi %broadcast_in_dim3A_2396, %convert_element_type3A_2388 : vector<16xi32>
        tpu.vector_store_idx %arg7[%sub3A_2397], %broadcast_in_dim3A_35 masked %eq3A_2394 {add = true} : memref<24576xf32, #tpu.memory_space<vmem>>[vector<16xi32>], vector<16xf32>, vector<16xi1>
        %mul3A_2398 = arith.mulf %exp3A_2120, %div3A_2147 : vector<16xf32>
        %min3A_2399 = vector.broadcast %sub3A_38 : f32 to vector<16xf32>
        %min3A_2400 = arith.minimumf %mul3A_2398, %min3A_2399 : vector<16xf32>
        %convert_element_type3A_2401 = arith.fptosi %min3A_2400 : vector<16xf32> to vector<16xi32>
        %add3A_2402 = arith.constant 9728 : i32
        %add3A_2403 = vector.broadcast %add3A_2402 : i32 to vector<16xi32>
        %add3A_2404 = arith.addi %convert_element_type3A_2401, %add3A_2403 : vector<16xi32>
        tpu.vector_store_idx %arg7[%add3A_2404], %broadcast_in_dim3A_35 {add = true} : memref<24576xf32, #tpu.memory_space<vmem>>[vector<16xi32>], vector<16xf32>,
        %eq3A_2405 = arith.constant 19 : i32
        %eq3A_2406 = vector.broadcast %eq3A_2405 : i32 to vector<16xi32>
        %eq3A_2407 = arith.cmpi eq, %get3A_2151, %eq3A_2406 : vector<16xi32>
        %broadcast_in_dim3A_2408 = arith.constant 22527 : i32
        %broadcast_in_dim3A_2409 = vector.broadcast %broadcast_in_dim3A_2408 : i32 to vector<16xi32>
        %sub3A_2410 = arith.subi %broadcast_in_dim3A_2409, %convert_element_type3A_2401 : vector<16xi32>
        tpu.vector_store_idx %arg7[%sub3A_2410], %broadcast_in_dim3A_35 masked %eq3A_2407 {add = true} : memref<24576xf32, #tpu.memory_space<vmem>>[vector<16xi32>], vector<16xf32>, vector<16xi1>
        %mul3A_2411 = arith.mulf %exp3A_2125, %div3A_2147 : vector<16xf32>
        %min3A_2412 = vector.broadcast %sub3A_38 : f32 to vector<16xf32>
        %min3A_2413 = arith.minimumf %mul3A_2411, %min3A_2412 : vector<16xf32>
        %convert_element_type3A_2414 = arith.fptosi %min3A_2413 : vector<16xf32> to vector<16xi32>
        %add3A_2415 = arith.constant 10240 : i32
        %add3A_2416 = vector.broadcast %add3A_2415 : i32 to vector<16xi32>
        %add3A_2417 = arith.addi %convert_element_type3A_2414, %add3A_2416 : vector<16xi32>
        tpu.vector_store_idx %arg7[%add3A_2417], %broadcast_in_dim3A_35 {add = true} : memref<24576xf32, #tpu.memory_space<vmem>>[vector<16xi32>], vector<16xf32>,
        %eq3A_2418 = arith.constant 20 : i32
        %eq3A_2419 = vector.broadcast %eq3A_2418 : i32 to vector<16xi32>
        %eq3A_2420 = arith.cmpi eq, %get3A_2151, %eq3A_2419 : vector<16xi32>
        %broadcast_in_dim3A_2421 = arith.constant 23039 : i32
        %broadcast_in_dim3A_2422 = vector.broadcast %broadcast_in_dim3A_2421 : i32 to vector<16xi32>
        %sub3A_2423 = arith.subi %broadcast_in_dim3A_2422, %convert_element_type3A_2414 : vector<16xi32>
        tpu.vector_store_idx %arg7[%sub3A_2423], %broadcast_in_dim3A_35 masked %eq3A_2420 {add = true} : memref<24576xf32, #tpu.memory_space<vmem>>[vector<16xi32>], vector<16xf32>, vector<16xi1>
      }
      %scan3A_2019 = arith.constant 128 : i32
    }
    %scan3A_246 = arith.constant 16 : i32
    %mul3A_247 = arith.constant 48 : i32
    %mul3A_248 = arith.muli %add3A, %mul3A_247 : i32
    %add3A_249 = arith.constant 0 : i32
    %add3A_250 = arith.addi %mul3A_248, %add3A_249 : i32
    %mul3A_251 = arith.constant 48 : i32
    %mul3A_252 = arith.muli %add3A, %mul3A_251 : i32
    %add3A_253 = arith.constant 1 : i32
    %add3A_254 = arith.addi %mul3A_252, %add3A_253 : i32
    %mul3A_255 = arith.constant 48 : i32
    %mul3A_256 = arith.muli %add3A, %mul3A_255 : i32
    %add3A_257 = arith.constant 2 : i32
    %add3A_258 = arith.addi %mul3A_256, %add3A_257 : i32
    %mul3A_259 = arith.constant 48 : i32
    %mul3A_260 = arith.muli %add3A, %mul3A_259 : i32
    %add3A_261 = arith.constant 3 : i32
    %add3A_262 = arith.addi %mul3A_260, %add3A_261 : i32
    %mul3A_263 = arith.constant 48 : i32
    %mul3A_264 = arith.muli %add3A, %mul3A_263 : i32
    %add3A_265 = arith.constant 4 : i32
    %add3A_266 = arith.addi %mul3A_264, %add3A_265 : i32
    %mul3A_267 = arith.constant 48 : i32
    %mul3A_268 = arith.muli %add3A, %mul3A_267 : i32
    %add3A_269 = arith.constant 5 : i32
    %add3A_270 = arith.addi %mul3A_268, %add3A_269 : i32
    %mul3A_271 = arith.constant 48 : i32
    %mul3A_272 = arith.muli %add3A, %mul3A_271 : i32
    %add3A_273 = arith.constant 6 : i32
    %add3A_274 = arith.addi %mul3A_272, %add3A_273 : i32
    %mul3A_275 = arith.constant 48 : i32
    %mul3A_276 = arith.muli %add3A, %mul3A_275 : i32
    %add3A_277 = arith.constant 7 : i32
    %add3A_278 = arith.addi %mul3A_276, %add3A_277 : i32
    %mul3A_279 = arith.constant 48 : i32
    %mul3A_280 = arith.muli %add3A, %mul3A_279 : i32
    %add3A_281 = arith.constant 8 : i32
    %add3A_282 = arith.addi %mul3A_280, %add3A_281 : i32
    %mul3A_283 = arith.constant 48 : i32
    %mul3A_284 = arith.muli %add3A, %mul3A_283 : i32
    %add3A_285 = arith.constant 9 : i32
    %add3A_286 = arith.addi %mul3A_284, %add3A_285 : i32
    %mul3A_287 = arith.constant 48 : i32
    %mul3A_288 = arith.muli %add3A, %mul3A_287 : i32
    %add3A_289 = arith.constant 10 : i32
    %add3A_290 = arith.addi %mul3A_288, %add3A_289 : i32
    %mul3A_291 = arith.constant 48 : i32
    %mul3A_292 = arith.muli %add3A, %mul3A_291 : i32
    %add3A_293 = arith.constant 11 : i32
    %add3A_294 = arith.addi %mul3A_292, %add3A_293 : i32
    %mul3A_295 = arith.constant 48 : i32
    %mul3A_296 = arith.muli %add3A, %mul3A_295 : i32
    %add3A_297 = arith.constant 12 : i32
    %add3A_298 = arith.addi %mul3A_296, %add3A_297 : i32
    %mul3A_299 = arith.constant 48 : i32
    %mul3A_300 = arith.muli %add3A, %mul3A_299 : i32
    %add3A_301 = arith.constant 13 : i32
    %add3A_302 = arith.addi %mul3A_300, %add3A_301 : i32
    %mul3A_303 = arith.constant 48 : i32
    %mul3A_304 = arith.muli %add3A, %mul3A_303 : i32
    %add3A_305 = arith.constant 14 : i32
    %add3A_306 = arith.addi %mul3A_304, %add3A_305 : i32
    %mul3A_307 = arith.constant 48 : i32
    %mul3A_308 = arith.muli %add3A, %mul3A_307 : i32
    %add3A_309 = arith.constant 15 : i32
    %add3A_310 = arith.addi %mul3A_308, %add3A_309 : i32
    %mul3A_311 = arith.constant 48 : i32
    %mul3A_312 = arith.muli %add3A, %mul3A_311 : i32
    %add3A_313 = arith.constant 16 : i32
    %add3A_314 = arith.addi %mul3A_312, %add3A_313 : i32
    %mul3A_315 = arith.constant 48 : i32
    %mul3A_316 = arith.muli %add3A, %mul3A_315 : i32
    %add3A_317 = arith.constant 17 : i32
    %add3A_318 = arith.addi %mul3A_316, %add3A_317 : i32
    %mul3A_319 = arith.constant 48 : i32
    %mul3A_320 = arith.muli %add3A, %mul3A_319 : i32
    %add3A_321 = arith.constant 18 : i32
    %add3A_322 = arith.addi %mul3A_320, %add3A_321 : i32
    %mul3A_323 = arith.constant 48 : i32
    %mul3A_324 = arith.muli %add3A, %mul3A_323 : i32
    %add3A_325 = arith.constant 19 : i32
    %add3A_326 = arith.addi %mul3A_324, %add3A_325 : i32
    %mul3A_327 = arith.constant 48 : i32
    %mul3A_328 = arith.muli %add3A, %mul3A_327 : i32
    %add3A_329 = arith.constant 20 : i32
    %add3A_330 = arith.addi %mul3A_328, %add3A_329 : i32
    %mul3A_331 = arith.constant 48 : i32
    %mul3A_332 = arith.muli %add3A, %mul3A_331 : i32
    %add3A_333 = arith.constant 21 : i32
    %add3A_334 = arith.addi %mul3A_332, %add3A_333 : i32
    %mul3A_335 = arith.constant 48 : i32
    %mul3A_336 = arith.muli %add3A, %mul3A_335 : i32
    %add3A_337 = arith.constant 22 : i32
    %add3A_338 = arith.addi %mul3A_336, %add3A_337 : i32
    %mul3A_339 = arith.constant 48 : i32
    %mul3A_340 = arith.muli %add3A, %mul3A_339 : i32
    %add3A_341 = arith.constant 23 : i32
    %add3A_342 = arith.addi %mul3A_340, %add3A_341 : i32
    %mul3A_343 = arith.constant 48 : i32
    %mul3A_344 = arith.muli %add3A, %mul3A_343 : i32
    %add3A_345 = arith.constant 24 : i32
    %add3A_346 = arith.addi %mul3A_344, %add3A_345 : i32
    %mul3A_347 = arith.constant 48 : i32
    %mul3A_348 = arith.muli %add3A, %mul3A_347 : i32
    %add3A_349 = arith.constant 25 : i32
    %add3A_350 = arith.addi %mul3A_348, %add3A_349 : i32
    %mul3A_351 = arith.constant 48 : i32
    %mul3A_352 = arith.muli %add3A, %mul3A_351 : i32
    %add3A_353 = arith.constant 26 : i32
    %add3A_354 = arith.addi %mul3A_352, %add3A_353 : i32
    %mul3A_355 = arith.constant 48 : i32
    %mul3A_356 = arith.muli %add3A, %mul3A_355 : i32
    %add3A_357 = arith.constant 27 : i32
    %add3A_358 = arith.addi %mul3A_356, %add3A_357 : i32
    %mul3A_359 = arith.constant 48 : i32
    %mul3A_360 = arith.muli %add3A, %mul3A_359 : i32
    %add3A_361 = arith.constant 28 : i32
    %add3A_362 = arith.addi %mul3A_360, %add3A_361 : i32
    %mul3A_363 = arith.constant 48 : i32
    %mul3A_364 = arith.muli %add3A, %mul3A_363 : i32
    %add3A_365 = arith.constant 29 : i32
    %add3A_366 = arith.addi %mul3A_364, %add3A_365 : i32
    %mul3A_367 = arith.constant 48 : i32
    %mul3A_368 = arith.muli %add3A, %mul3A_367 : i32
    %add3A_369 = arith.constant 30 : i32
    %add3A_370 = arith.addi %mul3A_368, %add3A_369 : i32
    %mul3A_371 = arith.constant 48 : i32
    %mul3A_372 = arith.muli %add3A, %mul3A_371 : i32
    %add3A_373 = arith.constant 31 : i32
    %add3A_374 = arith.addi %mul3A_372, %add3A_373 : i32
    %mul3A_375 = arith.constant 48 : i32
    %mul3A_376 = arith.muli %add3A, %mul3A_375 : i32
    %add3A_377 = arith.constant 32 : i32
    %add3A_378 = arith.addi %mul3A_376, %add3A_377 : i32
    %mul3A_379 = arith.constant 48 : i32
    %mul3A_380 = arith.muli %add3A, %mul3A_379 : i32
    %add3A_381 = arith.constant 33 : i32
    %add3A_382 = arith.addi %mul3A_380, %add3A_381 : i32
    %mul3A_383 = arith.constant 48 : i32
    %mul3A_384 = arith.muli %add3A, %mul3A_383 : i32
    %add3A_385 = arith.constant 34 : i32
    %add3A_386 = arith.addi %mul3A_384, %add3A_385 : i32
    %mul3A_387 = arith.constant 48 : i32
    %mul3A_388 = arith.muli %add3A, %mul3A_387 : i32
    %add3A_389 = arith.constant 35 : i32
    %add3A_390 = arith.addi %mul3A_388, %add3A_389 : i32
    %mul3A_391 = arith.constant 48 : i32
    %mul3A_392 = arith.muli %add3A, %mul3A_391 : i32
    %add3A_393 = arith.constant 36 : i32
    %add3A_394 = arith.addi %mul3A_392, %add3A_393 : i32
    %mul3A_395 = arith.constant 48 : i32
    %mul3A_396 = arith.muli %add3A, %mul3A_395 : i32
    %add3A_397 = arith.constant 37 : i32
    %add3A_398 = arith.addi %mul3A_396, %add3A_397 : i32
    %mul3A_399 = arith.constant 48 : i32
    %mul3A_400 = arith.muli %add3A, %mul3A_399 : i32
    %add3A_401 = arith.constant 38 : i32
    %add3A_402 = arith.addi %mul3A_400, %add3A_401 : i32
    %mul3A_403 = arith.constant 48 : i32
    %mul3A_404 = arith.muli %add3A, %mul3A_403 : i32
    %add3A_405 = arith.constant 39 : i32
    %add3A_406 = arith.addi %mul3A_404, %add3A_405 : i32
    %mul3A_407 = arith.constant 48 : i32
    %mul3A_408 = arith.muli %add3A, %mul3A_407 : i32
    %add3A_409 = arith.constant 40 : i32
    %add3A_410 = arith.addi %mul3A_408, %add3A_409 : i32
    %mul3A_411 = arith.constant 48 : i32
    %mul3A_412 = arith.muli %add3A, %mul3A_411 : i32
    %add3A_413 = arith.constant 41 : i32
    %add3A_414 = arith.addi %mul3A_412, %add3A_413 : i32
    %mul3A_415 = arith.constant 48 : i32
    %mul3A_416 = arith.muli %add3A, %mul3A_415 : i32
    %add3A_417 = arith.constant 42 : i32
    %add3A_418 = arith.addi %mul3A_416, %add3A_417 : i32
    %mul3A_419 = arith.constant 48 : i32
    %mul3A_420 = arith.muli %add3A, %mul3A_419 : i32
    %add3A_421 = arith.constant 43 : i32
    %add3A_422 = arith.addi %mul3A_420, %add3A_421 : i32
    %mul3A_423 = arith.constant 48 : i32
    %mul3A_424 = arith.muli %add3A, %mul3A_423 : i32
    %add3A_425 = arith.constant 44 : i32
    %add3A_426 = arith.addi %mul3A_424, %add3A_425 : i32
    %mul3A_427 = arith.constant 48 : i32
    %mul3A_428 = arith.muli %add3A, %mul3A_427 : i32
    %add3A_429 = arith.constant 45 : i32
    %add3A_430 = arith.addi %mul3A_428, %add3A_429 : i32
    %mul3A_431 = arith.constant 48 : i32
    %mul3A_432 = arith.muli %add3A, %mul3A_431 : i32
    %add3A_433 = arith.constant 46 : i32
    %add3A_434 = arith.addi %mul3A_432, %add3A_433 : i32
    %mul3A_435 = arith.constant 48 : i32
    %mul3A_436 = arith.muli %add3A, %mul3A_435 : i32
    %add3A_437 = arith.constant 47 : i32
    %add3A_438 = arith.addi %mul3A_436, %add3A_437 : i32
    %dma_start3A_439 = arith.constant 0 : i32
    %dma_start3A_440 = tpu.memref_slice %arg7[%dma_start3A_439] : memref<24576xf32, #tpu.memory_space<vmem>> -> memref<512xf32, #tpu.memory_space<vmem>>
    %dma_start3A_441 = arith.constant 0 : i32
    %dma_start3A_442 = tpu.memref_slice %arg4[%add3A_250, %dma_start3A_441] : memref<1536x512xf32, #tpu.memory_space<hbm>> -> memref<1x512xf32, #tpu.memory_space<hbm>>
    %dma_start3A_443 = tpu.memref_squeeze %dma_start3A_442 : memref<1x512xf32, #tpu.memory_space<hbm>> -> memref<512xf32, #tpu.memory_space<hbm>>
    %dma_start3A_444 = arith.constant 0 : i32
    %dma_start3A_445 = tpu.memref_slice %arg4[%add3A_250, %dma_start3A_444] : memref<1536x512xf32, #tpu.memory_space<hbm>> -> memref<1x512xf32, #tpu.memory_space<hbm>>
    %dma_start3A_446 = tpu.memref_squeeze %dma_start3A_445 : memref<1x512xf32, #tpu.memory_space<hbm>> -> memref<512xf32, #tpu.memory_space<hbm>>
    %dma_start3A_447 = arith.constant 0 : i32
    %dma_start3A_448 = tpu.memref_slice %arg7[%dma_start3A_447] : memref<24576xf32, #tpu.memory_space<vmem>> -> memref<512xf32, #tpu.memory_space<vmem>>
    tpu.enqueue_dma source(%dma_start3A_448 : memref<512xf32, #tpu.memory_space<vmem>>) target(%dma_start3A_446 : memref<512xf32, #tpu.memory_space<hbm>>) target_semaphore(%arg8 : memref<!tpu.dma_semaphore, #tpu.memory_space<semaphore_mem>>)
    %dma_start3A_449 = arith.constant 512 : i32
    %dma_start3A_450 = tpu.memref_slice %arg7[%dma_start3A_449] : memref<24576xf32, #tpu.memory_space<vmem>> -> memref<512xf32, #tpu.memory_space<vmem>>
    %dma_start3A_451 = arith.constant 0 : i32
    %dma_start3A_452 = tpu.memref_slice %arg4[%add3A_254, %dma_start3A_451] : memref<1536x512xf32, #tpu.memory_space<hbm>> -> memref<1x512xf32, #tpu.memory_space<hbm>>
    %dma_start3A_453 = tpu.memref_squeeze %dma_start3A_452 : memref<1x512xf32, #tpu.memory_space<hbm>> -> memref<512xf32, #tpu.memory_space<hbm>>
    %dma_start3A_454 = arith.constant 0 : i32
    %dma_start3A_455 = tpu.memref_slice %arg4[%add3A_254, %dma_start3A_454] : memref<1536x512xf32, #tpu.memory_space<hbm>> -> memref<1x512xf32, #tpu.memory_space<hbm>>
    %dma_start3A_456 = tpu.memref_squeeze %dma_start3A_455 : memref<1x512xf32, #tpu.memory_space<hbm>> -> memref<512xf32, #tpu.memory_space<hbm>>
    %dma_start3A_457 = arith.constant 512 : i32
    %dma_start3A_458 = tpu.memref_slice %arg7[%dma_start3A_457] : memref<24576xf32, #tpu.memory_space<vmem>> -> memref<512xf32, #tpu.memory_space<vmem>>
    tpu.enqueue_dma source(%dma_start3A_458 : memref<512xf32, #tpu.memory_space<vmem>>) target(%dma_start3A_456 : memref<512xf32, #tpu.memory_space<hbm>>) target_semaphore(%arg8 : memref<!tpu.dma_semaphore, #tpu.memory_space<semaphore_mem>>)
    %dma_start3A_459 = arith.constant 1024 : i32
    %dma_start3A_460 = tpu.memref_slice %arg7[%dma_start3A_459] : memref<24576xf32, #tpu.memory_space<vmem>> -> memref<512xf32, #tpu.memory_space<vmem>>
    %dma_start3A_461 = arith.constant 0 : i32
    %dma_start3A_462 = tpu.memref_slice %arg4[%add3A_258, %dma_start3A_461] : memref<1536x512xf32, #tpu.memory_space<hbm>> -> memref<1x512xf32, #tpu.memory_space<hbm>>
    %dma_start3A_463 = tpu.memref_squeeze %dma_start3A_462 : memref<1x512xf32, #tpu.memory_space<hbm>> -> memref<512xf32, #tpu.memory_space<hbm>>
    %dma_start3A_464 = arith.constant 0 : i32
    %dma_start3A_465 = tpu.memref_slice %arg4[%add3A_258, %dma_start3A_464] : memref<1536x512xf32, #tpu.memory_space<hbm>> -> memref<1x512xf32, #tpu.memory_space<hbm>>
    %dma_start3A_466 = tpu.memref_squeeze %dma_start3A_465 : memref<1x512xf32, #tpu.memory_space<hbm>> -> memref<512xf32, #tpu.memory_space<hbm>>
    %dma_start3A_467 = arith.constant 1024 : i32
    %dma_start3A_468 = tpu.memref_slice %arg7[%dma_start3A_467] : memref<24576xf32, #tpu.memory_space<vmem>> -> memref<512xf32, #tpu.memory_space<vmem>>
    tpu.enqueue_dma source(%dma_start3A_468 : memref<512xf32, #tpu.memory_space<vmem>>) target(%dma_start3A_466 : memref<512xf32, #tpu.memory_space<hbm>>) target_semaphore(%arg8 : memref<!tpu.dma_semaphore, #tpu.memory_space<semaphore_mem>>)
    %dma_start3A_469 = arith.constant 1536 : i32
    %dma_start3A_470 = tpu.memref_slice %arg7[%dma_start3A_469] : memref<24576xf32, #tpu.memory_space<vmem>> -> memref<512xf32, #tpu.memory_space<vmem>>
    %dma_start3A_471 = arith.constant 0 : i32
    %dma_start3A_472 = tpu.memref_slice %arg4[%add3A_262, %dma_start3A_471] : memref<1536x512xf32, #tpu.memory_space<hbm>> -> memref<1x512xf32, #tpu.memory_space<hbm>>
    %dma_start3A_473 = tpu.memref_squeeze %dma_start3A_472 : memref<1x512xf32, #tpu.memory_space<hbm>> -> memref<512xf32, #tpu.memory_space<hbm>>
    %dma_start3A_474 = arith.constant 0 : i32
    %dma_start3A_475 = tpu.memref_slice %arg4[%add3A_262, %dma_start3A_474] : memref<1536x512xf32, #tpu.memory_space<hbm>> -> memref<1x512xf32, #tpu.memory_space<hbm>>
    %dma_start3A_476 = tpu.memref_squeeze %dma_start3A_475 : memref<1x512xf32, #tpu.memory_space<hbm>> -> memref<512xf32, #tpu.memory_space<hbm>>
    %dma_start3A_477 = arith.constant 1536 : i32
    %dma_start3A_478 = tpu.memref_slice %arg7[%dma_start3A_477] : memref<24576xf32, #tpu.memory_space<vmem>> -> memref<512xf32, #tpu.memory_space<vmem>>
    tpu.enqueue_dma source(%dma_start3A_478 : memref<512xf32, #tpu.memory_space<vmem>>) target(%dma_start3A_476 : memref<512xf32, #tpu.memory_space<hbm>>) target_semaphore(%arg8 : memref<!tpu.dma_semaphore, #tpu.memory_space<semaphore_mem>>)
    %dma_start3A_479 = arith.constant 2048 : i32
    %dma_start3A_480 = tpu.memref_slice %arg7[%dma_start3A_479] : memref<24576xf32, #tpu.memory_space<vmem>> -> memref<512xf32, #tpu.memory_space<vmem>>
    %dma_start3A_481 = arith.constant 0 : i32
    %dma_start3A_482 = tpu.memref_slice %arg4[%add3A_266, %dma_start3A_481] : memref<1536x512xf32, #tpu.memory_space<hbm>> -> memref<1x512xf32, #tpu.memory_space<hbm>>
    %dma_start3A_483 = tpu.memref_squeeze %dma_start3A_482 : memref<1x512xf32, #tpu.memory_space<hbm>> -> memref<512xf32, #tpu.memory_space<hbm>>
    %dma_start3A_484 = arith.constant 0 : i32
    %dma_start3A_485 = tpu.memref_slice %arg4[%add3A_266, %dma_start3A_484] : memref<1536x512xf32, #tpu.memory_space<hbm>> -> memref<1x512xf32, #tpu.memory_space<hbm>>
    %dma_start3A_486 = tpu.memref_squeeze %dma_start3A_485 : memref<1x512xf32, #tpu.memory_space<hbm>> -> memref<512xf32, #tpu.memory_space<hbm>>
    %dma_start3A_487 = arith.constant 2048 : i32
    %dma_start3A_488 = tpu.memref_slice %arg7[%dma_start3A_487] : memref<24576xf32, #tpu.memory_space<vmem>> -> memref<512xf32, #tpu.memory_space<vmem>>
    tpu.enqueue_dma source(%dma_start3A_488 : memref<512xf32, #tpu.memory_space<vmem>>) target(%dma_start3A_486 : memref<512xf32, #tpu.memory_space<hbm>>) target_semaphore(%arg8 : memref<!tpu.dma_semaphore, #tpu.memory_space<semaphore_mem>>)
    %dma_start3A_489 = arith.constant 2560 : i32
    %dma_start3A_490 = tpu.memref_slice %arg7[%dma_start3A_489] : memref<24576xf32, #tpu.memory_space<vmem>> -> memref<512xf32, #tpu.memory_space<vmem>>
    %dma_start3A_491 = arith.constant 0 : i32
    %dma_start3A_492 = tpu.memref_slice %arg4[%add3A_270, %dma_start3A_491] : memref<1536x512xf32, #tpu.memory_space<hbm>> -> memref<1x512xf32, #tpu.memory_space<hbm>>
    %dma_start3A_493 = tpu.memref_squeeze %dma_start3A_492 : memref<1x512xf32, #tpu.memory_space<hbm>> -> memref<512xf32, #tpu.memory_space<hbm>>
    %dma_start3A_494 = arith.constant 0 : i32
    %dma_start3A_495 = tpu.memref_slice %arg4[%add3A_270, %dma_start3A_494] : memref<1536x512xf32, #tpu.memory_space<hbm>> -> memref<1x512xf32, #tpu.memory_space<hbm>>
    %dma_start3A_496 = tpu.memref_squeeze %dma_start3A_495 : memref<1x512xf32, #tpu.memory_space<hbm>> -> memref<512xf32, #tpu.memory_space<hbm>>
    %dma_start3A_497 = arith.constant 2560 : i32
    %dma_start3A_498 = tpu.memref_slice %arg7[%dma_start3A_497] : memref<24576xf32, #tpu.memory_space<vmem>> -> memref<512xf32, #tpu.memory_space<vmem>>
    tpu.enqueue_dma source(%dma_start3A_498 : memref<512xf32, #tpu.memory_space<vmem>>) target(%dma_start3A_496 : memref<512xf32, #tpu.memory_space<hbm>>) target_semaphore(%arg8 : memref<!tpu.dma_semaphore, #tpu.memory_space<semaphore_mem>>)
    %dma_start3A_499 = arith.constant 3072 : i32
    %dma_start3A_500 = tpu.memref_slice %arg7[%dma_start3A_499] : memref<24576xf32, #tpu.memory_space<vmem>> -> memref<512xf32, #tpu.memory_space<vmem>>
    %dma_start3A_501 = arith.constant 0 : i32
    %dma_start3A_502 = tpu.memref_slice %arg4[%add3A_274, %dma_start3A_501] : memref<1536x512xf32, #tpu.memory_space<hbm>> -> memref<1x512xf32, #tpu.memory_space<hbm>>
    %dma_start3A_503 = tpu.memref_squeeze %dma_start3A_502 : memref<1x512xf32, #tpu.memory_space<hbm>> -> memref<512xf32, #tpu.memory_space<hbm>>
    %dma_start3A_504 = arith.constant 0 : i32
    %dma_start3A_505 = tpu.memref_slice %arg4[%add3A_274, %dma_start3A_504] : memref<1536x512xf32, #tpu.memory_space<hbm>> -> memref<1x512xf32, #tpu.memory_space<hbm>>
    %dma_start3A_506 = tpu.memref_squeeze %dma_start3A_505 : memref<1x512xf32, #tpu.memory_space<hbm>> -> memref<512xf32, #tpu.memory_space<hbm>>
    %dma_start3A_507 = arith.constant 3072 : i32
    %dma_start3A_508 = tpu.memref_slice %arg7[%dma_start3A_507] : memref<24576xf32, #tpu.memory_space<vmem>> -> memref<512xf32, #tpu.memory_space<vmem>>
    tpu.enqueue_dma source(%dma_start3A_508 : memref<512xf32, #tpu.memory_space<vmem>>) target(%dma_start3A_506 : memref<512xf32, #tpu.memory_space<hbm>>) target_semaphore(%arg8 : memref<!tpu.dma_semaphore, #tpu.memory_space<semaphore_mem>>)
    %dma_start3A_509 = arith.constant 3584 : i32
    %dma_start3A_510 = tpu.memref_slice %arg7[%dma_start3A_509] : memref<24576xf32, #tpu.memory_space<vmem>> -> memref<512xf32, #tpu.memory_space<vmem>>
    %dma_start3A_511 = arith.constant 0 : i32
    %dma_start3A_512 = tpu.memref_slice %arg4[%add3A_278, %dma_start3A_511] : memref<1536x512xf32, #tpu.memory_space<hbm>> -> memref<1x512xf32, #tpu.memory_space<hbm>>
    %dma_start3A_513 = tpu.memref_squeeze %dma_start3A_512 : memref<1x512xf32, #tpu.memory_space<hbm>> -> memref<512xf32, #tpu.memory_space<hbm>>
    %dma_start3A_514 = arith.constant 0 : i32
    %dma_start3A_515 = tpu.memref_slice %arg4[%add3A_278, %dma_start3A_514] : memref<1536x512xf32, #tpu.memory_space<hbm>> -> memref<1x512xf32, #tpu.memory_space<hbm>>
    %dma_start3A_516 = tpu.memref_squeeze %dma_start3A_515 : memref<1x512xf32, #tpu.memory_space<hbm>> -> memref<512xf32, #tpu.memory_space<hbm>>
    %dma_start3A_517 = arith.constant 3584 : i32
    %dma_start3A_518 = tpu.memref_slice %arg7[%dma_start3A_517] : memref<24576xf32, #tpu.memory_space<vmem>> -> memref<512xf32, #tpu.memory_space<vmem>>
    tpu.enqueue_dma source(%dma_start3A_518 : memref<512xf32, #tpu.memory_space<vmem>>) target(%dma_start3A_516 : memref<512xf32, #tpu.memory_space<hbm>>) target_semaphore(%arg8 : memref<!tpu.dma_semaphore, #tpu.memory_space<semaphore_mem>>)
    %dma_start3A_519 = arith.constant 4096 : i32
    %dma_start3A_520 = tpu.memref_slice %arg7[%dma_start3A_519] : memref<24576xf32, #tpu.memory_space<vmem>> -> memref<512xf32, #tpu.memory_space<vmem>>
    %dma_start3A_521 = arith.constant 0 : i32
    %dma_start3A_522 = tpu.memref_slice %arg4[%add3A_282, %dma_start3A_521] : memref<1536x512xf32, #tpu.memory_space<hbm>> -> memref<1x512xf32, #tpu.memory_space<hbm>>
    %dma_start3A_523 = tpu.memref_squeeze %dma_start3A_522 : memref<1x512xf32, #tpu.memory_space<hbm>> -> memref<512xf32, #tpu.memory_space<hbm>>
    %dma_start3A_524 = arith.constant 0 : i32
    %dma_start3A_525 = tpu.memref_slice %arg4[%add3A_282, %dma_start3A_524] : memref<1536x512xf32, #tpu.memory_space<hbm>> -> memref<1x512xf32, #tpu.memory_space<hbm>>
    %dma_start3A_526 = tpu.memref_squeeze %dma_start3A_525 : memref<1x512xf32, #tpu.memory_space<hbm>> -> memref<512xf32, #tpu.memory_space<hbm>>
    %dma_start3A_527 = arith.constant 4096 : i32
    %dma_start3A_528 = tpu.memref_slice %arg7[%dma_start3A_527] : memref<24576xf32, #tpu.memory_space<vmem>> -> memref<512xf32, #tpu.memory_space<vmem>>
    tpu.enqueue_dma source(%dma_start3A_528 : memref<512xf32, #tpu.memory_space<vmem>>) target(%dma_start3A_526 : memref<512xf32, #tpu.memory_space<hbm>>) target_semaphore(%arg8 : memref<!tpu.dma_semaphore, #tpu.memory_space<semaphore_mem>>)
    %dma_start3A_529 = arith.constant 4608 : i32
    %dma_start3A_530 = tpu.memref_slice %arg7[%dma_start3A_529] : memref<24576xf32, #tpu.memory_space<vmem>> -> memref<512xf32, #tpu.memory_space<vmem>>
    %dma_start3A_531 = arith.constant 0 : i32
    %dma_start3A_532 = tpu.memref_slice %arg4[%add3A_286, %dma_start3A_531] : memref<1536x512xf32, #tpu.memory_space<hbm>> -> memref<1x512xf32, #tpu.memory_space<hbm>>
    %dma_start3A_533 = tpu.memref_squeeze %dma_start3A_532 : memref<1x512xf32, #tpu.memory_space<hbm>> -> memref<512xf32, #tpu.memory_space<hbm>>
    %dma_start3A_534 = arith.constant 0 : i32
    %dma_start3A_535 = tpu.memref_slice %arg4[%add3A_286, %dma_start3A_534] : memref<1536x512xf32, #tpu.memory_space<hbm>> -> memref<1x512xf32, #tpu.memory_space<hbm>>
    %dma_start3A_536 = tpu.memref_squeeze %dma_start3A_535 : memref<1x512xf32, #tpu.memory_space<hbm>> -> memref<512xf32, #tpu.memory_space<hbm>>
    %dma_start3A_537 = arith.constant 4608 : i32
    %dma_start3A_538 = tpu.memref_slice %arg7[%dma_start3A_537] : memref<24576xf32, #tpu.memory_space<vmem>> -> memref<512xf32, #tpu.memory_space<vmem>>
    tpu.enqueue_dma source(%dma_start3A_538 : memref<512xf32, #tpu.memory_space<vmem>>) target(%dma_start3A_536 : memref<512xf32, #tpu.memory_space<hbm>>) target_semaphore(%arg8 : memref<!tpu.dma_semaphore, #tpu.memory_space<semaphore_mem>>)
    %dma_start3A_539 = arith.constant 5120 : i32
    %dma_start3A_540 = tpu.memref_slice %arg7[%dma_start3A_539] : memref<24576xf32, #tpu.memory_space<vmem>> -> memref<512xf32, #tpu.memory_space<vmem>>
    %dma_start3A_541 = arith.constant 0 : i32
    %dma_start3A_542 = tpu.memref_slice %arg4[%add3A_290, %dma_start3A_541] : memref<1536x512xf32, #tpu.memory_space<hbm>> -> memref<1x512xf32, #tpu.memory_space<hbm>>
    %dma_start3A_543 = tpu.memref_squeeze %dma_start3A_542 : memref<1x512xf32, #tpu.memory_space<hbm>> -> memref<512xf32, #tpu.memory_space<hbm>>
    %dma_start3A_544 = arith.constant 0 : i32
    %dma_start3A_545 = tpu.memref_slice %arg4[%add3A_290, %dma_start3A_544] : memref<1536x512xf32, #tpu.memory_space<hbm>> -> memref<1x512xf32, #tpu.memory_space<hbm>>
    %dma_start3A_546 = tpu.memref_squeeze %dma_start3A_545 : memref<1x512xf32, #tpu.memory_space<hbm>> -> memref<512xf32, #tpu.memory_space<hbm>>
    %dma_start3A_547 = arith.constant 5120 : i32
    %dma_start3A_548 = tpu.memref_slice %arg7[%dma_start3A_547] : memref<24576xf32, #tpu.memory_space<vmem>> -> memref<512xf32, #tpu.memory_space<vmem>>
    tpu.enqueue_dma source(%dma_start3A_548 : memref<512xf32, #tpu.memory_space<vmem>>) target(%dma_start3A_546 : memref<512xf32, #tpu.memory_space<hbm>>) target_semaphore(%arg8 : memref<!tpu.dma_semaphore, #tpu.memory_space<semaphore_mem>>)
    %dma_start3A_549 = arith.constant 5632 : i32
    %dma_start3A_550 = tpu.memref_slice %arg7[%dma_start3A_549] : memref<24576xf32, #tpu.memory_space<vmem>> -> memref<512xf32, #tpu.memory_space<vmem>>
    %dma_start3A_551 = arith.constant 0 : i32
    %dma_start3A_552 = tpu.memref_slice %arg4[%add3A_294, %dma_start3A_551] : memref<1536x512xf32, #tpu.memory_space<hbm>> -> memref<1x512xf32, #tpu.memory_space<hbm>>
    %dma_start3A_553 = tpu.memref_squeeze %dma_start3A_552 : memref<1x512xf32, #tpu.memory_space<hbm>> -> memref<512xf32, #tpu.memory_space<hbm>>
    %dma_start3A_554 = arith.constant 0 : i32
    %dma_start3A_555 = tpu.memref_slice %arg4[%add3A_294, %dma_start3A_554] : memref<1536x512xf32, #tpu.memory_space<hbm>> -> memref<1x512xf32, #tpu.memory_space<hbm>>
    %dma_start3A_556 = tpu.memref_squeeze %dma_start3A_555 : memref<1x512xf32, #tpu.memory_space<hbm>> -> memref<512xf32, #tpu.memory_space<hbm>>
    %dma_start3A_557 = arith.constant 5632 : i32
    %dma_start3A_558 = tpu.memref_slice %arg7[%dma_start3A_557] : memref<24576xf32, #tpu.memory_space<vmem>> -> memref<512xf32, #tpu.memory_space<vmem>>
    tpu.enqueue_dma source(%dma_start3A_558 : memref<512xf32, #tpu.memory_space<vmem>>) target(%dma_start3A_556 : memref<512xf32, #tpu.memory_space<hbm>>) target_semaphore(%arg8 : memref<!tpu.dma_semaphore, #tpu.memory_space<semaphore_mem>>)
    %dma_start3A_559 = arith.constant 6144 : i32
    %dma_start3A_560 = tpu.memref_slice %arg7[%dma_start3A_559] : memref<24576xf32, #tpu.memory_space<vmem>> -> memref<512xf32, #tpu.memory_space<vmem>>
    %dma_start3A_561 = arith.constant 0 : i32
    %dma_start3A_562 = tpu.memref_slice %arg4[%add3A_298, %dma_start3A_561] : memref<1536x512xf32, #tpu.memory_space<hbm>> -> memref<1x512xf32, #tpu.memory_space<hbm>>
    %dma_start3A_563 = tpu.memref_squeeze %dma_start3A_562 : memref<1x512xf32, #tpu.memory_space<hbm>> -> memref<512xf32, #tpu.memory_space<hbm>>
    %dma_start3A_564 = arith.constant 0 : i32
    %dma_start3A_565 = tpu.memref_slice %arg4[%add3A_298, %dma_start3A_564] : memref<1536x512xf32, #tpu.memory_space<hbm>> -> memref<1x512xf32, #tpu.memory_space<hbm>>
    %dma_start3A_566 = tpu.memref_squeeze %dma_start3A_565 : memref<1x512xf32, #tpu.memory_space<hbm>> -> memref<512xf32, #tpu.memory_space<hbm>>
    %dma_start3A_567 = arith.constant 6144 : i32
    %dma_start3A_568 = tpu.memref_slice %arg7[%dma_start3A_567] : memref<24576xf32, #tpu.memory_space<vmem>> -> memref<512xf32, #tpu.memory_space<vmem>>
    tpu.enqueue_dma source(%dma_start3A_568 : memref<512xf32, #tpu.memory_space<vmem>>) target(%dma_start3A_566 : memref<512xf32, #tpu.memory_space<hbm>>) target_semaphore(%arg8 : memref<!tpu.dma_semaphore, #tpu.memory_space<semaphore_mem>>)
    %dma_start3A_569 = arith.constant 6656 : i32
    %dma_start3A_570 = tpu.memref_slice %arg7[%dma_start3A_569] : memref<24576xf32, #tpu.memory_space<vmem>> -> memref<512xf32, #tpu.memory_space<vmem>>
    %dma_start3A_571 = arith.constant 0 : i32
    %dma_start3A_572 = tpu.memref_slice %arg4[%add3A_302, %dma_start3A_571] : memref<1536x512xf32, #tpu.memory_space<hbm>> -> memref<1x512xf32, #tpu.memory_space<hbm>>
    %dma_start3A_573 = tpu.memref_squeeze %dma_start3A_572 : memref<1x512xf32, #tpu.memory_space<hbm>> -> memref<512xf32, #tpu.memory_space<hbm>>
    %dma_start3A_574 = arith.constant 0 : i32
    %dma_start3A_575 = tpu.memref_slice %arg4[%add3A_302, %dma_start3A_574] : memref<1536x512xf32, #tpu.memory_space<hbm>> -> memref<1x512xf32, #tpu.memory_space<hbm>>
    %dma_start3A_576 = tpu.memref_squeeze %dma_start3A_575 : memref<1x512xf32, #tpu.memory_space<hbm>> -> memref<512xf32, #tpu.memory_space<hbm>>
    %dma_start3A_577 = arith.constant 6656 : i32
    %dma_start3A_578 = tpu.memref_slice %arg7[%dma_start3A_577] : memref<24576xf32, #tpu.memory_space<vmem>> -> memref<512xf32, #tpu.memory_space<vmem>>
    tpu.enqueue_dma source(%dma_start3A_578 : memref<512xf32, #tpu.memory_space<vmem>>) target(%dma_start3A_576 : memref<512xf32, #tpu.memory_space<hbm>>) target_semaphore(%arg8 : memref<!tpu.dma_semaphore, #tpu.memory_space<semaphore_mem>>)
    %dma_start3A_579 = arith.constant 7168 : i32
    %dma_start3A_580 = tpu.memref_slice %arg7[%dma_start3A_579] : memref<24576xf32, #tpu.memory_space<vmem>> -> memref<512xf32, #tpu.memory_space<vmem>>
    %dma_start3A_581 = arith.constant 0 : i32
    %dma_start3A_582 = tpu.memref_slice %arg4[%add3A_306, %dma_start3A_581] : memref<1536x512xf32, #tpu.memory_space<hbm>> -> memref<1x512xf32, #tpu.memory_space<hbm>>
    %dma_start3A_583 = tpu.memref_squeeze %dma_start3A_582 : memref<1x512xf32, #tpu.memory_space<hbm>> -> memref<512xf32, #tpu.memory_space<hbm>>
    %dma_start3A_584 = arith.constant 0 : i32
    %dma_start3A_585 = tpu.memref_slice %arg4[%add3A_306, %dma_start3A_584] : memref<1536x512xf32, #tpu.memory_space<hbm>> -> memref<1x512xf32, #tpu.memory_space<hbm>>
    %dma_start3A_586 = tpu.memref_squeeze %dma_start3A_585 : memref<1x512xf32, #tpu.memory_space<hbm>> -> memref<512xf32, #tpu.memory_space<hbm>>
    %dma_start3A_587 = arith.constant 7168 : i32
    %dma_start3A_588 = tpu.memref_slice %arg7[%dma_start3A_587] : memref<24576xf32, #tpu.memory_space<vmem>> -> memref<512xf32, #tpu.memory_space<vmem>>
    tpu.enqueue_dma source(%dma_start3A_588 : memref<512xf32, #tpu.memory_space<vmem>>) target(%dma_start3A_586 : memref<512xf32, #tpu.memory_space<hbm>>) target_semaphore(%arg8 : memref<!tpu.dma_semaphore, #tpu.memory_space<semaphore_mem>>)
    %dma_start3A_589 = arith.constant 7680 : i32
    %dma_start3A_590 = tpu.memref_slice %arg7[%dma_start3A_589] : memref<24576xf32, #tpu.memory_space<vmem>> -> memref<512xf32, #tpu.memory_space<vmem>>
    %dma_start3A_591 = arith.constant 0 : i32
    %dma_start3A_592 = tpu.memref_slice %arg4[%add3A_310, %dma_start3A_591] : memref<1536x512xf32, #tpu.memory_space<hbm>> -> memref<1x512xf32, #tpu.memory_space<hbm>>
    %dma_start3A_593 = tpu.memref_squeeze %dma_start3A_592 : memref<1x512xf32, #tpu.memory_space<hbm>> -> memref<512xf32, #tpu.memory_space<hbm>>
    %dma_start3A_594 = arith.constant 0 : i32
    %dma_start3A_595 = tpu.memref_slice %arg4[%add3A_310, %dma_start3A_594] : memref<1536x512xf32, #tpu.memory_space<hbm>> -> memref<1x512xf32, #tpu.memory_space<hbm>>
    %dma_start3A_596 = tpu.memref_squeeze %dma_start3A_595 : memref<1x512xf32, #tpu.memory_space<hbm>> -> memref<512xf32, #tpu.memory_space<hbm>>
    %dma_start3A_597 = arith.constant 7680 : i32
    %dma_start3A_598 = tpu.memref_slice %arg7[%dma_start3A_597] : memref<24576xf32, #tpu.memory_space<vmem>> -> memref<512xf32, #tpu.memory_space<vmem>>
    tpu.enqueue_dma source(%dma_start3A_598 : memref<512xf32, #tpu.memory_space<vmem>>) target(%dma_start3A_596 : memref<512xf32, #tpu.memory_space<hbm>>) target_semaphore(%arg8 : memref<!tpu.dma_semaphore, #tpu.memory_space<semaphore_mem>>)
    %dma_start3A_599 = arith.constant 8192 : i32
    %dma_start3A_600 = tpu.memref_slice %arg7[%dma_start3A_599] : memref<24576xf32, #tpu.memory_space<vmem>> -> memref<512xf32, #tpu.memory_space<vmem>>
    %dma_start3A_601 = arith.constant 0 : i32
    %dma_start3A_602 = tpu.memref_slice %arg4[%add3A_314, %dma_start3A_601] : memref<1536x512xf32, #tpu.memory_space<hbm>> -> memref<1x512xf32, #tpu.memory_space<hbm>>
    %dma_start3A_603 = tpu.memref_squeeze %dma_start3A_602 : memref<1x512xf32, #tpu.memory_space<hbm>> -> memref<512xf32, #tpu.memory_space<hbm>>
    %dma_start3A_604 = arith.constant 0 : i32
    %dma_start3A_605 = tpu.memref_slice %arg4[%add3A_314, %dma_start3A_604] : memref<1536x512xf32, #tpu.memory_space<hbm>> -> memref<1x512xf32, #tpu.memory_space<hbm>>
    %dma_start3A_606 = tpu.memref_squeeze %dma_start3A_605 : memref<1x512xf32, #tpu.memory_space<hbm>> -> memref<512xf32, #tpu.memory_space<hbm>>
    %dma_start3A_607 = arith.constant 8192 : i32
    %dma_start3A_608 = tpu.memref_slice %arg7[%dma_start3A_607] : memref<24576xf32, #tpu.memory_space<vmem>> -> memref<512xf32, #tpu.memory_space<vmem>>
    tpu.enqueue_dma source(%dma_start3A_608 : memref<512xf32, #tpu.memory_space<vmem>>) target(%dma_start3A_606 : memref<512xf32, #tpu.memory_space<hbm>>) target_semaphore(%arg8 : memref<!tpu.dma_semaphore, #tpu.memory_space<semaphore_mem>>)
    %dma_start3A_609 = arith.constant 8704 : i32
    %dma_start3A_610 = tpu.memref_slice %arg7[%dma_start3A_609] : memref<24576xf32, #tpu.memory_space<vmem>> -> memref<512xf32, #tpu.memory_space<vmem>>
    %dma_start3A_611 = arith.constant 0 : i32
    %dma_start3A_612 = tpu.memref_slice %arg4[%add3A_318, %dma_start3A_611] : memref<1536x512xf32, #tpu.memory_space<hbm>> -> memref<1x512xf32, #tpu.memory_space<hbm>>
    %dma_start3A_613 = tpu.memref_squeeze %dma_start3A_612 : memref<1x512xf32, #tpu.memory_space<hbm>> -> memref<512xf32, #tpu.memory_space<hbm>>
    %dma_start3A_614 = arith.constant 0 : i32
    %dma_start3A_615 = tpu.memref_slice %arg4[%add3A_318, %dma_start3A_614] : memref<1536x512xf32, #tpu.memory_space<hbm>> -> memref<1x512xf32, #tpu.memory_space<hbm>>
    %dma_start3A_616 = tpu.memref_squeeze %dma_start3A_615 : memref<1x512xf32, #tpu.memory_space<hbm>> -> memref<512xf32, #tpu.memory_space<hbm>>
    %dma_start3A_617 = arith.constant 8704 : i32
    %dma_start3A_618 = tpu.memref_slice %arg7[%dma_start3A_617] : memref<24576xf32, #tpu.memory_space<vmem>> -> memref<512xf32, #tpu.memory_space<vmem>>
    tpu.enqueue_dma source(%dma_start3A_618 : memref<512xf32, #tpu.memory_space<vmem>>) target(%dma_start3A_616 : memref<512xf32, #tpu.memory_space<hbm>>) target_semaphore(%arg8 : memref<!tpu.dma_semaphore, #tpu.memory_space<semaphore_mem>>)
    %dma_start3A_619 = arith.constant 9216 : i32
    %dma_start3A_620 = tpu.memref_slice %arg7[%dma_start3A_619] : memref<24576xf32, #tpu.memory_space<vmem>> -> memref<512xf32, #tpu.memory_space<vmem>>
    %dma_start3A_621 = arith.constant 0 : i32
    %dma_start3A_622 = tpu.memref_slice %arg4[%add3A_322, %dma_start3A_621] : memref<1536x512xf32, #tpu.memory_space<hbm>> -> memref<1x512xf32, #tpu.memory_space<hbm>>
    %dma_start3A_623 = tpu.memref_squeeze %dma_start3A_622 : memref<1x512xf32, #tpu.memory_space<hbm>> -> memref<512xf32, #tpu.memory_space<hbm>>
    %dma_start3A_624 = arith.constant 0 : i32
    %dma_start3A_625 = tpu.memref_slice %arg4[%add3A_322, %dma_start3A_624] : memref<1536x512xf32, #tpu.memory_space<hbm>> -> memref<1x512xf32, #tpu.memory_space<hbm>>
    %dma_start3A_626 = tpu.memref_squeeze %dma_start3A_625 : memref<1x512xf32, #tpu.memory_space<hbm>> -> memref<512xf32, #tpu.memory_space<hbm>>
    %dma_start3A_627 = arith.constant 9216 : i32
    %dma_start3A_628 = tpu.memref_slice %arg7[%dma_start3A_627] : memref<24576xf32, #tpu.memory_space<vmem>> -> memref<512xf32, #tpu.memory_space<vmem>>
    tpu.enqueue_dma source(%dma_start3A_628 : memref<512xf32, #tpu.memory_space<vmem>>) target(%dma_start3A_626 : memref<512xf32, #tpu.memory_space<hbm>>) target_semaphore(%arg8 : memref<!tpu.dma_semaphore, #tpu.memory_space<semaphore_mem>>)
    %dma_start3A_629 = arith.constant 9728 : i32
    %dma_start3A_630 = tpu.memref_slice %arg7[%dma_start3A_629] : memref<24576xf32, #tpu.memory_space<vmem>> -> memref<512xf32, #tpu.memory_space<vmem>>
    %dma_start3A_631 = arith.constant 0 : i32
    %dma_start3A_632 = tpu.memref_slice %arg4[%add3A_326, %dma_start3A_631] : memref<1536x512xf32, #tpu.memory_space<hbm>> -> memref<1x512xf32, #tpu.memory_space<hbm>>
    %dma_start3A_633 = tpu.memref_squeeze %dma_start3A_632 : memref<1x512xf32, #tpu.memory_space<hbm>> -> memref<512xf32, #tpu.memory_space<hbm>>
    %dma_start3A_634 = arith.constant 0 : i32
    %dma_start3A_635 = tpu.memref_slice %arg4[%add3A_326, %dma_start3A_634] : memref<1536x512xf32, #tpu.memory_space<hbm>> -> memref<1x512xf32, #tpu.memory_space<hbm>>
    %dma_start3A_636 = tpu.memref_squeeze %dma_start3A_635 : memref<1x512xf32, #tpu.memory_space<hbm>> -> memref<512xf32, #tpu.memory_space<hbm>>
    %dma_start3A_637 = arith.constant 9728 : i32
    %dma_start3A_638 = tpu.memref_slice %arg7[%dma_start3A_637] : memref<24576xf32, #tpu.memory_space<vmem>> -> memref<512xf32, #tpu.memory_space<vmem>>
    tpu.enqueue_dma source(%dma_start3A_638 : memref<512xf32, #tpu.memory_space<vmem>>) target(%dma_start3A_636 : memref<512xf32, #tpu.memory_space<hbm>>) target_semaphore(%arg8 : memref<!tpu.dma_semaphore, #tpu.memory_space<semaphore_mem>>)
    %dma_start3A_639 = arith.constant 10240 : i32
    %dma_start3A_640 = tpu.memref_slice %arg7[%dma_start3A_639] : memref<24576xf32, #tpu.memory_space<vmem>> -> memref<512xf32, #tpu.memory_space<vmem>>
    %dma_start3A_641 = arith.constant 0 : i32
    %dma_start3A_642 = tpu.memref_slice %arg4[%add3A_330, %dma_start3A_641] : memref<1536x512xf32, #tpu.memory_space<hbm>> -> memref<1x512xf32, #tpu.memory_space<hbm>>
    %dma_start3A_643 = tpu.memref_squeeze %dma_start3A_642 : memref<1x512xf32, #tpu.memory_space<hbm>> -> memref<512xf32, #tpu.memory_space<hbm>>
    %dma_start3A_644 = arith.constant 0 : i32
    %dma_start3A_645 = tpu.memref_slice %arg4[%add3A_330, %dma_start3A_644] : memref<1536x512xf32, #tpu.memory_space<hbm>> -> memref<1x512xf32, #tpu.memory_space<hbm>>
    %dma_start3A_646 = tpu.memref_squeeze %dma_start3A_645 : memref<1x512xf32, #tpu.memory_space<hbm>> -> memref<512xf32, #tpu.memory_space<hbm>>
    %dma_start3A_647 = arith.constant 10240 : i32
    %dma_start3A_648 = tpu.memref_slice %arg7[%dma_start3A_647] : memref<24576xf32, #tpu.memory_space<vmem>> -> memref<512xf32, #tpu.memory_space<vmem>>
    tpu.enqueue_dma source(%dma_start3A_648 : memref<512xf32, #tpu.memory_space<vmem>>) target(%dma_start3A_646 : memref<512xf32, #tpu.memory_space<hbm>>) target_semaphore(%arg8 : memref<!tpu.dma_semaphore, #tpu.memory_space<semaphore_mem>>)
    %dma_start3A_649 = arith.constant 10752 : i32
    %dma_start3A_650 = tpu.memref_slice %arg7[%dma_start3A_649] : memref<24576xf32, #tpu.memory_space<vmem>> -> memref<512xf32, #tpu.memory_space<vmem>>
    %dma_start3A_651 = arith.constant 0 : i32
    %dma_start3A_652 = tpu.memref_slice %arg4[%add3A_334, %dma_start3A_651] : memref<1536x512xf32, #tpu.memory_space<hbm>> -> memref<1x512xf32, #tpu.memory_space<hbm>>
    %dma_start3A_653 = tpu.memref_squeeze %dma_start3A_652 : memref<1x512xf32, #tpu.memory_space<hbm>> -> memref<512xf32, #tpu.memory_space<hbm>>
    %dma_start3A_654 = arith.constant 0 : i32
    %dma_start3A_655 = tpu.memref_slice %arg4[%add3A_334, %dma_start3A_654] : memref<1536x512xf32, #tpu.memory_space<hbm>> -> memref<1x512xf32, #tpu.memory_space<hbm>>
    %dma_start3A_656 = tpu.memref_squeeze %dma_start3A_655 : memref<1x512xf32, #tpu.memory_space<hbm>> -> memref<512xf32, #tpu.memory_space<hbm>>
    %dma_start3A_657 = arith.constant 10752 : i32
    %dma_start3A_658 = tpu.memref_slice %arg7[%dma_start3A_657] : memref<24576xf32, #tpu.memory_space<vmem>> -> memref<512xf32, #tpu.memory_space<vmem>>
    tpu.enqueue_dma source(%dma_start3A_658 : memref<512xf32, #tpu.memory_space<vmem>>) target(%dma_start3A_656 : memref<512xf32, #tpu.memory_space<hbm>>) target_semaphore(%arg8 : memref<!tpu.dma_semaphore, #tpu.memory_space<semaphore_mem>>)
    %dma_start3A_659 = arith.constant 11264 : i32
    %dma_start3A_660 = tpu.memref_slice %arg7[%dma_start3A_659] : memref<24576xf32, #tpu.memory_space<vmem>> -> memref<512xf32, #tpu.memory_space<vmem>>
    %dma_start3A_661 = arith.constant 0 : i32
    %dma_start3A_662 = tpu.memref_slice %arg4[%add3A_338, %dma_start3A_661] : memref<1536x512xf32, #tpu.memory_space<hbm>> -> memref<1x512xf32, #tpu.memory_space<hbm>>
    %dma_start3A_663 = tpu.memref_squeeze %dma_start3A_662 : memref<1x512xf32, #tpu.memory_space<hbm>> -> memref<512xf32, #tpu.memory_space<hbm>>
    %dma_start3A_664 = arith.constant 0 : i32
    %dma_start3A_665 = tpu.memref_slice %arg4[%add3A_338, %dma_start3A_664] : memref<1536x512xf32, #tpu.memory_space<hbm>> -> memref<1x512xf32, #tpu.memory_space<hbm>>
    %dma_start3A_666 = tpu.memref_squeeze %dma_start3A_665 : memref<1x512xf32, #tpu.memory_space<hbm>> -> memref<512xf32, #tpu.memory_space<hbm>>
    %dma_start3A_667 = arith.constant 11264 : i32
    %dma_start3A_668 = tpu.memref_slice %arg7[%dma_start3A_667] : memref<24576xf32, #tpu.memory_space<vmem>> -> memref<512xf32, #tpu.memory_space<vmem>>
    tpu.enqueue_dma source(%dma_start3A_668 : memref<512xf32, #tpu.memory_space<vmem>>) target(%dma_start3A_666 : memref<512xf32, #tpu.memory_space<hbm>>) target_semaphore(%arg8 : memref<!tpu.dma_semaphore, #tpu.memory_space<semaphore_mem>>)
    %dma_start3A_669 = arith.constant 11776 : i32
    %dma_start3A_670 = tpu.memref_slice %arg7[%dma_start3A_669] : memref<24576xf32, #tpu.memory_space<vmem>> -> memref<512xf32, #tpu.memory_space<vmem>>
    %dma_start3A_671 = arith.constant 0 : i32
    %dma_start3A_672 = tpu.memref_slice %arg4[%add3A_342, %dma_start3A_671] : memref<1536x512xf32, #tpu.memory_space<hbm>> -> memref<1x512xf32, #tpu.memory_space<hbm>>
    %dma_start3A_673 = tpu.memref_squeeze %dma_start3A_672 : memref<1x512xf32, #tpu.memory_space<hbm>> -> memref<512xf32, #tpu.memory_space<hbm>>
    %dma_start3A_674 = arith.constant 0 : i32
    %dma_start3A_675 = tpu.memref_slice %arg4[%add3A_342, %dma_start3A_674] : memref<1536x512xf32, #tpu.memory_space<hbm>> -> memref<1x512xf32, #tpu.memory_space<hbm>>
    %dma_start3A_676 = tpu.memref_squeeze %dma_start3A_675 : memref<1x512xf32, #tpu.memory_space<hbm>> -> memref<512xf32, #tpu.memory_space<hbm>>
    %dma_start3A_677 = arith.constant 11776 : i32
    %dma_start3A_678 = tpu.memref_slice %arg7[%dma_start3A_677] : memref<24576xf32, #tpu.memory_space<vmem>> -> memref<512xf32, #tpu.memory_space<vmem>>
    tpu.enqueue_dma source(%dma_start3A_678 : memref<512xf32, #tpu.memory_space<vmem>>) target(%dma_start3A_676 : memref<512xf32, #tpu.memory_space<hbm>>) target_semaphore(%arg8 : memref<!tpu.dma_semaphore, #tpu.memory_space<semaphore_mem>>)
    %dma_start3A_679 = arith.constant 12288 : i32
    %dma_start3A_680 = tpu.memref_slice %arg7[%dma_start3A_679] : memref<24576xf32, #tpu.memory_space<vmem>> -> memref<512xf32, #tpu.memory_space<vmem>>
    %dma_start3A_681 = arith.constant 0 : i32
    %dma_start3A_682 = tpu.memref_slice %arg4[%add3A_346, %dma_start3A_681] : memref<1536x512xf32, #tpu.memory_space<hbm>> -> memref<1x512xf32, #tpu.memory_space<hbm>>
    %dma_start3A_683 = tpu.memref_squeeze %dma_start3A_682 : memref<1x512xf32, #tpu.memory_space<hbm>> -> memref<512xf32, #tpu.memory_space<hbm>>
    %dma_start3A_684 = arith.constant 0 : i32
    %dma_start3A_685 = tpu.memref_slice %arg4[%add3A_346, %dma_start3A_684] : memref<1536x512xf32, #tpu.memory_space<hbm>> -> memref<1x512xf32, #tpu.memory_space<hbm>>
    %dma_start3A_686 = tpu.memref_squeeze %dma_start3A_685 : memref<1x512xf32, #tpu.memory_space<hbm>> -> memref<512xf32, #tpu.memory_space<hbm>>
    %dma_start3A_687 = arith.constant 12288 : i32
    %dma_start3A_688 = tpu.memref_slice %arg7[%dma_start3A_687] : memref<24576xf32, #tpu.memory_space<vmem>> -> memref<512xf32, #tpu.memory_space<vmem>>
    tpu.enqueue_dma source(%dma_start3A_688 : memref<512xf32, #tpu.memory_space<vmem>>) target(%dma_start3A_686 : memref<512xf32, #tpu.memory_space<hbm>>) target_semaphore(%arg8 : memref<!tpu.dma_semaphore, #tpu.memory_space<semaphore_mem>>)
    %dma_start3A_689 = arith.constant 12800 : i32
    %dma_start3A_690 = tpu.memref_slice %arg7[%dma_start3A_689] : memref<24576xf32, #tpu.memory_space<vmem>> -> memref<512xf32, #tpu.memory_space<vmem>>
    %dma_start3A_691 = arith.constant 0 : i32
    %dma_start3A_692 = tpu.memref_slice %arg4[%add3A_350, %dma_start3A_691] : memref<1536x512xf32, #tpu.memory_space<hbm>> -> memref<1x512xf32, #tpu.memory_space<hbm>>
    %dma_start3A_693 = tpu.memref_squeeze %dma_start3A_692 : memref<1x512xf32, #tpu.memory_space<hbm>> -> memref<512xf32, #tpu.memory_space<hbm>>
    %dma_start3A_694 = arith.constant 0 : i32
    %dma_start3A_695 = tpu.memref_slice %arg4[%add3A_350, %dma_start3A_694] : memref<1536x512xf32, #tpu.memory_space<hbm>> -> memref<1x512xf32, #tpu.memory_space<hbm>>
    %dma_start3A_696 = tpu.memref_squeeze %dma_start3A_695 : memref<1x512xf32, #tpu.memory_space<hbm>> -> memref<512xf32, #tpu.memory_space<hbm>>
    %dma_start3A_697 = arith.constant 12800 : i32
    %dma_start3A_698 = tpu.memref_slice %arg7[%dma_start3A_697] : memref<24576xf32, #tpu.memory_space<vmem>> -> memref<512xf32, #tpu.memory_space<vmem>>
    tpu.enqueue_dma source(%dma_start3A_698 : memref<512xf32, #tpu.memory_space<vmem>>) target(%dma_start3A_696 : memref<512xf32, #tpu.memory_space<hbm>>) target_semaphore(%arg8 : memref<!tpu.dma_semaphore, #tpu.memory_space<semaphore_mem>>)
    %dma_start3A_699 = arith.constant 13312 : i32
    %dma_start3A_700 = tpu.memref_slice %arg7[%dma_start3A_699] : memref<24576xf32, #tpu.memory_space<vmem>> -> memref<512xf32, #tpu.memory_space<vmem>>
    %dma_start3A_701 = arith.constant 0 : i32
    %dma_start3A_702 = tpu.memref_slice %arg4[%add3A_354, %dma_start3A_701] : memref<1536x512xf32, #tpu.memory_space<hbm>> -> memref<1x512xf32, #tpu.memory_space<hbm>>
    %dma_start3A_703 = tpu.memref_squeeze %dma_start3A_702 : memref<1x512xf32, #tpu.memory_space<hbm>> -> memref<512xf32, #tpu.memory_space<hbm>>
    %dma_start3A_704 = arith.constant 0 : i32
    %dma_start3A_705 = tpu.memref_slice %arg4[%add3A_354, %dma_start3A_704] : memref<1536x512xf32, #tpu.memory_space<hbm>> -> memref<1x512xf32, #tpu.memory_space<hbm>>
    %dma_start3A_706 = tpu.memref_squeeze %dma_start3A_705 : memref<1x512xf32, #tpu.memory_space<hbm>> -> memref<512xf32, #tpu.memory_space<hbm>>
    %dma_start3A_707 = arith.constant 13312 : i32
    %dma_start3A_708 = tpu.memref_slice %arg7[%dma_start3A_707] : memref<24576xf32, #tpu.memory_space<vmem>> -> memref<512xf32, #tpu.memory_space<vmem>>
    tpu.enqueue_dma source(%dma_start3A_708 : memref<512xf32, #tpu.memory_space<vmem>>) target(%dma_start3A_706 : memref<512xf32, #tpu.memory_space<hbm>>) target_semaphore(%arg8 : memref<!tpu.dma_semaphore, #tpu.memory_space<semaphore_mem>>)
    %dma_start3A_709 = arith.constant 13824 : i32
    %dma_start3A_710 = tpu.memref_slice %arg7[%dma_start3A_709] : memref<24576xf32, #tpu.memory_space<vmem>> -> memref<512xf32, #tpu.memory_space<vmem>>
    %dma_start3A_711 = arith.constant 0 : i32
    %dma_start3A_712 = tpu.memref_slice %arg4[%add3A_358, %dma_start3A_711] : memref<1536x512xf32, #tpu.memory_space<hbm>> -> memref<1x512xf32, #tpu.memory_space<hbm>>
    %dma_start3A_713 = tpu.memref_squeeze %dma_start3A_712 : memref<1x512xf32, #tpu.memory_space<hbm>> -> memref<512xf32, #tpu.memory_space<hbm>>
    %dma_start3A_714 = arith.constant 0 : i32
    %dma_start3A_715 = tpu.memref_slice %arg4[%add3A_358, %dma_start3A_714] : memref<1536x512xf32, #tpu.memory_space<hbm>> -> memref<1x512xf32, #tpu.memory_space<hbm>>
    %dma_start3A_716 = tpu.memref_squeeze %dma_start3A_715 : memref<1x512xf32, #tpu.memory_space<hbm>> -> memref<512xf32, #tpu.memory_space<hbm>>
    %dma_start3A_717 = arith.constant 13824 : i32
    %dma_start3A_718 = tpu.memref_slice %arg7[%dma_start3A_717] : memref<24576xf32, #tpu.memory_space<vmem>> -> memref<512xf32, #tpu.memory_space<vmem>>
    tpu.enqueue_dma source(%dma_start3A_718 : memref<512xf32, #tpu.memory_space<vmem>>) target(%dma_start3A_716 : memref<512xf32, #tpu.memory_space<hbm>>) target_semaphore(%arg8 : memref<!tpu.dma_semaphore, #tpu.memory_space<semaphore_mem>>)
    %dma_start3A_719 = arith.constant 14336 : i32
    %dma_start3A_720 = tpu.memref_slice %arg7[%dma_start3A_719] : memref<24576xf32, #tpu.memory_space<vmem>> -> memref<512xf32, #tpu.memory_space<vmem>>
    %dma_start3A_721 = arith.constant 0 : i32
    %dma_start3A_722 = tpu.memref_slice %arg4[%add3A_362, %dma_start3A_721] : memref<1536x512xf32, #tpu.memory_space<hbm>> -> memref<1x512xf32, #tpu.memory_space<hbm>>
    %dma_start3A_723 = tpu.memref_squeeze %dma_start3A_722 : memref<1x512xf32, #tpu.memory_space<hbm>> -> memref<512xf32, #tpu.memory_space<hbm>>
    %dma_start3A_724 = arith.constant 0 : i32
    %dma_start3A_725 = tpu.memref_slice %arg4[%add3A_362, %dma_start3A_724] : memref<1536x512xf32, #tpu.memory_space<hbm>> -> memref<1x512xf32, #tpu.memory_space<hbm>>
    %dma_start3A_726 = tpu.memref_squeeze %dma_start3A_725 : memref<1x512xf32, #tpu.memory_space<hbm>> -> memref<512xf32, #tpu.memory_space<hbm>>
    %dma_start3A_727 = arith.constant 14336 : i32
    %dma_start3A_728 = tpu.memref_slice %arg7[%dma_start3A_727] : memref<24576xf32, #tpu.memory_space<vmem>> -> memref<512xf32, #tpu.memory_space<vmem>>
    tpu.enqueue_dma source(%dma_start3A_728 : memref<512xf32, #tpu.memory_space<vmem>>) target(%dma_start3A_726 : memref<512xf32, #tpu.memory_space<hbm>>) target_semaphore(%arg8 : memref<!tpu.dma_semaphore, #tpu.memory_space<semaphore_mem>>)
    %dma_start3A_729 = arith.constant 14848 : i32
    %dma_start3A_730 = tpu.memref_slice %arg7[%dma_start3A_729] : memref<24576xf32, #tpu.memory_space<vmem>> -> memref<512xf32, #tpu.memory_space<vmem>>
    %dma_start3A_731 = arith.constant 0 : i32
    %dma_start3A_732 = tpu.memref_slice %arg4[%add3A_366, %dma_start3A_731] : memref<1536x512xf32, #tpu.memory_space<hbm>> -> memref<1x512xf32, #tpu.memory_space<hbm>>
    %dma_start3A_733 = tpu.memref_squeeze %dma_start3A_732 : memref<1x512xf32, #tpu.memory_space<hbm>> -> memref<512xf32, #tpu.memory_space<hbm>>
    %dma_start3A_734 = arith.constant 0 : i32
    %dma_start3A_735 = tpu.memref_slice %arg4[%add3A_366, %dma_start3A_734] : memref<1536x512xf32, #tpu.memory_space<hbm>> -> memref<1x512xf32, #tpu.memory_space<hbm>>
    %dma_start3A_736 = tpu.memref_squeeze %dma_start3A_735 : memref<1x512xf32, #tpu.memory_space<hbm>> -> memref<512xf32, #tpu.memory_space<hbm>>
    %dma_start3A_737 = arith.constant 14848 : i32
    %dma_start3A_738 = tpu.memref_slice %arg7[%dma_start3A_737] : memref<24576xf32, #tpu.memory_space<vmem>> -> memref<512xf32, #tpu.memory_space<vmem>>
    tpu.enqueue_dma source(%dma_start3A_738 : memref<512xf32, #tpu.memory_space<vmem>>) target(%dma_start3A_736 : memref<512xf32, #tpu.memory_space<hbm>>) target_semaphore(%arg8 : memref<!tpu.dma_semaphore, #tpu.memory_space<semaphore_mem>>)
    %dma_start3A_739 = arith.constant 15360 : i32
    %dma_start3A_740 = tpu.memref_slice %arg7[%dma_start3A_739] : memref<24576xf32, #tpu.memory_space<vmem>> -> memref<512xf32, #tpu.memory_space<vmem>>
    %dma_start3A_741 = arith.constant 0 : i32
    %dma_start3A_742 = tpu.memref_slice %arg4[%add3A_370, %dma_start3A_741] : memref<1536x512xf32, #tpu.memory_space<hbm>> -> memref<1x512xf32, #tpu.memory_space<hbm>>
    %dma_start3A_743 = tpu.memref_squeeze %dma_start3A_742 : memref<1x512xf32, #tpu.memory_space<hbm>> -> memref<512xf32, #tpu.memory_space<hbm>>
    %dma_start3A_744 = arith.constant 0 : i32
    %dma_start3A_745 = tpu.memref_slice %arg4[%add3A_370, %dma_start3A_744] : memref<1536x512xf32, #tpu.memory_space<hbm>> -> memref<1x512xf32, #tpu.memory_space<hbm>>
    %dma_start3A_746 = tpu.memref_squeeze %dma_start3A_745 : memref<1x512xf32, #tpu.memory_space<hbm>> -> memref<512xf32, #tpu.memory_space<hbm>>
    %dma_start3A_747 = arith.constant 15360 : i32
    %dma_start3A_748 = tpu.memref_slice %arg7[%dma_start3A_747] : memref<24576xf32, #tpu.memory_space<vmem>> -> memref<512xf32, #tpu.memory_space<vmem>>
    tpu.enqueue_dma source(%dma_start3A_748 : memref<512xf32, #tpu.memory_space<vmem>>) target(%dma_start3A_746 : memref<512xf32, #tpu.memory_space<hbm>>) target_semaphore(%arg8 : memref<!tpu.dma_semaphore, #tpu.memory_space<semaphore_mem>>)
    %dma_start3A_749 = arith.constant 15872 : i32
    %dma_start3A_750 = tpu.memref_slice %arg7[%dma_start3A_749] : memref<24576xf32, #tpu.memory_space<vmem>> -> memref<512xf32, #tpu.memory_space<vmem>>
    %dma_start3A_751 = arith.constant 0 : i32
    %dma_start3A_752 = tpu.memref_slice %arg4[%add3A_374, %dma_start3A_751] : memref<1536x512xf32, #tpu.memory_space<hbm>> -> memref<1x512xf32, #tpu.memory_space<hbm>>
    %dma_start3A_753 = tpu.memref_squeeze %dma_start3A_752 : memref<1x512xf32, #tpu.memory_space<hbm>> -> memref<512xf32, #tpu.memory_space<hbm>>
    %dma_start3A_754 = arith.constant 0 : i32
    %dma_start3A_755 = tpu.memref_slice %arg4[%add3A_374, %dma_start3A_754] : memref<1536x512xf32, #tpu.memory_space<hbm>> -> memref<1x512xf32, #tpu.memory_space<hbm>>
    %dma_start3A_756 = tpu.memref_squeeze %dma_start3A_755 : memref<1x512xf32, #tpu.memory_space<hbm>> -> memref<512xf32, #tpu.memory_space<hbm>>
    %dma_start3A_757 = arith.constant 15872 : i32
    %dma_start3A_758 = tpu.memref_slice %arg7[%dma_start3A_757] : memref<24576xf32, #tpu.memory_space<vmem>> -> memref<512xf32, #tpu.memory_space<vmem>>
    tpu.enqueue_dma source(%dma_start3A_758 : memref<512xf32, #tpu.memory_space<vmem>>) target(%dma_start3A_756 : memref<512xf32, #tpu.memory_space<hbm>>) target_semaphore(%arg8 : memref<!tpu.dma_semaphore, #tpu.memory_space<semaphore_mem>>)
    %dma_start3A_759 = arith.constant 16384 : i32
    %dma_start3A_760 = tpu.memref_slice %arg7[%dma_start3A_759] : memref<24576xf32, #tpu.memory_space<vmem>> -> memref<512xf32, #tpu.memory_space<vmem>>
    %dma_start3A_761 = arith.constant 0 : i32
    %dma_start3A_762 = tpu.memref_slice %arg4[%add3A_378, %dma_start3A_761] : memref<1536x512xf32, #tpu.memory_space<hbm>> -> memref<1x512xf32, #tpu.memory_space<hbm>>
    %dma_start3A_763 = tpu.memref_squeeze %dma_start3A_762 : memref<1x512xf32, #tpu.memory_space<hbm>> -> memref<512xf32, #tpu.memory_space<hbm>>
    %dma_start3A_764 = arith.constant 0 : i32
    %dma_start3A_765 = tpu.memref_slice %arg4[%add3A_378, %dma_start3A_764] : memref<1536x512xf32, #tpu.memory_space<hbm>> -> memref<1x512xf32, #tpu.memory_space<hbm>>
    %dma_start3A_766 = tpu.memref_squeeze %dma_start3A_765 : memref<1x512xf32, #tpu.memory_space<hbm>> -> memref<512xf32, #tpu.memory_space<hbm>>
    %dma_start3A_767 = arith.constant 16384 : i32
    %dma_start3A_768 = tpu.memref_slice %arg7[%dma_start3A_767] : memref<24576xf32, #tpu.memory_space<vmem>> -> memref<512xf32, #tpu.memory_space<vmem>>
    tpu.enqueue_dma source(%dma_start3A_768 : memref<512xf32, #tpu.memory_space<vmem>>) target(%dma_start3A_766 : memref<512xf32, #tpu.memory_space<hbm>>) target_semaphore(%arg8 : memref<!tpu.dma_semaphore, #tpu.memory_space<semaphore_mem>>)
    %dma_start3A_769 = arith.constant 16896 : i32
    %dma_start3A_770 = tpu.memref_slice %arg7[%dma_start3A_769] : memref<24576xf32, #tpu.memory_space<vmem>> -> memref<512xf32, #tpu.memory_space<vmem>>
    %dma_start3A_771 = arith.constant 0 : i32
    %dma_start3A_772 = tpu.memref_slice %arg4[%add3A_382, %dma_start3A_771] : memref<1536x512xf32, #tpu.memory_space<hbm>> -> memref<1x512xf32, #tpu.memory_space<hbm>>
    %dma_start3A_773 = tpu.memref_squeeze %dma_start3A_772 : memref<1x512xf32, #tpu.memory_space<hbm>> -> memref<512xf32, #tpu.memory_space<hbm>>
    %dma_start3A_774 = arith.constant 0 : i32
    %dma_start3A_775 = tpu.memref_slice %arg4[%add3A_382, %dma_start3A_774] : memref<1536x512xf32, #tpu.memory_space<hbm>> -> memref<1x512xf32, #tpu.memory_space<hbm>>
    %dma_start3A_776 = tpu.memref_squeeze %dma_start3A_775 : memref<1x512xf32, #tpu.memory_space<hbm>> -> memref<512xf32, #tpu.memory_space<hbm>>
    %dma_start3A_777 = arith.constant 16896 : i32
    %dma_start3A_778 = tpu.memref_slice %arg7[%dma_start3A_777] : memref<24576xf32, #tpu.memory_space<vmem>> -> memref<512xf32, #tpu.memory_space<vmem>>
    tpu.enqueue_dma source(%dma_start3A_778 : memref<512xf32, #tpu.memory_space<vmem>>) target(%dma_start3A_776 : memref<512xf32, #tpu.memory_space<hbm>>) target_semaphore(%arg8 : memref<!tpu.dma_semaphore, #tpu.memory_space<semaphore_mem>>)
    %dma_start3A_779 = arith.constant 17408 : i32
    %dma_start3A_780 = tpu.memref_slice %arg7[%dma_start3A_779] : memref<24576xf32, #tpu.memory_space<vmem>> -> memref<512xf32, #tpu.memory_space<vmem>>
    %dma_start3A_781 = arith.constant 0 : i32
    %dma_start3A_782 = tpu.memref_slice %arg4[%add3A_386, %dma_start3A_781] : memref<1536x512xf32, #tpu.memory_space<hbm>> -> memref<1x512xf32, #tpu.memory_space<hbm>>
    %dma_start3A_783 = tpu.memref_squeeze %dma_start3A_782 : memref<1x512xf32, #tpu.memory_space<hbm>> -> memref<512xf32, #tpu.memory_space<hbm>>
    %dma_start3A_784 = arith.constant 0 : i32
    %dma_start3A_785 = tpu.memref_slice %arg4[%add3A_386, %dma_start3A_784] : memref<1536x512xf32, #tpu.memory_space<hbm>> -> memref<1x512xf32, #tpu.memory_space<hbm>>
    %dma_start3A_786 = tpu.memref_squeeze %dma_start3A_785 : memref<1x512xf32, #tpu.memory_space<hbm>> -> memref<512xf32, #tpu.memory_space<hbm>>
    %dma_start3A_787 = arith.constant 17408 : i32
    %dma_start3A_788 = tpu.memref_slice %arg7[%dma_start3A_787] : memref<24576xf32, #tpu.memory_space<vmem>> -> memref<512xf32, #tpu.memory_space<vmem>>
    tpu.enqueue_dma source(%dma_start3A_788 : memref<512xf32, #tpu.memory_space<vmem>>) target(%dma_start3A_786 : memref<512xf32, #tpu.memory_space<hbm>>) target_semaphore(%arg8 : memref<!tpu.dma_semaphore, #tpu.memory_space<semaphore_mem>>)
    %dma_start3A_789 = arith.constant 17920 : i32
    %dma_start3A_790 = tpu.memref_slice %arg7[%dma_start3A_789] : memref<24576xf32, #tpu.memory_space<vmem>> -> memref<512xf32, #tpu.memory_space<vmem>>
    %dma_start3A_791 = arith.constant 0 : i32
    %dma_start3A_792 = tpu.memref_slice %arg4[%add3A_390, %dma_start3A_791] : memref<1536x512xf32, #tpu.memory_space<hbm>> -> memref<1x512xf32, #tpu.memory_space<hbm>>
    %dma_start3A_793 = tpu.memref_squeeze %dma_start3A_792 : memref<1x512xf32, #tpu.memory_space<hbm>> -> memref<512xf32, #tpu.memory_space<hbm>>
    %dma_start3A_794 = arith.constant 0 : i32
    %dma_start3A_795 = tpu.memref_slice %arg4[%add3A_390, %dma_start3A_794] : memref<1536x512xf32, #tpu.memory_space<hbm>> -> memref<1x512xf32, #tpu.memory_space<hbm>>
    %dma_start3A_796 = tpu.memref_squeeze %dma_start3A_795 : memref<1x512xf32, #tpu.memory_space<hbm>> -> memref<512xf32, #tpu.memory_space<hbm>>
    %dma_start3A_797 = arith.constant 17920 : i32
    %dma_start3A_798 = tpu.memref_slice %arg7[%dma_start3A_797] : memref<24576xf32, #tpu.memory_space<vmem>> -> memref<512xf32, #tpu.memory_space<vmem>>
    tpu.enqueue_dma source(%dma_start3A_798 : memref<512xf32, #tpu.memory_space<vmem>>) target(%dma_start3A_796 : memref<512xf32, #tpu.memory_space<hbm>>) target_semaphore(%arg8 : memref<!tpu.dma_semaphore, #tpu.memory_space<semaphore_mem>>)
    %dma_start3A_799 = arith.constant 18432 : i32
    %dma_start3A_800 = tpu.memref_slice %arg7[%dma_start3A_799] : memref<24576xf32, #tpu.memory_space<vmem>> -> memref<512xf32, #tpu.memory_space<vmem>>
    %dma_start3A_801 = arith.constant 0 : i32
    %dma_start3A_802 = tpu.memref_slice %arg4[%add3A_394, %dma_start3A_801] : memref<1536x512xf32, #tpu.memory_space<hbm>> -> memref<1x512xf32, #tpu.memory_space<hbm>>
    %dma_start3A_803 = tpu.memref_squeeze %dma_start3A_802 : memref<1x512xf32, #tpu.memory_space<hbm>> -> memref<512xf32, #tpu.memory_space<hbm>>
    %dma_start3A_804 = arith.constant 0 : i32
    %dma_start3A_805 = tpu.memref_slice %arg4[%add3A_394, %dma_start3A_804] : memref<1536x512xf32, #tpu.memory_space<hbm>> -> memref<1x512xf32, #tpu.memory_space<hbm>>
    %dma_start3A_806 = tpu.memref_squeeze %dma_start3A_805 : memref<1x512xf32, #tpu.memory_space<hbm>> -> memref<512xf32, #tpu.memory_space<hbm>>
    %dma_start3A_807 = arith.constant 18432 : i32
    %dma_start3A_808 = tpu.memref_slice %arg7[%dma_start3A_807] : memref<24576xf32, #tpu.memory_space<vmem>> -> memref<512xf32, #tpu.memory_space<vmem>>
    tpu.enqueue_dma source(%dma_start3A_808 : memref<512xf32, #tpu.memory_space<vmem>>) target(%dma_start3A_806 : memref<512xf32, #tpu.memory_space<hbm>>) target_semaphore(%arg8 : memref<!tpu.dma_semaphore, #tpu.memory_space<semaphore_mem>>)
    %dma_start3A_809 = arith.constant 18944 : i32
    %dma_start3A_810 = tpu.memref_slice %arg7[%dma_start3A_809] : memref<24576xf32, #tpu.memory_space<vmem>> -> memref<512xf32, #tpu.memory_space<vmem>>
    %dma_start3A_811 = arith.constant 0 : i32
    %dma_start3A_812 = tpu.memref_slice %arg4[%add3A_398, %dma_start3A_811] : memref<1536x512xf32, #tpu.memory_space<hbm>> -> memref<1x512xf32, #tpu.memory_space<hbm>>
    %dma_start3A_813 = tpu.memref_squeeze %dma_start3A_812 : memref<1x512xf32, #tpu.memory_space<hbm>> -> memref<512xf32, #tpu.memory_space<hbm>>
    %dma_start3A_814 = arith.constant 0 : i32
    %dma_start3A_815 = tpu.memref_slice %arg4[%add3A_398, %dma_start3A_814] : memref<1536x512xf32, #tpu.memory_space<hbm>> -> memref<1x512xf32, #tpu.memory_space<hbm>>
    %dma_start3A_816 = tpu.memref_squeeze %dma_start3A_815 : memref<1x512xf32, #tpu.memory_space<hbm>> -> memref<512xf32, #tpu.memory_space<hbm>>
    %dma_start3A_817 = arith.constant 18944 : i32
    %dma_start3A_818 = tpu.memref_slice %arg7[%dma_start3A_817] : memref<24576xf32, #tpu.memory_space<vmem>> -> memref<512xf32, #tpu.memory_space<vmem>>
    tpu.enqueue_dma source(%dma_start3A_818 : memref<512xf32, #tpu.memory_space<vmem>>) target(%dma_start3A_816 : memref<512xf32, #tpu.memory_space<hbm>>) target_semaphore(%arg8 : memref<!tpu.dma_semaphore, #tpu.memory_space<semaphore_mem>>)
    %dma_start3A_819 = arith.constant 19456 : i32
    %dma_start3A_820 = tpu.memref_slice %arg7[%dma_start3A_819] : memref<24576xf32, #tpu.memory_space<vmem>> -> memref<512xf32, #tpu.memory_space<vmem>>
    %dma_start3A_821 = arith.constant 0 : i32
    %dma_start3A_822 = tpu.memref_slice %arg4[%add3A_402, %dma_start3A_821] : memref<1536x512xf32, #tpu.memory_space<hbm>> -> memref<1x512xf32, #tpu.memory_space<hbm>>
    %dma_start3A_823 = tpu.memref_squeeze %dma_start3A_822 : memref<1x512xf32, #tpu.memory_space<hbm>> -> memref<512xf32, #tpu.memory_space<hbm>>
    %dma_start3A_824 = arith.constant 0 : i32
    %dma_start3A_825 = tpu.memref_slice %arg4[%add3A_402, %dma_start3A_824] : memref<1536x512xf32, #tpu.memory_space<hbm>> -> memref<1x512xf32, #tpu.memory_space<hbm>>
    %dma_start3A_826 = tpu.memref_squeeze %dma_start3A_825 : memref<1x512xf32, #tpu.memory_space<hbm>> -> memref<512xf32, #tpu.memory_space<hbm>>
    %dma_start3A_827 = arith.constant 19456 : i32
    %dma_start3A_828 = tpu.memref_slice %arg7[%dma_start3A_827] : memref<24576xf32, #tpu.memory_space<vmem>> -> memref<512xf32, #tpu.memory_space<vmem>>
    tpu.enqueue_dma source(%dma_start3A_828 : memref<512xf32, #tpu.memory_space<vmem>>) target(%dma_start3A_826 : memref<512xf32, #tpu.memory_space<hbm>>) target_semaphore(%arg8 : memref<!tpu.dma_semaphore, #tpu.memory_space<semaphore_mem>>)
    %dma_start3A_829 = arith.constant 19968 : i32
    %dma_start3A_830 = tpu.memref_slice %arg7[%dma_start3A_829] : memref<24576xf32, #tpu.memory_space<vmem>> -> memref<512xf32, #tpu.memory_space<vmem>>
    %dma_start3A_831 = arith.constant 0 : i32
    %dma_start3A_832 = tpu.memref_slice %arg4[%add3A_406, %dma_start3A_831] : memref<1536x512xf32, #tpu.memory_space<hbm>> -> memref<1x512xf32, #tpu.memory_space<hbm>>
    %dma_start3A_833 = tpu.memref_squeeze %dma_start3A_832 : memref<1x512xf32, #tpu.memory_space<hbm>> -> memref<512xf32, #tpu.memory_space<hbm>>
    %dma_start3A_834 = arith.constant 0 : i32
    %dma_start3A_835 = tpu.memref_slice %arg4[%add3A_406, %dma_start3A_834] : memref<1536x512xf32, #tpu.memory_space<hbm>> -> memref<1x512xf32, #tpu.memory_space<hbm>>
    %dma_start3A_836 = tpu.memref_squeeze %dma_start3A_835 : memref<1x512xf32, #tpu.memory_space<hbm>> -> memref<512xf32, #tpu.memory_space<hbm>>
    %dma_start3A_837 = arith.constant 19968 : i32
    %dma_start3A_838 = tpu.memref_slice %arg7[%dma_start3A_837] : memref<24576xf32, #tpu.memory_space<vmem>> -> memref<512xf32, #tpu.memory_space<vmem>>
    tpu.enqueue_dma source(%dma_start3A_838 : memref<512xf32, #tpu.memory_space<vmem>>) target(%dma_start3A_836 : memref<512xf32, #tpu.memory_space<hbm>>) target_semaphore(%arg8 : memref<!tpu.dma_semaphore, #tpu.memory_space<semaphore_mem>>)
    %dma_start3A_839 = arith.constant 20480 : i32
    %dma_start3A_840 = tpu.memref_slice %arg7[%dma_start3A_839] : memref<24576xf32, #tpu.memory_space<vmem>> -> memref<512xf32, #tpu.memory_space<vmem>>
    %dma_start3A_841 = arith.constant 0 : i32
    %dma_start3A_842 = tpu.memref_slice %arg4[%add3A_410, %dma_start3A_841] : memref<1536x512xf32, #tpu.memory_space<hbm>> -> memref<1x512xf32, #tpu.memory_space<hbm>>
    %dma_start3A_843 = tpu.memref_squeeze %dma_start3A_842 : memref<1x512xf32, #tpu.memory_space<hbm>> -> memref<512xf32, #tpu.memory_space<hbm>>
    %dma_start3A_844 = arith.constant 0 : i32
    %dma_start3A_845 = tpu.memref_slice %arg4[%add3A_410, %dma_start3A_844] : memref<1536x512xf32, #tpu.memory_space<hbm>> -> memref<1x512xf32, #tpu.memory_space<hbm>>
    %dma_start3A_846 = tpu.memref_squeeze %dma_start3A_845 : memref<1x512xf32, #tpu.memory_space<hbm>> -> memref<512xf32, #tpu.memory_space<hbm>>
    %dma_start3A_847 = arith.constant 20480 : i32
    %dma_start3A_848 = tpu.memref_slice %arg7[%dma_start3A_847] : memref<24576xf32, #tpu.memory_space<vmem>> -> memref<512xf32, #tpu.memory_space<vmem>>
    tpu.enqueue_dma source(%dma_start3A_848 : memref<512xf32, #tpu.memory_space<vmem>>) target(%dma_start3A_846 : memref<512xf32, #tpu.memory_space<hbm>>) target_semaphore(%arg8 : memref<!tpu.dma_semaphore, #tpu.memory_space<semaphore_mem>>)
    %dma_start3A_849 = arith.constant 20992 : i32
    %dma_start3A_850 = tpu.memref_slice %arg7[%dma_start3A_849] : memref<24576xf32, #tpu.memory_space<vmem>> -> memref<512xf32, #tpu.memory_space<vmem>>
    %dma_start3A_851 = arith.constant 0 : i32
    %dma_start3A_852 = tpu.memref_slice %arg4[%add3A_414, %dma_start3A_851] : memref<1536x512xf32, #tpu.memory_space<hbm>> -> memref<1x512xf32, #tpu.memory_space<hbm>>
    %dma_start3A_853 = tpu.memref_squeeze %dma_start3A_852 : memref<1x512xf32, #tpu.memory_space<hbm>> -> memref<512xf32, #tpu.memory_space<hbm>>
    %dma_start3A_854 = arith.constant 0 : i32
    %dma_start3A_855 = tpu.memref_slice %arg4[%add3A_414, %dma_start3A_854] : memref<1536x512xf32, #tpu.memory_space<hbm>> -> memref<1x512xf32, #tpu.memory_space<hbm>>
    %dma_start3A_856 = tpu.memref_squeeze %dma_start3A_855 : memref<1x512xf32, #tpu.memory_space<hbm>> -> memref<512xf32, #tpu.memory_space<hbm>>
    %dma_start3A_857 = arith.constant 20992 : i32
    %dma_start3A_858 = tpu.memref_slice %arg7[%dma_start3A_857] : memref<24576xf32, #tpu.memory_space<vmem>> -> memref<512xf32, #tpu.memory_space<vmem>>
    tpu.enqueue_dma source(%dma_start3A_858 : memref<512xf32, #tpu.memory_space<vmem>>) target(%dma_start3A_856 : memref<512xf32, #tpu.memory_space<hbm>>) target_semaphore(%arg8 : memref<!tpu.dma_semaphore, #tpu.memory_space<semaphore_mem>>)
    %dma_start3A_859 = arith.constant 21504 : i32
    %dma_start3A_860 = tpu.memref_slice %arg7[%dma_start3A_859] : memref<24576xf32, #tpu.memory_space<vmem>> -> memref<512xf32, #tpu.memory_space<vmem>>
    %dma_start3A_861 = arith.constant 0 : i32
    %dma_start3A_862 = tpu.memref_slice %arg4[%add3A_418, %dma_start3A_861] : memref<1536x512xf32, #tpu.memory_space<hbm>> -> memref<1x512xf32, #tpu.memory_space<hbm>>
    %dma_start3A_863 = tpu.memref_squeeze %dma_start3A_862 : memref<1x512xf32, #tpu.memory_space<hbm>> -> memref<512xf32, #tpu.memory_space<hbm>>
    %dma_start3A_864 = arith.constant 0 : i32
    %dma_start3A_865 = tpu.memref_slice %arg4[%add3A_418, %dma_start3A_864] : memref<1536x512xf32, #tpu.memory_space<hbm>> -> memref<1x512xf32, #tpu.memory_space<hbm>>
    %dma_start3A_866 = tpu.memref_squeeze %dma_start3A_865 : memref<1x512xf32, #tpu.memory_space<hbm>> -> memref<512xf32, #tpu.memory_space<hbm>>
    %dma_start3A_867 = arith.constant 21504 : i32
    %dma_start3A_868 = tpu.memref_slice %arg7[%dma_start3A_867] : memref<24576xf32, #tpu.memory_space<vmem>> -> memref<512xf32, #tpu.memory_space<vmem>>
    tpu.enqueue_dma source(%dma_start3A_868 : memref<512xf32, #tpu.memory_space<vmem>>) target(%dma_start3A_866 : memref<512xf32, #tpu.memory_space<hbm>>) target_semaphore(%arg8 : memref<!tpu.dma_semaphore, #tpu.memory_space<semaphore_mem>>)
    %dma_start3A_869 = arith.constant 22016 : i32
    %dma_start3A_870 = tpu.memref_slice %arg7[%dma_start3A_869] : memref<24576xf32, #tpu.memory_space<vmem>> -> memref<512xf32, #tpu.memory_space<vmem>>
    %dma_start3A_871 = arith.constant 0 : i32
    %dma_start3A_872 = tpu.memref_slice %arg4[%add3A_422, %dma_start3A_871] : memref<1536x512xf32, #tpu.memory_space<hbm>> -> memref<1x512xf32, #tpu.memory_space<hbm>>
    %dma_start3A_873 = tpu.memref_squeeze %dma_start3A_872 : memref<1x512xf32, #tpu.memory_space<hbm>> -> memref<512xf32, #tpu.memory_space<hbm>>
    %dma_start3A_874 = arith.constant 0 : i32
    %dma_start3A_875 = tpu.memref_slice %arg4[%add3A_422, %dma_start3A_874] : memref<1536x512xf32, #tpu.memory_space<hbm>> -> memref<1x512xf32, #tpu.memory_space<hbm>>
    %dma_start3A_876 = tpu.memref_squeeze %dma_start3A_875 : memref<1x512xf32, #tpu.memory_space<hbm>> -> memref<512xf32, #tpu.memory_space<hbm>>
    %dma_start3A_877 = arith.constant 22016 : i32
    %dma_start3A_878 = tpu.memref_slice %arg7[%dma_start3A_877] : memref<24576xf32, #tpu.memory_space<vmem>> -> memref<512xf32, #tpu.memory_space<vmem>>
    tpu.enqueue_dma source(%dma_start3A_878 : memref<512xf32, #tpu.memory_space<vmem>>) target(%dma_start3A_876 : memref<512xf32, #tpu.memory_space<hbm>>) target_semaphore(%arg8 : memref<!tpu.dma_semaphore, #tpu.memory_space<semaphore_mem>>)
    %dma_start3A_879 = arith.constant 22528 : i32
    %dma_start3A_880 = tpu.memref_slice %arg7[%dma_start3A_879] : memref<24576xf32, #tpu.memory_space<vmem>> -> memref<512xf32, #tpu.memory_space<vmem>>
    %dma_start3A_881 = arith.constant 0 : i32
    %dma_start3A_882 = tpu.memref_slice %arg4[%add3A_426, %dma_start3A_881] : memref<1536x512xf32, #tpu.memory_space<hbm>> -> memref<1x512xf32, #tpu.memory_space<hbm>>
    %dma_start3A_883 = tpu.memref_squeeze %dma_start3A_882 : memref<1x512xf32, #tpu.memory_space<hbm>> -> memref<512xf32, #tpu.memory_space<hbm>>
    %dma_start3A_884 = arith.constant 0 : i32
    %dma_start3A_885 = tpu.memref_slice %arg4[%add3A_426, %dma_start3A_884] : memref<1536x512xf32, #tpu.memory_space<hbm>> -> memref<1x512xf32, #tpu.memory_space<hbm>>
    %dma_start3A_886 = tpu.memref_squeeze %dma_start3A_885 : memref<1x512xf32, #tpu.memory_space<hbm>> -> memref<512xf32, #tpu.memory_space<hbm>>
    %dma_start3A_887 = arith.constant 22528 : i32
    %dma_start3A_888 = tpu.memref_slice %arg7[%dma_start3A_887] : memref<24576xf32, #tpu.memory_space<vmem>> -> memref<512xf32, #tpu.memory_space<vmem>>
    tpu.enqueue_dma source(%dma_start3A_888 : memref<512xf32, #tpu.memory_space<vmem>>) target(%dma_start3A_886 : memref<512xf32, #tpu.memory_space<hbm>>) target_semaphore(%arg8 : memref<!tpu.dma_semaphore, #tpu.memory_space<semaphore_mem>>)
    %dma_start3A_889 = arith.constant 23040 : i32
    %dma_start3A_890 = tpu.memref_slice %arg7[%dma_start3A_889] : memref<24576xf32, #tpu.memory_space<vmem>> -> memref<512xf32, #tpu.memory_space<vmem>>
    %dma_start3A_891 = arith.constant 0 : i32
    %dma_start3A_892 = tpu.memref_slice %arg4[%add3A_430, %dma_start3A_891] : memref<1536x512xf32, #tpu.memory_space<hbm>> -> memref<1x512xf32, #tpu.memory_space<hbm>>
    %dma_start3A_893 = tpu.memref_squeeze %dma_start3A_892 : memref<1x512xf32, #tpu.memory_space<hbm>> -> memref<512xf32, #tpu.memory_space<hbm>>
    %dma_start3A_894 = arith.constant 0 : i32
    %dma_start3A_895 = tpu.memref_slice %arg4[%add3A_430, %dma_start3A_894] : memref<1536x512xf32, #tpu.memory_space<hbm>> -> memref<1x512xf32, #tpu.memory_space<hbm>>
    %dma_start3A_896 = tpu.memref_squeeze %dma_start3A_895 : memref<1x512xf32, #tpu.memory_space<hbm>> -> memref<512xf32, #tpu.memory_space<hbm>>
    %dma_start3A_897 = arith.constant 23040 : i32
    %dma_start3A_898 = tpu.memref_slice %arg7[%dma_start3A_897] : memref<24576xf32, #tpu.memory_space<vmem>> -> memref<512xf32, #tpu.memory_space<vmem>>
    tpu.enqueue_dma source(%dma_start3A_898 : memref<512xf32, #tpu.memory_space<vmem>>) target(%dma_start3A_896 : memref<512xf32, #tpu.memory_space<hbm>>) target_semaphore(%arg8 : memref<!tpu.dma_semaphore, #tpu.memory_space<semaphore_mem>>)
    %dma_start3A_899 = arith.constant 23552 : i32
    %dma_start3A_900 = tpu.memref_slice %arg7[%dma_start3A_899] : memref<24576xf32, #tpu.memory_space<vmem>> -> memref<512xf32, #tpu.memory_space<vmem>>
    %dma_start3A_901 = arith.constant 0 : i32
    %dma_start3A_902 = tpu.memref_slice %arg4[%add3A_434, %dma_start3A_901] : memref<1536x512xf32, #tpu.memory_space<hbm>> -> memref<1x512xf32, #tpu.memory_space<hbm>>
    %dma_start3A_903 = tpu.memref_squeeze %dma_start3A_902 : memref<1x512xf32, #tpu.memory_space<hbm>> -> memref<512xf32, #tpu.memory_space<hbm>>
    %dma_start3A_904 = arith.constant 0 : i32
    %dma_start3A_905 = tpu.memref_slice %arg4[%add3A_434, %dma_start3A_904] : memref<1536x512xf32, #tpu.memory_space<hbm>> -> memref<1x512xf32, #tpu.memory_space<hbm>>
    %dma_start3A_906 = tpu.memref_squeeze %dma_start3A_905 : memref<1x512xf32, #tpu.memory_space<hbm>> -> memref<512xf32, #tpu.memory_space<hbm>>
    %dma_start3A_907 = arith.constant 23552 : i32
    %dma_start3A_908 = tpu.memref_slice %arg7[%dma_start3A_907] : memref<24576xf32, #tpu.memory_space<vmem>> -> memref<512xf32, #tpu.memory_space<vmem>>
    tpu.enqueue_dma source(%dma_start3A_908 : memref<512xf32, #tpu.memory_space<vmem>>) target(%dma_start3A_906 : memref<512xf32, #tpu.memory_space<hbm>>) target_semaphore(%arg8 : memref<!tpu.dma_semaphore, #tpu.memory_space<semaphore_mem>>)
    %dma_start3A_909 = arith.constant 24064 : i32
    %dma_start3A_910 = tpu.memref_slice %arg7[%dma_start3A_909] : memref<24576xf32, #tpu.memory_space<vmem>> -> memref<512xf32, #tpu.memory_space<vmem>>
    %dma_start3A_911 = arith.constant 0 : i32
    %dma_start3A_912 = tpu.memref_slice %arg4[%add3A_438, %dma_start3A_911] : memref<1536x512xf32, #tpu.memory_space<hbm>> -> memref<1x512xf32, #tpu.memory_space<hbm>>
    %dma_start3A_913 = tpu.memref_squeeze %dma_start3A_912 : memref<1x512xf32, #tpu.memory_space<hbm>> -> memref<512xf32, #tpu.memory_space<hbm>>
    %dma_start3A_914 = arith.constant 0 : i32
    %dma_start3A_915 = tpu.memref_slice %arg4[%add3A_438, %dma_start3A_914] : memref<1536x512xf32, #tpu.memory_space<hbm>> -> memref<1x512xf32, #tpu.memory_space<hbm>>
    %dma_start3A_916 = tpu.memref_squeeze %dma_start3A_915 : memref<1x512xf32, #tpu.memory_space<hbm>> -> memref<512xf32, #tpu.memory_space<hbm>>
    %dma_start3A_917 = arith.constant 24064 : i32
    %dma_start3A_918 = tpu.memref_slice %arg7[%dma_start3A_917] : memref<24576xf32, #tpu.memory_space<vmem>> -> memref<512xf32, #tpu.memory_space<vmem>>
    tpu.enqueue_dma source(%dma_start3A_918 : memref<512xf32, #tpu.memory_space<vmem>>) target(%dma_start3A_916 : memref<512xf32, #tpu.memory_space<hbm>>) target_semaphore(%arg8 : memref<!tpu.dma_semaphore, #tpu.memory_space<semaphore_mem>>)
    %dma_wait3A = arith.constant 0 : i32
    %dma_wait3A_919 = tpu.memref_slice %arg7[%dma_wait3A] : memref<24576xf32, #tpu.memory_space<vmem>> -> memref<512xf32, #tpu.memory_space<vmem>>
    %dma_wait3A_920 = arith.constant 0 : i32
    %dma_wait3A_921 = tpu.memref_slice %arg4[%add3A_250, %dma_wait3A_920] : memref<1536x512xf32, #tpu.memory_space<hbm>> -> memref<1x512xf32, #tpu.memory_space<hbm>>
    %dma_wait3A_922 = tpu.memref_squeeze %dma_wait3A_921 : memref<1x512xf32, #tpu.memory_space<hbm>> -> memref<512xf32, #tpu.memory_space<hbm>>
    %dma_wait3A_923 = arith.constant 0 : i32
    %dma_wait3A_924 = tpu.memref_slice %arg4[%add3A_250, %dma_wait3A_923] : memref<1536x512xf32, #tpu.memory_space<hbm>> -> memref<1x512xf32, #tpu.memory_space<hbm>>
    %dma_wait3A_925 = tpu.memref_squeeze %dma_wait3A_924 : memref<1x512xf32, #tpu.memory_space<hbm>> -> memref<512xf32, #tpu.memory_space<hbm>>
    %dma_wait3A_926 = arith.constant 0 : i32
    %dma_wait3A_927 = tpu.memref_slice %arg7[%dma_wait3A_926] : memref<24576xf32, #tpu.memory_space<vmem>> -> memref<512xf32, #tpu.memory_space<vmem>>
    tpu.wait_dma2 semaphore(%arg8 : memref<!tpu.dma_semaphore, #tpu.memory_space<semaphore_mem>>) src(%dma_wait3A_927 : memref<512xf32, #tpu.memory_space<vmem>>) dst(%dma_wait3A_925 : memref<512xf32, #tpu.memory_space<hbm>>)
    %dma_wait3A_928 = arith.constant 512 : i32
    %dma_wait3A_929 = tpu.memref_slice %arg7[%dma_wait3A_928] : memref<24576xf32, #tpu.memory_space<vmem>> -> memref<512xf32, #tpu.memory_space<vmem>>
    %dma_wait3A_930 = arith.constant 0 : i32
    %dma_wait3A_931 = tpu.memref_slice %arg4[%add3A_254, %dma_wait3A_930] : memref<1536x512xf32, #tpu.memory_space<hbm>> -> memref<1x512xf32, #tpu.memory_space<hbm>>
    %dma_wait3A_932 = tpu.memref_squeeze %dma_wait3A_931 : memref<1x512xf32, #tpu.memory_space<hbm>> -> memref<512xf32, #tpu.memory_space<hbm>>
    %dma_wait3A_933 = arith.constant 0 : i32
    %dma_wait3A_934 = tpu.memref_slice %arg4[%add3A_254, %dma_wait3A_933] : memref<1536x512xf32, #tpu.memory_space<hbm>> -> memref<1x512xf32, #tpu.memory_space<hbm>>
    %dma_wait3A_935 = tpu.memref_squeeze %dma_wait3A_934 : memref<1x512xf32, #tpu.memory_space<hbm>> -> memref<512xf32, #tpu.memory_space<hbm>>
    %dma_wait3A_936 = arith.constant 512 : i32
    %dma_wait3A_937 = tpu.memref_slice %arg7[%dma_wait3A_936] : memref<24576xf32, #tpu.memory_space<vmem>> -> memref<512xf32, #tpu.memory_space<vmem>>
    tpu.wait_dma2 semaphore(%arg8 : memref<!tpu.dma_semaphore, #tpu.memory_space<semaphore_mem>>) src(%dma_wait3A_937 : memref<512xf32, #tpu.memory_space<vmem>>) dst(%dma_wait3A_935 : memref<512xf32, #tpu.memory_space<hbm>>)
    %dma_wait3A_938 = arith.constant 1024 : i32
    %dma_wait3A_939 = tpu.memref_slice %arg7[%dma_wait3A_938] : memref<24576xf32, #tpu.memory_space<vmem>> -> memref<512xf32, #tpu.memory_space<vmem>>
    %dma_wait3A_940 = arith.constant 0 : i32
    %dma_wait3A_941 = tpu.memref_slice %arg4[%add3A_258, %dma_wait3A_940] : memref<1536x512xf32, #tpu.memory_space<hbm>> -> memref<1x512xf32, #tpu.memory_space<hbm>>
    %dma_wait3A_942 = tpu.memref_squeeze %dma_wait3A_941 : memref<1x512xf32, #tpu.memory_space<hbm>> -> memref<512xf32, #tpu.memory_space<hbm>>
    %dma_wait3A_943 = arith.constant 0 : i32
    %dma_wait3A_944 = tpu.memref_slice %arg4[%add3A_258, %dma_wait3A_943] : memref<1536x512xf32, #tpu.memory_space<hbm>> -> memref<1x512xf32, #tpu.memory_space<hbm>>
    %dma_wait3A_945 = tpu.memref_squeeze %dma_wait3A_944 : memref<1x512xf32, #tpu.memory_space<hbm>> -> memref<512xf32, #tpu.memory_space<hbm>>
    %dma_wait3A_946 = arith.constant 1024 : i32
    %dma_wait3A_947 = tpu.memref_slice %arg7[%dma_wait3A_946] : memref<24576xf32, #tpu.memory_space<vmem>> -> memref<512xf32, #tpu.memory_space<vmem>>
    tpu.wait_dma2 semaphore(%arg8 : memref<!tpu.dma_semaphore, #tpu.memory_space<semaphore_mem>>) src(%dma_wait3A_947 : memref<512xf32, #tpu.memory_space<vmem>>) dst(%dma_wait3A_945 : memref<512xf32, #tpu.memory_space<hbm>>)
    %dma_wait3A_948 = arith.constant 1536 : i32
    %dma_wait3A_949 = tpu.memref_slice %arg7[%dma_wait3A_948] : memref<24576xf32, #tpu.memory_space<vmem>> -> memref<512xf32, #tpu.memory_space<vmem>>
    %dma_wait3A_950 = arith.constant 0 : i32
    %dma_wait3A_951 = tpu.memref_slice %arg4[%add3A_262, %dma_wait3A_950] : memref<1536x512xf32, #tpu.memory_space<hbm>> -> memref<1x512xf32, #tpu.memory_space<hbm>>
    %dma_wait3A_952 = tpu.memref_squeeze %dma_wait3A_951 : memref<1x512xf32, #tpu.memory_space<hbm>> -> memref<512xf32, #tpu.memory_space<hbm>>
    %dma_wait3A_953 = arith.constant 0 : i32
    %dma_wait3A_954 = tpu.memref_slice %arg4[%add3A_262, %dma_wait3A_953] : memref<1536x512xf32, #tpu.memory_space<hbm>> -> memref<1x512xf32, #tpu.memory_space<hbm>>
    %dma_wait3A_955 = tpu.memref_squeeze %dma_wait3A_954 : memref<1x512xf32, #tpu.memory_space<hbm>> -> memref<512xf32, #tpu.memory_space<hbm>>
    %dma_wait3A_956 = arith.constant 1536 : i32
    %dma_wait3A_957 = tpu.memref_slice %arg7[%dma_wait3A_956] : memref<24576xf32, #tpu.memory_space<vmem>> -> memref<512xf32, #tpu.memory_space<vmem>>
    tpu.wait_dma2 semaphore(%arg8 : memref<!tpu.dma_semaphore, #tpu.memory_space<semaphore_mem>>) src(%dma_wait3A_957 : memref<512xf32, #tpu.memory_space<vmem>>) dst(%dma_wait3A_955 : memref<512xf32, #tpu.memory_space<hbm>>)
    %dma_wait3A_958 = arith.constant 2048 : i32
    %dma_wait3A_959 = tpu.memref_slice %arg7[%dma_wait3A_958] : memref<24576xf32, #tpu.memory_space<vmem>> -> memref<512xf32, #tpu.memory_space<vmem>>
    %dma_wait3A_960 = arith.constant 0 : i32
    %dma_wait3A_961 = tpu.memref_slice %arg4[%add3A_266, %dma_wait3A_960] : memref<1536x512xf32, #tpu.memory_space<hbm>> -> memref<1x512xf32, #tpu.memory_space<hbm>>
    %dma_wait3A_962 = tpu.memref_squeeze %dma_wait3A_961 : memref<1x512xf32, #tpu.memory_space<hbm>> -> memref<512xf32, #tpu.memory_space<hbm>>
    %dma_wait3A_963 = arith.constant 0 : i32
    %dma_wait3A_964 = tpu.memref_slice %arg4[%add3A_266, %dma_wait3A_963] : memref<1536x512xf32, #tpu.memory_space<hbm>> -> memref<1x512xf32, #tpu.memory_space<hbm>>
    %dma_wait3A_965 = tpu.memref_squeeze %dma_wait3A_964 : memref<1x512xf32, #tpu.memory_space<hbm>> -> memref<512xf32, #tpu.memory_space<hbm>>
    %dma_wait3A_966 = arith.constant 2048 : i32
    %dma_wait3A_967 = tpu.memref_slice %arg7[%dma_wait3A_966] : memref<24576xf32, #tpu.memory_space<vmem>> -> memref<512xf32, #tpu.memory_space<vmem>>
    tpu.wait_dma2 semaphore(%arg8 : memref<!tpu.dma_semaphore, #tpu.memory_space<semaphore_mem>>) src(%dma_wait3A_967 : memref<512xf32, #tpu.memory_space<vmem>>) dst(%dma_wait3A_965 : memref<512xf32, #tpu.memory_space<hbm>>)
    %dma_wait3A_968 = arith.constant 2560 : i32
    %dma_wait3A_969 = tpu.memref_slice %arg7[%dma_wait3A_968] : memref<24576xf32, #tpu.memory_space<vmem>> -> memref<512xf32, #tpu.memory_space<vmem>>
    %dma_wait3A_970 = arith.constant 0 : i32
    %dma_wait3A_971 = tpu.memref_slice %arg4[%add3A_270, %dma_wait3A_970] : memref<1536x512xf32, #tpu.memory_space<hbm>> -> memref<1x512xf32, #tpu.memory_space<hbm>>
    %dma_wait3A_972 = tpu.memref_squeeze %dma_wait3A_971 : memref<1x512xf32, #tpu.memory_space<hbm>> -> memref<512xf32, #tpu.memory_space<hbm>>
    %dma_wait3A_973 = arith.constant 0 : i32
    %dma_wait3A_974 = tpu.memref_slice %arg4[%add3A_270, %dma_wait3A_973] : memref<1536x512xf32, #tpu.memory_space<hbm>> -> memref<1x512xf32, #tpu.memory_space<hbm>>
    %dma_wait3A_975 = tpu.memref_squeeze %dma_wait3A_974 : memref<1x512xf32, #tpu.memory_space<hbm>> -> memref<512xf32, #tpu.memory_space<hbm>>
    %dma_wait3A_976 = arith.constant 2560 : i32
    %dma_wait3A_977 = tpu.memref_slice %arg7[%dma_wait3A_976] : memref<24576xf32, #tpu.memory_space<vmem>> -> memref<512xf32, #tpu.memory_space<vmem>>
    tpu.wait_dma2 semaphore(%arg8 : memref<!tpu.dma_semaphore, #tpu.memory_space<semaphore_mem>>) src(%dma_wait3A_977 : memref<512xf32, #tpu.memory_space<vmem>>) dst(%dma_wait3A_975 : memref<512xf32, #tpu.memory_space<hbm>>)
    %dma_wait3A_978 = arith.constant 3072 : i32
    %dma_wait3A_979 = tpu.memref_slice %arg7[%dma_wait3A_978] : memref<24576xf32, #tpu.memory_space<vmem>> -> memref<512xf32, #tpu.memory_space<vmem>>
    %dma_wait3A_980 = arith.constant 0 : i32
    %dma_wait3A_981 = tpu.memref_slice %arg4[%add3A_274, %dma_wait3A_980] : memref<1536x512xf32, #tpu.memory_space<hbm>> -> memref<1x512xf32, #tpu.memory_space<hbm>>
    %dma_wait3A_982 = tpu.memref_squeeze %dma_wait3A_981 : memref<1x512xf32, #tpu.memory_space<hbm>> -> memref<512xf32, #tpu.memory_space<hbm>>
    %dma_wait3A_983 = arith.constant 0 : i32
    %dma_wait3A_984 = tpu.memref_slice %arg4[%add3A_274, %dma_wait3A_983] : memref<1536x512xf32, #tpu.memory_space<hbm>> -> memref<1x512xf32, #tpu.memory_space<hbm>>
    %dma_wait3A_985 = tpu.memref_squeeze %dma_wait3A_984 : memref<1x512xf32, #tpu.memory_space<hbm>> -> memref<512xf32, #tpu.memory_space<hbm>>
    %dma_wait3A_986 = arith.constant 3072 : i32
    %dma_wait3A_987 = tpu.memref_slice %arg7[%dma_wait3A_986] : memref<24576xf32, #tpu.memory_space<vmem>> -> memref<512xf32, #tpu.memory_space<vmem>>
    tpu.wait_dma2 semaphore(%arg8 : memref<!tpu.dma_semaphore, #tpu.memory_space<semaphore_mem>>) src(%dma_wait3A_987 : memref<512xf32, #tpu.memory_space<vmem>>) dst(%dma_wait3A_985 : memref<512xf32, #tpu.memory_space<hbm>>)
    %dma_wait3A_988 = arith.constant 3584 : i32
    %dma_wait3A_989 = tpu.memref_slice %arg7[%dma_wait3A_988] : memref<24576xf32, #tpu.memory_space<vmem>> -> memref<512xf32, #tpu.memory_space<vmem>>
    %dma_wait3A_990 = arith.constant 0 : i32
    %dma_wait3A_991 = tpu.memref_slice %arg4[%add3A_278, %dma_wait3A_990] : memref<1536x512xf32, #tpu.memory_space<hbm>> -> memref<1x512xf32, #tpu.memory_space<hbm>>
    %dma_wait3A_992 = tpu.memref_squeeze %dma_wait3A_991 : memref<1x512xf32, #tpu.memory_space<hbm>> -> memref<512xf32, #tpu.memory_space<hbm>>
    %dma_wait3A_993 = arith.constant 0 : i32
    %dma_wait3A_994 = tpu.memref_slice %arg4[%add3A_278, %dma_wait3A_993] : memref<1536x512xf32, #tpu.memory_space<hbm>> -> memref<1x512xf32, #tpu.memory_space<hbm>>
    %dma_wait3A_995 = tpu.memref_squeeze %dma_wait3A_994 : memref<1x512xf32, #tpu.memory_space<hbm>> -> memref<512xf32, #tpu.memory_space<hbm>>
    %dma_wait3A_996 = arith.constant 3584 : i32
    %dma_wait3A_997 = tpu.memref_slice %arg7[%dma_wait3A_996] : memref<24576xf32, #tpu.memory_space<vmem>> -> memref<512xf32, #tpu.memory_space<vmem>>
    tpu.wait_dma2 semaphore(%arg8 : memref<!tpu.dma_semaphore, #tpu.memory_space<semaphore_mem>>) src(%dma_wait3A_997 : memref<512xf32, #tpu.memory_space<vmem>>) dst(%dma_wait3A_995 : memref<512xf32, #tpu.memory_space<hbm>>)
    %dma_wait3A_998 = arith.constant 4096 : i32
    %dma_wait3A_999 = tpu.memref_slice %arg7[%dma_wait3A_998] : memref<24576xf32, #tpu.memory_space<vmem>> -> memref<512xf32, #tpu.memory_space<vmem>>
    %dma_wait3A_1000 = arith.constant 0 : i32
    %dma_wait3A_1001 = tpu.memref_slice %arg4[%add3A_282, %dma_wait3A_1000] : memref<1536x512xf32, #tpu.memory_space<hbm>> -> memref<1x512xf32, #tpu.memory_space<hbm>>
    %dma_wait3A_1002 = tpu.memref_squeeze %dma_wait3A_1001 : memref<1x512xf32, #tpu.memory_space<hbm>> -> memref<512xf32, #tpu.memory_space<hbm>>
    %dma_wait3A_1003 = arith.constant 0 : i32
    %dma_wait3A_1004 = tpu.memref_slice %arg4[%add3A_282, %dma_wait3A_1003] : memref<1536x512xf32, #tpu.memory_space<hbm>> -> memref<1x512xf32, #tpu.memory_space<hbm>>
    %dma_wait3A_1005 = tpu.memref_squeeze %dma_wait3A_1004 : memref<1x512xf32, #tpu.memory_space<hbm>> -> memref<512xf32, #tpu.memory_space<hbm>>
    %dma_wait3A_1006 = arith.constant 4096 : i32
    %dma_wait3A_1007 = tpu.memref_slice %arg7[%dma_wait3A_1006] : memref<24576xf32, #tpu.memory_space<vmem>> -> memref<512xf32, #tpu.memory_space<vmem>>
    tpu.wait_dma2 semaphore(%arg8 : memref<!tpu.dma_semaphore, #tpu.memory_space<semaphore_mem>>) src(%dma_wait3A_1007 : memref<512xf32, #tpu.memory_space<vmem>>) dst(%dma_wait3A_1005 : memref<512xf32, #tpu.memory_space<hbm>>)
    %dma_wait3A_1008 = arith.constant 4608 : i32
    %dma_wait3A_1009 = tpu.memref_slice %arg7[%dma_wait3A_1008] : memref<24576xf32, #tpu.memory_space<vmem>> -> memref<512xf32, #tpu.memory_space<vmem>>
    %dma_wait3A_1010 = arith.constant 0 : i32
    %dma_wait3A_1011 = tpu.memref_slice %arg4[%add3A_286, %dma_wait3A_1010] : memref<1536x512xf32, #tpu.memory_space<hbm>> -> memref<1x512xf32, #tpu.memory_space<hbm>>
    %dma_wait3A_1012 = tpu.memref_squeeze %dma_wait3A_1011 : memref<1x512xf32, #tpu.memory_space<hbm>> -> memref<512xf32, #tpu.memory_space<hbm>>
    %dma_wait3A_1013 = arith.constant 0 : i32
    %dma_wait3A_1014 = tpu.memref_slice %arg4[%add3A_286, %dma_wait3A_1013] : memref<1536x512xf32, #tpu.memory_space<hbm>> -> memref<1x512xf32, #tpu.memory_space<hbm>>
    %dma_wait3A_1015 = tpu.memref_squeeze %dma_wait3A_1014 : memref<1x512xf32, #tpu.memory_space<hbm>> -> memref<512xf32, #tpu.memory_space<hbm>>
    %dma_wait3A_1016 = arith.constant 4608 : i32
    %dma_wait3A_1017 = tpu.memref_slice %arg7[%dma_wait3A_1016] : memref<24576xf32, #tpu.memory_space<vmem>> -> memref<512xf32, #tpu.memory_space<vmem>>
    tpu.wait_dma2 semaphore(%arg8 : memref<!tpu.dma_semaphore, #tpu.memory_space<semaphore_mem>>) src(%dma_wait3A_1017 : memref<512xf32, #tpu.memory_space<vmem>>) dst(%dma_wait3A_1015 : memref<512xf32, #tpu.memory_space<hbm>>)
    %dma_wait3A_1018 = arith.constant 5120 : i32
    %dma_wait3A_1019 = tpu.memref_slice %arg7[%dma_wait3A_1018] : memref<24576xf32, #tpu.memory_space<vmem>> -> memref<512xf32, #tpu.memory_space<vmem>>
    %dma_wait3A_1020 = arith.constant 0 : i32
    %dma_wait3A_1021 = tpu.memref_slice %arg4[%add3A_290, %dma_wait3A_1020] : memref<1536x512xf32, #tpu.memory_space<hbm>> -> memref<1x512xf32, #tpu.memory_space<hbm>>
    %dma_wait3A_1022 = tpu.memref_squeeze %dma_wait3A_1021 : memref<1x512xf32, #tpu.memory_space<hbm>> -> memref<512xf32, #tpu.memory_space<hbm>>
    %dma_wait3A_1023 = arith.constant 0 : i32
    %dma_wait3A_1024 = tpu.memref_slice %arg4[%add3A_290, %dma_wait3A_1023] : memref<1536x512xf32, #tpu.memory_space<hbm>> -> memref<1x512xf32, #tpu.memory_space<hbm>>
    %dma_wait3A_1025 = tpu.memref_squeeze %dma_wait3A_1024 : memref<1x512xf32, #tpu.memory_space<hbm>> -> memref<512xf32, #tpu.memory_space<hbm>>
    %dma_wait3A_1026 = arith.constant 5120 : i32
    %dma_wait3A_1027 = tpu.memref_slice %arg7[%dma_wait3A_1026] : memref<24576xf32, #tpu.memory_space<vmem>> -> memref<512xf32, #tpu.memory_space<vmem>>
    tpu.wait_dma2 semaphore(%arg8 : memref<!tpu.dma_semaphore, #tpu.memory_space<semaphore_mem>>) src(%dma_wait3A_1027 : memref<512xf32, #tpu.memory_space<vmem>>) dst(%dma_wait3A_1025 : memref<512xf32, #tpu.memory_space<hbm>>)
    %dma_wait3A_1028 = arith.constant 5632 : i32
    %dma_wait3A_1029 = tpu.memref_slice %arg7[%dma_wait3A_1028] : memref<24576xf32, #tpu.memory_space<vmem>> -> memref<512xf32, #tpu.memory_space<vmem>>
    %dma_wait3A_1030 = arith.constant 0 : i32
    %dma_wait3A_1031 = tpu.memref_slice %arg4[%add3A_294, %dma_wait3A_1030] : memref<1536x512xf32, #tpu.memory_space<hbm>> -> memref<1x512xf32, #tpu.memory_space<hbm>>
    %dma_wait3A_1032 = tpu.memref_squeeze %dma_wait3A_1031 : memref<1x512xf32, #tpu.memory_space<hbm>> -> memref<512xf32, #tpu.memory_space<hbm>>
    %dma_wait3A_1033 = arith.constant 0 : i32
    %dma_wait3A_1034 = tpu.memref_slice %arg4[%add3A_294, %dma_wait3A_1033] : memref<1536x512xf32, #tpu.memory_space<hbm>> -> memref<1x512xf32, #tpu.memory_space<hbm>>
    %dma_wait3A_1035 = tpu.memref_squeeze %dma_wait3A_1034 : memref<1x512xf32, #tpu.memory_space<hbm>> -> memref<512xf32, #tpu.memory_space<hbm>>
    %dma_wait3A_1036 = arith.constant 5632 : i32
    %dma_wait3A_1037 = tpu.memref_slice %arg7[%dma_wait3A_1036] : memref<24576xf32, #tpu.memory_space<vmem>> -> memref<512xf32, #tpu.memory_space<vmem>>
    tpu.wait_dma2 semaphore(%arg8 : memref<!tpu.dma_semaphore, #tpu.memory_space<semaphore_mem>>) src(%dma_wait3A_1037 : memref<512xf32, #tpu.memory_space<vmem>>) dst(%dma_wait3A_1035 : memref<512xf32, #tpu.memory_space<hbm>>)
    %dma_wait3A_1038 = arith.constant 6144 : i32
    %dma_wait3A_1039 = tpu.memref_slice %arg7[%dma_wait3A_1038] : memref<24576xf32, #tpu.memory_space<vmem>> -> memref<512xf32, #tpu.memory_space<vmem>>
    %dma_wait3A_1040 = arith.constant 0 : i32
    %dma_wait3A_1041 = tpu.memref_slice %arg4[%add3A_298, %dma_wait3A_1040] : memref<1536x512xf32, #tpu.memory_space<hbm>> -> memref<1x512xf32, #tpu.memory_space<hbm>>
    %dma_wait3A_1042 = tpu.memref_squeeze %dma_wait3A_1041 : memref<1x512xf32, #tpu.memory_space<hbm>> -> memref<512xf32, #tpu.memory_space<hbm>>
    %dma_wait3A_1043 = arith.constant 0 : i32
    %dma_wait3A_1044 = tpu.memref_slice %arg4[%add3A_298, %dma_wait3A_1043] : memref<1536x512xf32, #tpu.memory_space<hbm>> -> memref<1x512xf32, #tpu.memory_space<hbm>>
    %dma_wait3A_1045 = tpu.memref_squeeze %dma_wait3A_1044 : memref<1x512xf32, #tpu.memory_space<hbm>> -> memref<512xf32, #tpu.memory_space<hbm>>
    %dma_wait3A_1046 = arith.constant 6144 : i32
    %dma_wait3A_1047 = tpu.memref_slice %arg7[%dma_wait3A_1046] : memref<24576xf32, #tpu.memory_space<vmem>> -> memref<512xf32, #tpu.memory_space<vmem>>
    tpu.wait_dma2 semaphore(%arg8 : memref<!tpu.dma_semaphore, #tpu.memory_space<semaphore_mem>>) src(%dma_wait3A_1047 : memref<512xf32, #tpu.memory_space<vmem>>) dst(%dma_wait3A_1045 : memref<512xf32, #tpu.memory_space<hbm>>)
    %dma_wait3A_1048 = arith.constant 6656 : i32
    %dma_wait3A_1049 = tpu.memref_slice %arg7[%dma_wait3A_1048] : memref<24576xf32, #tpu.memory_space<vmem>> -> memref<512xf32, #tpu.memory_space<vmem>>
    %dma_wait3A_1050 = arith.constant 0 : i32
    %dma_wait3A_1051 = tpu.memref_slice %arg4[%add3A_302, %dma_wait3A_1050] : memref<1536x512xf32, #tpu.memory_space<hbm>> -> memref<1x512xf32, #tpu.memory_space<hbm>>
    %dma_wait3A_1052 = tpu.memref_squeeze %dma_wait3A_1051 : memref<1x512xf32, #tpu.memory_space<hbm>> -> memref<512xf32, #tpu.memory_space<hbm>>
    %dma_wait3A_1053 = arith.constant 0 : i32
    %dma_wait3A_1054 = tpu.memref_slice %arg4[%add3A_302, %dma_wait3A_1053] : memref<1536x512xf32, #tpu.memory_space<hbm>> -> memref<1x512xf32, #tpu.memory_space<hbm>>
    %dma_wait3A_1055 = tpu.memref_squeeze %dma_wait3A_1054 : memref<1x512xf32, #tpu.memory_space<hbm>> -> memref<512xf32, #tpu.memory_space<hbm>>
    %dma_wait3A_1056 = arith.constant 6656 : i32
    %dma_wait3A_1057 = tpu.memref_slice %arg7[%dma_wait3A_1056] : memref<24576xf32, #tpu.memory_space<vmem>> -> memref<512xf32, #tpu.memory_space<vmem>>
    tpu.wait_dma2 semaphore(%arg8 : memref<!tpu.dma_semaphore, #tpu.memory_space<semaphore_mem>>) src(%dma_wait3A_1057 : memref<512xf32, #tpu.memory_space<vmem>>) dst(%dma_wait3A_1055 : memref<512xf32, #tpu.memory_space<hbm>>)
    %dma_wait3A_1058 = arith.constant 7168 : i32
    %dma_wait3A_1059 = tpu.memref_slice %arg7[%dma_wait3A_1058] : memref<24576xf32, #tpu.memory_space<vmem>> -> memref<512xf32, #tpu.memory_space<vmem>>
    %dma_wait3A_1060 = arith.constant 0 : i32
    %dma_wait3A_1061 = tpu.memref_slice %arg4[%add3A_306, %dma_wait3A_1060] : memref<1536x512xf32, #tpu.memory_space<hbm>> -> memref<1x512xf32, #tpu.memory_space<hbm>>
    %dma_wait3A_1062 = tpu.memref_squeeze %dma_wait3A_1061 : memref<1x512xf32, #tpu.memory_space<hbm>> -> memref<512xf32, #tpu.memory_space<hbm>>
    %dma_wait3A_1063 = arith.constant 0 : i32
    %dma_wait3A_1064 = tpu.memref_slice %arg4[%add3A_306, %dma_wait3A_1063] : memref<1536x512xf32, #tpu.memory_space<hbm>> -> memref<1x512xf32, #tpu.memory_space<hbm>>
    %dma_wait3A_1065 = tpu.memref_squeeze %dma_wait3A_1064 : memref<1x512xf32, #tpu.memory_space<hbm>> -> memref<512xf32, #tpu.memory_space<hbm>>
    %dma_wait3A_1066 = arith.constant 7168 : i32
    %dma_wait3A_1067 = tpu.memref_slice %arg7[%dma_wait3A_1066] : memref<24576xf32, #tpu.memory_space<vmem>> -> memref<512xf32, #tpu.memory_space<vmem>>
    tpu.wait_dma2 semaphore(%arg8 : memref<!tpu.dma_semaphore, #tpu.memory_space<semaphore_mem>>) src(%dma_wait3A_1067 : memref<512xf32, #tpu.memory_space<vmem>>) dst(%dma_wait3A_1065 : memref<512xf32, #tpu.memory_space<hbm>>)
    %dma_wait3A_1068 = arith.constant 7680 : i32
    %dma_wait3A_1069 = tpu.memref_slice %arg7[%dma_wait3A_1068] : memref<24576xf32, #tpu.memory_space<vmem>> -> memref<512xf32, #tpu.memory_space<vmem>>
    %dma_wait3A_1070 = arith.constant 0 : i32
    %dma_wait3A_1071 = tpu.memref_slice %arg4[%add3A_310, %dma_wait3A_1070] : memref<1536x512xf32, #tpu.memory_space<hbm>> -> memref<1x512xf32, #tpu.memory_space<hbm>>
    %dma_wait3A_1072 = tpu.memref_squeeze %dma_wait3A_1071 : memref<1x512xf32, #tpu.memory_space<hbm>> -> memref<512xf32, #tpu.memory_space<hbm>>
    %dma_wait3A_1073 = arith.constant 0 : i32
    %dma_wait3A_1074 = tpu.memref_slice %arg4[%add3A_310, %dma_wait3A_1073] : memref<1536x512xf32, #tpu.memory_space<hbm>> -> memref<1x512xf32, #tpu.memory_space<hbm>>
    %dma_wait3A_1075 = tpu.memref_squeeze %dma_wait3A_1074 : memref<1x512xf32, #tpu.memory_space<hbm>> -> memref<512xf32, #tpu.memory_space<hbm>>
    %dma_wait3A_1076 = arith.constant 7680 : i32
    %dma_wait3A_1077 = tpu.memref_slice %arg7[%dma_wait3A_1076] : memref<24576xf32, #tpu.memory_space<vmem>> -> memref<512xf32, #tpu.memory_space<vmem>>
    tpu.wait_dma2 semaphore(%arg8 : memref<!tpu.dma_semaphore, #tpu.memory_space<semaphore_mem>>) src(%dma_wait3A_1077 : memref<512xf32, #tpu.memory_space<vmem>>) dst(%dma_wait3A_1075 : memref<512xf32, #tpu.memory_space<hbm>>)
    %dma_wait3A_1078 = arith.constant 8192 : i32
    %dma_wait3A_1079 = tpu.memref_slice %arg7[%dma_wait3A_1078] : memref<24576xf32, #tpu.memory_space<vmem>> -> memref<512xf32, #tpu.memory_space<vmem>>
    %dma_wait3A_1080 = arith.constant 0 : i32
    %dma_wait3A_1081 = tpu.memref_slice %arg4[%add3A_314, %dma_wait3A_1080] : memref<1536x512xf32, #tpu.memory_space<hbm>> -> memref<1x512xf32, #tpu.memory_space<hbm>>
    %dma_wait3A_1082 = tpu.memref_squeeze %dma_wait3A_1081 : memref<1x512xf32, #tpu.memory_space<hbm>> -> memref<512xf32, #tpu.memory_space<hbm>>
    %dma_wait3A_1083 = arith.constant 0 : i32
    %dma_wait3A_1084 = tpu.memref_slice %arg4[%add3A_314, %dma_wait3A_1083] : memref<1536x512xf32, #tpu.memory_space<hbm>> -> memref<1x512xf32, #tpu.memory_space<hbm>>
    %dma_wait3A_1085 = tpu.memref_squeeze %dma_wait3A_1084 : memref<1x512xf32, #tpu.memory_space<hbm>> -> memref<512xf32, #tpu.memory_space<hbm>>
    %dma_wait3A_1086 = arith.constant 8192 : i32
    %dma_wait3A_1087 = tpu.memref_slice %arg7[%dma_wait3A_1086] : memref<24576xf32, #tpu.memory_space<vmem>> -> memref<512xf32, #tpu.memory_space<vmem>>
    tpu.wait_dma2 semaphore(%arg8 : memref<!tpu.dma_semaphore, #tpu.memory_space<semaphore_mem>>) src(%dma_wait3A_1087 : memref<512xf32, #tpu.memory_space<vmem>>) dst(%dma_wait3A_1085 : memref<512xf32, #tpu.memory_space<hbm>>)
    %dma_wait3A_1088 = arith.constant 8704 : i32
    %dma_wait3A_1089 = tpu.memref_slice %arg7[%dma_wait3A_1088] : memref<24576xf32, #tpu.memory_space<vmem>> -> memref<512xf32, #tpu.memory_space<vmem>>
    %dma_wait3A_1090 = arith.constant 0 : i32
    %dma_wait3A_1091 = tpu.memref_slice %arg4[%add3A_318, %dma_wait3A_1090] : memref<1536x512xf32, #tpu.memory_space<hbm>> -> memref<1x512xf32, #tpu.memory_space<hbm>>
    %dma_wait3A_1092 = tpu.memref_squeeze %dma_wait3A_1091 : memref<1x512xf32, #tpu.memory_space<hbm>> -> memref<512xf32, #tpu.memory_space<hbm>>
    %dma_wait3A_1093 = arith.constant 0 : i32
    %dma_wait3A_1094 = tpu.memref_slice %arg4[%add3A_318, %dma_wait3A_1093] : memref<1536x512xf32, #tpu.memory_space<hbm>> -> memref<1x512xf32, #tpu.memory_space<hbm>>
    %dma_wait3A_1095 = tpu.memref_squeeze %dma_wait3A_1094 : memref<1x512xf32, #tpu.memory_space<hbm>> -> memref<512xf32, #tpu.memory_space<hbm>>
    %dma_wait3A_1096 = arith.constant 8704 : i32
    %dma_wait3A_1097 = tpu.memref_slice %arg7[%dma_wait3A_1096] : memref<24576xf32, #tpu.memory_space<vmem>> -> memref<512xf32, #tpu.memory_space<vmem>>
    tpu.wait_dma2 semaphore(%arg8 : memref<!tpu.dma_semaphore, #tpu.memory_space<semaphore_mem>>) src(%dma_wait3A_1097 : memref<512xf32, #tpu.memory_space<vmem>>) dst(%dma_wait3A_1095 : memref<512xf32, #tpu.memory_space<hbm>>)
    %dma_wait3A_1098 = arith.constant 9216 : i32
    %dma_wait3A_1099 = tpu.memref_slice %arg7[%dma_wait3A_1098] : memref<24576xf32, #tpu.memory_space<vmem>> -> memref<512xf32, #tpu.memory_space<vmem>>
    %dma_wait3A_1100 = arith.constant 0 : i32
    %dma_wait3A_1101 = tpu.memref_slice %arg4[%add3A_322, %dma_wait3A_1100] : memref<1536x512xf32, #tpu.memory_space<hbm>> -> memref<1x512xf32, #tpu.memory_space<hbm>>
    %dma_wait3A_1102 = tpu.memref_squeeze %dma_wait3A_1101 : memref<1x512xf32, #tpu.memory_space<hbm>> -> memref<512xf32, #tpu.memory_space<hbm>>
    %dma_wait3A_1103 = arith.constant 0 : i32
    %dma_wait3A_1104 = tpu.memref_slice %arg4[%add3A_322, %dma_wait3A_1103] : memref<1536x512xf32, #tpu.memory_space<hbm>> -> memref<1x512xf32, #tpu.memory_space<hbm>>
    %dma_wait3A_1105 = tpu.memref_squeeze %dma_wait3A_1104 : memref<1x512xf32, #tpu.memory_space<hbm>> -> memref<512xf32, #tpu.memory_space<hbm>>
    %dma_wait3A_1106 = arith.constant 9216 : i32
    %dma_wait3A_1107 = tpu.memref_slice %arg7[%dma_wait3A_1106] : memref<24576xf32, #tpu.memory_space<vmem>> -> memref<512xf32, #tpu.memory_space<vmem>>
    tpu.wait_dma2 semaphore(%arg8 : memref<!tpu.dma_semaphore, #tpu.memory_space<semaphore_mem>>) src(%dma_wait3A_1107 : memref<512xf32, #tpu.memory_space<vmem>>) dst(%dma_wait3A_1105 : memref<512xf32, #tpu.memory_space<hbm>>)
    %dma_wait3A_1108 = arith.constant 9728 : i32
    %dma_wait3A_1109 = tpu.memref_slice %arg7[%dma_wait3A_1108] : memref<24576xf32, #tpu.memory_space<vmem>> -> memref<512xf32, #tpu.memory_space<vmem>>
    %dma_wait3A_1110 = arith.constant 0 : i32
    %dma_wait3A_1111 = tpu.memref_slice %arg4[%add3A_326, %dma_wait3A_1110] : memref<1536x512xf32, #tpu.memory_space<hbm>> -> memref<1x512xf32, #tpu.memory_space<hbm>>
    %dma_wait3A_1112 = tpu.memref_squeeze %dma_wait3A_1111 : memref<1x512xf32, #tpu.memory_space<hbm>> -> memref<512xf32, #tpu.memory_space<hbm>>
    %dma_wait3A_1113 = arith.constant 0 : i32
    %dma_wait3A_1114 = tpu.memref_slice %arg4[%add3A_326, %dma_wait3A_1113] : memref<1536x512xf32, #tpu.memory_space<hbm>> -> memref<1x512xf32, #tpu.memory_space<hbm>>
    %dma_wait3A_1115 = tpu.memref_squeeze %dma_wait3A_1114 : memref<1x512xf32, #tpu.memory_space<hbm>> -> memref<512xf32, #tpu.memory_space<hbm>>
    %dma_wait3A_1116 = arith.constant 9728 : i32
    %dma_wait3A_1117 = tpu.memref_slice %arg7[%dma_wait3A_1116] : memref<24576xf32, #tpu.memory_space<vmem>> -> memref<512xf32, #tpu.memory_space<vmem>>
    tpu.wait_dma2 semaphore(%arg8 : memref<!tpu.dma_semaphore, #tpu.memory_space<semaphore_mem>>) src(%dma_wait3A_1117 : memref<512xf32, #tpu.memory_space<vmem>>) dst(%dma_wait3A_1115 : memref<512xf32, #tpu.memory_space<hbm>>)
    %dma_wait3A_1118 = arith.constant 10240 : i32
    %dma_wait3A_1119 = tpu.memref_slice %arg7[%dma_wait3A_1118] : memref<24576xf32, #tpu.memory_space<vmem>> -> memref<512xf32, #tpu.memory_space<vmem>>
    %dma_wait3A_1120 = arith.constant 0 : i32
    %dma_wait3A_1121 = tpu.memref_slice %arg4[%add3A_330, %dma_wait3A_1120] : memref<1536x512xf32, #tpu.memory_space<hbm>> -> memref<1x512xf32, #tpu.memory_space<hbm>>
    %dma_wait3A_1122 = tpu.memref_squeeze %dma_wait3A_1121 : memref<1x512xf32, #tpu.memory_space<hbm>> -> memref<512xf32, #tpu.memory_space<hbm>>
    %dma_wait3A_1123 = arith.constant 0 : i32
    %dma_wait3A_1124 = tpu.memref_slice %arg4[%add3A_330, %dma_wait3A_1123] : memref<1536x512xf32, #tpu.memory_space<hbm>> -> memref<1x512xf32, #tpu.memory_space<hbm>>
    %dma_wait3A_1125 = tpu.memref_squeeze %dma_wait3A_1124 : memref<1x512xf32, #tpu.memory_space<hbm>> -> memref<512xf32, #tpu.memory_space<hbm>>
    %dma_wait3A_1126 = arith.constant 10240 : i32
    %dma_wait3A_1127 = tpu.memref_slice %arg7[%dma_wait3A_1126] : memref<24576xf32, #tpu.memory_space<vmem>> -> memref<512xf32, #tpu.memory_space<vmem>>
    tpu.wait_dma2 semaphore(%arg8 : memref<!tpu.dma_semaphore, #tpu.memory_space<semaphore_mem>>) src(%dma_wait3A_1127 : memref<512xf32, #tpu.memory_space<vmem>>) dst(%dma_wait3A_1125 : memref<512xf32, #tpu.memory_space<hbm>>)
    %dma_wait3A_1128 = arith.constant 10752 : i32
    %dma_wait3A_1129 = tpu.memref_slice %arg7[%dma_wait3A_1128] : memref<24576xf32, #tpu.memory_space<vmem>> -> memref<512xf32, #tpu.memory_space<vmem>>
    %dma_wait3A_1130 = arith.constant 0 : i32
    %dma_wait3A_1131 = tpu.memref_slice %arg4[%add3A_334, %dma_wait3A_1130] : memref<1536x512xf32, #tpu.memory_space<hbm>> -> memref<1x512xf32, #tpu.memory_space<hbm>>
    %dma_wait3A_1132 = tpu.memref_squeeze %dma_wait3A_1131 : memref<1x512xf32, #tpu.memory_space<hbm>> -> memref<512xf32, #tpu.memory_space<hbm>>
    %dma_wait3A_1133 = arith.constant 0 : i32
    %dma_wait3A_1134 = tpu.memref_slice %arg4[%add3A_334, %dma_wait3A_1133] : memref<1536x512xf32, #tpu.memory_space<hbm>> -> memref<1x512xf32, #tpu.memory_space<hbm>>
    %dma_wait3A_1135 = tpu.memref_squeeze %dma_wait3A_1134 : memref<1x512xf32, #tpu.memory_space<hbm>> -> memref<512xf32, #tpu.memory_space<hbm>>
    %dma_wait3A_1136 = arith.constant 10752 : i32
    %dma_wait3A_1137 = tpu.memref_slice %arg7[%dma_wait3A_1136] : memref<24576xf32, #tpu.memory_space<vmem>> -> memref<512xf32, #tpu.memory_space<vmem>>
    tpu.wait_dma2 semaphore(%arg8 : memref<!tpu.dma_semaphore, #tpu.memory_space<semaphore_mem>>) src(%dma_wait3A_1137 : memref<512xf32, #tpu.memory_space<vmem>>) dst(%dma_wait3A_1135 : memref<512xf32, #tpu.memory_space<hbm>>)
    %dma_wait3A_1138 = arith.constant 11264 : i32
    %dma_wait3A_1139 = tpu.memref_slice %arg7[%dma_wait3A_1138] : memref<24576xf32, #tpu.memory_space<vmem>> -> memref<512xf32, #tpu.memory_space<vmem>>
    %dma_wait3A_1140 = arith.constant 0 : i32
    %dma_wait3A_1141 = tpu.memref_slice %arg4[%add3A_338, %dma_wait3A_1140] : memref<1536x512xf32, #tpu.memory_space<hbm>> -> memref<1x512xf32, #tpu.memory_space<hbm>>
    %dma_wait3A_1142 = tpu.memref_squeeze %dma_wait3A_1141 : memref<1x512xf32, #tpu.memory_space<hbm>> -> memref<512xf32, #tpu.memory_space<hbm>>
    %dma_wait3A_1143 = arith.constant 0 : i32
    %dma_wait3A_1144 = tpu.memref_slice %arg4[%add3A_338, %dma_wait3A_1143] : memref<1536x512xf32, #tpu.memory_space<hbm>> -> memref<1x512xf32, #tpu.memory_space<hbm>>
    %dma_wait3A_1145 = tpu.memref_squeeze %dma_wait3A_1144 : memref<1x512xf32, #tpu.memory_space<hbm>> -> memref<512xf32, #tpu.memory_space<hbm>>
    %dma_wait3A_1146 = arith.constant 11264 : i32
    %dma_wait3A_1147 = tpu.memref_slice %arg7[%dma_wait3A_1146] : memref<24576xf32, #tpu.memory_space<vmem>> -> memref<512xf32, #tpu.memory_space<vmem>>
    tpu.wait_dma2 semaphore(%arg8 : memref<!tpu.dma_semaphore, #tpu.memory_space<semaphore_mem>>) src(%dma_wait3A_1147 : memref<512xf32, #tpu.memory_space<vmem>>) dst(%dma_wait3A_1145 : memref<512xf32, #tpu.memory_space<hbm>>)
    %dma_wait3A_1148 = arith.constant 11776 : i32
    %dma_wait3A_1149 = tpu.memref_slice %arg7[%dma_wait3A_1148] : memref<24576xf32, #tpu.memory_space<vmem>> -> memref<512xf32, #tpu.memory_space<vmem>>
    %dma_wait3A_1150 = arith.constant 0 : i32
    %dma_wait3A_1151 = tpu.memref_slice %arg4[%add3A_342, %dma_wait3A_1150] : memref<1536x512xf32, #tpu.memory_space<hbm>> -> memref<1x512xf32, #tpu.memory_space<hbm>>
    %dma_wait3A_1152 = tpu.memref_squeeze %dma_wait3A_1151 : memref<1x512xf32, #tpu.memory_space<hbm>> -> memref<512xf32, #tpu.memory_space<hbm>>
    %dma_wait3A_1153 = arith.constant 0 : i32
    %dma_wait3A_1154 = tpu.memref_slice %arg4[%add3A_342, %dma_wait3A_1153] : memref<1536x512xf32, #tpu.memory_space<hbm>> -> memref<1x512xf32, #tpu.memory_space<hbm>>
    %dma_wait3A_1155 = tpu.memref_squeeze %dma_wait3A_1154 : memref<1x512xf32, #tpu.memory_space<hbm>> -> memref<512xf32, #tpu.memory_space<hbm>>
    %dma_wait3A_1156 = arith.constant 11776 : i32
    %dma_wait3A_1157 = tpu.memref_slice %arg7[%dma_wait3A_1156] : memref<24576xf32, #tpu.memory_space<vmem>> -> memref<512xf32, #tpu.memory_space<vmem>>
    tpu.wait_dma2 semaphore(%arg8 : memref<!tpu.dma_semaphore, #tpu.memory_space<semaphore_mem>>) src(%dma_wait3A_1157 : memref<512xf32, #tpu.memory_space<vmem>>) dst(%dma_wait3A_1155 : memref<512xf32, #tpu.memory_space<hbm>>)
    %dma_wait3A_1158 = arith.constant 12288 : i32
    %dma_wait3A_1159 = tpu.memref_slice %arg7[%dma_wait3A_1158] : memref<24576xf32, #tpu.memory_space<vmem>> -> memref<512xf32, #tpu.memory_space<vmem>>
    %dma_wait3A_1160 = arith.constant 0 : i32
    %dma_wait3A_1161 = tpu.memref_slice %arg4[%add3A_346, %dma_wait3A_1160] : memref<1536x512xf32, #tpu.memory_space<hbm>> -> memref<1x512xf32, #tpu.memory_space<hbm>>
    %dma_wait3A_1162 = tpu.memref_squeeze %dma_wait3A_1161 : memref<1x512xf32, #tpu.memory_space<hbm>> -> memref<512xf32, #tpu.memory_space<hbm>>
    %dma_wait3A_1163 = arith.constant 0 : i32
    %dma_wait3A_1164 = tpu.memref_slice %arg4[%add3A_346, %dma_wait3A_1163] : memref<1536x512xf32, #tpu.memory_space<hbm>> -> memref<1x512xf32, #tpu.memory_space<hbm>>
    %dma_wait3A_1165 = tpu.memref_squeeze %dma_wait3A_1164 : memref<1x512xf32, #tpu.memory_space<hbm>> -> memref<512xf32, #tpu.memory_space<hbm>>
    %dma_wait3A_1166 = arith.constant 12288 : i32
    %dma_wait3A_1167 = tpu.memref_slice %arg7[%dma_wait3A_1166] : memref<24576xf32, #tpu.memory_space<vmem>> -> memref<512xf32, #tpu.memory_space<vmem>>
    tpu.wait_dma2 semaphore(%arg8 : memref<!tpu.dma_semaphore, #tpu.memory_space<semaphore_mem>>) src(%dma_wait3A_1167 : memref<512xf32, #tpu.memory_space<vmem>>) dst(%dma_wait3A_1165 : memref<512xf32, #tpu.memory_space<hbm>>)
    %dma_wait3A_1168 = arith.constant 12800 : i32
    %dma_wait3A_1169 = tpu.memref_slice %arg7[%dma_wait3A_1168] : memref<24576xf32, #tpu.memory_space<vmem>> -> memref<512xf32, #tpu.memory_space<vmem>>
    %dma_wait3A_1170 = arith.constant 0 : i32
    %dma_wait3A_1171 = tpu.memref_slice %arg4[%add3A_350, %dma_wait3A_1170] : memref<1536x512xf32, #tpu.memory_space<hbm>> -> memref<1x512xf32, #tpu.memory_space<hbm>>
    %dma_wait3A_1172 = tpu.memref_squeeze %dma_wait3A_1171 : memref<1x512xf32, #tpu.memory_space<hbm>> -> memref<512xf32, #tpu.memory_space<hbm>>
    %dma_wait3A_1173 = arith.constant 0 : i32
    %dma_wait3A_1174 = tpu.memref_slice %arg4[%add3A_350, %dma_wait3A_1173] : memref<1536x512xf32, #tpu.memory_space<hbm>> -> memref<1x512xf32, #tpu.memory_space<hbm>>
    %dma_wait3A_1175 = tpu.memref_squeeze %dma_wait3A_1174 : memref<1x512xf32, #tpu.memory_space<hbm>> -> memref<512xf32, #tpu.memory_space<hbm>>
    %dma_wait3A_1176 = arith.constant 12800 : i32
    %dma_wait3A_1177 = tpu.memref_slice %arg7[%dma_wait3A_1176] : memref<24576xf32, #tpu.memory_space<vmem>> -> memref<512xf32, #tpu.memory_space<vmem>>
    tpu.wait_dma2 semaphore(%arg8 : memref<!tpu.dma_semaphore, #tpu.memory_space<semaphore_mem>>) src(%dma_wait3A_1177 : memref<512xf32, #tpu.memory_space<vmem>>) dst(%dma_wait3A_1175 : memref<512xf32, #tpu.memory_space<hbm>>)
    %dma_wait3A_1178 = arith.constant 13312 : i32
    %dma_wait3A_1179 = tpu.memref_slice %arg7[%dma_wait3A_1178] : memref<24576xf32, #tpu.memory_space<vmem>> -> memref<512xf32, #tpu.memory_space<vmem>>
    %dma_wait3A_1180 = arith.constant 0 : i32
    %dma_wait3A_1181 = tpu.memref_slice %arg4[%add3A_354, %dma_wait3A_1180] : memref<1536x512xf32, #tpu.memory_space<hbm>> -> memref<1x512xf32, #tpu.memory_space<hbm>>
    %dma_wait3A_1182 = tpu.memref_squeeze %dma_wait3A_1181 : memref<1x512xf32, #tpu.memory_space<hbm>> -> memref<512xf32, #tpu.memory_space<hbm>>
    %dma_wait3A_1183 = arith.constant 0 : i32
    %dma_wait3A_1184 = tpu.memref_slice %arg4[%add3A_354, %dma_wait3A_1183] : memref<1536x512xf32, #tpu.memory_space<hbm>> -> memref<1x512xf32, #tpu.memory_space<hbm>>
    %dma_wait3A_1185 = tpu.memref_squeeze %dma_wait3A_1184 : memref<1x512xf32, #tpu.memory_space<hbm>> -> memref<512xf32, #tpu.memory_space<hbm>>
    %dma_wait3A_1186 = arith.constant 13312 : i32
    %dma_wait3A_1187 = tpu.memref_slice %arg7[%dma_wait3A_1186] : memref<24576xf32, #tpu.memory_space<vmem>> -> memref<512xf32, #tpu.memory_space<vmem>>
    tpu.wait_dma2 semaphore(%arg8 : memref<!tpu.dma_semaphore, #tpu.memory_space<semaphore_mem>>) src(%dma_wait3A_1187 : memref<512xf32, #tpu.memory_space<vmem>>) dst(%dma_wait3A_1185 : memref<512xf32, #tpu.memory_space<hbm>>)
    %dma_wait3A_1188 = arith.constant 13824 : i32
    %dma_wait3A_1189 = tpu.memref_slice %arg7[%dma_wait3A_1188] : memref<24576xf32, #tpu.memory_space<vmem>> -> memref<512xf32, #tpu.memory_space<vmem>>
    %dma_wait3A_1190 = arith.constant 0 : i32
    %dma_wait3A_1191 = tpu.memref_slice %arg4[%add3A_358, %dma_wait3A_1190] : memref<1536x512xf32, #tpu.memory_space<hbm>> -> memref<1x512xf32, #tpu.memory_space<hbm>>
    %dma_wait3A_1192 = tpu.memref_squeeze %dma_wait3A_1191 : memref<1x512xf32, #tpu.memory_space<hbm>> -> memref<512xf32, #tpu.memory_space<hbm>>
    %dma_wait3A_1193 = arith.constant 0 : i32
    %dma_wait3A_1194 = tpu.memref_slice %arg4[%add3A_358, %dma_wait3A_1193] : memref<1536x512xf32, #tpu.memory_space<hbm>> -> memref<1x512xf32, #tpu.memory_space<hbm>>
    %dma_wait3A_1195 = tpu.memref_squeeze %dma_wait3A_1194 : memref<1x512xf32, #tpu.memory_space<hbm>> -> memref<512xf32, #tpu.memory_space<hbm>>
    %dma_wait3A_1196 = arith.constant 13824 : i32
    %dma_wait3A_1197 = tpu.memref_slice %arg7[%dma_wait3A_1196] : memref<24576xf32, #tpu.memory_space<vmem>> -> memref<512xf32, #tpu.memory_space<vmem>>
    tpu.wait_dma2 semaphore(%arg8 : memref<!tpu.dma_semaphore, #tpu.memory_space<semaphore_mem>>) src(%dma_wait3A_1197 : memref<512xf32, #tpu.memory_space<vmem>>) dst(%dma_wait3A_1195 : memref<512xf32, #tpu.memory_space<hbm>>)
    %dma_wait3A_1198 = arith.constant 14336 : i32
    %dma_wait3A_1199 = tpu.memref_slice %arg7[%dma_wait3A_1198] : memref<24576xf32, #tpu.memory_space<vmem>> -> memref<512xf32, #tpu.memory_space<vmem>>
    %dma_wait3A_1200 = arith.constant 0 : i32
    %dma_wait3A_1201 = tpu.memref_slice %arg4[%add3A_362, %dma_wait3A_1200] : memref<1536x512xf32, #tpu.memory_space<hbm>> -> memref<1x512xf32, #tpu.memory_space<hbm>>
    %dma_wait3A_1202 = tpu.memref_squeeze %dma_wait3A_1201 : memref<1x512xf32, #tpu.memory_space<hbm>> -> memref<512xf32, #tpu.memory_space<hbm>>
    %dma_wait3A_1203 = arith.constant 0 : i32
    %dma_wait3A_1204 = tpu.memref_slice %arg4[%add3A_362, %dma_wait3A_1203] : memref<1536x512xf32, #tpu.memory_space<hbm>> -> memref<1x512xf32, #tpu.memory_space<hbm>>
    %dma_wait3A_1205 = tpu.memref_squeeze %dma_wait3A_1204 : memref<1x512xf32, #tpu.memory_space<hbm>> -> memref<512xf32, #tpu.memory_space<hbm>>
    %dma_wait3A_1206 = arith.constant 14336 : i32
    %dma_wait3A_1207 = tpu.memref_slice %arg7[%dma_wait3A_1206] : memref<24576xf32, #tpu.memory_space<vmem>> -> memref<512xf32, #tpu.memory_space<vmem>>
    tpu.wait_dma2 semaphore(%arg8 : memref<!tpu.dma_semaphore, #tpu.memory_space<semaphore_mem>>) src(%dma_wait3A_1207 : memref<512xf32, #tpu.memory_space<vmem>>) dst(%dma_wait3A_1205 : memref<512xf32, #tpu.memory_space<hbm>>)
    %dma_wait3A_1208 = arith.constant 14848 : i32
    %dma_wait3A_1209 = tpu.memref_slice %arg7[%dma_wait3A_1208] : memref<24576xf32, #tpu.memory_space<vmem>> -> memref<512xf32, #tpu.memory_space<vmem>>
    %dma_wait3A_1210 = arith.constant 0 : i32
    %dma_wait3A_1211 = tpu.memref_slice %arg4[%add3A_366, %dma_wait3A_1210] : memref<1536x512xf32, #tpu.memory_space<hbm>> -> memref<1x512xf32, #tpu.memory_space<hbm>>
    %dma_wait3A_1212 = tpu.memref_squeeze %dma_wait3A_1211 : memref<1x512xf32, #tpu.memory_space<hbm>> -> memref<512xf32, #tpu.memory_space<hbm>>
    %dma_wait3A_1213 = arith.constant 0 : i32
    %dma_wait3A_1214 = tpu.memref_slice %arg4[%add3A_366, %dma_wait3A_1213] : memref<1536x512xf32, #tpu.memory_space<hbm>> -> memref<1x512xf32, #tpu.memory_space<hbm>>
    %dma_wait3A_1215 = tpu.memref_squeeze %dma_wait3A_1214 : memref<1x512xf32, #tpu.memory_space<hbm>> -> memref<512xf32, #tpu.memory_space<hbm>>
    %dma_wait3A_1216 = arith.constant 14848 : i32
    %dma_wait3A_1217 = tpu.memref_slice %arg7[%dma_wait3A_1216] : memref<24576xf32, #tpu.memory_space<vmem>> -> memref<512xf32, #tpu.memory_space<vmem>>
    tpu.wait_dma2 semaphore(%arg8 : memref<!tpu.dma_semaphore, #tpu.memory_space<semaphore_mem>>) src(%dma_wait3A_1217 : memref<512xf32, #tpu.memory_space<vmem>>) dst(%dma_wait3A_1215 : memref<512xf32, #tpu.memory_space<hbm>>)
    %dma_wait3A_1218 = arith.constant 15360 : i32
    %dma_wait3A_1219 = tpu.memref_slice %arg7[%dma_wait3A_1218] : memref<24576xf32, #tpu.memory_space<vmem>> -> memref<512xf32, #tpu.memory_space<vmem>>
    %dma_wait3A_1220 = arith.constant 0 : i32
    %dma_wait3A_1221 = tpu.memref_slice %arg4[%add3A_370, %dma_wait3A_1220] : memref<1536x512xf32, #tpu.memory_space<hbm>> -> memref<1x512xf32, #tpu.memory_space<hbm>>
    %dma_wait3A_1222 = tpu.memref_squeeze %dma_wait3A_1221 : memref<1x512xf32, #tpu.memory_space<hbm>> -> memref<512xf32, #tpu.memory_space<hbm>>
    %dma_wait3A_1223 = arith.constant 0 : i32
    %dma_wait3A_1224 = tpu.memref_slice %arg4[%add3A_370, %dma_wait3A_1223] : memref<1536x512xf32, #tpu.memory_space<hbm>> -> memref<1x512xf32, #tpu.memory_space<hbm>>
    %dma_wait3A_1225 = tpu.memref_squeeze %dma_wait3A_1224 : memref<1x512xf32, #tpu.memory_space<hbm>> -> memref<512xf32, #tpu.memory_space<hbm>>
    %dma_wait3A_1226 = arith.constant 15360 : i32
    %dma_wait3A_1227 = tpu.memref_slice %arg7[%dma_wait3A_1226] : memref<24576xf32, #tpu.memory_space<vmem>> -> memref<512xf32, #tpu.memory_space<vmem>>
    tpu.wait_dma2 semaphore(%arg8 : memref<!tpu.dma_semaphore, #tpu.memory_space<semaphore_mem>>) src(%dma_wait3A_1227 : memref<512xf32, #tpu.memory_space<vmem>>) dst(%dma_wait3A_1225 : memref<512xf32, #tpu.memory_space<hbm>>)
    %dma_wait3A_1228 = arith.constant 15872 : i32
    %dma_wait3A_1229 = tpu.memref_slice %arg7[%dma_wait3A_1228] : memref<24576xf32, #tpu.memory_space<vmem>> -> memref<512xf32, #tpu.memory_space<vmem>>
    %dma_wait3A_1230 = arith.constant 0 : i32
    %dma_wait3A_1231 = tpu.memref_slice %arg4[%add3A_374, %dma_wait3A_1230] : memref<1536x512xf32, #tpu.memory_space<hbm>> -> memref<1x512xf32, #tpu.memory_space<hbm>>
    %dma_wait3A_1232 = tpu.memref_squeeze %dma_wait3A_1231 : memref<1x512xf32, #tpu.memory_space<hbm>> -> memref<512xf32, #tpu.memory_space<hbm>>
    %dma_wait3A_1233 = arith.constant 0 : i32
    %dma_wait3A_1234 = tpu.memref_slice %arg4[%add3A_374, %dma_wait3A_1233] : memref<1536x512xf32, #tpu.memory_space<hbm>> -> memref<1x512xf32, #tpu.memory_space<hbm>>
    %dma_wait3A_1235 = tpu.memref_squeeze %dma_wait3A_1234 : memref<1x512xf32, #tpu.memory_space<hbm>> -> memref<512xf32, #tpu.memory_space<hbm>>
    %dma_wait3A_1236 = arith.constant 15872 : i32
    %dma_wait3A_1237 = tpu.memref_slice %arg7[%dma_wait3A_1236] : memref<24576xf32, #tpu.memory_space<vmem>> -> memref<512xf32, #tpu.memory_space<vmem>>
    tpu.wait_dma2 semaphore(%arg8 : memref<!tpu.dma_semaphore, #tpu.memory_space<semaphore_mem>>) src(%dma_wait3A_1237 : memref<512xf32, #tpu.memory_space<vmem>>) dst(%dma_wait3A_1235 : memref<512xf32, #tpu.memory_space<hbm>>)
    %dma_wait3A_1238 = arith.constant 16384 : i32
    %dma_wait3A_1239 = tpu.memref_slice %arg7[%dma_wait3A_1238] : memref<24576xf32, #tpu.memory_space<vmem>> -> memref<512xf32, #tpu.memory_space<vmem>>
    %dma_wait3A_1240 = arith.constant 0 : i32
    %dma_wait3A_1241 = tpu.memref_slice %arg4[%add3A_378, %dma_wait3A_1240] : memref<1536x512xf32, #tpu.memory_space<hbm>> -> memref<1x512xf32, #tpu.memory_space<hbm>>
    %dma_wait3A_1242 = tpu.memref_squeeze %dma_wait3A_1241 : memref<1x512xf32, #tpu.memory_space<hbm>> -> memref<512xf32, #tpu.memory_space<hbm>>
    %dma_wait3A_1243 = arith.constant 0 : i32
    %dma_wait3A_1244 = tpu.memref_slice %arg4[%add3A_378, %dma_wait3A_1243] : memref<1536x512xf32, #tpu.memory_space<hbm>> -> memref<1x512xf32, #tpu.memory_space<hbm>>
    %dma_wait3A_1245 = tpu.memref_squeeze %dma_wait3A_1244 : memref<1x512xf32, #tpu.memory_space<hbm>> -> memref<512xf32, #tpu.memory_space<hbm>>
    %dma_wait3A_1246 = arith.constant 16384 : i32
    %dma_wait3A_1247 = tpu.memref_slice %arg7[%dma_wait3A_1246] : memref<24576xf32, #tpu.memory_space<vmem>> -> memref<512xf32, #tpu.memory_space<vmem>>
    tpu.wait_dma2 semaphore(%arg8 : memref<!tpu.dma_semaphore, #tpu.memory_space<semaphore_mem>>) src(%dma_wait3A_1247 : memref<512xf32, #tpu.memory_space<vmem>>) dst(%dma_wait3A_1245 : memref<512xf32, #tpu.memory_space<hbm>>)
    %dma_wait3A_1248 = arith.constant 16896 : i32
    %dma_wait3A_1249 = tpu.memref_slice %arg7[%dma_wait3A_1248] : memref<24576xf32, #tpu.memory_space<vmem>> -> memref<512xf32, #tpu.memory_space<vmem>>
    %dma_wait3A_1250 = arith.constant 0 : i32
    %dma_wait3A_1251 = tpu.memref_slice %arg4[%add3A_382, %dma_wait3A_1250] : memref<1536x512xf32, #tpu.memory_space<hbm>> -> memref<1x512xf32, #tpu.memory_space<hbm>>
    %dma_wait3A_1252 = tpu.memref_squeeze %dma_wait3A_1251 : memref<1x512xf32, #tpu.memory_space<hbm>> -> memref<512xf32, #tpu.memory_space<hbm>>
    %dma_wait3A_1253 = arith.constant 0 : i32
    %dma_wait3A_1254 = tpu.memref_slice %arg4[%add3A_382, %dma_wait3A_1253] : memref<1536x512xf32, #tpu.memory_space<hbm>> -> memref<1x512xf32, #tpu.memory_space<hbm>>
    %dma_wait3A_1255 = tpu.memref_squeeze %dma_wait3A_1254 : memref<1x512xf32, #tpu.memory_space<hbm>> -> memref<512xf32, #tpu.memory_space<hbm>>
    %dma_wait3A_1256 = arith.constant 16896 : i32
    %dma_wait3A_1257 = tpu.memref_slice %arg7[%dma_wait3A_1256] : memref<24576xf32, #tpu.memory_space<vmem>> -> memref<512xf32, #tpu.memory_space<vmem>>
    tpu.wait_dma2 semaphore(%arg8 : memref<!tpu.dma_semaphore, #tpu.memory_space<semaphore_mem>>) src(%dma_wait3A_1257 : memref<512xf32, #tpu.memory_space<vmem>>) dst(%dma_wait3A_1255 : memref<512xf32, #tpu.memory_space<hbm>>)
    %dma_wait3A_1258 = arith.constant 17408 : i32
    %dma_wait3A_1259 = tpu.memref_slice %arg7[%dma_wait3A_1258] : memref<24576xf32, #tpu.memory_space<vmem>> -> memref<512xf32, #tpu.memory_space<vmem>>
    %dma_wait3A_1260 = arith.constant 0 : i32
    %dma_wait3A_1261 = tpu.memref_slice %arg4[%add3A_386, %dma_wait3A_1260] : memref<1536x512xf32, #tpu.memory_space<hbm>> -> memref<1x512xf32, #tpu.memory_space<hbm>>
    %dma_wait3A_1262 = tpu.memref_squeeze %dma_wait3A_1261 : memref<1x512xf32, #tpu.memory_space<hbm>> -> memref<512xf32, #tpu.memory_space<hbm>>
    %dma_wait3A_1263 = arith.constant 0 : i32
    %dma_wait3A_1264 = tpu.memref_slice %arg4[%add3A_386, %dma_wait3A_1263] : memref<1536x512xf32, #tpu.memory_space<hbm>> -> memref<1x512xf32, #tpu.memory_space<hbm>>
    %dma_wait3A_1265 = tpu.memref_squeeze %dma_wait3A_1264 : memref<1x512xf32, #tpu.memory_space<hbm>> -> memref<512xf32, #tpu.memory_space<hbm>>
    %dma_wait3A_1266 = arith.constant 17408 : i32
    %dma_wait3A_1267 = tpu.memref_slice %arg7[%dma_wait3A_1266] : memref<24576xf32, #tpu.memory_space<vmem>> -> memref<512xf32, #tpu.memory_space<vmem>>
    tpu.wait_dma2 semaphore(%arg8 : memref<!tpu.dma_semaphore, #tpu.memory_space<semaphore_mem>>) src(%dma_wait3A_1267 : memref<512xf32, #tpu.memory_space<vmem>>) dst(%dma_wait3A_1265 : memref<512xf32, #tpu.memory_space<hbm>>)
    %dma_wait3A_1268 = arith.constant 17920 : i32
    %dma_wait3A_1269 = tpu.memref_slice %arg7[%dma_wait3A_1268] : memref<24576xf32, #tpu.memory_space<vmem>> -> memref<512xf32, #tpu.memory_space<vmem>>
    %dma_wait3A_1270 = arith.constant 0 : i32
    %dma_wait3A_1271 = tpu.memref_slice %arg4[%add3A_390, %dma_wait3A_1270] : memref<1536x512xf32, #tpu.memory_space<hbm>> -> memref<1x512xf32, #tpu.memory_space<hbm>>
    %dma_wait3A_1272 = tpu.memref_squeeze %dma_wait3A_1271 : memref<1x512xf32, #tpu.memory_space<hbm>> -> memref<512xf32, #tpu.memory_space<hbm>>
    %dma_wait3A_1273 = arith.constant 0 : i32
    %dma_wait3A_1274 = tpu.memref_slice %arg4[%add3A_390, %dma_wait3A_1273] : memref<1536x512xf32, #tpu.memory_space<hbm>> -> memref<1x512xf32, #tpu.memory_space<hbm>>
    %dma_wait3A_1275 = tpu.memref_squeeze %dma_wait3A_1274 : memref<1x512xf32, #tpu.memory_space<hbm>> -> memref<512xf32, #tpu.memory_space<hbm>>
    %dma_wait3A_1276 = arith.constant 17920 : i32
    %dma_wait3A_1277 = tpu.memref_slice %arg7[%dma_wait3A_1276] : memref<24576xf32, #tpu.memory_space<vmem>> -> memref<512xf32, #tpu.memory_space<vmem>>
    tpu.wait_dma2 semaphore(%arg8 : memref<!tpu.dma_semaphore, #tpu.memory_space<semaphore_mem>>) src(%dma_wait3A_1277 : memref<512xf32, #tpu.memory_space<vmem>>) dst(%dma_wait3A_1275 : memref<512xf32, #tpu.memory_space<hbm>>)
    %dma_wait3A_1278 = arith.constant 18432 : i32
    %dma_wait3A_1279 = tpu.memref_slice %arg7[%dma_wait3A_1278] : memref<24576xf32, #tpu.memory_space<vmem>> -> memref<512xf32, #tpu.memory_space<vmem>>
    %dma_wait3A_1280 = arith.constant 0 : i32
    %dma_wait3A_1281 = tpu.memref_slice %arg4[%add3A_394, %dma_wait3A_1280] : memref<1536x512xf32, #tpu.memory_space<hbm>> -> memref<1x512xf32, #tpu.memory_space<hbm>>
    %dma_wait3A_1282 = tpu.memref_squeeze %dma_wait3A_1281 : memref<1x512xf32, #tpu.memory_space<hbm>> -> memref<512xf32, #tpu.memory_space<hbm>>
    %dma_wait3A_1283 = arith.constant 0 : i32
    %dma_wait3A_1284 = tpu.memref_slice %arg4[%add3A_394, %dma_wait3A_1283] : memref<1536x512xf32, #tpu.memory_space<hbm>> -> memref<1x512xf32, #tpu.memory_space<hbm>>
    %dma_wait3A_1285 = tpu.memref_squeeze %dma_wait3A_1284 : memref<1x512xf32, #tpu.memory_space<hbm>> -> memref<512xf32, #tpu.memory_space<hbm>>
    %dma_wait3A_1286 = arith.constant 18432 : i32
    %dma_wait3A_1287 = tpu.memref_slice %arg7[%dma_wait3A_1286] : memref<24576xf32, #tpu.memory_space<vmem>> -> memref<512xf32, #tpu.memory_space<vmem>>
    tpu.wait_dma2 semaphore(%arg8 : memref<!tpu.dma_semaphore, #tpu.memory_space<semaphore_mem>>) src(%dma_wait3A_1287 : memref<512xf32, #tpu.memory_space<vmem>>) dst(%dma_wait3A_1285 : memref<512xf32, #tpu.memory_space<hbm>>)
    %dma_wait3A_1288 = arith.constant 18944 : i32
    %dma_wait3A_1289 = tpu.memref_slice %arg7[%dma_wait3A_1288] : memref<24576xf32, #tpu.memory_space<vmem>> -> memref<512xf32, #tpu.memory_space<vmem>>
    %dma_wait3A_1290 = arith.constant 0 : i32
    %dma_wait3A_1291 = tpu.memref_slice %arg4[%add3A_398, %dma_wait3A_1290] : memref<1536x512xf32, #tpu.memory_space<hbm>> -> memref<1x512xf32, #tpu.memory_space<hbm>>
    %dma_wait3A_1292 = tpu.memref_squeeze %dma_wait3A_1291 : memref<1x512xf32, #tpu.memory_space<hbm>> -> memref<512xf32, #tpu.memory_space<hbm>>
    %dma_wait3A_1293 = arith.constant 0 : i32
    %dma_wait3A_1294 = tpu.memref_slice %arg4[%add3A_398, %dma_wait3A_1293] : memref<1536x512xf32, #tpu.memory_space<hbm>> -> memref<1x512xf32, #tpu.memory_space<hbm>>
    %dma_wait3A_1295 = tpu.memref_squeeze %dma_wait3A_1294 : memref<1x512xf32, #tpu.memory_space<hbm>> -> memref<512xf32, #tpu.memory_space<hbm>>
    %dma_wait3A_1296 = arith.constant 18944 : i32
    %dma_wait3A_1297 = tpu.memref_slice %arg7[%dma_wait3A_1296] : memref<24576xf32, #tpu.memory_space<vmem>> -> memref<512xf32, #tpu.memory_space<vmem>>
    tpu.wait_dma2 semaphore(%arg8 : memref<!tpu.dma_semaphore, #tpu.memory_space<semaphore_mem>>) src(%dma_wait3A_1297 : memref<512xf32, #tpu.memory_space<vmem>>) dst(%dma_wait3A_1295 : memref<512xf32, #tpu.memory_space<hbm>>)
    %dma_wait3A_1298 = arith.constant 19456 : i32
    %dma_wait3A_1299 = tpu.memref_slice %arg7[%dma_wait3A_1298] : memref<24576xf32, #tpu.memory_space<vmem>> -> memref<512xf32, #tpu.memory_space<vmem>>
    %dma_wait3A_1300 = arith.constant 0 : i32
    %dma_wait3A_1301 = tpu.memref_slice %arg4[%add3A_402, %dma_wait3A_1300] : memref<1536x512xf32, #tpu.memory_space<hbm>> -> memref<1x512xf32, #tpu.memory_space<hbm>>
    %dma_wait3A_1302 = tpu.memref_squeeze %dma_wait3A_1301 : memref<1x512xf32, #tpu.memory_space<hbm>> -> memref<512xf32, #tpu.memory_space<hbm>>
    %dma_wait3A_1303 = arith.constant 0 : i32
    %dma_wait3A_1304 = tpu.memref_slice %arg4[%add3A_402, %dma_wait3A_1303] : memref<1536x512xf32, #tpu.memory_space<hbm>> -> memref<1x512xf32, #tpu.memory_space<hbm>>
    %dma_wait3A_1305 = tpu.memref_squeeze %dma_wait3A_1304 : memref<1x512xf32, #tpu.memory_space<hbm>> -> memref<512xf32, #tpu.memory_space<hbm>>
    %dma_wait3A_1306 = arith.constant 19456 : i32
    %dma_wait3A_1307 = tpu.memref_slice %arg7[%dma_wait3A_1306] : memref<24576xf32, #tpu.memory_space<vmem>> -> memref<512xf32, #tpu.memory_space<vmem>>
    tpu.wait_dma2 semaphore(%arg8 : memref<!tpu.dma_semaphore, #tpu.memory_space<semaphore_mem>>) src(%dma_wait3A_1307 : memref<512xf32, #tpu.memory_space<vmem>>) dst(%dma_wait3A_1305 : memref<512xf32, #tpu.memory_space<hbm>>)
    %dma_wait3A_1308 = arith.constant 19968 : i32
    %dma_wait3A_1309 = tpu.memref_slice %arg7[%dma_wait3A_1308] : memref<24576xf32, #tpu.memory_space<vmem>> -> memref<512xf32, #tpu.memory_space<vmem>>
    %dma_wait3A_1310 = arith.constant 0 : i32
    %dma_wait3A_1311 = tpu.memref_slice %arg4[%add3A_406, %dma_wait3A_1310] : memref<1536x512xf32, #tpu.memory_space<hbm>> -> memref<1x512xf32, #tpu.memory_space<hbm>>
    %dma_wait3A_1312 = tpu.memref_squeeze %dma_wait3A_1311 : memref<1x512xf32, #tpu.memory_space<hbm>> -> memref<512xf32, #tpu.memory_space<hbm>>
    %dma_wait3A_1313 = arith.constant 0 : i32
    %dma_wait3A_1314 = tpu.memref_slice %arg4[%add3A_406, %dma_wait3A_1313] : memref<1536x512xf32, #tpu.memory_space<hbm>> -> memref<1x512xf32, #tpu.memory_space<hbm>>
    %dma_wait3A_1315 = tpu.memref_squeeze %dma_wait3A_1314 : memref<1x512xf32, #tpu.memory_space<hbm>> -> memref<512xf32, #tpu.memory_space<hbm>>
    %dma_wait3A_1316 = arith.constant 19968 : i32
    %dma_wait3A_1317 = tpu.memref_slice %arg7[%dma_wait3A_1316] : memref<24576xf32, #tpu.memory_space<vmem>> -> memref<512xf32, #tpu.memory_space<vmem>>
    tpu.wait_dma2 semaphore(%arg8 : memref<!tpu.dma_semaphore, #tpu.memory_space<semaphore_mem>>) src(%dma_wait3A_1317 : memref<512xf32, #tpu.memory_space<vmem>>) dst(%dma_wait3A_1315 : memref<512xf32, #tpu.memory_space<hbm>>)
    %dma_wait3A_1318 = arith.constant 20480 : i32
    %dma_wait3A_1319 = tpu.memref_slice %arg7[%dma_wait3A_1318] : memref<24576xf32, #tpu.memory_space<vmem>> -> memref<512xf32, #tpu.memory_space<vmem>>
    %dma_wait3A_1320 = arith.constant 0 : i32
    %dma_wait3A_1321 = tpu.memref_slice %arg4[%add3A_410, %dma_wait3A_1320] : memref<1536x512xf32, #tpu.memory_space<hbm>> -> memref<1x512xf32, #tpu.memory_space<hbm>>
    %dma_wait3A_1322 = tpu.memref_squeeze %dma_wait3A_1321 : memref<1x512xf32, #tpu.memory_space<hbm>> -> memref<512xf32, #tpu.memory_space<hbm>>
    %dma_wait3A_1323 = arith.constant 0 : i32
    %dma_wait3A_1324 = tpu.memref_slice %arg4[%add3A_410, %dma_wait3A_1323] : memref<1536x512xf32, #tpu.memory_space<hbm>> -> memref<1x512xf32, #tpu.memory_space<hbm>>
    %dma_wait3A_1325 = tpu.memref_squeeze %dma_wait3A_1324 : memref<1x512xf32, #tpu.memory_space<hbm>> -> memref<512xf32, #tpu.memory_space<hbm>>
    %dma_wait3A_1326 = arith.constant 20480 : i32
    %dma_wait3A_1327 = tpu.memref_slice %arg7[%dma_wait3A_1326] : memref<24576xf32, #tpu.memory_space<vmem>> -> memref<512xf32, #tpu.memory_space<vmem>>
    tpu.wait_dma2 semaphore(%arg8 : memref<!tpu.dma_semaphore, #tpu.memory_space<semaphore_mem>>) src(%dma_wait3A_1327 : memref<512xf32, #tpu.memory_space<vmem>>) dst(%dma_wait3A_1325 : memref<512xf32, #tpu.memory_space<hbm>>)
    %dma_wait3A_1328 = arith.constant 20992 : i32
    %dma_wait3A_1329 = tpu.memref_slice %arg7[%dma_wait3A_1328] : memref<24576xf32, #tpu.memory_space<vmem>> -> memref<512xf32, #tpu.memory_space<vmem>>
    %dma_wait3A_1330 = arith.constant 0 : i32
    %dma_wait3A_1331 = tpu.memref_slice %arg4[%add3A_414, %dma_wait3A_1330] : memref<1536x512xf32, #tpu.memory_space<hbm>> -> memref<1x512xf32, #tpu.memory_space<hbm>>
    %dma_wait3A_1332 = tpu.memref_squeeze %dma_wait3A_1331 : memref<1x512xf32, #tpu.memory_space<hbm>> -> memref<512xf32, #tpu.memory_space<hbm>>
    %dma_wait3A_1333 = arith.constant 0 : i32
    %dma_wait3A_1334 = tpu.memref_slice %arg4[%add3A_414, %dma_wait3A_1333] : memref<1536x512xf32, #tpu.memory_space<hbm>> -> memref<1x512xf32, #tpu.memory_space<hbm>>
    %dma_wait3A_1335 = tpu.memref_squeeze %dma_wait3A_1334 : memref<1x512xf32, #tpu.memory_space<hbm>> -> memref<512xf32, #tpu.memory_space<hbm>>
    %dma_wait3A_1336 = arith.constant 20992 : i32
    %dma_wait3A_1337 = tpu.memref_slice %arg7[%dma_wait3A_1336] : memref<24576xf32, #tpu.memory_space<vmem>> -> memref<512xf32, #tpu.memory_space<vmem>>
    tpu.wait_dma2 semaphore(%arg8 : memref<!tpu.dma_semaphore, #tpu.memory_space<semaphore_mem>>) src(%dma_wait3A_1337 : memref<512xf32, #tpu.memory_space<vmem>>) dst(%dma_wait3A_1335 : memref<512xf32, #tpu.memory_space<hbm>>)
    %dma_wait3A_1338 = arith.constant 21504 : i32
    %dma_wait3A_1339 = tpu.memref_slice %arg7[%dma_wait3A_1338] : memref<24576xf32, #tpu.memory_space<vmem>> -> memref<512xf32, #tpu.memory_space<vmem>>
    %dma_wait3A_1340 = arith.constant 0 : i32
    %dma_wait3A_1341 = tpu.memref_slice %arg4[%add3A_418, %dma_wait3A_1340] : memref<1536x512xf32, #tpu.memory_space<hbm>> -> memref<1x512xf32, #tpu.memory_space<hbm>>
    %dma_wait3A_1342 = tpu.memref_squeeze %dma_wait3A_1341 : memref<1x512xf32, #tpu.memory_space<hbm>> -> memref<512xf32, #tpu.memory_space<hbm>>
    %dma_wait3A_1343 = arith.constant 0 : i32
    %dma_wait3A_1344 = tpu.memref_slice %arg4[%add3A_418, %dma_wait3A_1343] : memref<1536x512xf32, #tpu.memory_space<hbm>> -> memref<1x512xf32, #tpu.memory_space<hbm>>
    %dma_wait3A_1345 = tpu.memref_squeeze %dma_wait3A_1344 : memref<1x512xf32, #tpu.memory_space<hbm>> -> memref<512xf32, #tpu.memory_space<hbm>>
    %dma_wait3A_1346 = arith.constant 21504 : i32
    %dma_wait3A_1347 = tpu.memref_slice %arg7[%dma_wait3A_1346] : memref<24576xf32, #tpu.memory_space<vmem>> -> memref<512xf32, #tpu.memory_space<vmem>>
    tpu.wait_dma2 semaphore(%arg8 : memref<!tpu.dma_semaphore, #tpu.memory_space<semaphore_mem>>) src(%dma_wait3A_1347 : memref<512xf32, #tpu.memory_space<vmem>>) dst(%dma_wait3A_1345 : memref<512xf32, #tpu.memory_space<hbm>>)
    %dma_wait3A_1348 = arith.constant 22016 : i32
    %dma_wait3A_1349 = tpu.memref_slice %arg7[%dma_wait3A_1348] : memref<24576xf32, #tpu.memory_space<vmem>> -> memref<512xf32, #tpu.memory_space<vmem>>
    %dma_wait3A_1350 = arith.constant 0 : i32
    %dma_wait3A_1351 = tpu.memref_slice %arg4[%add3A_422, %dma_wait3A_1350] : memref<1536x512xf32, #tpu.memory_space<hbm>> -> memref<1x512xf32, #tpu.memory_space<hbm>>
    %dma_wait3A_1352 = tpu.memref_squeeze %dma_wait3A_1351 : memref<1x512xf32, #tpu.memory_space<hbm>> -> memref<512xf32, #tpu.memory_space<hbm>>
    %dma_wait3A_1353 = arith.constant 0 : i32
    %dma_wait3A_1354 = tpu.memref_slice %arg4[%add3A_422, %dma_wait3A_1353] : memref<1536x512xf32, #tpu.memory_space<hbm>> -> memref<1x512xf32, #tpu.memory_space<hbm>>
    %dma_wait3A_1355 = tpu.memref_squeeze %dma_wait3A_1354 : memref<1x512xf32, #tpu.memory_space<hbm>> -> memref<512xf32, #tpu.memory_space<hbm>>
    %dma_wait3A_1356 = arith.constant 22016 : i32
    %dma_wait3A_1357 = tpu.memref_slice %arg7[%dma_wait3A_1356] : memref<24576xf32, #tpu.memory_space<vmem>> -> memref<512xf32, #tpu.memory_space<vmem>>
    tpu.wait_dma2 semaphore(%arg8 : memref<!tpu.dma_semaphore, #tpu.memory_space<semaphore_mem>>) src(%dma_wait3A_1357 : memref<512xf32, #tpu.memory_space<vmem>>) dst(%dma_wait3A_1355 : memref<512xf32, #tpu.memory_space<hbm>>)
    %dma_wait3A_1358 = arith.constant 22528 : i32
    %dma_wait3A_1359 = tpu.memref_slice %arg7[%dma_wait3A_1358] : memref<24576xf32, #tpu.memory_space<vmem>> -> memref<512xf32, #tpu.memory_space<vmem>>
    %dma_wait3A_1360 = arith.constant 0 : i32
    %dma_wait3A_1361 = tpu.memref_slice %arg4[%add3A_426, %dma_wait3A_1360] : memref<1536x512xf32, #tpu.memory_space<hbm>> -> memref<1x512xf32, #tpu.memory_space<hbm>>
    %dma_wait3A_1362 = tpu.memref_squeeze %dma_wait3A_1361 : memref<1x512xf32, #tpu.memory_space<hbm>> -> memref<512xf32, #tpu.memory_space<hbm>>
    %dma_wait3A_1363 = arith.constant 0 : i32
    %dma_wait3A_1364 = tpu.memref_slice %arg4[%add3A_426, %dma_wait3A_1363] : memref<1536x512xf32, #tpu.memory_space<hbm>> -> memref<1x512xf32, #tpu.memory_space<hbm>>
    %dma_wait3A_1365 = tpu.memref_squeeze %dma_wait3A_1364 : memref<1x512xf32, #tpu.memory_space<hbm>> -> memref<512xf32, #tpu.memory_space<hbm>>
    %dma_wait3A_1366 = arith.constant 22528 : i32
    %dma_wait3A_1367 = tpu.memref_slice %arg7[%dma_wait3A_1366] : memref<24576xf32, #tpu.memory_space<vmem>> -> memref<512xf32, #tpu.memory_space<vmem>>
    tpu.wait_dma2 semaphore(%arg8 : memref<!tpu.dma_semaphore, #tpu.memory_space<semaphore_mem>>) src(%dma_wait3A_1367 : memref<512xf32, #tpu.memory_space<vmem>>) dst(%dma_wait3A_1365 : memref<512xf32, #tpu.memory_space<hbm>>)
    %dma_wait3A_1368 = arith.constant 23040 : i32
    %dma_wait3A_1369 = tpu.memref_slice %arg7[%dma_wait3A_1368] : memref<24576xf32, #tpu.memory_space<vmem>> -> memref<512xf32, #tpu.memory_space<vmem>>
    %dma_wait3A_1370 = arith.constant 0 : i32
    %dma_wait3A_1371 = tpu.memref_slice %arg4[%add3A_430, %dma_wait3A_1370] : memref<1536x512xf32, #tpu.memory_space<hbm>> -> memref<1x512xf32, #tpu.memory_space<hbm>>
    %dma_wait3A_1372 = tpu.memref_squeeze %dma_wait3A_1371 : memref<1x512xf32, #tpu.memory_space<hbm>> -> memref<512xf32, #tpu.memory_space<hbm>>
    %dma_wait3A_1373 = arith.constant 0 : i32
    %dma_wait3A_1374 = tpu.memref_slice %arg4[%add3A_430, %dma_wait3A_1373] : memref<1536x512xf32, #tpu.memory_space<hbm>> -> memref<1x512xf32, #tpu.memory_space<hbm>>
    %dma_wait3A_1375 = tpu.memref_squeeze %dma_wait3A_1374 : memref<1x512xf32, #tpu.memory_space<hbm>> -> memref<512xf32, #tpu.memory_space<hbm>>
    %dma_wait3A_1376 = arith.constant 23040 : i32
    %dma_wait3A_1377 = tpu.memref_slice %arg7[%dma_wait3A_1376] : memref<24576xf32, #tpu.memory_space<vmem>> -> memref<512xf32, #tpu.memory_space<vmem>>
    tpu.wait_dma2 semaphore(%arg8 : memref<!tpu.dma_semaphore, #tpu.memory_space<semaphore_mem>>) src(%dma_wait3A_1377 : memref<512xf32, #tpu.memory_space<vmem>>) dst(%dma_wait3A_1375 : memref<512xf32, #tpu.memory_space<hbm>>)
    %dma_wait3A_1378 = arith.constant 23552 : i32
    %dma_wait3A_1379 = tpu.memref_slice %arg7[%dma_wait3A_1378] : memref<24576xf32, #tpu.memory_space<vmem>> -> memref<512xf32, #tpu.memory_space<vmem>>
    %dma_wait3A_1380 = arith.constant 0 : i32
    %dma_wait3A_1381 = tpu.memref_slice %arg4[%add3A_434, %dma_wait3A_1380] : memref<1536x512xf32, #tpu.memory_space<hbm>> -> memref<1x512xf32, #tpu.memory_space<hbm>>
    %dma_wait3A_1382 = tpu.memref_squeeze %dma_wait3A_1381 : memref<1x512xf32, #tpu.memory_space<hbm>> -> memref<512xf32, #tpu.memory_space<hbm>>
    %dma_wait3A_1383 = arith.constant 0 : i32
    %dma_wait3A_1384 = tpu.memref_slice %arg4[%add3A_434, %dma_wait3A_1383] : memref<1536x512xf32, #tpu.memory_space<hbm>> -> memref<1x512xf32, #tpu.memory_space<hbm>>
    %dma_wait3A_1385 = tpu.memref_squeeze %dma_wait3A_1384 : memref<1x512xf32, #tpu.memory_space<hbm>> -> memref<512xf32, #tpu.memory_space<hbm>>
    %dma_wait3A_1386 = arith.constant 23552 : i32
    %dma_wait3A_1387 = tpu.memref_slice %arg7[%dma_wait3A_1386] : memref<24576xf32, #tpu.memory_space<vmem>> -> memref<512xf32, #tpu.memory_space<vmem>>
    tpu.wait_dma2 semaphore(%arg8 : memref<!tpu.dma_semaphore, #tpu.memory_space<semaphore_mem>>) src(%dma_wait3A_1387 : memref<512xf32, #tpu.memory_space<vmem>>) dst(%dma_wait3A_1385 : memref<512xf32, #tpu.memory_space<hbm>>)
    %dma_wait3A_1388 = arith.constant 24064 : i32
    %dma_wait3A_1389 = tpu.memref_slice %arg7[%dma_wait3A_1388] : memref<24576xf32, #tpu.memory_space<vmem>> -> memref<512xf32, #tpu.memory_space<vmem>>
    %dma_wait3A_1390 = arith.constant 0 : i32
    %dma_wait3A_1391 = tpu.memref_slice %arg4[%add3A_438, %dma_wait3A_1390] : memref<1536x512xf32, #tpu.memory_space<hbm>> -> memref<1x512xf32, #tpu.memory_space<hbm>>
    %dma_wait3A_1392 = tpu.memref_squeeze %dma_wait3A_1391 : memref<1x512xf32, #tpu.memory_space<hbm>> -> memref<512xf32, #tpu.memory_space<hbm>>
    %dma_wait3A_1393 = arith.constant 0 : i32
    %dma_wait3A_1394 = tpu.memref_slice %arg4[%add3A_438, %dma_wait3A_1393] : memref<1536x512xf32, #tpu.memory_space<hbm>> -> memref<1x512xf32, #tpu.memory_space<hbm>>
    %dma_wait3A_1395 = tpu.memref_squeeze %dma_wait3A_1394 : memref<1x512xf32, #tpu.memory_space<hbm>> -> memref<512xf32, #tpu.memory_space<hbm>>
    %dma_wait3A_1396 = arith.constant 24064 : i32
    %dma_wait3A_1397 = tpu.memref_slice %arg7[%dma_wait3A_1396] : memref<24576xf32, #tpu.memory_space<vmem>> -> memref<512xf32, #tpu.memory_space<vmem>>
    tpu.wait_dma2 semaphore(%arg8 : memref<!tpu.dma_semaphore, #tpu.memory_space<semaphore_mem>>) src(%dma_wait3A_1397 : memref<512xf32, #tpu.memory_space<vmem>>) dst(%dma_wait3A_1395 : memref<512xf32, #tpu.memory_space<hbm>>)
    return
  }
}

module attributes {stable_mosaic.version = 14 : i64} {
  func.func @_fin_kernel(%arg0: memref<1536x512xf32, #tpu.memory_space<vmem>>, %arg1: memref<1x1xf32, #tpu.memory_space<vmem>>) attributes {dimension_semantics = [], scalar_prefetch = 0 : i64, scratch_operands = 0 : i64, tpu.core_type = #tpu.core_type<tc>} {
    %get3A = arith.constant 0 : index
    %get3A_0 = arith.constant 0 : index
    %get3A_1 = vector.load %arg0[%get3A, %get3A_0] : memref<1536x512xf32, #tpu.memory_space<vmem>>, vector<48x512xf32>
    %get3A_2 = arith.constant 48 : index
    %get3A_3 = arith.constant 0 : index
    %get3A_4 = vector.load %arg0[%get3A_2, %get3A_3] : memref<1536x512xf32, #tpu.memory_space<vmem>>, vector<48x512xf32>
    %add3A = arith.addf %get3A_1, %get3A_4 : vector<48x512xf32>
    %get3A_5 = arith.constant 96 : index
    %get3A_6 = arith.constant 0 : index
    %get3A_7 = vector.load %arg0[%get3A_5, %get3A_6] : memref<1536x512xf32, #tpu.memory_space<vmem>>, vector<48x512xf32>
    %add3A_8 = arith.addf %add3A, %get3A_7 : vector<48x512xf32>
    %get3A_9 = arith.constant 144 : index
    %get3A_10 = arith.constant 0 : index
    %get3A_11 = vector.load %arg0[%get3A_9, %get3A_10] : memref<1536x512xf32, #tpu.memory_space<vmem>>, vector<48x512xf32>
    %add3A_12 = arith.addf %add3A_8, %get3A_11 : vector<48x512xf32>
    %get3A_13 = arith.constant 192 : index
    %get3A_14 = arith.constant 0 : index
    %get3A_15 = vector.load %arg0[%get3A_13, %get3A_14] : memref<1536x512xf32, #tpu.memory_space<vmem>>, vector<48x512xf32>
    %add3A_16 = arith.addf %add3A_12, %get3A_15 : vector<48x512xf32>
    %get3A_17 = arith.constant 240 : index
    %get3A_18 = arith.constant 0 : index
    %get3A_19 = vector.load %arg0[%get3A_17, %get3A_18] : memref<1536x512xf32, #tpu.memory_space<vmem>>, vector<48x512xf32>
    %add3A_20 = arith.addf %add3A_16, %get3A_19 : vector<48x512xf32>
    %get3A_21 = arith.constant 288 : index
    %get3A_22 = arith.constant 0 : index
    %get3A_23 = vector.load %arg0[%get3A_21, %get3A_22] : memref<1536x512xf32, #tpu.memory_space<vmem>>, vector<48x512xf32>
    %add3A_24 = arith.addf %add3A_20, %get3A_23 : vector<48x512xf32>
    %get3A_25 = arith.constant 336 : index
    %get3A_26 = arith.constant 0 : index
    %get3A_27 = vector.load %arg0[%get3A_25, %get3A_26] : memref<1536x512xf32, #tpu.memory_space<vmem>>, vector<48x512xf32>
    %add3A_28 = arith.addf %add3A_24, %get3A_27 : vector<48x512xf32>
    %get3A_29 = arith.constant 384 : index
    %get3A_30 = arith.constant 0 : index
    %get3A_31 = vector.load %arg0[%get3A_29, %get3A_30] : memref<1536x512xf32, #tpu.memory_space<vmem>>, vector<48x512xf32>
    %add3A_32 = arith.addf %add3A_28, %get3A_31 : vector<48x512xf32>
    %get3A_33 = arith.constant 432 : index
    %get3A_34 = arith.constant 0 : index
    %get3A_35 = vector.load %arg0[%get3A_33, %get3A_34] : memref<1536x512xf32, #tpu.memory_space<vmem>>, vector<48x512xf32>
    %add3A_36 = arith.addf %add3A_32, %get3A_35 : vector<48x512xf32>
    %get3A_37 = arith.constant 480 : index
    %get3A_38 = arith.constant 0 : index
    %get3A_39 = vector.load %arg0[%get3A_37, %get3A_38] : memref<1536x512xf32, #tpu.memory_space<vmem>>, vector<48x512xf32>
    %add3A_40 = arith.addf %add3A_36, %get3A_39 : vector<48x512xf32>
    %get3A_41 = arith.constant 528 : index
    %get3A_42 = arith.constant 0 : index
    %get3A_43 = vector.load %arg0[%get3A_41, %get3A_42] : memref<1536x512xf32, #tpu.memory_space<vmem>>, vector<48x512xf32>
    %add3A_44 = arith.addf %add3A_40, %get3A_43 : vector<48x512xf32>
    %get3A_45 = arith.constant 576 : index
    %get3A_46 = arith.constant 0 : index
    %get3A_47 = vector.load %arg0[%get3A_45, %get3A_46] : memref<1536x512xf32, #tpu.memory_space<vmem>>, vector<48x512xf32>
    %add3A_48 = arith.addf %add3A_44, %get3A_47 : vector<48x512xf32>
    %get3A_49 = arith.constant 624 : index
    %get3A_50 = arith.constant 0 : index
    %get3A_51 = vector.load %arg0[%get3A_49, %get3A_50] : memref<1536x512xf32, #tpu.memory_space<vmem>>, vector<48x512xf32>
    %add3A_52 = arith.addf %add3A_48, %get3A_51 : vector<48x512xf32>
    %get3A_53 = arith.constant 672 : index
    %get3A_54 = arith.constant 0 : index
    %get3A_55 = vector.load %arg0[%get3A_53, %get3A_54] : memref<1536x512xf32, #tpu.memory_space<vmem>>, vector<48x512xf32>
    %add3A_56 = arith.addf %add3A_52, %get3A_55 : vector<48x512xf32>
    %get3A_57 = arith.constant 720 : index
    %get3A_58 = arith.constant 0 : index
    %get3A_59 = vector.load %arg0[%get3A_57, %get3A_58] : memref<1536x512xf32, #tpu.memory_space<vmem>>, vector<48x512xf32>
    %add3A_60 = arith.addf %add3A_56, %get3A_59 : vector<48x512xf32>
    %get3A_61 = arith.constant 768 : index
    %get3A_62 = arith.constant 0 : index
    %get3A_63 = vector.load %arg0[%get3A_61, %get3A_62] : memref<1536x512xf32, #tpu.memory_space<vmem>>, vector<48x512xf32>
    %add3A_64 = arith.addf %add3A_60, %get3A_63 : vector<48x512xf32>
    %get3A_65 = arith.constant 816 : index
    %get3A_66 = arith.constant 0 : index
    %get3A_67 = vector.load %arg0[%get3A_65, %get3A_66] : memref<1536x512xf32, #tpu.memory_space<vmem>>, vector<48x512xf32>
    %add3A_68 = arith.addf %add3A_64, %get3A_67 : vector<48x512xf32>
    %get3A_69 = arith.constant 864 : index
    %get3A_70 = arith.constant 0 : index
    %get3A_71 = vector.load %arg0[%get3A_69, %get3A_70] : memref<1536x512xf32, #tpu.memory_space<vmem>>, vector<48x512xf32>
    %add3A_72 = arith.addf %add3A_68, %get3A_71 : vector<48x512xf32>
    %get3A_73 = arith.constant 912 : index
    %get3A_74 = arith.constant 0 : index
    %get3A_75 = vector.load %arg0[%get3A_73, %get3A_74] : memref<1536x512xf32, #tpu.memory_space<vmem>>, vector<48x512xf32>
    %add3A_76 = arith.addf %add3A_72, %get3A_75 : vector<48x512xf32>
    %get3A_77 = arith.constant 960 : index
    %get3A_78 = arith.constant 0 : index
    %get3A_79 = vector.load %arg0[%get3A_77, %get3A_78] : memref<1536x512xf32, #tpu.memory_space<vmem>>, vector<48x512xf32>
    %add3A_80 = arith.addf %add3A_76, %get3A_79 : vector<48x512xf32>
    %get3A_81 = arith.constant 1008 : index
    %get3A_82 = arith.constant 0 : index
    %get3A_83 = vector.load %arg0[%get3A_81, %get3A_82] : memref<1536x512xf32, #tpu.memory_space<vmem>>, vector<48x512xf32>
    %add3A_84 = arith.addf %add3A_80, %get3A_83 : vector<48x512xf32>
    %get3A_85 = arith.constant 1056 : index
    %get3A_86 = arith.constant 0 : index
    %get3A_87 = vector.load %arg0[%get3A_85, %get3A_86] : memref<1536x512xf32, #tpu.memory_space<vmem>>, vector<48x512xf32>
    %add3A_88 = arith.addf %add3A_84, %get3A_87 : vector<48x512xf32>
    %get3A_89 = arith.constant 1104 : index
    %get3A_90 = arith.constant 0 : index
    %get3A_91 = vector.load %arg0[%get3A_89, %get3A_90] : memref<1536x512xf32, #tpu.memory_space<vmem>>, vector<48x512xf32>
    %add3A_92 = arith.addf %add3A_88, %get3A_91 : vector<48x512xf32>
    %get3A_93 = arith.constant 1152 : index
    %get3A_94 = arith.constant 0 : index
    %get3A_95 = vector.load %arg0[%get3A_93, %get3A_94] : memref<1536x512xf32, #tpu.memory_space<vmem>>, vector<48x512xf32>
    %add3A_96 = arith.addf %add3A_92, %get3A_95 : vector<48x512xf32>
    %get3A_97 = arith.constant 1200 : index
    %get3A_98 = arith.constant 0 : index
    %get3A_99 = vector.load %arg0[%get3A_97, %get3A_98] : memref<1536x512xf32, #tpu.memory_space<vmem>>, vector<48x512xf32>
    %add3A_100 = arith.addf %add3A_96, %get3A_99 : vector<48x512xf32>
    %get3A_101 = arith.constant 1248 : index
    %get3A_102 = arith.constant 0 : index
    %get3A_103 = vector.load %arg0[%get3A_101, %get3A_102] : memref<1536x512xf32, #tpu.memory_space<vmem>>, vector<48x512xf32>
    %add3A_104 = arith.addf %add3A_100, %get3A_103 : vector<48x512xf32>
    %get3A_105 = arith.constant 1296 : index
    %get3A_106 = arith.constant 0 : index
    %get3A_107 = vector.load %arg0[%get3A_105, %get3A_106] : memref<1536x512xf32, #tpu.memory_space<vmem>>, vector<48x512xf32>
    %add3A_108 = arith.addf %add3A_104, %get3A_107 : vector<48x512xf32>
    %get3A_109 = arith.constant 1344 : index
    %get3A_110 = arith.constant 0 : index
    %get3A_111 = vector.load %arg0[%get3A_109, %get3A_110] : memref<1536x512xf32, #tpu.memory_space<vmem>>, vector<48x512xf32>
    %add3A_112 = arith.addf %add3A_108, %get3A_111 : vector<48x512xf32>
    %get3A_113 = arith.constant 1392 : index
    %get3A_114 = arith.constant 0 : index
    %get3A_115 = vector.load %arg0[%get3A_113, %get3A_114] : memref<1536x512xf32, #tpu.memory_space<vmem>>, vector<48x512xf32>
    %add3A_116 = arith.addf %add3A_112, %get3A_115 : vector<48x512xf32>
    %get3A_117 = arith.constant 1440 : index
    %get3A_118 = arith.constant 0 : index
    %get3A_119 = vector.load %arg0[%get3A_117, %get3A_118] : memref<1536x512xf32, #tpu.memory_space<vmem>>, vector<48x512xf32>
    %add3A_120 = arith.addf %add3A_116, %get3A_119 : vector<48x512xf32>
    %get3A_121 = arith.constant 1488 : index
    %get3A_122 = arith.constant 0 : index
    %get3A_123 = vector.load %arg0[%get3A_121, %get3A_122] : memref<1536x512xf32, #tpu.memory_space<vmem>>, vector<48x512xf32>
    %add3A_124 = arith.addf %add3A_120, %get3A_123 : vector<48x512xf32>
    %slice3A = vector.extract_strided_slice %add3A_124 {offsets = [0, 0], sizes = [24, 512], strides = [1, 1]} : vector<48x512xf32> to vector<24x512xf32>
    %slice3A_125 = vector.extract_strided_slice %add3A_124 {offsets = [24, 0], sizes = [24, 512], strides = [1, 1]} : vector<48x512xf32> to vector<24x512xf32>
    %iota3A = tpu.iota {dimensions = array<i32: 0>} : vector<512x512xi32>
    %iota3A_126 = tpu.iota {dimensions = array<i32: 1>} : vector<512x512xi32>
    %ge3A = arith.cmpi sge, %iota3A, %iota3A_126 : vector<512x512xi32>
    %convert_element_type3A = arith.extui %ge3A : vector<512x512xi1> to vector<512x512xi32>
    %convert_element_type3A_127 = arith.sitofp %convert_element_type3A : vector<512x512xi32> to vector<512x512xf32>
    %add3A_128 = arith.addi %iota3A, %iota3A_126 : vector<512x512xi32>
    %le3A = arith.constant 511 : i32
    %le3A_129 = vector.broadcast %le3A : i32 to vector<512x512xi32>
    %le3A_130 = arith.cmpi sle, %add3A_128, %le3A_129 : vector<512x512xi32>
    %convert_element_type3A_131 = arith.extui %le3A_130 : vector<512x512xi1> to vector<512x512xi32>
    %convert_element_type3A_132 = arith.sitofp %convert_element_type3A_131 : vector<512x512xi32> to vector<512x512xf32>
    %dot_general3A = arith.constant dense<0.000000e+00> : vector<24x512xf32>
    %dot_general3A_133 = tpu.matmul %slice3A_125, %convert_element_type3A_127, %dot_general3A {dimension_numbers = #tpu.dot_dimension_numbers<[1], [0], [0], [1], [0, 0, 1, 1], [], []>, transpose_lhs_hint = false} : vector<24x512xf32>, vector<512x512xf32>, vector<24x512xf32> -> vector<24x512xf32>
    %add3A_134 = arith.addf %slice3A, %slice3A_125 : vector<24x512xf32>
    %dot_general3A_135 = arith.constant dense<0.000000e+00> : vector<24x512xf32>
    %dot_general3A_136 = tpu.matmul %add3A_134, %convert_element_type3A_127, %dot_general3A_135 {dimension_numbers = #tpu.dot_dimension_numbers<[1], [0], [0], [1], [0, 0, 1, 1], [], []>, transpose_lhs_hint = false} : vector<24x512xf32>, vector<512x512xf32>, vector<24x512xf32> -> vector<24x512xf32>
    %dot_general3A_137 = arith.constant dense<0.000000e+00> : vector<24x512xf32>
    %dot_general3A_138 = tpu.matmul %slice3A_125, %convert_element_type3A_132, %dot_general3A_137 {dimension_numbers = #tpu.dot_dimension_numbers<[1], [0], [0], [1], [0, 0, 1, 1], [], []>, transpose_lhs_hint = false} : vector<24x512xf32>, vector<512x512xf32>, vector<24x512xf32> -> vector<24x512xf32>
    %sub3A = arith.subf %dot_general3A_136, %dot_general3A_138 : vector<24x512xf32>
    %slice3A_139 = vector.extract_strided_slice %dot_general3A_133 {offsets = [0, 0], sizes = [24, 1], strides = [1, 1]} : vector<24x512xf32> to vector<24x1xf32>
    %add3A_140 = vector.broadcast %slice3A_139 : vector<24x1xf32> to vector<24x512xf32>
    %add3A_141 = arith.addf %add3A_140, %sub3A : vector<24x512xf32>
    %sub3A_142 = arith.subf %add3A_141, %dot_general3A_133 : vector<24x512xf32>
    %max3A = arith.constant 1.000000e+00 : f32
    %max3A_143 = vector.broadcast %max3A : f32 to vector<24x512xf32>
    %max3A_144 = arith.maximumf %sub3A_142, %max3A_143 : vector<24x512xf32>
    %div3A = arith.divf %sub3A, %max3A_144 : vector<24x512xf32>
    %reduce_sum3A = arith.constant dense<0.000000e+00> : vector<24xf32>
    %reduce_sum3A_145 = vector.multi_reduction <add>, %div3A, %reduce_sum3A [1] : vector<24x512xf32> to vector<24xf32>
    %broadcast_in_dim3A = vector.shape_cast %reduce_sum3A_145 : vector<24xf32> to vector<24x1xf32>
    %mul3A = arith.constant 0.001953125 : f32
    %mul3A_146 = vector.broadcast %mul3A : f32 to vector<24x1xf32>
    %mul3A_147 = arith.mulf %mul3A_146, %broadcast_in_dim3A : vector<24x1xf32>
    %mul3A_148 = arith.constant 5.000000e-01 : f32
    %mul3A_149 = arith.constant 0.001953125 : f32
    %mul3A_150 = arith.mulf %mul3A_148, %mul3A_149 : f32
    %slice3A_151 = vector.extract_strided_slice %div3A {offsets = [0, 0], sizes = [24, 1], strides = [1, 1]} : vector<24x512xf32> to vector<24x1xf32>
    %mul3A_152 = vector.broadcast %mul3A_150 : f32 to vector<24x1xf32>
    %mul3A_153 = arith.mulf %mul3A_152, %slice3A_151 : vector<24x1xf32>
    %sub3A_154 = arith.subf %mul3A_147, %mul3A_153 : vector<24x1xf32>
    %reduce_sum3A_155 = vector.shape_cast %sub3A_154 : vector<24x1xf32> to vector<1x24x1xf32>
    %reduce_sum3A_156 = arith.constant dense<0.000000e+00> : vector<1xf32>
    %reduce_sum3A_157 = vector.multi_reduction <add>, %reduce_sum3A_155, %reduce_sum3A_156 [1, 2] : vector<1x24x1xf32> to vector<1xf32>
    %reduce_sum3A_158 = vector.shape_cast %reduce_sum3A_157 : vector<1xf32> to vector<1x1x1xf32>
    %reduce_sum3A_159 = vector.extract %reduce_sum3A_158[0, 0, 0] : f32 from vector<1x1x1xf32>
    %div3A_160 = arith.constant 2.100000e+01 : f32
    %div3A_161 = arith.divf %reduce_sum3A_159, %div3A_160 : f32
    %reshape3A = vector.broadcast %div3A_161 : f32 to vector<1x1xf32>
    %swap3A = arith.constant 0 : index
    %swap3A_162 = arith.constant 0 : index
    %swap3A_163 = vector.load %arg1[%swap3A, %swap3A_162] : memref<1x1xf32, #tpu.memory_space<vmem>>, vector<1x1xf32>
    tpu.vector_store %arg1[%swap3A, %swap3A_162], %reshape3A {strides = array<i32>} : memref<1x1xf32, #tpu.memory_space<vmem>>, vector<1x1xf32>,
    return
  }
}

</mosaic_0001>

<sc_bundles>
// kernel: kernel.4.cloned.1.call-start
scs
__scs_entry_jumppad:
0x0: {  	(pc) =	sbr.rel $0x88, $3  }
0x1: {  	(tag) =	ssettag $0x0;
	lr =	simm.s32 $0x1  }
0x2: {  	[smem:$0x3F9F] =	sst lr;
	_ =	strace $0xD0000000  }
0x3: {  	_ = 	snop  }
0x4: {  	_ = 	snop  }
0x5: {  	_ = 	snop  }
0x6: {  	_ = 	snop  }
0x7: {  	_ = 	snop  }
__scs_overlays_trampoline_lowered:
0x8: {  	[smem:$0x3FAE] =	sst s0  }
0x9: {  	[smem:$0x3FAF] =	sst s1  }
0xa: {  	[smem:$0x3FB0] =	sst s2  }
0xb: {  	[smem:$0x3FB1] =	sst s3  }
0xc: {  	[smem:$0x3FB2] =	sst s4  }
0xd: {  	[smem:$0x3FB3] =	sst s5  }
0xe: {  	[smem:$0x3FB4] =	sst s6  }
0xf: {  	[smem:$0x3FB5] =	sst s7  }
0x10: {  	[smem:$0x3FB6] =	sst s8  }
0x11: {  	[smem:$0x3FB7] =	sst s9;
	s0 =	simm.s32 @!p0 $0x0  }
0x12: {  	s1 =	sld [smem:$0x3F9D];
	s0 =	simm.s32 @p0 $0x1  }
0x13: {  	[smem:$0x3FB8] =	sst s0;
	s0 =	simm.s32 @!p1 $0x0  }
0x14: {  	s2 =	sld [smem:$0x3F9C];
	s0 =	simm.s32 @p1 $0x1  }
0x15: {  	[smem:$0x3FB9] =	sst s0;
	s0 =	simm.s32 @!p2 $0x0  }
0x16: {  	s3 =	sld [smem:$0x3FDB];
	s0 =	simm.s32 @p2 $0x1  }
0x17: {  	s4 =	simm.s32 $0x1BF5;
	[smem:$0x3FBB] =	sst s0  }
0x18: {  	s0 =	sld [smem:$0x3F9E];
	_ =	swait.ge [sflag:s4], $0x0  }
0x19: {  	s7 =	sld [smem:$0x3F9F]  }
0x1a: {  	s8 =	sadd.s32 $0xFFFFE003, lr  }
0x1b: {  	s9 =	sadd.s32 $0xFFFFFEF7, lr;
	s5 =	simm.s32 $0xFFFFFFFF;
	p2 =	slt.u32 s8, $0xFFFFF086  }
0x1c: {  	p1 =	slt.u32 s9, $0xF7A;
	s5 =	simm.s32 @!p2 $0x0  }
0x1d: {  	s5 =	simm.s32 @p1 $0x1;
	p0 =	seq.s32 s7, s2  }
0x1e: {  	s7 =	smul.u32 @!p0 $0xF7A, s2;
	p2 =	seq.s32 @!p0 s5, $0x0  }
0x1f: {  	s9 =	smul.u32 $0xF7A, s1;
	s8 =	simm.s32 @!p0 $0x1BF5;
	p2 =	por !p2, p0  }
0x20: {  	[sflag:s8] =	ssyncset.s32 @!p0 $0xFFFFF086;
	s6 =	sadd.s32 @!p0 s3, s7;
	s7 =	simm.s32 @!p0 $0x108  }
0x21: {  	s3 =	sadd.s32 s3, s9;
	s6 =	sadd.s32 @!p0 $0x88, s6;
	s7 =	simm.s32 @p2 $0x1082  }
0x22: {  	[simem:s7], [sflag:s8] =	dma.local @!p0 [hbm:s6], $0xF7A  }
0x23: {  	s9 =	sor.u32 $0xD0000000, s2;
	s6 =	simm.s32 $0x108;
	_ =	swait.ge @!p0 [sflag:s8], $0x0  }
0x24: {  	s3 =	sadd.s32 $0x88, s3;
	s6 =	simm.s32 @!p1 $0x1082;
	[sflag:s4] =	ssyncset.s32 $0xFFFFF086  }
0x25: {  	[simem:s6], [sflag:s4] =	dma.local [hbm:s3], $0xF7A  }
0x26: {  	[smem:$0x3F9F] =	sst s1;
	(tag) =	ssettag s2;
	_ =	strace s9  }
0x27: {  	s1 =	sld [smem:$0x3FAF]  }
0x28: {  	s2 =	sld [smem:$0x3FB0]  }
0x29: {  	s4 =	sld [smem:$0x3FB2]  }
0x2a: {  	p0 =	seq.s32 s5, $0x0;
	s5 =	sld [smem:$0x3FB3]  }
0x2b: {  	s6 =	sld [smem:$0x3FB4]  }
0x2c: {  	s7 =	sld [smem:$0x3FB5]  }
0x2d: {  	s3 =	simm.s32 $0x108;
	s8 =	sld [smem:$0x3FB6]  }
0x2e: {  	s3 =	simm.s32 @!p0 $0x1082;
	s9 =	sld [smem:$0x3FB7]  }
0x2f: {  	lr =	sadd.s32 s0, s3;
	s0 =	sld [smem:$0x3FAE]  }
0x30: {  	s3 =	sld [smem:$0x3FB1]  }
0x31: {  	[smem:$0x3FBA] =	sst s10  }
0x32: {  	s10 =	sld [smem:$0x3FB8];
	_ =	sdelay $0x3  }
0x33: {  	p0 =	seq.s32 s10, $0x1;
	s10 =	sld [smem:$0x3FBA];
	_ =	sdelay $0x3  }
0x34: {  	[smem:$0x3FBA] =	sst s10  }
0x35: {  	s10 =	sld [smem:$0x3FB9];
	_ =	sdelay $0x3  }
0x36: {  	p1 =	seq.s32 s10, $0x1;
	s10 =	sld [smem:$0x3FBA];
	_ =	sdelay $0x3  }
0x37: {  	[smem:$0x3FBA] =	sst s10  }
0x38: {  	s10 =	sld [smem:$0x3FBB]  }
0x39: {  	_ = 	snop;
	(pc) =	sbr.ind lr, $3  }
0x3a: {  	_ = 	snop  }
0x3b: {  	_ = 	snop  }
0x3c: {  	p2 =	seq.s32 s10, $0x1;
	s10 =	sld [smem:$0x3FBA]  }
0x3d: {  	_ =	shalt  }
0x3e: {  	_ =	shalt  }
0x3f: {  	_ =	shalt  }
0x40: {  	_ =	shalt  }
0x41: {  	_ =	shalt  }
0x42: {  	_ =	shalt  }
0x43: {  	_ =	shalt  }
0x44: {  	_ =	shalt  }
0x45: {  	_ =	shalt  }
0x46: {  	_ =	shalt  }
0x47: {  	_ =	shalt  }
0x48: {  	_ =	shalt  }
0x49: {  	_ =	shalt  }
0x4a: {  	_ =	shalt  }
0x4b: {  	_ =	shalt  }
0x4c: {  	_ =	shalt  }
0x4d: {  	_ =	shalt  }
0x4e: {  	_ =	shalt  }
0x4f: {  	_ =	shalt  }
0x50: {  	_ =	shalt  }
0x51: {  	_ =	shalt  }
0x52: {  	_ =	shalt  }
0x53: {  	_ =	shalt  }
0x54: {  	_ =	shalt  }
0x55: {  	_ =	shalt  }
0x56: {  	_ =	shalt  }
0x57: {  	_ =	shalt  }
0x58: {  	_ =	shalt  }
0x59: {  	_ =	shalt  }
0x5a: {  	_ =	shalt  }
0x5b: {  	_ =	shalt  }
0x5c: {  	_ =	shalt  }
0x5d: {  	_ =	shalt  }
0x5e: {  	_ =	shalt  }
0x5f: {  	_ =	shalt  }
0x60: {  	_ =	shalt  }
0x61: {  	_ =	shalt  }
0x62: {  	_ =	shalt  }
0x63: {  	_ =	shalt  }
0x64: {  	_ =	shalt  }
0x65: {  	_ =	shalt  }
0x66: {  	_ =	shalt  }
0x67: {  	_ =	shalt  }
0x68: {  	_ =	shalt  }
0x69: {  	_ =	shalt  }
0x6a: {  	_ =	shalt  }
0x6b: {  	_ =	shalt  }
0x6c: {  	_ =	shalt  }
0x6d: {  	_ =	shalt  }
0x6e: {  	_ =	shalt  }
0x6f: {  	_ =	shalt  }
0x70: {  	_ =	shalt  }
0x71: {  	_ =	shalt  }
0x72: {  	_ =	shalt  }
0x73: {  	_ =	shalt  }
0x74: {  	_ =	shalt  }
0x75: {  	_ =	shalt  }
0x76: {  	_ =	shalt  }
0x77: {  	_ =	shalt  }
0x78: {  	_ =	shalt  }
0x79: {  	_ =	shalt  }
0x7a: {  	_ =	shalt  }
0x7b: {  	_ =	shalt  }
0x7c: {  	_ =	shalt  }
0x7d: {  	_ =	shalt  }
0x7e: {  	_ =	shalt  }
0x7f: {  	_ =	shalt  }
0x80: {  	_ =	shalt  }
0x81: {  	_ =	shalt  }
0x82: {  	_ =	shalt  }
0x83: {  	_ =	shalt  }
0x84: {  	_ =	shalt  }
0x85: {  	_ =	shalt  }
0x86: {  	_ =	shalt  }
0x87: {  	_ =	shalt  }
.Lfunc_end0:
.L_simem_size_0:
called_computation.1_lowered:
.L_overlay_start_0:
0x88: {  	s2 =	sld [smem:$0x3FD9]  }
0x89: {  	s3 =	sld [smem:$0x3FFE];
	_ =	sdelay $0x1  }
0x8a: {  	s1 =	srdreg.scid  }
0x8b: {  	s0 =	sand.u32 $0x1, s1  }
0x8c: {  	s16 =	sshll.u32 s0, $0xA;
	s2 =	sadd.s32 s3, s2  }
0x8d: {  	s2 =	sadd.s32 s2, s16  }
0x8e: {  	[smem:$0x3FC6] =	sst s2  }
0x8f: {  	_ = 	snop  }
0x90: {  	(tm) =	ssettm $0x1  }
0x91: {  	s17 =	sld [smem:$0x3FFB];
	_ =	sdelay $0x3  }
0x92: {  	_ =	strace s17  }
0x93: {  	s2 =	sld [smem:$0x3FFC];
	_ =	sdelay $0x3  }
0x94: {  	_ =	strace s2  }
0x95: {  	s2 =	sld [smem:$0x3FFD];
	_ =	sdelay $0x3  }
0x96: {  	_ =	strace s2  }
0x97: {  	_ =	strace $0x8FFFFFFF  }
0x98: {  	s18 =	sld [smem:$0x3FDB];
	_ =	sdelay $0x1  }
0x99: {  	s19 =	simm.s32 $_scs_section_size  }
0x9a: {  	s4 =	simm.s32 $_size__tile_overlayer_lowered;
	s5 =	simm.s32 $_tile_overlayer_lowered  }
0x9b: {  	s22 =	simm.s32 $0x1BFF;
	s21 =	sshll.u32 s5, $0x1;
	s2 =	sadd.s32 s19, s18  }
0x9c: {  	s6 =	simm.s32 $0x0;
	s20 =	sshll.u32 s4, $0x1;
	s4 =	sadd.s32 s21, s2  }
0x9d: {  	[timem:s6], [sflag:s22] =	dma.local [hbm:s4], s20  }
0x9e: {  	_ =	swait.ge [sflag:s22], s20  }
0x9f: {  	s3 =	ssub.s32 $0x0, s20;
	[sflag:s22] =	ssyncset.done $0x0  }
0xa0: {  	[sflag:s22] =	ssyncadd.s32 s3;
	_ =	sdelay $0x1  }
0xa1: {  	s23 =	simm.s32 $0x1B8B  }
0xa2: {  	_ =	swait.ge [sflag:s23], $0x1  }
0xa3: {  	[sflag:s23] =	ssyncset.done $0x0  }
0xa4: {  	s25 =	simm.s32 $0x1B8E;
	s24 =	sld [smem:$0x3FFE];
	[sflag:s23] =	ssyncadd.s32 $0xFFFFFFFF  }
0xa5: {  	s26 =	simm.s32 $execute0_lowered;
	[smem:$0x3FD2] =	sst s25  }
0xa6: {  	s4 =	sshll.u32 s26, $0x1;
	_ =	strace $0x80000049;
	[dreg:$0x1] =	wrdreg $0xFFFFFFFF  }
0xa7: {  	s28 =	simm.s32 $_size_execute0_lowered;
	s2 =	sadd.s32 s2, s4;
	[dreg:$0x0] =	wrdreg $0x0  }
0xa8: {  	s4 =	sshll.u32 s28, $0x1;
	[dreg:$0x2] =	wrdreg s2  }
0xa9: {  	[dreg:$0x3] =	wrdreg s4  }
0xaa: {  	[dreg:$0x4] =	wrdreg $0xC0  }
0xab: {  	_ =	task [dreg:s6], $0x5FFFF  }
0xac: {  	[dreg:$0x1] =	wrdreg $0xFFFFFFFF  }
0xad: {  	[dreg:$0x0] =	wrdreg $0x60  }
0xae: {  	[dreg:$0x2] =	wrdreg s24  }
0xaf: {  	[dreg:$0x3] =	wrdreg $0x9  }
0xb0: {  	_ =	task.clear_ibuf [dreg:s6], $0x4FFFF;
	_ =	strace $0x90000049  }
0xb1: {  	s29 =	simm.s32 $0x9;
	_ =	strace $0x8000004B  }
0xb2: {  	_ =	swait.ge [sflag:s29], $0x1  }
0xb3: {  	[sflag:s29] =	ssyncadd.s32 $0xFFFFFFFF  }
0xb4: {  	_ =	strace $0x9000004B  }
0xb5: {  	_ =	sfence  }
0xb6: {  	s30 =	sld [smem:$0x0];
	_ =	sdelay $0x2  }
0xb7: {  	s31 =	sshll.u32 s1, $0xD;
	s1 =	sshrl.u32 s1, $0x2  }
0xb8: {  	s3 =	sand.u32 $0x4000, s31;
	s1 =	sadd.s32 s1, s30  }
0xb9: {  	s0 =	sor.u32 s3, s0;
	s1 =	sshll.u32 s1, $0x11  }
0xba: {  	s0 =	sor.u32 s1, s0  }
0xbb: {  	s0 =	sadd.s32 $0x8F2B, s0  }
0xbc: {  	[sflag:s0] =	ssyncadd.remote.s32 $0x1  }
0xbd: {  	_ =	sfence.sel $0xFFFF  }
0xbe: {  	[dreg:$0x0] =	wrdreg $0xFFFFFFFF;
	(pc) =	sbr.abs _section_cstart, $3  }
0xbf: {  	[dreg:$0x1] =	wrdreg $0xFFFFFFFF  }
0xc0: {  	_ =	task.clear_ibuf [dreg:s6], $0x2FFFF;
	_ =	strace $0x9FFFFFFF  }
0xc1: {  	(tm) =	ssettm $0x7FFFFFFF  }
tec
execute0_lowered:
.L_overlay_start_1:
0x0: {  	(tag) =	ssettag $0x1  }
0x1: {  	s0 =	rddreg [dreg:$0x0]  }
0x2: {  	s2 =	simm.s32 $0x0;
	s1 =	srdreg.scid;
	s6 =	stileid.u32  }
0x3: {  	[smem:$0x7FF] =	sst s2;
	s3 =	sadd.s32 $0xA00, s0;
	s1 =	sand.u32 $0x1, s1  }
0x4: {  	s5 =	sshll.u32 s6, $0x1;
	s4 =	sadd.s32 $0x540A00, s0;
	s6 =	sshrl.u32 s6, $0x1  }
0x5: {  	s0 =	sadd.s32 $0x580A00, s0;
	_ =	strace $0x8000004A;
	s7 =	sor.u32 s1, s5  }
0x6: {  	s1 =	ssub.s32 $0x2, s1;
	s5 =	smul.u32 $0x540000, s6;
	s6 =	sshll.u32 s6, $0x12  }
0x7: {  	s8 =	sshll.u32 s7, $0x10;
	s9 =	sshrl.u32 s1, $0x1;
	s11 =	smul.u32 $0x6000, s7  }
0x8: {  	s7 =	smul.u32 $0xC00, s7;
	s8 =	sand.u32 $0x30000, s8;
	s1 =	ssub.s32 s1, s9  }
0x9: {  	s10 =	sor.u32 s5, s8;
	s25 =	sor.u32 s6, s8;
	s11 =	sshrl.u32 s11, $0x3  }
0xa: {  	s1 =	smax.u32 s1, $0x1;
	s24 =	sshrl.u32 s10, $0x3;
	s10 =	sshrl.u32 s25, $0x3  }
0xb: {  	s9 =	sadd.s32 s0, s11;
	s0 =	sadd.s32 s0, s7;
	[smem:$0x7D9] =	sst s1  }
0xc: {  	s26 =	sadd.s32 s4, s10;
	[dreg:$0x4] =	wrdreg s0  }
0xd: {  	s10 =	sadd.s32 $0x400, s9;
	[dreg:$0x3] =	wrdreg s26  }
0xe: {  	s11 =	sadd.s32 $0x440, s9;
	[dreg:$0x5] =	wrdreg s10  }
0xf: {  	s13 =	sadd.s32 $0x480, s9;
	[dreg:$0x6] =	wrdreg s11  }
0x10: {  	s14 =	sadd.s32 $0x4C0, s9;
	[dreg:$0x7] =	wrdreg s13  }
0x11: {  	s15 =	sadd.s32 $0x500, s9;
	[dreg:$0x8] =	wrdreg s14  }
0x12: {  	s16 =	sadd.s32 $0x540, s9;
	[dreg:$0x9] =	wrdreg s15  }
0x13: {  	s17 =	sadd.s32 $0x580, s9;
	[dreg:$0xa] =	wrdreg s16  }
0x14: {  	s18 =	sadd.s32 $0x5C0, s9;
	[dreg:$0xb] =	wrdreg s17  }
0x15: {  	s19 =	sadd.s32 $0x600, s9;
	[dreg:$0xc] =	wrdreg s18  }
0x16: {  	s20 =	sadd.s32 $0x640, s9;
	[dreg:$0xd] =	wrdreg s19  }
0x17: {  	s21 =	sadd.s32 $0x680, s9;
	[dreg:$0xe] =	wrdreg s20  }
0x18: {  	s22 =	sadd.s32 $0x6C0, s9;
	[dreg:$0xf] =	wrdreg s21  }
0x19: {  	s23 =	sadd.s32 $0x700, s9;
	[dreg:$0x10] =	wrdreg s22  }
0x1a: {  	s12 =	sadd.s32 s3, s24;
	s24 =	sadd.s32 $0x740, s9;
	[dreg:$0x11] =	wrdreg s23  }
0x1b: {  	s25 =	sadd.s32 $0x780, s9;
	[dreg:$0x12] =	wrdreg s24  }
0x1c: {  	[dreg:$0x13] =	wrdreg s25  }
0x1d: {  	s26 =	sadd.s32 $0x7C0, s9;
	[dreg:$0x2] =	wrdreg s12  }
0x1e: {  	s10 =	sadd.s32 $0x800, s9;
	[dreg:$0x14] =	wrdreg s26  }
0x1f: {  	s11 =	sadd.s32 $0x840, s9;
	[dreg:$0x15] =	wrdreg s10  }
0x20: {  	s13 =	sadd.s32 $0x880, s9;
	[dreg:$0x16] =	wrdreg s11  }
0x21: {  	s14 =	sadd.s32 $0x8C0, s9;
	[dreg:$0x17] =	wrdreg s13  }
0x22: {  	s15 =	sadd.s32 $0x900, s9;
	[dreg:$0x18] =	wrdreg s14  }
0x23: {  	s16 =	sadd.s32 $0x940, s9;
	[dreg:$0x19] =	wrdreg s15  }
0x24: {  	s17 =	sadd.s32 $0x980, s9;
	[dreg:$0x1a] =	wrdreg s16  }
0x25: {  	s18 =	sadd.s32 $0x9C0, s9;
	[dreg:$0x1b] =	wrdreg s17  }
0x26: {  	s19 =	sadd.s32 $0xA00, s9;
	[dreg:$0x1c] =	wrdreg s18  }
0x27: {  	s20 =	sadd.s32 $0xA40, s9;
	[dreg:$0x1d] =	wrdreg s19  }
0x28: {  	s21 =	sadd.s32 $0xA80, s9;
	[dreg:$0x1e] =	wrdreg s20  }
0x29: {  	s22 =	sadd.s32 $0xAC0, s9;
	[dreg:$0x1f] =	wrdreg s21  }
0x2a: {  	s23 =	sadd.s32 $0xB00, s9;
	[smem:$0x7D4] =	sst s22  }
0x2b: {  	s24 =	sadd.s32 $0xB40, s9;
	[smem:$0x7D5] =	sst s23  }
0x2c: {  	s25 =	sadd.s32 $0xB80, s9;
	[smem:$0x7D6] =	sst s24  }
0x2d: {  	s7 =	sadd.s32 $0x80000, s12;
	[smem:$0x7D7] =	sst s25  }
0x2e: {  	s26 =	sadd.s32 $0xBC0, s9;
	[smem:$0x7EA] =	sst s7  }
0x2f: {  	s9 =	sor.u32 $0x1000, s8;
	[smem:$0x7D8] =	sst s26  }
0x30: {  	s10 =	sadd.s32 $0x8000, s12;
	[smem:$0x7DA] =	sst s9  }
0x31: {  	s11 =	sadd.s32 $0x10000, s12;
	[smem:$0x7DB] =	sst s10  }
0x32: {  	s13 =	sadd.s32 $0x18000, s12;
	[smem:$0x7DC] =	sst s11  }
0x33: {  	s14 =	sadd.s32 $0x20000, s12;
	[smem:$0x7DD] =	sst s13  }
0x34: {  	s15 =	sadd.s32 $0x28000, s12;
	[smem:$0x7DE] =	sst s14  }
0x35: {  	s16 =	sadd.s32 $0x30000, s12;
	[smem:$0x7DF] =	sst s15  }
0x36: {  	s17 =	sadd.s32 $0x38000, s12;
	[smem:$0x7E0] =	sst s16  }
0x37: {  	s18 =	sadd.s32 $0x40000, s12;
	[smem:$0x7E1] =	sst s17  }
0x38: {  	s19 =	sadd.s32 $0x48000, s12;
	[smem:$0x7E2] =	sst s18  }
0x39: {  	s21 =	sadd.s32 $0x50000, s12;
	[smem:$0x7E3] =	sst s19  }
0x3a: {  	s22 =	sadd.s32 $0x58000, s12;
	[smem:$0x7E4] =	sst s21  }
0x3b: {  	s23 =	sadd.s32 $0x60000, s12;
	[smem:$0x7E5] =	sst s22  }
0x3c: {  	s24 =	sadd.s32 $0x68000, s12;
	[smem:$0x7E6] =	sst s23  }
0x3d: {  	s25 =	sadd.s32 $0x70000, s12;
	[smem:$0x7E7] =	sst s24  }
0x3e: {  	s20 =	sor.u32 $0x800, s8;
	s8 =	sadd.s32 $0x88000, s12;
	[smem:$0x7E8] =	sst s25  }
0x3f: {  	s26 =	sadd.s32 $0x78000, s12;
	[smem:$0x7EB] =	sst s8  }
0x40: {  	s9 =	sadd.s32 $0x90000, s12;
	[smem:$0x7E9] =	sst s26  }
0x41: {  	s10 =	sadd.s32 $0x98000, s12;
	[smem:$0x7EC] =	sst s9  }
0x42: {  	s11 =	sadd.s32 $0xA0000, s12;
	[smem:$0x7ED] =	sst s10  }
0x43: {  	s12 =	sadd.s32 $0x40, s0;
	[smem:$0x7EE] =	sst s11  }
0x44: {  	s13 =	sadd.s32 $0x80, s0;
	[smem:$0x7EF] =	sst s12  }
0x45: {  	s14 =	sadd.s32 $0xC0, s0;
	[smem:$0x7F0] =	sst s13  }
0x46: {  	s15 =	sadd.s32 $0x100, s0;
	[smem:$0x7F1] =	sst s14  }
0x47: {  	s16 =	sadd.s32 $0x140, s0;
	[smem:$0x7F2] =	sst s15  }
0x48: {  	s17 =	sadd.s32 $0x180, s0;
	[smem:$0x7F3] =	sst s16  }
0x49: {  	s18 =	sadd.s32 $0x1C0, s0;
	[smem:$0x7F4] =	sst s17  }
0x4a: {  	s28 =	simm.s32 $0x13800;
	s19 =	sadd.s32 $0x200, s0;
	[smem:$0x7F5] =	sst s18  }
0x4b: {  	s29 =	simm.s32 $0x14000;
	s21 =	sadd.s32 $0x240, s0;
	[smem:$0x7F6] =	sst s19  }
0x4c: {  	s30 =	simm.s32 $0x14800;
	s22 =	sadd.s32 $0x280, s0;
	[smem:$0x7F7] =	sst s21  }
0x4d: {  	s31 =	simm.s32 $0x15800;
	s23 =	sadd.s32 $0x2C0, s0;
	[smem:$0x7F8] =	sst s22  }
0x4e: {  	s1 =	simm.s32 $0x16000;
	s24 =	sadd.s32 $0x300, s0;
	[smem:$0x7F9] =	sst s23  }
0x4f: {  	s25 =	sadd.s32 $0x340, s0;
	s8 =	simm.s32 $0x0;
	[smem:$0x7FA] =	sst s24  }
0x50: {  	[smem:$0x7FB] =	sst s25;
	s26 =	sadd.s32 $0x380, s0;
	s0 =	sadd.s32 $0x3C0, s0  }
0x51: {  	s14 =	simm.s32 $0xE000;
	s15 =	simm.s32 $0xE800;
	s16 =	simm.s32 $0xF000  }
0x52: {  	s17 =	simm.s32 $0xF800;
	s18 =	simm.s32 $0x10000;
	s21 =	simm.s32 $0x10800  }
0x53: {  	s22 =	simm.s32 $0x11000;
	s23 =	simm.s32 $0x11800;
	s24 =	simm.s32 $0x12000  }
0x54: {  	s25 =	simm.s32 $0x12800;
	s19 =	simm.s32 $0x2;
	[smem:$0x7FC] =	sst s26  }
0x55: {  	v0 =	vimm.f32 $0.0e+00;
	v1 =	vimm.f32 $1.000000000e+00;
	[smem:$0x7FD] =	sst s0;
	s26 =	simm.s32 $0x13000;
	s0 =	simm.s32 $0x1  }
.LBB2_1:
0x56: {  	[smem:$0x7D3] =	sst s8;
	s7 =	simm.s32 $0x40;
	s8 =	simm.s32 $0x0  }
.LBB2_2:
0x57: {  	p0 =	sne.s32 s7, $0x17FC0;
	[tilespmem:s8+$0x16000] =	vst v0;
	s8 =	smov.u32 s7;
	s7 =	sadd.s32 $0x40, s7  }
.Ltmp0:
0x58: {  	(pc) =	sbr.rel @p0 .LBB2_2-.Ltmp0, $2  }
0x59: {  	_ =	sdelay $0x2  }
0x5a: {  	s8 =	sshra.s32 s8, $0x2  }
0x5b: {  	s7 =	rddreg [dreg:$0x2]  }
0x5c: {  	[tilespmem:s8+$0x16000] =	vst v0;
	s8 =	simm.s32 $0x0;
	s13 =	sld [smem:$0x7DB]  }
0x5d: {  	[tilespmem:s8], [sflag:$0x1] =	stream.linear.gather [hbm4b:s7+s8], $0x800, $0x38;
	[tilespmem:$0x1C000] =	vst v63  }
0x5e: {  	s9 =	simm.s32 $0x800;
	s10 =	sld [smem:$0x7DC]  }
0x5f: {  	[tilespmem:s9], [sflag:$0x1] =	stream.linear.gather [hbm4b:s13+s8], $0x800, $0x38;
	[tilespmem:$0x1C000] =	vst v63  }
0x60: {  	s11 =	simm.s32 $0x1000;
	s12 =	sld [smem:$0x7DD]  }
0x61: {  	[tilespmem:s11], [sflag:$0x1] =	stream.linear.gather [hbm4b:s10+s8], $0x800, $0x38;
	[tilespmem:$0x1C000] =	vst v63  }
0x62: {  	s13 =	simm.s32 $0x1800;
	s10 =	sld [smem:$0x7DE]  }
0x63: {  	[tilespmem:s13], [sflag:$0x1] =	stream.linear.gather [hbm4b:s12+s8], $0x800, $0x38;
	[tilespmem:$0x1C000] =	vst v63  }
0x64: {  	s11 =	simm.s32 $0x2000;
	s12 =	sld [smem:$0x7DF]  }
0x65: {  	[tilespmem:s11], [sflag:$0x1] =	stream.linear.gather [hbm4b:s10+s8], $0x800, $0x38;
	[tilespmem:$0x1C000] =	vst v63  }
0x66: {  	s13 =	simm.s32 $0x2800;
	s10 =	sld [smem:$0x7E0]  }
0x67: {  	[tilespmem:s13], [sflag:$0x1] =	stream.linear.gather [hbm4b:s12+s8], $0x800, $0x38;
	[tilespmem:$0x1C000] =	vst v63  }
0x68: {  	s11 =	simm.s32 $0x3000;
	s12 =	sld [smem:$0x7E1]  }
0x69: {  	[tilespmem:s11], [sflag:$0x1] =	stream.linear.gather [hbm4b:s10+s8], $0x800, $0x38;
	[tilespmem:$0x1C000] =	vst v63  }
0x6a: {  	s13 =	simm.s32 $0x3800;
	s10 =	sld [smem:$0x7E2]  }
0x6b: {  	[tilespmem:s13], [sflag:$0x1] =	stream.linear.gather [hbm4b:s12+s8], $0x800, $0x38;
	[tilespmem:$0x1C000] =	vst v63  }
0x6c: {  	s11 =	simm.s32 $0x4000;
	s12 =	sld [smem:$0x7E3]  }
0x6d: {  	[tilespmem:s11], [sflag:$0x1] =	stream.linear.gather [hbm4b:s10+s8], $0x800, $0x38;
	[tilespmem:$0x1C000] =	vst v63  }
0x6e: {  	s13 =	simm.s32 $0x4800;
	s10 =	sld [smem:$0x7E4]  }
0x6f: {  	[tilespmem:s13], [sflag:$0x1] =	stream.linear.gather [hbm4b:s12+s8], $0x800, $0x38;
	[tilespmem:$0x1C000] =	vst v63  }
0x70: {  	s11 =	simm.s32 $0x5000;
	s12 =	sld [smem:$0x7E5]  }
0x71: {  	[tilespmem:s11], [sflag:$0x1] =	stream.linear.gather [hbm4b:s10+s8], $0x800, $0x38;
	[tilespmem:$0x1C000] =	vst v63  }
0x72: {  	s13 =	simm.s32 $0x5800;
	s10 =	sld [smem:$0x7E6]  }
0x73: {  	[tilespmem:s13], [sflag:$0x1] =	stream.linear.gather [hbm4b:s12+s8], $0x800, $0x38;
	[tilespmem:$0x1C000] =	vst v63  }
0x74: {  	s11 =	simm.s32 $0x6000;
	s12 =	sld [smem:$0x7E7]  }
0x75: {  	[tilespmem:s11], [sflag:$0x1] =	stream.linear.gather [hbm4b:s10+s8], $0x800, $0x38;
	[tilespmem:$0x1C000] =	vst v63  }
0x76: {  	s13 =	simm.s32 $0x6800;
	s10 =	sld [smem:$0x7E8]  }
0x77: {  	[tilespmem:s13], [sflag:$0x1] =	stream.linear.gather [hbm4b:s12+s8], $0x800, $0x38;
	[tilespmem:$0x1C000] =	vst v63  }
0x78: {  	s11 =	simm.s32 $0x7000;
	s12 =	sld [smem:$0x7E9]  }
0x79: {  	[tilespmem:s11], [sflag:$0x1] =	stream.linear.gather [hbm4b:s10+s8], $0x800, $0x38;
	[tilespmem:$0x1C000] =	vst v63  }
0x7a: {  	s13 =	simm.s32 $0x7800;
	s10 =	sld [smem:$0x7EA]  }
0x7b: {  	[tilespmem:s13], [sflag:$0x1] =	stream.linear.gather [hbm4b:s12+s8], $0x800, $0x38;
	[tilespmem:$0x1C000] =	vst v63  }
0x7c: {  	s11 =	simm.s32 $0x8000;
	s12 =	sld [smem:$0x7EB]  }
0x7d: {  	[tilespmem:s11], [sflag:$0x1] =	stream.linear.gather [hbm4b:s10+s8], $0x800, $0x38;
	[tilespmem:$0x1C000] =	vst v63  }
0x7e: {  	s13 =	simm.s32 $0x8800;
	s10 =	sld [smem:$0x7EC]  }
0x7f: {  	[tilespmem:s13], [sflag:$0x1] =	stream.linear.gather [hbm4b:s12+s8], $0x800, $0x38;
	[tilespmem:$0x1C000] =	vst v63  }
0x80: {  	s11 =	simm.s32 $0x9000;
	s12 =	sld [smem:$0x7ED]  }
0x81: {  	[tilespmem:s11], [sflag:$0x1] =	stream.linear.gather [hbm4b:s10+s8], $0x800, $0x38;
	[tilespmem:$0x1C000] =	vst v63  }
0x82: {  	s13 =	simm.s32 $0x9800;
	s10 =	sld [smem:$0x7EE]  }
0x83: {  	[tilespmem:s13], [sflag:$0x1] =	stream.linear.gather [hbm4b:s12+s8], $0x800, $0x38;
	[tilespmem:$0x1C000] =	vst v63  }
0x84: {  	s11 =	simm.s32 $0xA000  }
0x85: {  	[tilespmem:s11], [sflag:$0x1] =	stream.linear.gather [hbm4b:s10+s8], $0x800, $0x38;
	[tilespmem:$0x1C000] =	vst v63  }
0x86: {  	s9 =	simm.s32 $0x0;
	s12 =	rddreg [dreg:$0x3];
	s13 =	simm.s32 $0x15000  }
0x87: {  	[tilespmem:s13], [sflag:$0x1] =	stream.linear.gather [hbm4b:s12+s8], $0x800, $0x38;
	[tilespmem:$0x1C000] =	vst v63  }
.LBB2_5:
0x88: {  	s7 =	sshll.u32 s9, $0xC  }
0x89: {  	s10 =	sor.u32 s20, s7  }
0x8a: {  	s11 =	sor.u32 s5, s10  }
0x8b: {  	s11 =	sshrl.u32 s11, $0x3  }
0x8c: {  	s12 =	simm.s32 $0xA800;
	s11 =	sadd.s32 s3, s11  }
0x8d: {  	[tilespmem:s12], [sflag:$0x2] =	stream.linear.gather [hbm4b:s11+s8], $0x800, $0x38;
	[tilespmem:$0x1C000] =	vst v63  }
0x8e: {  	s13 =	simm.s32 $0xB000;
	s12 =	sadd.s32 $0x8000, s11  }
0x8f: {  	[tilespmem:s13], [sflag:$0x2] =	stream.linear.gather [hbm4b:s12+s8], $0x800, $0x38;
	[tilespmem:$0x1C000] =	vst v63  }
0x90: {  	s12 =	sadd.s32 $0x10000, s11;
	s13 =	simm.s32 $0xB800  }
0x91: {  	[tilespmem:s13], [sflag:$0x2] =	stream.linear.gather [hbm4b:s12+s8], $0x800, $0x38;
	[tilespmem:$0x1C000] =	vst v63  }
0x92: {  	s12 =	sadd.s32 $0x18000, s11;
	s13 =	simm.s32 $0xC000  }
0x93: {  	[tilespmem:s13], [sflag:$0x2] =	stream.linear.gather [hbm4b:s12+s8], $0x800, $0x38;
	[tilespmem:$0x1C000] =	vst v63  }
0x94: {  	s12 =	sadd.s32 $0x20000, s11;
	s13 =	simm.s32 $0xC800  }
0x95: {  	[tilespmem:s13], [sflag:$0x2] =	stream.linear.gather [hbm4b:s12+s8], $0x800, $0x38;
	[tilespmem:$0x1C000] =	vst v63  }
0x96: {  	s12 =	sadd.s32 $0x28000, s11;
	s13 =	simm.s32 $0xD000  }
0x97: {  	[tilespmem:s13], [sflag:$0x2] =	stream.linear.gather [hbm4b:s12+s8], $0x800, $0x38;
	[tilespmem:$0x1C000] =	vst v63  }
0x98: {  	s12 =	sadd.s32 $0x30000, s11;
	s13 =	simm.s32 $0xD800  }
0x99: {  	[tilespmem:s13], [sflag:$0x2] =	stream.linear.gather [hbm4b:s12+s8], $0x800, $0x38;
	[tilespmem:$0x1C000] =	vst v63  }
0x9a: {  	s13 =	sadd.s32 $0x38000, s11  }
0x9b: {  	[tilespmem:s14], [sflag:$0x2] =	stream.linear.gather [hbm4b:s13+s8], $0x800, $0x38;
	[tilespmem:$0x1C000] =	vst v63  }
0x9c: {  	s13 =	sadd.s32 $0x40000, s11  }
0x9d: {  	[tilespmem:s15], [sflag:$0x2] =	stream.linear.gather [hbm4b:s13+s8], $0x800, $0x38;
	[tilespmem:$0x1C000] =	vst v63  }
0x9e: {  	s13 =	sadd.s32 $0x48000, s11  }
0x9f: {  	[tilespmem:s16], [sflag:$0x2] =	stream.linear.gather [hbm4b:s13+s8], $0x800, $0x38;
	[tilespmem:$0x1C000] =	vst v63  }
0xa0: {  	s13 =	sadd.s32 $0x50000, s11  }
0xa1: {  	[tilespmem:s17], [sflag:$0x2] =	stream.linear.gather [hbm4b:s13+s8], $0x800, $0x38;
	[tilespmem:$0x1C000] =	vst v63  }
0xa2: {  	s13 =	sadd.s32 $0x58000, s11  }
0xa3: {  	[tilespmem:s18], [sflag:$0x2] =	stream.linear.gather [hbm4b:s13+s8], $0x800, $0x38;
	[tilespmem:$0x1C000] =	vst v63  }
0xa4: {  	s13 =	sadd.s32 $0x60000, s11  }
0xa5: {  	[tilespmem:s21], [sflag:$0x2] =	stream.linear.gather [hbm4b:s13+s8], $0x800, $0x38;
	[tilespmem:$0x1C000] =	vst v63  }
0xa6: {  	s13 =	sadd.s32 $0x68000, s11  }
0xa7: {  	[tilespmem:s22], [sflag:$0x2] =	stream.linear.gather [hbm4b:s13+s8], $0x800, $0x38;
	[tilespmem:$0x1C000] =	vst v63  }
0xa8: {  	s13 =	sadd.s32 $0x70000, s11  }
0xa9: {  	[tilespmem:s23], [sflag:$0x2] =	stream.linear.gather [hbm4b:s13+s8], $0x800, $0x38;
	[tilespmem:$0x1C000] =	vst v63  }
0xaa: {  	s13 =	sadd.s32 $0x78000, s11  }
0xab: {  	[tilespmem:s24], [sflag:$0x2] =	stream.linear.gather [hbm4b:s13+s8], $0x800, $0x38;
	[tilespmem:$0x1C000] =	vst v63  }
0xac: {  	s13 =	sadd.s32 $0x80000, s11  }
0xad: {  	[tilespmem:s25], [sflag:$0x2] =	stream.linear.gather [hbm4b:s13+s8], $0x800, $0x38;
	[tilespmem:$0x1C000] =	vst v63  }
0xae: {  	s13 =	sadd.s32 $0x88000, s11  }
0xaf: {  	[tilespmem:s26], [sflag:$0x2] =	stream.linear.gather [hbm4b:s13+s8], $0x800, $0x38;
	[tilespmem:$0x1C000] =	vst v63  }
0xb0: {  	s13 =	sadd.s32 $0x90000, s11  }
0xb1: {  	[tilespmem:s28], [sflag:$0x2] =	stream.linear.gather [hbm4b:s13+s8], $0x800, $0x38;
	[tilespmem:$0x1C000] =	vst v63  }
0xb2: {  	s10 =	sor.u32 s6, s10;
	s13 =	sadd.s32 $0x98000, s11  }
0xb3: {  	[tilespmem:s29], [sflag:$0x2] =	stream.linear.gather [hbm4b:s13+s8], $0x800, $0x38;
	[tilespmem:$0x1C000] =	vst v63  }
0xb4: {  	s10 =	sshrl.u32 s10, $0x3;
	s11 =	sadd.s32 $0xA0000, s11  }
0xb5: {  	[tilespmem:s30], [sflag:$0x2] =	stream.linear.gather [hbm4b:s11+s8], $0x800, $0x38;
	[tilespmem:$0x1C000] =	vst v63  }
0xb6: {  	s10 =	sadd.s32 s4, s10  }
0xb7: {  	[tilespmem:s31], [sflag:$0x2] =	stream.linear.gather [hbm4b:s10+s8], $0x800, $0x38;
	[tilespmem:$0x1C000] =	vst v63  }
0xb8: {  	_ =	swait.ge [sflag:s0], $0x800  }
0xb9: {  	[sflag:s0] =	ssyncset.done $0x0  }
0xba: {  	[sflag:s0] =	ssyncadd.s32 $0xFFFFF800  }
0xbb: {  	_ =	swait.ge [sflag:s0], $0x800  }
0xbc: {  	[sflag:s0] =	ssyncset.done $0x0  }
0xbd: {  	[sflag:s0] =	ssyncadd.s32 $0xFFFFF800  }
0xbe: {  	_ =	swait.ge [sflag:s0], $0x800  }
0xbf: {  	[sflag:s0] =	ssyncset.done $0x0  }
0xc0: {  	[sflag:s0] =	ssyncadd.s32 $0xFFFFF800  }
0xc1: {  	_ =	swait.ge [sflag:s0], $0x800  }
0xc2: {  	[sflag:s0] =	ssyncset.done $0x0  }
0xc3: {  	[sflag:s0] =	ssyncadd.s32 $0xFFFFF800  }
0xc4: {  	_ =	swait.ge [sflag:s0], $0x800  }
0xc5: {  	[sflag:s0] =	ssyncset.done $0x0  }
0xc6: {  	[sflag:s0] =	ssyncadd.s32 $0xFFFFF800  }
0xc7: {  	_ =	swait.ge [sflag:s0], $0x800  }
0xc8: {  	[sflag:s0] =	ssyncset.done $0x0  }
0xc9: {  	[sflag:s0] =	ssyncadd.s32 $0xFFFFF800  }
0xca: {  	_ =	swait.ge [sflag:s0], $0x800  }
0xcb: {  	[sflag:s0] =	ssyncset.done $0x0  }
0xcc: {  	[sflag:s0] =	ssyncadd.s32 $0xFFFFF800  }
0xcd: {  	_ =	swait.ge [sflag:s0], $0x800  }
0xce: {  	[sflag:s0] =	ssyncset.done $0x0  }
0xcf: {  	[sflag:s0] =	ssyncadd.s32 $0xFFFFF800  }
0xd0: {  	_ =	swait.ge [sflag:s0], $0x800  }
0xd1: {  	[sflag:s0] =	ssyncset.done $0x0  }
0xd2: {  	[sflag:s0] =	ssyncadd.s32 $0xFFFFF800  }
0xd3: {  	_ =	swait.ge [sflag:s0], $0x800  }
0xd4: {  	[sflag:s0] =	ssyncset.done $0x0  }
0xd5: {  	[sflag:s0] =	ssyncadd.s32 $0xFFFFF800  }
0xd6: {  	_ =	swait.ge [sflag:s0], $0x800  }
0xd7: {  	[sflag:s0] =	ssyncset.done $0x0  }
0xd8: {  	[sflag:s0] =	ssyncadd.s32 $0xFFFFF800  }
0xd9: {  	_ =	swait.ge [sflag:s0], $0x800  }
0xda: {  	[sflag:s0] =	ssyncset.done $0x0  }
0xdb: {  	[sflag:s0] =	ssyncadd.s32 $0xFFFFF800  }
0xdc: {  	_ =	swait.ge [sflag:s0], $0x800  }
0xdd: {  	[sflag:s0] =	ssyncset.done $0x0  }
0xde: {  	[sflag:s0] =	ssyncadd.s32 $0xFFFFF800  }
0xdf: {  	_ =	swait.ge [sflag:s0], $0x800  }
0xe0: {  	[sflag:s0] =	ssyncset.done $0x0  }
0xe1: {  	[sflag:s0] =	ssyncadd.s32 $0xFFFFF800  }
0xe2: {  	_ =	swait.ge [sflag:s0], $0x800  }
0xe3: {  	[sflag:s0] =	ssyncset.done $0x0  }
0xe4: {  	[sflag:s0] =	ssyncadd.s32 $0xFFFFF800  }
0xe5: {  	_ =	swait.ge [sflag:s0], $0x800  }
0xe6: {  	[sflag:s0] =	ssyncset.done $0x0  }
0xe7: {  	[sflag:s0] =	ssyncadd.s32 $0xFFFFF800  }
0xe8: {  	_ =	swait.ge [sflag:s0], $0x800  }
0xe9: {  	[sflag:s0] =	ssyncset.done $0x0  }
0xea: {  	[sflag:s0] =	ssyncadd.s32 $0xFFFFF800  }
0xeb: {  	_ =	swait.ge [sflag:s0], $0x800  }
0xec: {  	[sflag:s0] =	ssyncset.done $0x0  }
0xed: {  	[sflag:s0] =	ssyncadd.s32 $0xFFFFF800  }
0xee: {  	_ =	swait.ge [sflag:s0], $0x800  }
0xef: {  	[sflag:s0] =	ssyncset.done $0x0  }
0xf0: {  	[sflag:s0] =	ssyncadd.s32 $0xFFFFF800  }
0xf1: {  	_ =	swait.ge [sflag:s0], $0x800  }
0xf2: {  	[sflag:s0] =	ssyncset.done $0x0  }
0xf3: {  	[sflag:s0] =	ssyncadd.s32 $0xFFFFF800  }
0xf4: {  	_ =	swait.ge [sflag:s0], $0x800  }
0xf5: {  	[sflag:s0] =	ssyncset.done $0x0  }
0xf6: {  	[sflag:s0] =	ssyncadd.s32 $0xFFFFF800  }
0xf7: {  	_ =	swait.ge [sflag:s0], $0x800  }
0xf8: {  	[sflag:s0] =	ssyncset.done $0x0  }
0xf9: {  	s10 =	simm.s32 $0x0;
	[sflag:s0] =	ssyncadd.s32 $0xFFFFF800  }
.LBB2_6:
0xfa: {  	s11 =	sshra.s32 s10, $0x2  }
0xfb: {  	v2 =	vld [tilespmem:s11+$0x0]  }
0xfc: {  	v3 =	vld [tilespmem:s11+$0x800]  }
0xfd: {  	v4 =	vld [tilespmem:s11+$0x1000]  }
0xfe: {  	v5 =	vld [tilespmem:s11+$0x1800]  }
0xff: {  	v6 =	vld [tilespmem:s11+$0x2000]  }
0x100: {  	v7 =	vld [tilespmem:s11+$0x2800];
	v2 =	vmul.f32 $1.442695020e+00, v2  }
0x101: {  	v8 =	vld [tilespmem:s11+$0x3000];
	v3 =	vmul.f32 $1.442695020e+00, v3  }
0x102: {  	v39 =	vld [tilespmem:s11+$0x3800];
	(erf) = vpow2.f32 v2;
	v2 =	vmul.f32 $1.442695020e+00, v4  }
0x103: {  	v40 =	vld [tilespmem:s11+$0x4000];
	(erf) = vpow2.f32 v3;
	v3 =	vmul.f32 $1.442695020e+00, v5  }
0x104: {  	v41 =	vld [tilespmem:s11+$0x4800];
	(erf) = vpow2.f32 v2;
	v2 =	vmul.f32 $1.442695020e+00, v6  }
0x105: {  	v42 =	vld [tilespmem:s11+$0x5000];
	(erf) = vpow2.f32 v3;
	v3 =	vmul.f32 $1.442695020e+00, v7  }
0x106: {  	v43 =	vld [tilespmem:s11+$0x5800];
	(erf) = vpow2.f32 v2;
	v2 =	vmul.f32 $1.442695020e+00, v8  }
0x107: {  	v44 =	vld [tilespmem:s11+$0x6000];
	(erf) = vpow2.f32 v3;
	v3 =	vmul.f32 $1.442695020e+00, v39  }
0x108: {  	v45 =	vld [tilespmem:s11+$0x6800];
	(erf) = vpow2.f32 v2;
	v2 =	vmul.f32 $1.442695020e+00, v40  }
0x109: {  	v46 =	vld [tilespmem:s11+$0x7000];
	(erf) = vpow2.f32 v3;
	v3 =	vmul.f32 $1.442695020e+00, v41  }
0x10a: {  	v47 =	vld [tilespmem:s11+$0x7800];
	(erf) = vpow2.f32 v2;
	v2 =	vmul.f32 $1.442695020e+00, v42  }
0x10b: {  	v48 =	vld [tilespmem:s11+$0x8000];
	v12 =	vpop (erf);
	(erf) = vpow2.f32 v3;
	v3 =	vmul.f32 $1.442695020e+00, v43  }
0x10c: {  	v49 =	vld [tilespmem:s11+$0x8800];
	v13 =	vpop (erf);
	(erf) = vpow2.f32 v2;
	v2 =	vmul.f32 $1.442695020e+00, v44  }
0x10d: {  	v50 =	vld [tilespmem:s11+$0x9000];
	v14 =	vpop (erf);
	(erf) = vpow2.f32 v3;
	v3 =	vmul.f32 $1.442695020e+00, v45  }
0x10e: {  	v15 =	vpop (erf);
	(erf) = vpow2.f32 v2;
	v2 =	vmul.f32 $1.442695020e+00, v46  }
0x10f: {  	v16 =	vpop (erf);
	(erf) = vpow2.f32 v3;
	v3 =	vmul.f32 $1.442695020e+00, v47  }
0x110: {  	v51 =	vld [tilespmem:s11+$0x9800];
	v17 =	vpop (erf);
	(erf) = vpow2.f32 v2;
	v2 =	vmul.f32 $1.442695020e+00, v48  }
0x111: {  	v18 =	vpop (erf);
	(erf) = vpow2.f32 v3;
	v3 =	vmul.f32 $1.442695020e+00, v49  }
0x112: {  	v19 =	vpop (erf);
	(erf) = vpow2.f32 v2;
	v2 =	vmul.f32 $1.442695020e+00, v50  }
0x113: {  	v20 =	vpop (erf);
	(erf) = vpow2.f32 v3  }
0x114: {  	v21 =	vpop (erf);
	(erf) = vpow2.f32 v2;
	v2 =	vld [tilespmem:s11+$0xA000]  }
0x115: {  	v3 =	vmul.f32 $1.442695020e+00, v51;
	_ =	sdelay $0x1  }
0x116: {  	v22 =	vpop (erf);
	(erf) = vpow2.f32 v3  }
0x117: {  	v23 =	vpop (erf)  }
0x118: {  	v24 =	vpop (erf);
	v2 =	vmul.f32 $1.442695020e+00, v2  }
0x119: {  	v11 =	vpop (erf)  }
0x11a: {  	v53 =	vadd.f32 v17, v16;
	v25 =	vadd.f32 v19, v18;
	v10 =	vpop (erf);
	(erf) = vpow2.f32 v2  }
0x11b: {  	v52 =	vadd.f32 v15, v14;
	v26 =	vadd.f32 v21, v20;
	v9 =	vpop (erf)  }
0x11c: {  	v54 =	vadd.f32 v25, v53;
	v27 =	vadd.f32 v23, v22;
	v8 =	vpop (erf)  }
0x11d: {  	v28 =	vadd.f32 v11, v24;
	v2 =	vadd.f32 v13, v12;
	v7 =	vpop (erf)  }
0x11e: {  	v55 =	vadd.f32 v27, v26;
	v29 =	vadd.f32 v9, v10;
	v5 =	vpop (erf)  }
0x11f: {  	v30 =	vadd.f32 v7, v8;
	v2 =	vadd.f32 v52, v2;
	v3 =	vpop (erf)  }
0x120: {  	v56 =	vadd.f32 v29, v28;
	v31 =	vadd.f32 v3, v5  }
0x121: {  	v2 =	vadd.f32 v54, v2  }
0x122: {  	v6 =	vadd.f32 v56, v55;
	v57 =	vadd.f32 v31, v30  }
0x123: {  	v4 =	vpop (erf)  }
0x124: {  	v2 =	vadd.f32 v6, v2;
	v58 =	vadd.f32 v57, v4;
	_ =	sdelay $0x1  }
0x125: {  	v2 =	vadd.f32 v58, v2;
	_ =	sdelay $0x1  }
0x126: {  	(erf) = vrcp.f32 v2;
	_ =	sdelay $0x8  }
0x127: {  	v2 =	vpop (erf)  }
0x128: {  	v6 =	vmul.f32 $5.120000000e+02, v2;
	_ =	sdelay $0x1  }
0x129: {  	v12 =	vmul.f32 v6, v12;
	v13 =	vmul.f32 v6, v13  }
0x12a: {  	v14 =	vmul.f32 v6, v14;
	v15 =	vmul.f32 v6, v15  }
0x12b: {  	v16 =	vmul.f32 v6, v16;
	v17 =	vmul.f32 v6, v17  }
0x12c: {  	v18 =	vmul.f32 v6, v18;
	v19 =	vmul.f32 v6, v19  }
0x12d: {  	v20 =	vmul.f32 v6, v20;
	v36 =	vmul.f32 v6, v21  }
0x12e: {  	v38 =	vmul.f32 v6, v22;
	v40 =	vmul.f32 v6, v23  }
0x12f: {  	v45 =	vmul.f32 v6, v24;
	v11 =	vmul.f32 v6, v11  }
0x130: {  	v2 =	vld [tilespmem:s11+$0x15000];
	v10 =	vmul.f32 v6, v10;
	v9 =	vmul.f32 v6, v9  }
0x131: {  	v8 =	vmul.f32 v6, v8;
	v7 =	vmul.f32 v6, v7  }
0x132: {  	v5 =	vmul.f32 v6, v5;
	v3 =	vmul.f32 v6, v3;
	v12 =	vmin.f32 v12, $5.115000000e+02  }
0x133: {  	v4 =	vmul.f32 v6, v4;
	v13 =	vmin.f32 v13, $5.115000000e+02;
	v12 =	vtrunc.f32 v12  }
0x134: {  	v13 =	vtrunc.f32 v13;
	v12 =	vcvt.f32.s32 v12  }
0x135: {  	v14 =	vmin.f32 v14, $5.115000000e+02;
	vm1 =	veq.s32 v2, $0x0;
	v13 =	vcvt.f32.s32 v13  }
0x136: {  	v15 =	vmin.f32 v15, $5.115000000e+02;
	v14 =	vtrunc.f32 v14;
	v59 =	vsub.s32 $0x31FF, v12  }
0x137: {  	vm4 =	veq.s32 v2, $0x1;
	v14 =	vcvt.f32.s32 v14;
	v60 =	vadd.s32 $0x200, v13  }
0x138: {  	v16 =	vmin.f32 v16, $5.115000000e+02;
	v15 =	vtrunc.f32 v15;
	v13 =	vsub.s32 $0x33FF, v13  }
0x139: {  	vm2 =	veq.s32 v2, $0x2;
	v15 =	vcvt.f32.s32 v15;
	v61 =	vadd.s32 $0x400, v14  }
0x13a: {  	v17 =	vmin.f32 v17, $5.115000000e+02;
	v16 =	vtrunc.f32 v16;
	v14 =	vsub.s32 $0x35FF, v14;
	[tilespmem:v12+s1+$0x0] =	vst.idx.add.f32.msk $0xffff, v1  }
0x13b: {  	vm3 =	veq.s32 v2, $0x3;
	v16 =	vcvt.f32.s32 v16;
	v62 =	vadd.s32 $0x600, v15;
	[tilespmem:v59+s1+$0x0] =	vst.idx.add.f32.msk vm1, v1  }
0x13c: {  	v18 =	vmin.f32 v18, $5.115000000e+02;
	v17 =	vtrunc.f32 v17;
	v15 =	vsub.s32 $0x37FF, v15;
	[tilespmem:v60+s1+$0x0] =	vst.idx.add.f32.msk $0xffff, v1  }
0x13d: {  	vm0 =	veq.s32 v2, $0x4;
	v17 =	vcvt.f32.s32 v17;
	v63 =	vadd.s32 $0x800, v16;
	[tilespmem:v13+s1+$0x0] =	vst.idx.add.f32.msk vm4, v1  }
0x13e: {  	v19 =	vmin.f32 v19, $5.115000000e+02;
	v18 =	vtrunc.f32 v18;
	v31 =	vsub.s32 $0x39FF, v16;
	[tilespmem:v61+s1+$0x0] =	vst.idx.add.f32.msk $0xffff, v1  }
0x13f: {  	vm10 =	veq.s32 v2, $0x5;
	v18 =	vcvt.f32.s32 v18;
	v32 =	vadd.s32 $0xA00, v17;
	[tilespmem:v14+s1+$0x0] =	vst.idx.add.f32.msk vm2, v1  }
0x140: {  	v35 =	vmin.f32 v20, $5.115000000e+02;
	v19 =	vtrunc.f32 v19;
	v17 =	vsub.s32 $0x3BFF, v17;
	[tilespmem:v62+s1+$0x0] =	vst.idx.add.f32.msk $0xffff, v1  }
0x141: {  	vm11 =	veq.s32 v2, $0x6;
	v34 =	vcvt.f32.s32 v19;
	v33 =	vadd.s32 $0xC00, v18;
	[tilespmem:v15+s1+$0x0] =	vst.idx.add.f32.msk vm3, v1  }
0x142: {  	v20 =	vmin.f32 v36, $5.115000000e+02;
	v19 =	vtrunc.f32 v35;
	v18 =	vsub.s32 $0x3DFF, v18;
	[tilespmem:v63+s1+$0x0] =	vst.idx.add.f32.msk $0xffff, v1  }
0x143: {  	vm12 =	veq.s32 v2, $0x7;
	v19 =	vcvt.f32.s32 v19;
	v37 =	vadd.s32 $0xE00, v34;
	[tilespmem:v31+s1+$0x0] =	vst.idx.add.f32.msk vm0, v1  }
0x144: {  	v21 =	vmin.f32 v38, $5.115000000e+02;
	v20 =	vtrunc.f32 v20;
	v13 =	vsub.s32 $0x3FFF, v34;
	[tilespmem:v32+s1+$0x0] =	vst.idx.add.f32.msk $0xffff, v1  }
0x145: {  	vm13 =	veq.s32 v2, $0x8;
	v20 =	vcvt.f32.s32 v20;
	v39 =	vadd.s32 $0x1000, v19;
	[tilespmem:v17+s1+$0x0] =	vst.idx.add.f32.msk vm10, v1  }
0x146: {  	v44 =	vmin.f32 v40, $5.115000000e+02;
	v21 =	vtrunc.f32 v21;
	v41 =	vsub.s32 $0x41FF, v19;
	[tilespmem:v33+s1+$0x0] =	vst.idx.add.f32.msk $0xffff, v1  }
0x147: {  	vm14 =	veq.s32 v2, $0x9;
	v43 =	vcvt.f32.s32 v21;
	v42 =	vadd.s32 $0x1200, v20;
	[tilespmem:v18+s1+$0x0] =	vst.idx.add.f32.msk vm11, v1  }
0x148: {  	v22 =	vmin.f32 v45, $5.115000000e+02;
	v47 =	vtrunc.f32 v44;
	v46 =	vsub.s32 $0x43FF, v20;
	[tilespmem:v37+s1+$0x0] =	vst.idx.add.f32.msk $0xffff, v1  }
0x149: {  	vm15 =	veq.s32 v2, $0xA;
	v48 =	vadd.s32 $0x1400, v43;
	v20 =	vcvt.f32.s32 v47;
	[tilespmem:v13+s1+$0x0] =	vst.idx.add.f32.msk vm12, v1  }
0x14a: {  	v11 =	vmin.f32 v11, $5.115000000e+02;
	v49 =	vtrunc.f32 v22;
	v50 =	vsub.s32 $0x45FF, v43;
	[tilespmem:v39+s1+$0x0] =	vst.idx.add.f32.msk $0xffff, v1  }
0x14b: {  	vm6 =	veq.s32 v2, $0xB;
	v51 =	vadd.s32 $0x1600, v20;
	v18 =	vcvt.f32.s32 v49;
	[tilespmem:v41+s1+$0x0] =	vst.idx.add.f32.msk vm13, v1  }
0x14c: {  	v10 =	vmin.f32 v10, $5.115000000e+02;
	v11 =	vtrunc.f32 v11;
	v52 =	vsub.s32 $0x47FF, v20;
	[tilespmem:v42+s1+$0x0] =	vst.idx.add.f32.msk $0xffff, v1  }
0x14d: {  	vm7 =	veq.s32 v2, $0xC;
	v11 =	vcvt.f32.s32 v11;
	v53 =	vadd.s32 $0x1800, v18;
	[tilespmem:v46+s1+$0x0] =	vst.idx.add.f32.msk vm14, v1  }
0x14e: {  	v9 =	vmin.f32 v9, $5.115000000e+02;
	v10 =	vtrunc.f32 v10;
	v54 =	vsub.s32 $0x49FF, v18;
	[tilespmem:v48+s1+$0x0] =	vst.idx.add.f32.msk $0xffff, v1  }
0x14f: {  	vm8 =	veq.s32 v2, $0xD;
	v10 =	vcvt.f32.s32 v10;
	v55 =	vadd.s32 $0x1A00, v11;
	[tilespmem:v50+s1+$0x0] =	vst.idx.add.f32.msk vm15, v1  }
0x150: {  	v8 =	vmin.f32 v8, $5.115000000e+02;
	v9 =	vtrunc.f32 v9;
	v11 =	vsub.s32 $0x4BFF, v11;
	[tilespmem:v51+s1+$0x0] =	vst.idx.add.f32.msk $0xffff, v1  }
0x151: {  	vm9 =	veq.s32 v2, $0xE;
	v9 =	vcvt.f32.s32 v9;
	v56 =	vadd.s32 $0x1C00, v10;
	[tilespmem:v52+s1+$0x0] =	vst.idx.add.f32.msk vm6, v1  }
0x152: {  	v7 =	vmin.f32 v7, $5.115000000e+02;
	v8 =	vtrunc.f32 v8;
	v10 =	vsub.s32 $0x4DFF, v10;
	[tilespmem:v53+s1+$0x0] =	vst.idx.add.f32.msk $0xffff, v1  }
0x153: {  	v8 =	vcvt.f32.s32 v8;
	v57 =	vadd.s32 $0x1E00, v9;
	vm10 =	veq.s32 v2, $0xF;
	[tilespmem:v54+s1+$0x0] =	vst.idx.add.f32.msk vm7, v1  }
0x154: {  	v5 =	vmin.f32 v5, $5.115000000e+02;
	v7 =	vtrunc.f32 v7;
	v9 =	vsub.s32 $0x4FFF, v9;
	[tilespmem:v55+s1+$0x0] =	vst.idx.add.f32.msk $0xffff, v1  }
0x155: {  	v7 =	vcvt.f32.s32 v7;
	v58 =	vadd.s32 $0x2000, v8;
	vm11 =	veq.s32 v2, $0x10;
	[tilespmem:v11+s1+$0x0] =	vst.idx.add.f32.msk vm8, v1  }
0x156: {  	v3 =	vmin.f32 v3, $5.115000000e+02;
	v5 =	vtrunc.f32 v5;
	v8 =	vsub.s32 $0x51FF, v8;
	[tilespmem:v56+s1+$0x0] =	vst.idx.add.f32.msk $0xffff, v1  }
0x157: {  	v5 =	vcvt.f32.s32 v5;
	v59 =	vadd.s32 $0x2200, v7;
	vm12 =	veq.s32 v2, $0x11;
	[tilespmem:v10+s1+$0x0] =	vst.idx.add.f32.msk vm9, v1  }
0x158: {  	v4 =	vmin.f32 v4, $5.115000000e+02;
	v3 =	vtrunc.f32 v3;
	v60 =	vsub.s32 $0x53FF, v7;
	[tilespmem:v57+s1+$0x0] =	vst.idx.add.f32.msk $0xffff, v1  }
0x159: {  	v3 =	vcvt.f32.s32 v3;
	v61 =	vadd.s32 $0x2400, v5;
	vm13 =	veq.s32 v2, $0x12;
	[tilespmem:v9+s1+$0x0] =	vst.idx.add.f32.msk vm10, v1  }
0x15a: {  	v4 =	vtrunc.f32 v4;
	v5 =	vsub.s32 $0x55FF, v5;
	[tilespmem:v58+s1+$0x0] =	vst.idx.add.f32.msk $0xffff, v1  }
0x15b: {  	v4 =	vcvt.f32.s32 v4;
	v62 =	vadd.s32 $0x2600, v3;
	vm14 =	veq.s32 v2, $0x13;
	[tilespmem:v8+s1+$0x0] =	vst.idx.add.f32.msk vm11, v1  }
0x15c: {  	v3 =	vsub.s32 $0x57FF, v3;
	[tilespmem:v59+s1+$0x0] =	vst.idx.add.f32.msk $0xffff, v1  }
0x15d: {  	v63 =	vadd.s32 $0x2800, v4;
	vm15 =	veq.s32 v2, $0x14;
	[tilespmem:v60+s1+$0x0] =	vst.idx.add.f32.msk vm12, v1  }
0x15e: {  	p0 =	sne.s32 s10, $0x1FC0;
	v2 =	vsub.s32 $0x59FF, v4;
	[tilespmem:v61+s1+$0x0] =	vst.idx.add.f32.msk $0xffff, v1  }
.Ltmp1:
0x15f: {  	[tilespmem:v5+s1+$0x0] =	vst.idx.add.f32.msk vm13, v1;
	(pc) =	sbr.rel @p0 .LBB2_6-.Ltmp1, $4  }
0x160: {  	[tilespmem:v62+s1+$0x0] =	vst.idx.add.f32.msk $0xffff, v1  }
0x161: {  	[tilespmem:v3+s1+$0x0] =	vst.idx.add.f32.msk vm14, v1  }
0x162: {  	[tilespmem:v63+s1+$0x0] =	vst.idx.add.f32.msk $0xffff, v1  }
0x163: {  	s10 =	sadd.s32 $0x40, s10;
	[tilespmem:v2+s1+$0x0] =	vst.idx.add.f32.msk vm15, v1  }
0x164: {  	p0 =	seq.s32 s9, $0xF  }
.Ltmp2:
0x165: {  	_ = 	snop;
	(pc) =	sbr.rel @p0 .LBB2_9-.Ltmp2, $1  }
0x166: {  	_ =	sdelay $0x3  }
0x167: {  	s10 =	sld [smem:$0x7DA];
	_ =	sdelay $0x2  }
0x168: {  	s7 =	sadd.s32 s7, s10  }
0x169: {  	s10 =	sadd.s32 s5, s7  }
0x16a: {  	s10 =	sshrl.u32 s10, $0x3  }
0x16b: {  	s10 =	sadd.s32 s3, s10  }
0x16c: {  	[tilespmem:s2], [sflag:$0x1] =	stream.linear.gather [hbm4b:s10+s2], $0x800, $0x38;
	[tilespmem:$0x1C000] =	vst v63  }
0x16d: {  	s12 =	simm.s32 $0x800;
	s11 =	sadd.s32 $0x8000, s10  }
0x16e: {  	[tilespmem:s12], [sflag:$0x1] =	stream.linear.gather [hbm4b:s11+s2], $0x800, $0x38;
	[tilespmem:$0x1C000] =	vst v63  }
0x16f: {  	s13 =	simm.s32 $0x1000;
	s12 =	sadd.s32 $0x10000, s10  }
0x170: {  	[tilespmem:s13], [sflag:$0x1] =	stream.linear.gather [hbm4b:s12+s2], $0x800, $0x38;
	[tilespmem:$0x1C000] =	vst v63  }
0x171: {  	s12 =	sadd.s32 $0x18000, s10;
	s13 =	simm.s32 $0x1800  }
0x172: {  	[tilespmem:s13], [sflag:$0x1] =	stream.linear.gather [hbm4b:s12+s2], $0x800, $0x38;
	[tilespmem:$0x1C000] =	vst v63  }
0x173: {  	s12 =	sadd.s32 $0x20000, s10;
	s13 =	simm.s32 $0x2000  }
0x174: {  	[tilespmem:s13], [sflag:$0x1] =	stream.linear.gather [hbm4b:s12+s2], $0x800, $0x38;
	[tilespmem:$0x1C000] =	vst v63  }
0x175: {  	s12 =	sadd.s32 $0x28000, s10;
	s13 =	simm.s32 $0x2800  }
0x176: {  	[tilespmem:s13], [sflag:$0x1] =	stream.linear.gather [hbm4b:s12+s2], $0x800, $0x38;
	[tilespmem:$0x1C000] =	vst v63  }
0x177: {  	s12 =	sadd.s32 $0x30000, s10;
	s13 =	simm.s32 $0x3000  }
0x178: {  	[tilespmem:s13], [sflag:$0x1] =	stream.linear.gather [hbm4b:s12+s2], $0x800, $0x38;
	[tilespmem:$0x1C000] =	vst v63  }
0x179: {  	s12 =	sadd.s32 $0x38000, s10;
	s13 =	simm.s32 $0x3800  }
0x17a: {  	[tilespmem:s13], [sflag:$0x1] =	stream.linear.gather [hbm4b:s12+s2], $0x800, $0x38;
	[tilespmem:$0x1C000] =	vst v63  }
0x17b: {  	s12 =	sadd.s32 $0x40000, s10;
	s13 =	simm.s32 $0x4000  }
0x17c: {  	[tilespmem:s13], [sflag:$0x1] =	stream.linear.gather [hbm4b:s12+s2], $0x800, $0x38;
	[tilespmem:$0x1C000] =	vst v63  }
0x17d: {  	s12 =	sadd.s32 $0x48000, s10;
	s13 =	simm.s32 $0x4800  }
0x17e: {  	[tilespmem:s13], [sflag:$0x1] =	stream.linear.gather [hbm4b:s12+s2], $0x800, $0x38;
	[tilespmem:$0x1C000] =	vst v63  }
0x17f: {  	s12 =	sadd.s32 $0x50000, s10;
	s13 =	simm.s32 $0x5000  }
0x180: {  	[tilespmem:s13], [sflag:$0x1] =	stream.linear.gather [hbm4b:s12+s2], $0x800, $0x38;
	[tilespmem:$0x1C000] =	vst v63  }
0x181: {  	s12 =	sadd.s32 $0x58000, s10;
	s13 =	simm.s32 $0x5800  }
0x182: {  	[tilespmem:s13], [sflag:$0x1] =	stream.linear.gather [hbm4b:s12+s2], $0x800, $0x38;
	[tilespmem:$0x1C000] =	vst v63  }
0x183: {  	s12 =	sadd.s32 $0x60000, s10;
	s13 =	simm.s32 $0x6000  }
0x184: {  	[tilespmem:s13], [sflag:$0x1] =	stream.linear.gather [hbm4b:s12+s2], $0x800, $0x38;
	[tilespmem:$0x1C000] =	vst v63  }
0x185: {  	s12 =	sadd.s32 $0x68000, s10;
	s13 =	simm.s32 $0x6800  }
0x186: {  	[tilespmem:s13], [sflag:$0x1] =	stream.linear.gather [hbm4b:s12+s2], $0x800, $0x38;
	[tilespmem:$0x1C000] =	vst v63  }
0x187: {  	s12 =	sadd.s32 $0x70000, s10;
	s13 =	simm.s32 $0x7000  }
0x188: {  	[tilespmem:s13], [sflag:$0x1] =	stream.linear.gather [hbm4b:s12+s2], $0x800, $0x38;
	[tilespmem:$0x1C000] =	vst v63  }
0x189: {  	s12 =	sadd.s32 $0x78000, s10;
	s13 =	simm.s32 $0x7800  }
0x18a: {  	[tilespmem:s13], [sflag:$0x1] =	stream.linear.gather [hbm4b:s12+s2], $0x800, $0x38;
	[tilespmem:$0x1C000] =	vst v63  }
0x18b: {  	s12 =	sadd.s32 $0x80000, s10;
	s13 =	simm.s32 $0x8000  }
0x18c: {  	[tilespmem:s13], [sflag:$0x1] =	stream.linear.gather [hbm4b:s12+s2], $0x800, $0x38;
	[tilespmem:$0x1C000] =	vst v63  }
0x18d: {  	s12 =	sadd.s32 $0x88000, s10;
	s13 =	simm.s32 $0x8800  }
0x18e: {  	[tilespmem:s13], [sflag:$0x1] =	stream.linear.gather [hbm4b:s12+s2], $0x800, $0x38;
	[tilespmem:$0x1C000] =	vst v63  }
0x18f: {  	s12 =	sadd.s32 $0x90000, s10;
	s13 =	simm.s32 $0x9000  }
0x190: {  	[tilespmem:s13], [sflag:$0x1] =	stream.linear.gather [hbm4b:s12+s2], $0x800, $0x38;
	[tilespmem:$0x1C000] =	vst v63  }
0x191: {  	s7 =	sadd.s32 s6, s7;
	s12 =	sadd.s32 $0x98000, s10;
	s13 =	simm.s32 $0x9800  }
0x192: {  	[tilespmem:s13], [sflag:$0x1] =	stream.linear.gather [hbm4b:s12+s2], $0x800, $0x38;
	[tilespmem:$0x1C000] =	vst v63  }
0x193: {  	s7 =	sshrl.u32 s7, $0x3;
	s10 =	sadd.s32 $0xA0000, s10;
	s12 =	simm.s32 $0xA000  }
0x194: {  	[tilespmem:s12], [sflag:$0x1] =	stream.linear.gather [hbm4b:s10+s2], $0x800, $0x38;
	[tilespmem:$0x1C000] =	vst v63  }
0x195: {  	s7 =	sadd.s32 s4, s7;
	s13 =	simm.s32 $0x15000  }
0x196: {  	[tilespmem:s13], [sflag:$0x1] =	stream.linear.gather [hbm4b:s7+s2], $0x800, $0x38;
	[tilespmem:$0x1C000] =	vst v63  }
.LBB2_9:
0x197: {  	_ =	swait.ge [sflag:s19], $0x800  }
0x198: {  	[sflag:s19] =	ssyncset.done $0x0  }
0x199: {  	[sflag:s19] =	ssyncadd.s32 $0xFFFFF800  }
0x19a: {  	_ =	swait.ge [sflag:s19], $0x800  }
0x19b: {  	[sflag:s19] =	ssyncset.done $0x0  }
0x19c: {  	[sflag:s19] =	ssyncadd.s32 $0xFFFFF800  }
0x19d: {  	_ =	swait.ge [sflag:s19], $0x800  }
0x19e: {  	[sflag:s19] =	ssyncset.done $0x0  }
0x19f: {  	[sflag:s19] =	ssyncadd.s32 $0xFFFFF800  }
0x1a0: {  	_ =	swait.ge [sflag:s19], $0x800  }
0x1a1: {  	[sflag:s19] =	ssyncset.done $0x0  }
0x1a2: {  	[sflag:s19] =	ssyncadd.s32 $0xFFFFF800  }
0x1a3: {  	_ =	swait.ge [sflag:s19], $0x800  }
0x1a4: {  	[sflag:s19] =	ssyncset.done $0x0  }
0x1a5: {  	[sflag:s19] =	ssyncadd.s32 $0xFFFFF800  }
0x1a6: {  	_ =	swait.ge [sflag:s19], $0x800  }
0x1a7: {  	[sflag:s19] =	ssyncset.done $0x0  }
0x1a8: {  	[sflag:s19] =	ssyncadd.s32 $0xFFFFF800  }
0x1a9: {  	_ =	swait.ge [sflag:s19], $0x800  }
0x1aa: {  	[sflag:s19] =	ssyncset.done $0x0  }
0x1ab: {  	[sflag:s19] =	ssyncadd.s32 $0xFFFFF800  }
0x1ac: {  	_ =	swait.ge [sflag:s19], $0x800  }
0x1ad: {  	[sflag:s19] =	ssyncset.done $0x0  }
0x1ae: {  	[sflag:s19] =	ssyncadd.s32 $0xFFFFF800  }
0x1af: {  	_ =	swait.ge [sflag:s19], $0x800  }
0x1b0: {  	[sflag:s19] =	ssyncset.done $0x0  }
0x1b1: {  	[sflag:s19] =	ssyncadd.s32 $0xFFFFF800  }
0x1b2: {  	_ =	swait.ge [sflag:s19], $0x800  }
0x1b3: {  	[sflag:s19] =	ssyncset.done $0x0  }
0x1b4: {  	[sflag:s19] =	ssyncadd.s32 $0xFFFFF800  }
0x1b5: {  	_ =	swait.ge [sflag:s19], $0x800  }
0x1b6: {  	[sflag:s19] =	ssyncset.done $0x0  }
0x1b7: {  	[sflag:s19] =	ssyncadd.s32 $0xFFFFF800  }
0x1b8: {  	_ =	swait.ge [sflag:s19], $0x800  }
0x1b9: {  	[sflag:s19] =	ssyncset.done $0x0  }
0x1ba: {  	[sflag:s19] =	ssyncadd.s32 $0xFFFFF800  }
0x1bb: {  	_ =	swait.ge [sflag:s19], $0x800  }
0x1bc: {  	[sflag:s19] =	ssyncset.done $0x0  }
0x1bd: {  	[sflag:s19] =	ssyncadd.s32 $0xFFFFF800  }
0x1be: {  	_ =	swait.ge [sflag:s19], $0x800  }
0x1bf: {  	[sflag:s19] =	ssyncset.done $0x0  }
0x1c0: {  	[sflag:s19] =	ssyncadd.s32 $0xFFFFF800  }
0x1c1: {  	_ =	swait.ge [sflag:s19], $0x800  }
0x1c2: {  	[sflag:s19] =	ssyncset.done $0x0  }
0x1c3: {  	[sflag:s19] =	ssyncadd.s32 $0xFFFFF800  }
0x1c4: {  	_ =	swait.ge [sflag:s19], $0x800  }
0x1c5: {  	[sflag:s19] =	ssyncset.done $0x0  }
0x1c6: {  	[sflag:s19] =	ssyncadd.s32 $0xFFFFF800  }
0x1c7: {  	_ =	swait.ge [sflag:s19], $0x800  }
0x1c8: {  	[sflag:s19] =	ssyncset.done $0x0  }
0x1c9: {  	[sflag:s19] =	ssyncadd.s32 $0xFFFFF800  }
0x1ca: {  	_ =	swait.ge [sflag:s19], $0x800  }
0x1cb: {  	[sflag:s19] =	ssyncset.done $0x0  }
0x1cc: {  	[sflag:s19] =	ssyncadd.s32 $0xFFFFF800  }
0x1cd: {  	_ =	swait.ge [sflag:s19], $0x800  }
0x1ce: {  	[sflag:s19] =	ssyncset.done $0x0  }
0x1cf: {  	[sflag:s19] =	ssyncadd.s32 $0xFFFFF800  }
0x1d0: {  	_ =	swait.ge [sflag:s19], $0x800  }
0x1d1: {  	[sflag:s19] =	ssyncset.done $0x0  }
0x1d2: {  	[sflag:s19] =	ssyncadd.s32 $0xFFFFF800  }
0x1d3: {  	_ =	swait.ge [sflag:s19], $0x800  }
0x1d4: {  	[sflag:s19] =	ssyncset.done $0x0  }
0x1d5: {  	[sflag:s19] =	ssyncadd.s32 $0xFFFFF800  }
0x1d6: {  	_ =	swait.ge [sflag:s19], $0x800  }
0x1d7: {  	[sflag:s19] =	ssyncset.done $0x0  }
0x1d8: {  	s9 =	sadd.s32 $0x1, s9;
	s7 =	simm.s32 $0x0;
	[sflag:s19] =	ssyncadd.s32 $0xFFFFF800  }
.LBB2_10:
0x1d9: {  	s10 =	sshra.s32 s7, $0x2  }
0x1da: {  	v2 =	vld [tilespmem:s10+$0xA800]  }
0x1db: {  	v3 =	vld [tilespmem:s10+$0xB000]  }
0x1dc: {  	v4 =	vld [tilespmem:s10+$0xB800]  }
0x1dd: {  	v5 =	vld [tilespmem:s10+$0xC000]  }
0x1de: {  	v6 =	vld [tilespmem:s10+$0xC800]  }
0x1df: {  	v7 =	vld [tilespmem:s10+$0xD000];
	v2 =	vmul.f32 $1.442695020e+00, v2  }
0x1e0: {  	v8 =	vld [tilespmem:s10+$0xD800];
	v3 =	vmul.f32 $1.442695020e+00, v3  }
0x1e1: {  	v39 =	vld [tilespmem:s10+$0xE000];
	(erf) = vpow2.f32 v2;
	v2 =	vmul.f32 $1.442695020e+00, v4  }
0x1e2: {  	v40 =	vld [tilespmem:s10+$0xE800];
	(erf) = vpow2.f32 v3;
	v3 =	vmul.f32 $1.442695020e+00, v5  }
0x1e3: {  	v41 =	vld [tilespmem:s10+$0xF000];
	(erf) = vpow2.f32 v2;
	v2 =	vmul.f32 $1.442695020e+00, v6  }
0x1e4: {  	v42 =	vld [tilespmem:s10+$0xF800];
	(erf) = vpow2.f32 v3;
	v3 =	vmul.f32 $1.442695020e+00, v7  }
0x1e5: {  	v43 =	vld [tilespmem:s10+$0x10000];
	(erf) = vpow2.f32 v2;
	v2 =	vmul.f32 $1.442695020e+00, v8  }
0x1e6: {  	v44 =	vld [tilespmem:s10+$0x10800];
	(erf) = vpow2.f32 v3;
	v3 =	vmul.f32 $1.442695020e+00, v39  }
0x1e7: {  	v45 =	vld [tilespmem:s10+$0x11000];
	(erf) = vpow2.f32 v2;
	v2 =	vmul.f32 $1.442695020e+00, v40  }
0x1e8: {  	v46 =	vld [tilespmem:s10+$0x11800];
	(erf) = vpow2.f32 v3;
	v3 =	vmul.f32 $1.442695020e+00, v41  }
0x1e9: {  	v47 =	vld [tilespmem:s10+$0x12000];
	(erf) = vpow2.f32 v2;
	v2 =	vmul.f32 $1.442695020e+00, v42  }
0x1ea: {  	v48 =	vld [tilespmem:s10+$0x12800];
	v12 =	vpop (erf);
	(erf) = vpow2.f32 v3;
	v3 =	vmul.f32 $1.442695020e+00, v43  }
0x1eb: {  	v49 =	vld [tilespmem:s10+$0x13000];
	v13 =	vpop (erf);
	(erf) = vpow2.f32 v2;
	v2 =	vmul.f32 $1.442695020e+00, v44  }
0x1ec: {  	v50 =	vld [tilespmem:s10+$0x13800];
	v14 =	vpop (erf);
	(erf) = vpow2.f32 v3;
	v3 =	vmul.f32 $1.442695020e+00, v45  }
0x1ed: {  	v15 =	vpop (erf);
	(erf) = vpow2.f32 v2;
	v2 =	vmul.f32 $1.442695020e+00, v46  }
0x1ee: {  	v16 =	vpop (erf);
	(erf) = vpow2.f32 v3;
	v3 =	vmul.f32 $1.442695020e+00, v47  }
0x1ef: {  	v51 =	vld [tilespmem:s10+$0x14000];
	v17 =	vpop (erf);
	(erf) = vpow2.f32 v2;
	v2 =	vmul.f32 $1.442695020e+00, v48  }
0x1f0: {  	v18 =	vpop (erf);
	(erf) = vpow2.f32 v3;
	v3 =	vmul.f32 $1.442695020e+00, v49  }
0x1f1: {  	v19 =	vpop (erf);
	(erf) = vpow2.f32 v2;
	v2 =	vmul.f32 $1.442695020e+00, v50  }
0x1f2: {  	v20 =	vpop (erf);
	(erf) = vpow2.f32 v3  }
0x1f3: {  	v21 =	vpop (erf);
	(erf) = vpow2.f32 v2;
	v2 =	vld [tilespmem:s10+$0x14800]  }
0x1f4: {  	v3 =	vmul.f32 $1.442695020e+00, v51;
	_ =	sdelay $0x1  }
0x1f5: {  	v22 =	vpop (erf);
	(erf) = vpow2.f32 v3  }
0x1f6: {  	v23 =	vpop (erf)  }
0x1f7: {  	v24 =	vpop (erf);
	v2 =	vmul.f32 $1.442695020e+00, v2  }
0x1f8: {  	v11 =	vpop (erf)  }
0x1f9: {  	v53 =	vadd.f32 v17, v16;
	v25 =	vadd.f32 v19, v18;
	v10 =	vpop (erf);
	(erf) = vpow2.f32 v2  }
0x1fa: {  	v52 =	vadd.f32 v15, v14;
	v26 =	vadd.f32 v21, v20;
	v9 =	vpop (erf)  }
0x1fb: {  	v54 =	vadd.f32 v25, v53;
	v27 =	vadd.f32 v23, v22;
	v8 =	vpop (erf)  }
0x1fc: {  	v28 =	vadd.f32 v11, v24;
	v2 =	vadd.f32 v13, v12;
	v7 =	vpop (erf)  }
0x1fd: {  	v55 =	vadd.f32 v27, v26;
	v29 =	vadd.f32 v9, v10;
	v5 =	vpop (erf)  }
0x1fe: {  	v30 =	vadd.f32 v7, v8;
	v2 =	vadd.f32 v52, v2;
	v3 =	vpop (erf)  }
0x1ff: {  	v56 =	vadd.f32 v29, v28;
	v31 =	vadd.f32 v3, v5  }
0x200: {  	v2 =	vadd.f32 v54, v2  }
0x201: {  	v6 =	vadd.f32 v56, v55;
	v57 =	vadd.f32 v31, v30  }
0x202: {  	v4 =	vpop (erf)  }
0x203: {  	v2 =	vadd.f32 v6, v2;
	v58 =	vadd.f32 v57, v4;
	_ =	sdelay $0x1  }
0x204: {  	v2 =	vadd.f32 v58, v2;
	_ =	sdelay $0x1  }
0x205: {  	(erf) = vrcp.f32 v2;
	_ =	sdelay $0x8  }
0x206: {  	v2 =	vpop (erf)  }
0x207: {  	v6 =	vmul.f32 $5.120000000e+02, v2;
	_ =	sdelay $0x1  }
0x208: {  	v12 =	vmul.f32 v6, v12;
	v13 =	vmul.f32 v6, v13  }
0x209: {  	v14 =	vmul.f32 v6, v14;
	v15 =	vmul.f32 v6, v15  }
0x20a: {  	v16 =	vmul.f32 v6, v16;
	v17 =	vmul.f32 v6, v17  }
0x20b: {  	v18 =	vmul.f32 v6, v18;
	v19 =	vmul.f32 v6, v19  }
0x20c: {  	v20 =	vmul.f32 v6, v20;
	v36 =	vmul.f32 v6, v21  }
0x20d: {  	v38 =	vmul.f32 v6, v22;
	v40 =	vmul.f32 v6, v23  }
0x20e: {  	v45 =	vmul.f32 v6, v24;
	v11 =	vmul.f32 v6, v11  }
0x20f: {  	v2 =	vld [tilespmem:s10+$0x15800];
	v10 =	vmul.f32 v6, v10;
	v9 =	vmul.f32 v6, v9  }
0x210: {  	v8 =	vmul.f32 v6, v8;
	v7 =	vmul.f32 v6, v7  }
0x211: {  	v5 =	vmul.f32 v6, v5;
	v3 =	vmul.f32 v6, v3;
	v12 =	vmin.f32 v12, $5.115000000e+02  }
0x212: {  	v4 =	vmul.f32 v6, v4;
	v13 =	vmin.f32 v13, $5.115000000e+02;
	v12 =	vtrunc.f32 v12  }
0x213: {  	v13 =	vtrunc.f32 v13;
	v12 =	vcvt.f32.s32 v12  }
0x214: {  	v14 =	vmin.f32 v14, $5.115000000e+02;
	vm1 =	veq.s32 v2, $0x0;
	v13 =	vcvt.f32.s32 v13  }
0x215: {  	v15 =	vmin.f32 v15, $5.115000000e+02;
	v14 =	vtrunc.f32 v14;
	v59 =	vsub.s32 $0x31FF, v12  }
0x216: {  	vm4 =	veq.s32 v2, $0x1;
	v14 =	vcvt.f32.s32 v14;
	v60 =	vadd.s32 $0x200, v13  }
0x217: {  	v16 =	vmin.f32 v16, $5.115000000e+02;
	v15 =	vtrunc.f32 v15;
	v13 =	vsub.s32 $0x33FF, v13  }
0x218: {  	vm2 =	veq.s32 v2, $0x2;
	v15 =	vcvt.f32.s32 v15;
	v61 =	vadd.s32 $0x400, v14  }
0x219: {  	v17 =	vmin.f32 v17, $5.115000000e+02;
	v16 =	vtrunc.f32 v16;
	v14 =	vsub.s32 $0x35FF, v14;
	[tilespmem:v12+s1+$0x0] =	vst.idx.add.f32.msk $0xffff, v1  }
0x21a: {  	vm3 =	veq.s32 v2, $0x3;
	v16 =	vcvt.f32.s32 v16;
	v62 =	vadd.s32 $0x600, v15;
	[tilespmem:v59+s1+$0x0] =	vst.idx.add.f32.msk vm1, v1  }
0x21b: {  	v18 =	vmin.f32 v18, $5.115000000e+02;
	v17 =	vtrunc.f32 v17;
	v15 =	vsub.s32 $0x37FF, v15;
	[tilespmem:v60+s1+$0x0] =	vst.idx.add.f32.msk $0xffff, v1  }
0x21c: {  	vm0 =	veq.s32 v2, $0x4;
	v17 =	vcvt.f32.s32 v17;
	v63 =	vadd.s32 $0x800, v16;
	[tilespmem:v13+s1+$0x0] =	vst.idx.add.f32.msk vm4, v1  }
0x21d: {  	v19 =	vmin.f32 v19, $5.115000000e+02;
	v18 =	vtrunc.f32 v18;
	v31 =	vsub.s32 $0x39FF, v16;
	[tilespmem:v61+s1+$0x0] =	vst.idx.add.f32.msk $0xffff, v1  }
0x21e: {  	vm10 =	veq.s32 v2, $0x5;
	v18 =	vcvt.f32.s32 v18;
	v32 =	vadd.s32 $0xA00, v17;
	[tilespmem:v14+s1+$0x0] =	vst.idx.add.f32.msk vm2, v1  }
0x21f: {  	v35 =	vmin.f32 v20, $5.115000000e+02;
	v19 =	vtrunc.f32 v19;
	v17 =	vsub.s32 $0x3BFF, v17;
	[tilespmem:v62+s1+$0x0] =	vst.idx.add.f32.msk $0xffff, v1  }
0x220: {  	vm11 =	veq.s32 v2, $0x6;
	v34 =	vcvt.f32.s32 v19;
	v33 =	vadd.s32 $0xC00, v18;
	[tilespmem:v15+s1+$0x0] =	vst.idx.add.f32.msk vm3, v1  }
0x221: {  	v20 =	vmin.f32 v36, $5.115000000e+02;
	v19 =	vtrunc.f32 v35;
	v18 =	vsub.s32 $0x3DFF, v18;
	[tilespmem:v63+s1+$0x0] =	vst.idx.add.f32.msk $0xffff, v1  }
0x222: {  	vm12 =	veq.s32 v2, $0x7;
	v19 =	vcvt.f32.s32 v19;
	v37 =	vadd.s32 $0xE00, v34;
	[tilespmem:v31+s1+$0x0] =	vst.idx.add.f32.msk vm0, v1  }
0x223: {  	v21 =	vmin.f32 v38, $5.115000000e+02;
	v20 =	vtrunc.f32 v20;
	v13 =	vsub.s32 $0x3FFF, v34;
	[tilespmem:v32+s1+$0x0] =	vst.idx.add.f32.msk $0xffff, v1  }
0x224: {  	vm13 =	veq.s32 v2, $0x8;
	v20 =	vcvt.f32.s32 v20;
	v39 =	vadd.s32 $0x1000, v19;
	[tilespmem:v17+s1+$0x0] =	vst.idx.add.f32.msk vm10, v1  }
0x225: {  	v44 =	vmin.f32 v40, $5.115000000e+02;
	v21 =	vtrunc.f32 v21;
	v41 =	vsub.s32 $0x41FF, v19;
	[tilespmem:v33+s1+$0x0] =	vst.idx.add.f32.msk $0xffff, v1  }
0x226: {  	vm14 =	veq.s32 v2, $0x9;
	v43 =	vcvt.f32.s32 v21;
	v42 =	vadd.s32 $0x1200, v20;
	[tilespmem:v18+s1+$0x0] =	vst.idx.add.f32.msk vm11, v1  }
0x227: {  	v22 =	vmin.f32 v45, $5.115000000e+02;
	v47 =	vtrunc.f32 v44;
	v46 =	vsub.s32 $0x43FF, v20;
	[tilespmem:v37+s1+$0x0] =	vst.idx.add.f32.msk $0xffff, v1  }
0x228: {  	vm15 =	veq.s32 v2, $0xA;
	v48 =	vadd.s32 $0x1400, v43;
	v20 =	vcvt.f32.s32 v47;
	[tilespmem:v13+s1+$0x0] =	vst.idx.add.f32.msk vm12, v1  }
0x229: {  	v11 =	vmin.f32 v11, $5.115000000e+02;
	v49 =	vtrunc.f32 v22;
	v50 =	vsub.s32 $0x45FF, v43;
	[tilespmem:v39+s1+$0x0] =	vst.idx.add.f32.msk $0xffff, v1  }
0x22a: {  	vm6 =	veq.s32 v2, $0xB;
	v51 =	vadd.s32 $0x1600, v20;
	v18 =	vcvt.f32.s32 v49;
	[tilespmem:v41+s1+$0x0] =	vst.idx.add.f32.msk vm13, v1  }
0x22b: {  	v10 =	vmin.f32 v10, $5.115000000e+02;
	v11 =	vtrunc.f32 v11;
	v52 =	vsub.s32 $0x47FF, v20;
	[tilespmem:v42+s1+$0x0] =	vst.idx.add.f32.msk $0xffff, v1  }
0x22c: {  	vm7 =	veq.s32 v2, $0xC;
	v11 =	vcvt.f32.s32 v11;
	v53 =	vadd.s32 $0x1800, v18;
	[tilespmem:v46+s1+$0x0] =	vst.idx.add.f32.msk vm14, v1  }
0x22d: {  	v9 =	vmin.f32 v9, $5.115000000e+02;
	v10 =	vtrunc.f32 v10;
	v54 =	vsub.s32 $0x49FF, v18;
	[tilespmem:v48+s1+$0x0] =	vst.idx.add.f32.msk $0xffff, v1  }
0x22e: {  	vm8 =	veq.s32 v2, $0xD;
	v10 =	vcvt.f32.s32 v10;
	v55 =	vadd.s32 $0x1A00, v11;
	[tilespmem:v50+s1+$0x0] =	vst.idx.add.f32.msk vm15, v1  }
0x22f: {  	v8 =	vmin.f32 v8, $5.115000000e+02;
	v9 =	vtrunc.f32 v9;
	v11 =	vsub.s32 $0x4BFF, v11;
	[tilespmem:v51+s1+$0x0] =	vst.idx.add.f32.msk $0xffff, v1  }
0x230: {  	vm9 =	veq.s32 v2, $0xE;
	v9 =	vcvt.f32.s32 v9;
	v56 =	vadd.s32 $0x1C00, v10;
	[tilespmem:v52+s1+$0x0] =	vst.idx.add.f32.msk vm6, v1  }
0x231: {  	v7 =	vmin.f32 v7, $5.115000000e+02;
	v8 =	vtrunc.f32 v8;
	v10 =	vsub.s32 $0x4DFF, v10;
	[tilespmem:v53+s1+$0x0] =	vst.idx.add.f32.msk $0xffff, v1  }
0x232: {  	v8 =	vcvt.f32.s32 v8;
	v57 =	vadd.s32 $0x1E00, v9;
	vm10 =	veq.s32 v2, $0xF;
	[tilespmem:v54+s1+$0x0] =	vst.idx.add.f32.msk vm7, v1  }
0x233: {  	v5 =	vmin.f32 v5, $5.115000000e+02;
	v7 =	vtrunc.f32 v7;
	v9 =	vsub.s32 $0x4FFF, v9;
	[tilespmem:v55+s1+$0x0] =	vst.idx.add.f32.msk $0xffff, v1  }
0x234: {  	v7 =	vcvt.f32.s32 v7;
	v58 =	vadd.s32 $0x2000, v8;
	vm11 =	veq.s32 v2, $0x10;
	[tilespmem:v11+s1+$0x0] =	vst.idx.add.f32.msk vm8, v1  }
0x235: {  	v3 =	vmin.f32 v3, $5.115000000e+02;
	v5 =	vtrunc.f32 v5;
	v8 =	vsub.s32 $0x51FF, v8;
	[tilespmem:v56+s1+$0x0] =	vst.idx.add.f32.msk $0xffff, v1  }
0x236: {  	v5 =	vcvt.f32.s32 v5;
	v59 =	vadd.s32 $0x2200, v7;
	vm12 =	veq.s32 v2, $0x11;
	[tilespmem:v10+s1+$0x0] =	vst.idx.add.f32.msk vm9, v1  }
0x237: {  	v4 =	vmin.f32 v4, $5.115000000e+02;
	v3 =	vtrunc.f32 v3;
	v60 =	vsub.s32 $0x53FF, v7;
	[tilespmem:v57+s1+$0x0] =	vst.idx.add.f32.msk $0xffff, v1  }
0x238: {  	v3 =	vcvt.f32.s32 v3;
	v61 =	vadd.s32 $0x2400, v5;
	vm13 =	veq.s32 v2, $0x12;
	[tilespmem:v9+s1+$0x0] =	vst.idx.add.f32.msk vm10, v1  }
0x239: {  	v4 =	vtrunc.f32 v4;
	v5 =	vsub.s32 $0x55FF, v5;
	[tilespmem:v58+s1+$0x0] =	vst.idx.add.f32.msk $0xffff, v1  }
0x23a: {  	v4 =	vcvt.f32.s32 v4;
	v62 =	vadd.s32 $0x2600, v3;
	vm14 =	veq.s32 v2, $0x13;
	[tilespmem:v8+s1+$0x0] =	vst.idx.add.f32.msk vm11, v1  }
0x23b: {  	v3 =	vsub.s32 $0x57FF, v3;
	[tilespmem:v59+s1+$0x0] =	vst.idx.add.f32.msk $0xffff, v1  }
0x23c: {  	v63 =	vadd.s32 $0x2800, v4;
	vm15 =	veq.s32 v2, $0x14;
	[tilespmem:v60+s1+$0x0] =	vst.idx.add.f32.msk vm12, v1  }
0x23d: {  	p0 =	seq.s32 s7, $0x1FC0;
	v2 =	vsub.s32 $0x59FF, v4;
	[tilespmem:v61+s1+$0x0] =	vst.idx.add.f32.msk $0xffff, v1  }
.Ltmp3:
0x23e: {  	[tilespmem:v5+s1+$0x0] =	vst.idx.add.f32.msk vm13, v1;
	(pc) =	sbr.rel @!p0 .LBB2_10-.Ltmp3, $4  }
0x23f: {  	[tilespmem:v62+s1+$0x0] =	vst.idx.add.f32.msk $0xffff, v1  }
0x240: {  	[tilespmem:v3+s1+$0x0] =	vst.idx.add.f32.msk vm14, v1  }
0x241: {  	[tilespmem:v63+s1+$0x0] =	vst.idx.add.f32.msk $0xffff, v1  }
0x242: {  	s7 =	sadd.s32 $0x40, s7;
	[tilespmem:v2+s1+$0x0] =	vst.idx.add.f32.msk vm15, v1  }
0x243: {  	p0 =	seq.s32 s9, $0x10  }
.Ltmp4:
0x244: {  	_ = 	snop;
	(pc) =	sbr.rel @!p0 .LBB2_5-.Ltmp4, $1  }
0x245: {  	_ =	sdelay $0x3  }
0x246: {  	s7 =	rddreg [dreg:$0x4]  }
0x247: {  	s9 =	sld [smem:$0x7EF]  }
0x248: {  	[hbm4b:s7+s2] =	stream.linear.scatter [tilespmem:s1], [sflag:$0x1], $0x200, $0x38;
	[tilespmem:$0x1C000] =	vst v63  }
0x249: {  	s8 =	simm.s32 $0x16200;
	s10 =	sld [smem:$0x7F0]  }
0x24a: {  	[hbm4b:s9+s2] =	stream.linear.scatter [tilespmem:s8], [sflag:$0x1], $0x200, $0x38;
	[tilespmem:$0x1C000] =	vst v63  }
0x24b: {  	s11 =	simm.s32 $0x16400;
	s12 =	sld [smem:$0x7F1]  }
0x24c: {  	[hbm4b:s10+s2] =	stream.linear.scatter [tilespmem:s11], [sflag:$0x1], $0x200, $0x38;
	[tilespmem:$0x1C000] =	vst v63  }
0x24d: {  	s13 =	simm.s32 $0x16600;
	s8 =	sld [smem:$0x7F2]  }
0x24e: {  	[hbm4b:s12+s2] =	stream.linear.scatter [tilespmem:s13], [sflag:$0x1], $0x200, $0x38;
	[tilespmem:$0x1C000] =	vst v63  }
0x24f: {  	s9 =	simm.s32 $0x16800;
	s10 =	sld [smem:$0x7F3]  }
0x250: {  	[hbm4b:s8+s2] =	stream.linear.scatter [tilespmem:s9], [sflag:$0x1], $0x200, $0x38;
	[tilespmem:$0x1C000] =	vst v63  }
0x251: {  	s11 =	simm.s32 $0x16A00;
	s12 =	sld [smem:$0x7F4]  }
0x252: {  	[hbm4b:s10+s2] =	stream.linear.scatter [tilespmem:s11], [sflag:$0x1], $0x200, $0x38;
	[tilespmem:$0x1C000] =	vst v63  }
0x253: {  	s13 =	simm.s32 $0x16C00;
	s8 =	sld [smem:$0x7F5]  }
0x254: {  	[hbm4b:s12+s2] =	stream.linear.scatter [tilespmem:s13], [sflag:$0x1], $0x200, $0x38;
	[tilespmem:$0x1C000] =	vst v63  }
0x255: {  	s9 =	simm.s32 $0x16E00;
	s10 =	sld [smem:$0x7F6]  }
0x256: {  	[hbm4b:s8+s2] =	stream.linear.scatter [tilespmem:s9], [sflag:$0x1], $0x200, $0x38;
	[tilespmem:$0x1C000] =	vst v63  }
0x257: {  	s11 =	simm.s32 $0x17000;
	s12 =	sld [smem:$0x7F7]  }
0x258: {  	[hbm4b:s10+s2] =	stream.linear.scatter [tilespmem:s11], [sflag:$0x1], $0x200, $0x38;
	[tilespmem:$0x1C000] =	vst v63  }
0x259: {  	s13 =	simm.s32 $0x17200;
	s8 =	sld [smem:$0x7F8]  }
0x25a: {  	[hbm4b:s12+s2] =	stream.linear.scatter [tilespmem:s13], [sflag:$0x1], $0x200, $0x38;
	[tilespmem:$0x1C000] =	vst v63  }
0x25b: {  	s9 =	simm.s32 $0x17400;
	s10 =	sld [smem:$0x7F9]  }
0x25c: {  	[hbm4b:s8+s2] =	stream.linear.scatter [tilespmem:s9], [sflag:$0x1], $0x200, $0x38;
	[tilespmem:$0x1C000] =	vst v63  }
0x25d: {  	s11 =	simm.s32 $0x17600;
	s12 =	sld [smem:$0x7FA]  }
0x25e: {  	[hbm4b:s10+s2] =	stream.linear.scatter [tilespmem:s11], [sflag:$0x1], $0x200, $0x38;
	[tilespmem:$0x1C000] =	vst v63  }
0x25f: {  	s13 =	simm.s32 $0x17800;
	s8 =	sld [smem:$0x7FB]  }
0x260: {  	[hbm4b:s12+s2] =	stream.linear.scatter [tilespmem:s13], [sflag:$0x1], $0x200, $0x38;
	[tilespmem:$0x1C000] =	vst v63  }
0x261: {  	s9 =	simm.s32 $0x17A00;
	s10 =	sld [smem:$0x7FC]  }
0x262: {  	[hbm4b:s8+s2] =	stream.linear.scatter [tilespmem:s9], [sflag:$0x1], $0x200, $0x38;
	[tilespmem:$0x1C000] =	vst v63  }
0x263: {  	s11 =	simm.s32 $0x17C00;
	s12 =	sld [smem:$0x7FD]  }
0x264: {  	[hbm4b:s10+s2] =	stream.linear.scatter [tilespmem:s11], [sflag:$0x1], $0x200, $0x38;
	[tilespmem:$0x1C000] =	vst v63  }
0x265: {  	s13 =	simm.s32 $0x17E00;
	s8 =	rddreg [dreg:$0x5]  }
0x266: {  	[hbm4b:s12+s2] =	stream.linear.scatter [tilespmem:s13], [sflag:$0x1], $0x200, $0x38;
	[tilespmem:$0x1C000] =	vst v63  }
0x267: {  	s9 =	simm.s32 $0x18000;
	s10 =	rddreg [dreg:$0x6]  }
0x268: {  	[hbm4b:s8+s2] =	stream.linear.scatter [tilespmem:s9], [sflag:$0x1], $0x200, $0x38;
	[tilespmem:$0x1C000] =	vst v63  }
0x269: {  	s11 =	simm.s32 $0x18200;
	s12 =	rddreg [dreg:$0x7]  }
0x26a: {  	[hbm4b:s10+s2] =	stream.linear.scatter [tilespmem:s11], [sflag:$0x1], $0x200, $0x38;
	[tilespmem:$0x1C000] =	vst v63  }
0x26b: {  	s13 =	simm.s32 $0x18400;
	s8 =	rddreg [dreg:$0x8]  }
0x26c: {  	[hbm4b:s12+s2] =	stream.linear.scatter [tilespmem:s13], [sflag:$0x1], $0x200, $0x38;
	[tilespmem:$0x1C000] =	vst v63  }
0x26d: {  	s9 =	simm.s32 $0x18600;
	s10 =	rddreg [dreg:$0x9]  }
0x26e: {  	[hbm4b:s8+s2] =	stream.linear.scatter [tilespmem:s9], [sflag:$0x1], $0x200, $0x38;
	[tilespmem:$0x1C000] =	vst v63  }
0x26f: {  	s11 =	simm.s32 $0x18800;
	s12 =	rddreg [dreg:$0xa]  }
0x270: {  	[hbm4b:s10+s2] =	stream.linear.scatter [tilespmem:s11], [sflag:$0x1], $0x200, $0x38;
	[tilespmem:$0x1C000] =	vst v63  }
0x271: {  	s13 =	simm.s32 $0x18A00;
	s8 =	rddreg [dreg:$0xb]  }
0x272: {  	[hbm4b:s12+s2] =	stream.linear.scatter [tilespmem:s13], [sflag:$0x1], $0x200, $0x38;
	[tilespmem:$0x1C000] =	vst v63  }
0x273: {  	s9 =	simm.s32 $0x18C00;
	s10 =	rddreg [dreg:$0xc]  }
0x274: {  	[hbm4b:s8+s2] =	stream.linear.scatter [tilespmem:s9], [sflag:$0x1], $0x200, $0x38;
	[tilespmem:$0x1C000] =	vst v63  }
0x275: {  	s11 =	simm.s32 $0x18E00;
	s12 =	rddreg [dreg:$0xd]  }
0x276: {  	[hbm4b:s10+s2] =	stream.linear.scatter [tilespmem:s11], [sflag:$0x1], $0x200, $0x38;
	[tilespmem:$0x1C000] =	vst v63  }
0x277: {  	s13 =	simm.s32 $0x19000;
	s8 =	rddreg [dreg:$0xe]  }
0x278: {  	[hbm4b:s12+s2] =	stream.linear.scatter [tilespmem:s13], [sflag:$0x1], $0x200, $0x38;
	[tilespmem:$0x1C000] =	vst v63  }
0x279: {  	s9 =	simm.s32 $0x19200;
	s10 =	rddreg [dreg:$0xf]  }
0x27a: {  	[hbm4b:s8+s2] =	stream.linear.scatter [tilespmem:s9], [sflag:$0x1], $0x200, $0x38;
	[tilespmem:$0x1C000] =	vst v63  }
0x27b: {  	s11 =	simm.s32 $0x19400;
	s12 =	rddreg [dreg:$0x10]  }
0x27c: {  	[hbm4b:s10+s2] =	stream.linear.scatter [tilespmem:s11], [sflag:$0x1], $0x200, $0x38;
	[tilespmem:$0x1C000] =	vst v63  }
0x27d: {  	s13 =	simm.s32 $0x19600;
	s8 =	rddreg [dreg:$0x11]  }
0x27e: {  	[hbm4b:s12+s2] =	stream.linear.scatter [tilespmem:s13], [sflag:$0x1], $0x200, $0x38;
	[tilespmem:$0x1C000] =	vst v63  }
0x27f: {  	s9 =	simm.s32 $0x19800;
	s10 =	rddreg [dreg:$0x12]  }
0x280: {  	[hbm4b:s8+s2] =	stream.linear.scatter [tilespmem:s9], [sflag:$0x1], $0x200, $0x38;
	[tilespmem:$0x1C000] =	vst v63  }
0x281: {  	s11 =	simm.s32 $0x19A00;
	s12 =	rddreg [dreg:$0x13]  }
0x282: {  	[hbm4b:s10+s2] =	stream.linear.scatter [tilespmem:s11], [sflag:$0x1], $0x200, $0x38;
	[tilespmem:$0x1C000] =	vst v63  }
0x283: {  	s13 =	simm.s32 $0x19C00;
	s8 =	rddreg [dreg:$0x14]  }
0x284: {  	[hbm4b:s12+s2] =	stream.linear.scatter [tilespmem:s13], [sflag:$0x1], $0x200, $0x38;
	[tilespmem:$0x1C000] =	vst v63  }
0x285: {  	s9 =	simm.s32 $0x19E00;
	s10 =	rddreg [dreg:$0x15]  }
0x286: {  	[hbm4b:s8+s2] =	stream.linear.scatter [tilespmem:s9], [sflag:$0x1], $0x200, $0x38;
	[tilespmem:$0x1C000] =	vst v63  }
0x287: {  	s11 =	simm.s32 $0x1A000;
	s12 =	rddreg [dreg:$0x16]  }
0x288: {  	[hbm4b:s10+s2] =	stream.linear.scatter [tilespmem:s11], [sflag:$0x1], $0x200, $0x38;
	[tilespmem:$0x1C000] =	vst v63  }
0x289: {  	s13 =	simm.s32 $0x1A200;
	s8 =	rddreg [dreg:$0x17]  }
0x28a: {  	[hbm4b:s12+s2] =	stream.linear.scatter [tilespmem:s13], [sflag:$0x1], $0x200, $0x38;
	[tilespmem:$0x1C000] =	vst v63  }
0x28b: {  	s9 =	simm.s32 $0x1A400;
	s10 =	rddreg [dreg:$0x18]  }
0x28c: {  	[hbm4b:s8+s2] =	stream.linear.scatter [tilespmem:s9], [sflag:$0x1], $0x200, $0x38;
	[tilespmem:$0x1C000] =	vst v63  }
0x28d: {  	s11 =	simm.s32 $0x1A600;
	s12 =	rddreg [dreg:$0x19]  }
0x28e: {  	[hbm4b:s10+s2] =	stream.linear.scatter [tilespmem:s11], [sflag:$0x1], $0x200, $0x38;
	[tilespmem:$0x1C000] =	vst v63  }
0x28f: {  	s13 =	simm.s32 $0x1A800;
	s8 =	rddreg [dreg:$0x1a]  }
0x290: {  	[hbm4b:s12+s2] =	stream.linear.scatter [tilespmem:s13], [sflag:$0x1], $0x200, $0x38;
	[tilespmem:$0x1C000] =	vst v63  }
0x291: {  	s9 =	simm.s32 $0x1AA00;
	s10 =	rddreg [dreg:$0x1b]  }
0x292: {  	[hbm4b:s8+s2] =	stream.linear.scatter [tilespmem:s9], [sflag:$0x1], $0x200, $0x38;
	[tilespmem:$0x1C000] =	vst v63  }
0x293: {  	s11 =	simm.s32 $0x1AC00;
	s12 =	rddreg [dreg:$0x1c]  }
0x294: {  	[hbm4b:s10+s2] =	stream.linear.scatter [tilespmem:s11], [sflag:$0x1], $0x200, $0x38;
	[tilespmem:$0x1C000] =	vst v63  }
0x295: {  	s13 =	simm.s32 $0x1AE00;
	s8 =	rddreg [dreg:$0x1d]  }
0x296: {  	[hbm4b:s12+s2] =	stream.linear.scatter [tilespmem:s13], [sflag:$0x1], $0x200, $0x38;
	[tilespmem:$0x1C000] =	vst v63  }
0x297: {  	s9 =	simm.s32 $0x1B000;
	s10 =	rddreg [dreg:$0x1e]  }
0x298: {  	[hbm4b:s8+s2] =	stream.linear.scatter [tilespmem:s9], [sflag:$0x1], $0x200, $0x38;
	[tilespmem:$0x1C000] =	vst v63  }
0x299: {  	s11 =	simm.s32 $0x1B200;
	s12 =	rddreg [dreg:$0x1f]  }
0x29a: {  	[hbm4b:s10+s2] =	stream.linear.scatter [tilespmem:s11], [sflag:$0x1], $0x200, $0x38;
	[tilespmem:$0x1C000] =	vst v63  }
0x29b: {  	s13 =	simm.s32 $0x1B400;
	s8 =	sld [smem:$0x7D4]  }
0x29c: {  	[hbm4b:s12+s2] =	stream.linear.scatter [tilespmem:s13], [sflag:$0x1], $0x200, $0x38;
	[tilespmem:$0x1C000] =	vst v63  }
0x29d: {  	s9 =	simm.s32 $0x1B600;
	s10 =	sld [smem:$0x7D5]  }
0x29e: {  	[hbm4b:s8+s2] =	stream.linear.scatter [tilespmem:s9], [sflag:$0x1], $0x200, $0x38;
	[tilespmem:$0x1C000] =	vst v63  }
0x29f: {  	s11 =	simm.s32 $0x1B800;
	s12 =	sld [smem:$0x7D6]  }
0x2a0: {  	[hbm4b:s10+s2] =	stream.linear.scatter [tilespmem:s11], [sflag:$0x1], $0x200, $0x38;
	[tilespmem:$0x1C000] =	vst v63  }
0x2a1: {  	s13 =	simm.s32 $0x1BA00;
	s8 =	sld [smem:$0x7D7]  }
0x2a2: {  	[hbm4b:s12+s2] =	stream.linear.scatter [tilespmem:s13], [sflag:$0x1], $0x200, $0x38;
	[tilespmem:$0x1C000] =	vst v63  }
0x2a3: {  	s9 =	simm.s32 $0x1BC00;
	s10 =	sld [smem:$0x7D8]  }
0x2a4: {  	[hbm4b:s8+s2] =	stream.linear.scatter [tilespmem:s9], [sflag:$0x1], $0x200, $0x38;
	[tilespmem:$0x1C000] =	vst v63  }
0x2a5: {  	s11 =	simm.s32 $0x1BE00  }
0x2a6: {  	[hbm4b:s10+s2] =	stream.linear.scatter [tilespmem:s11], [sflag:$0x1], $0x200, $0x38;
	[tilespmem:$0x1C000] =	vst v63  }
0x2a7: {  	_ =	swait.ge [sflag:s0], $0x200  }
0x2a8: {  	[sflag:s0] =	ssyncset.done $0x0  }
0x2a9: {  	[sflag:s0] =	ssyncadd.s32 $0xFFFFFE00  }
0x2aa: {  	_ =	swait.ge [sflag:s0], $0x200  }
0x2ab: {  	[sflag:s0] =	ssyncset.done $0x0  }
0x2ac: {  	[sflag:s0] =	ssyncadd.s32 $0xFFFFFE00  }
0x2ad: {  	_ =	swait.ge [sflag:s0], $0x200  }
0x2ae: {  	[sflag:s0] =	ssyncset.done $0x0  }
0x2af: {  	[sflag:s0] =	ssyncadd.s32 $0xFFFFFE00  }
0x2b0: {  	_ =	swait.ge [sflag:s0], $0x200  }
0x2b1: {  	[sflag:s0] =	ssyncset.done $0x0  }
0x2b2: {  	[sflag:s0] =	ssyncadd.s32 $0xFFFFFE00  }
0x2b3: {  	_ =	swait.ge [sflag:s0], $0x200  }
0x2b4: {  	[sflag:s0] =	ssyncset.done $0x0  }
0x2b5: {  	[sflag:s0] =	ssyncadd.s32 $0xFFFFFE00  }
0x2b6: {  	_ =	swait.ge [sflag:s0], $0x200  }
0x2b7: {  	[sflag:s0] =	ssyncset.done $0x0  }
0x2b8: {  	[sflag:s0] =	ssyncadd.s32 $0xFFFFFE00  }
0x2b9: {  	_ =	swait.ge [sflag:s0], $0x200  }
0x2ba: {  	[sflag:s0] =	ssyncset.done $0x0  }
0x2bb: {  	[sflag:s0] =	ssyncadd.s32 $0xFFFFFE00  }
0x2bc: {  	_ =	swait.ge [sflag:s0], $0x200  }
0x2bd: {  	[sflag:s0] =	ssyncset.done $0x0  }
0x2be: {  	[sflag:s0] =	ssyncadd.s32 $0xFFFFFE00  }
0x2bf: {  	_ =	swait.ge [sflag:s0], $0x200  }
0x2c0: {  	[sflag:s0] =	ssyncset.done $0x0  }
0x2c1: {  	[sflag:s0] =	ssyncadd.s32 $0xFFFFFE00  }
0x2c2: {  	_ =	swait.ge [sflag:s0], $0x200  }
0x2c3: {  	[sflag:s0] =	ssyncset.done $0x0  }
0x2c4: {  	[sflag:s0] =	ssyncadd.s32 $0xFFFFFE00  }
0x2c5: {  	_ =	swait.ge [sflag:s0], $0x200  }
0x2c6: {  	[sflag:s0] =	ssyncset.done $0x0  }
0x2c7: {  	[sflag:s0] =	ssyncadd.s32 $0xFFFFFE00  }
0x2c8: {  	_ =	swait.ge [sflag:s0], $0x200  }
0x2c9: {  	[sflag:s0] =	ssyncset.done $0x0  }
0x2ca: {  	[sflag:s0] =	ssyncadd.s32 $0xFFFFFE00  }
0x2cb: {  	_ =	swait.ge [sflag:s0], $0x200  }
0x2cc: {  	[sflag:s0] =	ssyncset.done $0x0  }
0x2cd: {  	[sflag:s0] =	ssyncadd.s32 $0xFFFFFE00  }
0x2ce: {  	_ =	swait.ge [sflag:s0], $0x200  }
0x2cf: {  	[sflag:s0] =	ssyncset.done $0x0  }
0x2d0: {  	[sflag:s0] =	ssyncadd.s32 $0xFFFFFE00  }
0x2d1: {  	_ =	swait.ge [sflag:s0], $0x200  }
0x2d2: {  	[sflag:s0] =	ssyncset.done $0x0  }
0x2d3: {  	[sflag:s0] =	ssyncadd.s32 $0xFFFFFE00  }
0x2d4: {  	_ =	swait.ge [sflag:s0], $0x200  }
0x2d5: {  	[sflag:s0] =	ssyncset.done $0x0  }
0x2d6: {  	[sflag:s0] =	ssyncadd.s32 $0xFFFFFE00  }
0x2d7: {  	_ =	swait.ge [sflag:s0], $0x200  }
0x2d8: {  	[sflag:s0] =	ssyncset.done $0x0  }
0x2d9: {  	[sflag:s0] =	ssyncadd.s32 $0xFFFFFE00  }
0x2da: {  	_ =	swait.ge [sflag:s0], $0x200  }
0x2db: {  	[sflag:s0] =	ssyncset.done $0x0  }
0x2dc: {  	[sflag:s0] =	ssyncadd.s32 $0xFFFFFE00  }
0x2dd: {  	_ =	swait.ge [sflag:s0], $0x200  }
0x2de: {  	[sflag:s0] =	ssyncset.done $0x0  }
0x2df: {  	[sflag:s0] =	ssyncadd.s32 $0xFFFFFE00  }
0x2e0: {  	_ =	swait.ge [sflag:s0], $0x200  }
0x2e1: {  	[sflag:s0] =	ssyncset.done $0x0  }
0x2e2: {  	[sflag:s0] =	ssyncadd.s32 $0xFFFFFE00  }
0x2e3: {  	_ =	swait.ge [sflag:s0], $0x200  }
0x2e4: {  	[sflag:s0] =	ssyncset.done $0x0  }
0x2e5: {  	[sflag:s0] =	ssyncadd.s32 $0xFFFFFE00  }
0x2e6: {  	_ =	swait.ge [sflag:s0], $0x200  }
0x2e7: {  	[sflag:s0] =	ssyncset.done $0x0  }
0x2e8: {  	[sflag:s0] =	ssyncadd.s32 $0xFFFFFE00  }
0x2e9: {  	_ =	swait.ge [sflag:s0], $0x200  }
0x2ea: {  	[sflag:s0] =	ssyncset.done $0x0  }
0x2eb: {  	[sflag:s0] =	ssyncadd.s32 $0xFFFFFE00  }
0x2ec: {  	_ =	swait.ge [sflag:s0], $0x200  }
0x2ed: {  	[sflag:s0] =	ssyncset.done $0x0  }
0x2ee: {  	[sflag:s0] =	ssyncadd.s32 $0xFFFFFE00  }
0x2ef: {  	_ =	swait.ge [sflag:s0], $0x200  }
0x2f0: {  	[sflag:s0] =	ssyncset.done $0x0  }
0x2f1: {  	[sflag:s0] =	ssyncadd.s32 $0xFFFFFE00  }
0x2f2: {  	_ =	swait.ge [sflag:s0], $0x200  }
0x2f3: {  	[sflag:s0] =	ssyncset.done $0x0  }
0x2f4: {  	[sflag:s0] =	ssyncadd.s32 $0xFFFFFE00  }
0x2f5: {  	_ =	swait.ge [sflag:s0], $0x200  }
0x2f6: {  	[sflag:s0] =	ssyncset.done $0x0  }
0x2f7: {  	[sflag:s0] =	ssyncadd.s32 $0xFFFFFE00  }
0x2f8: {  	_ =	swait.ge [sflag:s0], $0x200  }
0x2f9: {  	[sflag:s0] =	ssyncset.done $0x0  }
0x2fa: {  	[sflag:s0] =	ssyncadd.s32 $0xFFFFFE00  }
0x2fb: {  	_ =	swait.ge [sflag:s0], $0x200  }
0x2fc: {  	[sflag:s0] =	ssyncset.done $0x0  }
0x2fd: {  	[sflag:s0] =	ssyncadd.s32 $0xFFFFFE00  }
0x2fe: {  	_ =	swait.ge [sflag:s0], $0x200  }
0x2ff: {  	[sflag:s0] =	ssyncset.done $0x0  }
0x300: {  	[sflag:s0] =	ssyncadd.s32 $0xFFFFFE00  }
0x301: {  	_ =	swait.ge [sflag:s0], $0x200  }
0x302: {  	[sflag:s0] =	ssyncset.done $0x0  }
0x303: {  	[sflag:s0] =	ssyncadd.s32 $0xFFFFFE00  }
0x304: {  	_ =	swait.ge [sflag:s0], $0x200  }
0x305: {  	[sflag:s0] =	ssyncset.done $0x0  }
0x306: {  	[sflag:s0] =	ssyncadd.s32 $0xFFFFFE00  }
0x307: {  	_ =	swait.ge [sflag:s0], $0x200  }
0x308: {  	[sflag:s0] =	ssyncset.done $0x0  }
0x309: {  	[sflag:s0] =	ssyncadd.s32 $0xFFFFFE00  }
0x30a: {  	_ =	swait.ge [sflag:s0], $0x200  }
0x30b: {  	[sflag:s0] =	ssyncset.done $0x0  }
0x30c: {  	[sflag:s0] =	ssyncadd.s32 $0xFFFFFE00  }
0x30d: {  	_ =	swait.ge [sflag:s0], $0x200  }
0x30e: {  	[sflag:s0] =	ssyncset.done $0x0  }
0x30f: {  	[sflag:s0] =	ssyncadd.s32 $0xFFFFFE00  }
0x310: {  	_ =	swait.ge [sflag:s0], $0x200  }
0x311: {  	[sflag:s0] =	ssyncset.done $0x0  }
0x312: {  	[sflag:s0] =	ssyncadd.s32 $0xFFFFFE00  }
0x313: {  	_ =	swait.ge [sflag:s0], $0x200  }
0x314: {  	[sflag:s0] =	ssyncset.done $0x0  }
0x315: {  	[sflag:s0] =	ssyncadd.s32 $0xFFFFFE00  }
0x316: {  	_ =	swait.ge [sflag:s0], $0x200  }
0x317: {  	[sflag:s0] =	ssyncset.done $0x0  }
0x318: {  	[sflag:s0] =	ssyncadd.s32 $0xFFFFFE00  }
0x319: {  	_ =	swait.ge [sflag:s0], $0x200  }
0x31a: {  	[sflag:s0] =	ssyncset.done $0x0  }
0x31b: {  	[sflag:s0] =	ssyncadd.s32 $0xFFFFFE00  }
0x31c: {  	_ =	swait.ge [sflag:s0], $0x200  }
0x31d: {  	[sflag:s0] =	ssyncset.done $0x0  }
0x31e: {  	[sflag:s0] =	ssyncadd.s32 $0xFFFFFE00  }
0x31f: {  	_ =	swait.ge [sflag:s0], $0x200  }
0x320: {  	[sflag:s0] =	ssyncset.done $0x0  }
0x321: {  	[sflag:s0] =	ssyncadd.s32 $0xFFFFFE00  }
0x322: {  	_ =	swait.ge [sflag:s0], $0x200  }
0x323: {  	[sflag:s0] =	ssyncset.done $0x0  }
0x324: {  	[sflag:s0] =	ssyncadd.s32 $0xFFFFFE00  }
0x325: {  	_ =	swait.ge [sflag:s0], $0x200  }
0x326: {  	[sflag:s0] =	ssyncset.done $0x0  }
0x327: {  	[sflag:s0] =	ssyncadd.s32 $0xFFFFFE00  }
0x328: {  	_ =	swait.ge [sflag:s0], $0x200  }
0x329: {  	[sflag:s0] =	ssyncset.done $0x0  }
0x32a: {  	[sflag:s0] =	ssyncadd.s32 $0xFFFFFE00  }
0x32b: {  	_ =	swait.ge [sflag:s0], $0x200  }
0x32c: {  	[sflag:s0] =	ssyncset.done $0x0  }
0x32d: {  	[sflag:s0] =	ssyncadd.s32 $0xFFFFFE00  }
0x32e: {  	_ =	swait.ge [sflag:s0], $0x200  }
0x32f: {  	[sflag:s0] =	ssyncset.done $0x0  }
0x330: {  	[sflag:s0] =	ssyncadd.s32 $0xFFFFFE00  }
0x331: {  	_ =	swait.ge [sflag:s0], $0x200  }
0x332: {  	[sflag:s0] =	ssyncset.done $0x0  }
0x333: {  	[sflag:s0] =	ssyncadd.s32 $0xFFFFFE00  }
0x334: {  	_ =	swait.ge [sflag:s0], $0x200  }
0x335: {  	s12 =	sld [smem:$0x7D3]  }
0x336: {  	s13 =	sld [smem:$0x7D9];
	_ =	sdelay $0x1  }
0x337: {  	s8 =	sadd.s32 $0x1, s12  }
0x338: {  	p0 =	sne.s32 s8, s13  }
.Ltmp5:
0x339: {  	_ = 	snop;
	(pc) =	sbr.rel @p0 .LBB2_1-.Ltmp5, $3  }
0x33a: {  	_ =	sdelay $0x1  }
0x33b: {  	[sflag:s0] =	ssyncset.done $0x0  }
0x33c: {  	[sflag:s0] =	ssyncadd.s32 $0xFFFFFE00  }
0x33d: {  	_ =	sfence.sel $0x180000  }
0x33e: {  	[bflag:$0x0] =	sbarrier.arrive $0xFFFF  }
0x33f: {  	_ =	strace $0x9000004A  }
0x340: {  	s0 =	stileid.u32;
	[bflag:$0x2] =	sbarrier.arrive $0xFFFF  }
0x341: {  	p0 =	sne.s32 s0, $0x0;
	s0 =	rddreg [dreg:$0x1]  }
0x342: {  	s0 =	sadd.s32 @!p0 $0x100000, s0  }
0x343: {  	[sflag:s0] =	ssyncadd.tile.s32 @!p0 $0x1;
	_ =	shalt  }
.Lfunc_end2:
_tile_overlayer_lowered:
.L_overlay_start_2:
0x344: {  	(tag) =	ssettag $0x2  }
0x345: {  	s0 =	rddreg [dreg:$0x0];
	s2 =	stileid.u32  }
0x346: {  	s1 =	rddreg [dreg:$0x1];
	p0 =	sne.s32 s2, $0x0  }
0x347: {  	s3 =	rddreg [dreg:$0x2];
	[bflag:$0x3] =	sbarrier.arrive $0xFFFF;
	s2 =	simm.s32 @!p0 $0x1C03  }
0x348: {  	[timem:s3], [sflag:s2] =	dma.local @!p0 [hbm:s0], s1  }
0x349: {  	s0 =	simm.s32 @!p0 $0x3  }
0x34a: {  	_ =	swait.ge @!p0 [sflag:s0], s1  }
0x34b: {  	s1 =	ssub.s32 @!p0 $0x0, s1;
	[sflag:s0] =	ssyncset.done @!p0 $0x0  }
0x34c: {  	[sflag:s0] =	ssyncadd.s32 @!p0 s1  }
0x34d: {  	[bflag:$0x3] =	sbarrier.arrive $0xFFFF  }
0x34e: {  	_ =	shalt  }

// kernel: sparse-core-data-format-call.cloned.1.call-start
scs
called_computation_lowered:
.L_overlay_start_0:
0x0: {  	s2 =	sld [smem:$0x3FD9]  }
0x1: {  	s3 =	sld [smem:$0x3FFE];
	_ =	sdelay $0x1  }
0x2: {  	s1 =	srdreg.scid  }
0x3: {  	s0 =	sand.u32 $0x1, s1  }
0x4: {  	s18 =	sshll.u32 s0, $0xA;
	s2 =	sadd.s32 s3, s2  }
0x5: {  	s2 =	sadd.s32 s2, s18  }
0x6: {  	[smem:$0x3FC6] =	sst s2  }
0x7: {  	_ = 	snop  }
0x8: {  	s2 =	sld [smem:$0x3FC9];
	(tm) =	ssettm $0x1  }
0x9: {  	s19 =	sld [smem:$0x3FFB];
	_ =	sdelay $0x3  }
0xa: {  	_ =	strace s19  }
0xb: {  	s3 =	sld [smem:$0x3FFC];
	_ =	sdelay $0x3  }
0xc: {  	_ =	strace s3  }
0xd: {  	s3 =	sld [smem:$0x3FFD];
	_ =	sdelay $0x3  }
0xe: {  	_ =	strace s3  }
0xf: {  	_ =	strace $0x8FFFFFFF  }
0x10: {  	s20 =	sld [smem:$0x3FDB];
	_ =	sdelay $0x1  }
0x11: {  	s4 =	simm.s32 $_scs_section_size  }
0x12: {  	s5 =	simm.s32 $_size__tile_overlayer_lowered;
	s6 =	simm.s32 $_tile_overlayer_lowered  }
0x13: {  	s23 =	simm.s32 $0x1BFF;
	s22 =	sshll.u32 s6, $0x1;
	s3 =	sadd.s32 s4, s20  }
0x14: {  	s7 =	simm.s32 $0x0;
	s21 =	sshll.u32 s5, $0x1;
	s5 =	sadd.s32 s22, s3  }
0x15: {  	[timem:s7], [sflag:s23] =	dma.local [hbm:s5], s21  }
0x16: {  	_ =	swait.ge [sflag:s23], s21  }
0x17: {  	s4 =	ssub.s32 $0x0, s21;
	[sflag:s23] =	ssyncset.done $0x0  }
0x18: {  	[sflag:s23] =	ssyncadd.s32 s4;
	_ =	sdelay $0x1  }
0x19: {  	s24 =	simm.s32 $0x1B8B  }
0x1a: {  	_ =	swait.ge [sflag:s24], $0x1  }
0x1b: {  	[sflag:s24] =	ssyncset.done $0x0  }
0x1c: {  	s26 =	simm.s32 $0x1B8E;
	s25 =	sld [smem:$0x3FFE];
	[sflag:s24] =	ssyncadd.s32 $0xFFFFFFFF  }
0x1d: {  	s27 =	simm.s32 $execute0_lowered;
	[smem:$0x3FD2] =	sst s26  }
0x1e: {  	s5 =	sshll.u32 s27, $0x1;
	_ =	strace $0x80000046;
	[dreg:$0x1] =	wrdreg $0xFFFFFFFF  }
0x1f: {  	s28 =	simm.s32 $_size_execute0_lowered;
	s3 =	sadd.s32 s3, s5;
	[dreg:$0x0] =	wrdreg $0x0  }
0x20: {  	s5 =	sshll.u32 s28, $0x1;
	[dreg:$0x2] =	wrdreg s3  }
0x21: {  	[dreg:$0x3] =	wrdreg s5  }
0x22: {  	[dreg:$0x4] =	wrdreg $0xC0  }
0x23: {  	_ =	task [dreg:s7], $0x5FFFF  }
0x24: {  	[dreg:$0x1] =	wrdreg $0xFFFFFFFF  }
0x25: {  	[dreg:$0x0] =	wrdreg $0x60  }
0x26: {  	[dreg:$0x2] =	wrdreg s2  }
0x27: {  	[dreg:$0x3] =	wrdreg s25  }
0x28: {  	[dreg:$0x4] =	wrdreg $0x9  }
0x29: {  	_ =	task.clear_ibuf [dreg:s7], $0x5FFFF;
	_ =	strace $0x90000046  }
0x2a: {  	s29 =	simm.s32 $0x9;
	_ =	strace $0x80000048  }
0x2b: {  	_ =	swait.ge [sflag:s29], $0x1  }
0x2c: {  	[sflag:s29] =	ssyncadd.s32 $0xFFFFFFFF  }
0x2d: {  	_ =	strace $0x90000048  }
0x2e: {  	_ =	sfence  }
0x2f: {  	s30 =	sld [smem:$0x0];
	_ =	sdelay $0x2  }
0x30: {  	s31 =	sshll.u32 s1, $0xD;
	s1 =	sshrl.u32 s1, $0x2  }
0x31: {  	s3 =	sand.u32 $0x4000, s31;
	s1 =	sadd.s32 s1, s30  }
0x32: {  	s0 =	sor.u32 s3, s0;
	s1 =	sshll.u32 s1, $0x11  }
0x33: {  	s0 =	sor.u32 s1, s0  }
0x34: {  	s0 =	sadd.s32 $0x8F2B, s0  }
0x35: {  	[sflag:s0] =	ssyncadd.remote.s32 $0x1  }
0x36: {  	_ =	sfence.sel $0xFFFF  }
0x37: {  	[dreg:$0x0] =	wrdreg $0xFFFFFFFF;
	(pc) =	sbr.abs _section_cstart, $3  }
0x38: {  	[dreg:$0x1] =	wrdreg $0xFFFFFFFF  }
0x39: {  	_ =	task.clear_ibuf [dreg:s7], $0x2FFFF;
	_ =	strace $0x9FFFFFFF  }
0x3a: {  	(tm) =	ssettm $0x7FFFFFFF  }
0x3b: {  	_ =	shalt  }
tec
execute0_lowered:
.L_overlay_start_1:
0x0: {  	(tag) =	ssettag $0x1  }
0x1: {  	s0 =	srdreg.scid  }
0x2: {  	s1 =	sshll.u32 s0, $0x4  }
0x3: {  	s2 =	rddreg [dreg:$0x0];
	s0 =	stileid.u32;
	s1 =	sand.u32 $0x10, s1  }
0x4: {  	s4 =	rddreg [dreg:$0x1];
	s7 =	simm.s32 $0x1;
	s1 =	sor.u32 s0, s1  }
0x5: {  	s8 =	simm.s32 $0x2;
	s9 =	simm.s32 $0x0;
	s3 =	sshll.u32 s1, $0x2  }
0x6: {  	s12 =	simm.s32 $0x0;
	s11 =	simm.s32 $0x0;
	s6 =	ssub.s32 $0x2A00, s3  }
.Ltmp0:
0x7: {  	s4 =	sadd.s32 $0xA00, s4;
	s5 =	sand.u32 $0x7C, s6;
	(pc) =	sbr.rel .LBB1_1-.Ltmp0, $4  }
0x8: {  	s1 =	rddreg [dreg:$0x2];
	_ =	strace $0x80000047;
	p0 =	sne.s32 s5, $0x0  }
0x9: {  	s6 =	sshrl.u32 s6, $0x7;
	s5 =	simm.s32 $0x1;
	s7 =	simm.s32 @!p0 $0x0  }
0xa: {  	s10 =	smov.u32 s3;
	[sflag:s5] =	ssyncpa.u1 $0x0;
	s6 =	sadd.s32 s7, s6  }
0xb: {  	[sflag:s8] =	ssyncpa.u1 $0x0;
	s8 =	simm.s32 $0x0;
	s7 =	sadd.s32 $0x1, s6  }
.LBB1_9:
0xc: {  	s14 =	sadd.s32 $0x80, s10  }
0xd: {  	p1 =	sgt.s32 s14, $0x29FF  }
0xe: {  	s14 =	smov.u32 @p1 s3;
	p1 =	sne.s32 s11, s7  }
.Ltmp1:
0xf: {  	p0 =	slt.u32 s11, $0x2;
	(pc) =	sbr.rel @!p1 .LBB1_10-.Ltmp1, $4  }
0x10: {  	s13 =	simm.s32 @!p0 $0x2  }
0x11: {  	s15 =	sadd.s32 $0x1, s11;
	_ =	swait.ge @!p0 [sflag:s13], $0x4000  }
0x12: {  	s12 =	smov.u32 s10;
	s9 =	sadd.s32 $0x4000, s9;
	[sflag:s13] =	ssyncset.done @!p0 $0x0  }
0x13: {  	s11 =	smov.u32 s15;
	s10 =	smov.u32 s14;
	[sflag:s13] =	ssyncadd.s32 @!p0 $0xFFFFC000  }
.LBB1_1:
0x14: {  	p0 =	sge.u32 s11, s6  }
0x15: {  	s13 =	sxor.u32 @!p0 $0xFFFFFFFF, s11  }
0x16: {  	s31 =	sadd.s32 $0xFFFFFFFF, s11;
	s14 =	sshll.u32 @!p0 s10, $0x9;
	s13 =	sshll.u32 @!p0 s13, $0xE  }
0x17: {  	s15 =	simm.s32 @!p0 $0x0;
	s14 =	sadd.s32 @!p0 s2, s14;
	s13 =	sand.u32 @!p0 $0x4000, s13  }
0x18: {  	[tilespmem:s13], [sflag:$0x1] =	stream.linear.gather @!p0 [hbm4b:s14+s15], $0x4000, $0x38;
	[tilespmem:$0x10000] =	vst v63  }
0x19: {  	p0 =	sge.u32 s31, s6  }
.Ltmp2:
0x1a: {  	_ = 	snop;
	(pc) =	sbr.rel @p0 .LBB1_9-.Ltmp2, $1  }
0x1b: {  	_ =	sdelay $0x3  }
0x1c: {  	s14 =	sand.u32 $0x4000, s9  }
0x1d: {  	_ =	swait.ge [sflag:s5], $0x4000;
	s15 =	sshll.u32 s11, $0xE;
	s16 =	simm.s32 $0x0  }
0x1e: {  	s13 =	sor.u32 $0x40, s14;
	[sflag:s5] =	ssyncset.done $0x0;
	s15 =	sand.u32 $0x4000, s15  }
0x1f: {  	s14 =	sor.u32 $0x8040, s14;
	[sflag:s5] =	ssyncadd.s32 $0xFFFFC000;
	s15 =	sor.u32 $0x8000, s15  }
.LBB1_3:
0x20: {  	s17 =	smov.u32 s14;
	s18 =	smov.u32 s13;
	s19 =	simm.s32 $0x0  }
.LBB1_4:
0x21: {  	v0 =	vmov s17;
	v2 =	vld [tilespmem:s18+$0x30]  }
0x22: {  	v4 =	vld [tilespmem:s18+$0xFFFFFFD0]  }
0x23: {  	v6 =	vld [tilespmem:s18+$0xFFFFFFE0]  }
0x24: {  	v7 =	vld [tilespmem:s18+$0xFFFFFFF0]  }
0x25: {  	s20 =	simm.s32 $0x0;
	v1 =	vld [tilespmem:s18+$0x0]  }
0x26: {  	v3 =	vld [tilespmem:s18+$0x10];
	[tilespmem:v0+s20+$0x30 ss:$0x1] =	vst.idx.msk $0xffff, v2  }
0x27: {  	v5 =	vld [tilespmem:s18+$0x20];
	[tilespmem:v0+s20+$0xFFFFFFD0 ss:$0x1] =	vst.idx.msk $0xffff, v4  }
0x28: {  	s21 =	sadd.s32 $0x80, s18;
	v2 =	vld [tilespmem:s18+$0xFFFFFFC0];
	[tilespmem:v0+s20+$0xFFFFFFE0 ss:$0x1] =	vst.idx.msk $0xffff, v6  }
0x29: {  	s22 =	simm.s32 $0x800;
	s23 =	simm.s32 $0x1000;
	v4 =	vld [tilespmem:s21+$0x30];
	[tilespmem:v0+s20+$0xFFFFFFF0 ss:$0x1] =	vst.idx.msk $0xffff, v7  }
.LBB1_5:
0x2a: {  	p0 =	sne.s32 s23, $0x3800;
	v6 =	vld [tilespmem:s21+$0xFFFFFFD0];
	[tilespmem:v0+s20+$0x0 ss:$0x1] =	vst.idx.msk $0xffff, v1  }
0x2b: {  	v7 =	vld [tilespmem:s21+$0xFFFFFFE0];
	[tilespmem:v0+s20+$0x10 ss:$0x1] =	vst.idx.msk $0xffff, v3  }
0x2c: {  	v8 =	vld [tilespmem:s21+$0xFFFFFFF0];
	[tilespmem:v0+s20+$0x20 ss:$0x1] =	vst.idx.msk $0xffff, v5  }
.Ltmp3:
0x2d: {  	v1 =	vld [tilespmem:s21+$0x0];
	[tilespmem:v0+s20+$0xFFFFFFC0 ss:$0x1] =	vst.idx.msk $0xffff, v2;
	s20 =	sshra.s32 s22, $0x2;
	s22 =	smov.u32 s23;
	(pc) =	sbr.rel @p0 .LBB1_5-.Ltmp3, $4  }
0x2e: {  	v3 =	vld [tilespmem:s21+$0x10];
	[tilespmem:v0+s20+$0x30 ss:$0x1] =	vst.idx.msk $0xffff, v4  }
0x2f: {  	[tilespmem:v0+s20+$0xFFFFFFD0 ss:$0x1] =	vst.idx.msk $0xffff, v6;
	v5 =	vld [tilespmem:s21+$0x20]  }
0x30: {  	v2 =	vld [tilespmem:s21+$0xFFFFFFC0];
	[tilespmem:v0+s20+$0xFFFFFFE0 ss:$0x1] =	vst.idx.msk $0xffff, v7;
	s21 =	sadd.s32 $0x80, s21  }
0x31: {  	s23 =	sadd.s32 $0x800, s23;
	v4 =	vld [tilespmem:s21+$0x30];
	[tilespmem:v0+s20+$0xFFFFFFF0 ss:$0x1] =	vst.idx.msk $0xffff, v8  }
0x32: {  	_ =	sdelay $0x3  }
0x33: {  	v6 =	vld [tilespmem:s21+$0xFFFFFFD0];
	[tilespmem:v0+s20+$0x0 ss:$0x1] =	vst.idx.msk $0xffff, v1  }
0x34: {  	v58 =	vld [tilespmem:s21+$0xFFFFFFE0];
	[tilespmem:v0+s20+$0x10 ss:$0x1] =	vst.idx.msk $0xffff, v3  }
0x35: {  	v59 =	vld [tilespmem:s21+$0xFFFFFFF0];
	[tilespmem:v0+s20+$0x20 ss:$0x1] =	vst.idx.msk $0xffff, v5  }
0x36: {  	s22 =	sshra.s32 s22, $0x2;
	v60 =	vld [tilespmem:s21+$0x0];
	[tilespmem:v0+s20+$0xFFFFFFC0 ss:$0x1] =	vst.idx.msk $0xffff, v2  }
0x37: {  	v61 =	vld [tilespmem:s21+$0x10];
	[tilespmem:v0+s22+$0x30 ss:$0x1] =	vst.idx.msk $0xffff, v4  }
0x38: {  	v62 =	vld [tilespmem:s21+$0x20];
	s19 =	sadd.s32 $0x1, s19;
	[tilespmem:v0+s22+$0xFFFFFFD0 ss:$0x1] =	vst.idx.msk $0xffff, v6  }
0x39: {  	v63 =	vld [tilespmem:s21+$0xFFFFFFC0];
	p0 =	sne.s32 s19, $0x4;
	[tilespmem:v0+s22+$0xFFFFFFE0 ss:$0x1] =	vst.idx.msk $0xffff, v58  }
.Ltmp4:
0x3a: {  	[tilespmem:v0+s22+$0xFFFFFFF0 ss:$0x1] =	vst.idx.msk $0xffff, v59;
	(pc) =	sbr.rel @p0 .LBB1_4-.Ltmp4, $4  }
0x3b: {  	[tilespmem:v0+s22+$0x0 ss:$0x1] =	vst.idx.msk $0xffff, v60  }
0x3c: {  	[tilespmem:v0+s22+$0x10 ss:$0x1] =	vst.idx.msk $0xffff, v61  }
0x3d: {  	[tilespmem:v0+s22+$0x20 ss:$0x1] =	vst.idx.msk $0xffff, v62  }
0x3e: {  	s18 =	sadd.s32 $0x400, s18;
	s17 =	sadd.s32 $0x80, s17;
	[tilespmem:v0+s22+$0xFFFFFFC0 ss:$0x1] =	vst.idx.msk $0xffff, v63  }
0x3f: {  	s16 =	sadd.s32 $0x1, s16  }
0x40: {  	p0 =	sne.s32 s16, $0x4  }
.Ltmp5:
0x41: {  	_ = 	snop;
	(pc) =	sbr.rel @p0 .LBB1_3-.Ltmp5, $2  }
0x42: {  	_ =	sdelay $0x2  }
0x43: {  	s13 =	sadd.s32 $0x1000, s13;
	s14 =	sadd.s32 $0x1000, s14  }
.Ltmp6:
0x44: {  	(pc) =	sbr.rel .LBB1_9-.Ltmp6, $4  }
0x45: {  	_ = 	snop  }
0x46: {  	s12 =	sshll.u32 s12, $0x9  }
0x47: {  	s12 =	sadd.s32 s4, s12  }
0x48: {  	[hbm4b:s12+s8] =	stream.linear.scatter [tilespmem:s15], [sflag:$0x2], $0x4000, $0x38;
	[tilespmem:$0x10000] =	vst v63  }
.LBB1_10:
0x49: {  	_ =	sfence.sel $0x180000  }
0x4a: {  	s2 =	simm.s32 $0x1;
	[bflag:$0x0] =	sbarrier.arrive $0xFFFF  }
0x4b: {  	s31 =	simm.s32 $0x2;
	[sflag:s2] =	ssyncpa.u1 $0x1  }
0x4c: {  	[sflag:s31] =	ssyncpa.u1 $0x1  }
0x4d: {  	p0 =	sne.s32 s0, $0x0;
	_ =	strace $0x90000047  }
0x4e: {  	s0 =	sadd.s32 @!p0 $0x100000, s1;
	[bflag:$0x2] =	sbarrier.arrive $0xFFFF  }
0x4f: {  	[sflag:s0] =	ssyncadd.tile.s32 @!p0 $0x1;
	_ =	shalt  }
.Lfunc_end1:
_tile_overlayer_lowered:
.L_overlay_start_2:
0x50: {  	(tag) =	ssettag $0x2  }
0x51: {  	s0 =	rddreg [dreg:$0x0];
	s2 =	stileid.u32  }
0x52: {  	s1 =	rddreg [dreg:$0x1];
	p0 =	sne.s32 s2, $0x0  }
0x53: {  	s3 =	rddreg [dreg:$0x2];
	[bflag:$0x3] =	sbarrier.arrive $0xFFFF;
	s2 =	simm.s32 @!p0 $0x1C01  }
0x54: {  	[timem:s3], [sflag:s2] =	dma.local @!p0 [hbm:s0], s1  }
0x55: {  	s0 =	simm.s32 @!p0 $0x1  }
0x56: {  	_ =	swait.ge @!p0 [sflag:s0], s1  }
0x57: {  	s1 =	ssub.s32 @!p0 $0x0, s1;
	[sflag:s0] =	ssyncset.done @!p0 $0x0  }
0x58: {  	[sflag:s0] =	ssyncadd.s32 @!p0 s1  }
0x59: {  	[bflag:$0x3] =	sbarrier.arrive $0xFFFF  }
0x5a: {  	_ =	shalt  }

</sc_bundles>
